<compile_context>
chip_gen: v7x
topology: tpu7x:2x2x1
jax: 0.10.2.dev20260603
libtpu: 0.0.44.dev20260713+nightly
codegen_flags: <defaults>
</compile_context>

<pallas_src>
import functools
import jax
import jax.numpy as jnp
from jax import lax
from jax.experimental import pallas as pl
from jax.experimental.pallas import tpu as pltpu
from jax.experimental.pallas import tpu_sc as plsc

NC = 2
NS = 16
NW = NC * NS
CH = 16
NSLOT = 5
XD = 2
AD = 2


def _sc_body(S, x_hbm, pe_hbm, o_hbm, idx, acc,
             sem_x, sem_add, sem_out):
    c = lax.axis_index("c")
    s = lax.axis_index("s")
    wid = s * NC + c
    n_rows = S // NW
    nch = n_rows // CH
    B = x_hbm.shape[0] // S
    nit = nch * B
    base = wid * n_rows

    def x_cp(i):
        j, b = i // B, i % B
        return pltpu.make_async_copy(
            x_hbm.at[pl.ds(b * S + base + j * CH, CH), :],
            acc.at[i % NSLOT], sem_x.at[i % NSLOT])

    def add_start(i):
        j = i // B
        idx[i % NSLOT] = lax.iota(jnp.int32, CH) + (base + j * CH)
        pltpu.async_copy(
            pe_hbm.at[idx.at[i % NSLOT]], acc.at[i % NSLOT],
            sem_add.at[i % NSLOT], add=True)

    def add_wait(i):
        pltpu.make_async_copy(
            pe_hbm.at[idx.at[i % NSLOT]], acc.at[i % NSLOT],
            sem_add.at[i % NSLOT]).wait()

    def out_cp(i):
        j, b = i // B, i % B
        return pltpu.make_async_copy(
            acc.at[i % NSLOT],
            o_hbm.at[pl.ds(b * S + base + j * CH, CH), :],
            sem_out.at[i % NSLOT])

    for i in range(nit + XD + AD):
        a = i
        m = i - XD
        o = i - XD - AD
        if a < nit:
            if a >= NSLOT:
                out_cp(a - NSLOT).wait()
            x_cp(a).start()
        if 0 <= m < nit:
            x_cp(m).wait()
        if 0 <= o < nit:
            out_cp(o).start()
    for i in range(max(0, nit - NSLOT), nit):
        out_cp(i).wait()


def kernel(x, pos_emb):
    B, S, D = x.shape
    x2 = x.reshape(B * S, D)
    mesh = plsc.VectorSubcoreMesh(core_axis_name="c", subcore_axis_name="s")
    out2 = pl.kernel(
        functools.partial(_sc_body, S),
        mesh=mesh,
        out_type=jax.ShapeDtypeStruct((B * S, D), jnp.float32),
        scratch_types=[
            pltpu.VMEM((NSLOT, CH), jnp.int32),
            pltpu.VMEM((NSLOT, CH, D), jnp.float32),
            pltpu.SemaphoreType.DMA((NSLOT,)),
            pltpu.SemaphoreType.DMA((NSLOT,)),
            pltpu.SemaphoreType.DMA((NSLOT,)),
        ],
    )(x2, pos_emb)
    return out2.reshape(B, S, D)

# --- scband reference (transcript-rebuilt; emitter-appended) ---
"""Pipeline reference for scband-positional-encoding-47493748359544 (READ-ONLY COPY).

The authoritative reference and input builder live on the scoring server;
editing this copy changes nothing except your own understanding.
"""

import jax, jax.numpy as jnp
import numpy as np

POS = 4096
D_MODEL = 1024

def setup_inputs(seed: int = 0) -> dict:
    key = jax.random.key(seed)
    k_x, k_emb = jax.random.split(key)
    x = jax.random.normal(k_x, (4, 4096, D_MODEL), dtype=jnp.float32)
    # Keras Embedding weight: [pos, d_model]
    pos_emb = jax.random.uniform(k_emb, (POS, D_MODEL), dtype=jnp.float32, minval=-0.05, maxval=0.05)
    return {"x": x, "pos_emb": pos_emb}

def reference(x, pos_emb):
    # PositionalEncoding.call: x + pos_emb(tf.range(tf.shape(x)[1]))
    seq_len = x.shape[1]
    positions = jnp.arange(seq_len)
    pe = jnp.take(pos_emb, positions, axis=0)  # [S, d_model]
    return x + pe  # broadcast over batch

if __name__ == "__main__":
    import jax
    _d = setup_inputs()
    print(jax.jit(kernel)(*tuple(_d.values())))

</pallas_src>

<mosaic_0001>
#map = affine_map<(d0, d1) -> (0, 0)>
module attributes {stable_mosaic.version = 14 : i64} {
  func.func @_sc_body(%arg0: i32, %arg1: i32, %arg2: memref<16384x1024xf32, #tpu.memory_space<hbm>>, %arg3: memref<4096x1024xf32, #tpu.memory_space<hbm>>, %arg4: memref<16384x1024xf32, #tpu.memory_space<hbm>>, %arg5: memref<5x16xi32, #tpu.memory_space<vmem>>, %arg6: memref<5x16x1024xf32, #tpu.memory_space<vmem>>, %arg7: memref<5x!tpu.dma_semaphore, #tpu.memory_space<semaphore_mem>>, %arg8: memref<5x!tpu.dma_semaphore, #tpu.memory_space<semaphore_mem>>, %arg9: memref<5x!tpu.dma_semaphore, #tpu.memory_space<semaphore_mem>>) attributes {dimension_semantics = [#tpu.dimension_semantics<core_parallel>, #tpu.dimension_semantics<subcore_parallel>], iteration_bounds = array<i64: 2, 16>, scalar_prefetch = 0 : i64, scratch_operands = 5 : i64, tpu.core_type = #tpu.core_type<sc_vector_subcore>, window_params = [{transform_indices = #map}, {transform_indices = #map}, {transform_indices = #map}]} {
    %mul3A = arith.constant 2 : i32
    %mul3A_0 = arith.muli %arg1, %mul3A : i32
    %add3A = arith.addi %mul3A_0, %arg0 : i32
    %mul3A_1 = arith.constant 128 : i32
    %mul3A_2 = arith.muli %add3A, %mul3A_1 : i32
    %add3A_3 = arith.constant 0 : i32
    %add3A_4 = arith.addi %add3A_3, %mul3A_2 : i32
    %add3A_5 = arith.constant 0 : i32
    %add3A_6 = arith.addi %add3A_4, %add3A_5 : i32
    %dma_start3A = arith.constant 0 : i32
    %dma_start3A_7 = arith.constant 0 : i32
    %dma_start3A_8 = arith.constant 0 : i32
    %dma_start3A_9 = arith.constant 0 : i32
    %dma_start3A_10 = tpu.memref_slice %arg6[%dma_start3A, %dma_start3A_8, %dma_start3A_9] : memref<5x16x1024xf32, #tpu.memory_space<vmem>> -> memref<1x16x1024xf32, #tpu.memory_space<vmem>>
    %dma_start3A_11 = tpu.memref_squeeze %dma_start3A_10 : memref<1x16x1024xf32, #tpu.memory_space<vmem>> -> memref<16x1024xf32, #tpu.memory_space<vmem>>
    %dma_start3A_12 = arith.constant 0 : i32
    %dma_start3A_13 = tpu.memref_slice %arg2[%add3A_6, %dma_start3A_12] : memref<16384x1024xf32, #tpu.memory_space<hbm>> -> memref<16x1024xf32, #tpu.memory_space<hbm>>
    %dma_start3A_14 = tpu.memref_slice %arg7[%dma_start3A_7] : memref<5x!tpu.dma_semaphore, #tpu.memory_space<semaphore_mem>> -> memref<1x!tpu.dma_semaphore, #tpu.memory_space<semaphore_mem>>
    %dma_start3A_15 = tpu.memref_squeeze %dma_start3A_14 : memref<1x!tpu.dma_semaphore, #tpu.memory_space<semaphore_mem>> -> memref<!tpu.dma_semaphore, #tpu.memory_space<semaphore_mem>>
    %dma_start3A_16 = arith.constant 0 : i32
    %dma_start3A_17 = arith.constant 0 : i32
    %dma_start3A_18 = tpu.memref_slice %arg6[%dma_start3A, %dma_start3A_16, %dma_start3A_17] : memref<5x16x1024xf32, #tpu.memory_space<vmem>> -> memref<1x16x1024xf32, #tpu.memory_space<vmem>>
    %dma_start3A_19 = tpu.memref_squeeze %dma_start3A_18 : memref<1x16x1024xf32, #tpu.memory_space<vmem>> -> memref<16x1024xf32, #tpu.memory_space<vmem>>
    %dma_start3A_20 = arith.constant 0 : i32
    %dma_start3A_21 = tpu.memref_slice %arg2[%add3A_6, %dma_start3A_20] : memref<16384x1024xf32, #tpu.memory_space<hbm>> -> memref<16x1024xf32, #tpu.memory_space<hbm>>
    tpu.enqueue_dma source(%dma_start3A_21 : memref<16x1024xf32, #tpu.memory_space<hbm>>) target(%dma_start3A_19 : memref<16x1024xf32, #tpu.memory_space<vmem>>) target_semaphore(%dma_start3A_15 : memref<!tpu.dma_semaphore, #tpu.memory_space<semaphore_mem>>)
    %add3A_22 = arith.constant 4096 : i32
    %add3A_23 = arith.addi %add3A_22, %mul3A_2 : i32
    %add3A_24 = arith.constant 0 : i32
    %add3A_25 = arith.addi %add3A_23, %add3A_24 : i32
    %dma_start3A_26 = arith.constant 1 : i32
    %dma_start3A_27 = arith.constant 1 : i32
    %dma_start3A_28 = arith.constant 0 : i32
    %dma_start3A_29 = arith.constant 0 : i32
    %dma_start3A_30 = tpu.memref_slice %arg6[%dma_start3A_26, %dma_start3A_28, %dma_start3A_29] : memref<5x16x1024xf32, #tpu.memory_space<vmem>> -> memref<1x16x1024xf32, #tpu.memory_space<vmem>>
    %dma_start3A_31 = tpu.memref_squeeze %dma_start3A_30 : memref<1x16x1024xf32, #tpu.memory_space<vmem>> -> memref<16x1024xf32, #tpu.memory_space<vmem>>
    %dma_start3A_32 = arith.constant 0 : i32
    %dma_start3A_33 = tpu.memref_slice %arg2[%add3A_25, %dma_start3A_32] : memref<16384x1024xf32, #tpu.memory_space<hbm>> -> memref<16x1024xf32, #tpu.memory_space<hbm>>
    %dma_start3A_34 = tpu.memref_slice %arg7[%dma_start3A_27] : memref<5x!tpu.dma_semaphore, #tpu.memory_space<semaphore_mem>> -> memref<1x!tpu.dma_semaphore, #tpu.memory_space<semaphore_mem>>
    %dma_start3A_35 = tpu.memref_squeeze %dma_start3A_34 : memref<1x!tpu.dma_semaphore, #tpu.memory_space<semaphore_mem>> -> memref<!tpu.dma_semaphore, #tpu.memory_space<semaphore_mem>>
    %dma_start3A_36 = arith.constant 0 : i32
    %dma_start3A_37 = arith.constant 0 : i32
    %dma_start3A_38 = tpu.memref_slice %arg6[%dma_start3A_26, %dma_start3A_36, %dma_start3A_37] : memref<5x16x1024xf32, #tpu.memory_space<vmem>> -> memref<1x16x1024xf32, #tpu.memory_space<vmem>>
    %dma_start3A_39 = tpu.memref_squeeze %dma_start3A_38 : memref<1x16x1024xf32, #tpu.memory_space<vmem>> -> memref<16x1024xf32, #tpu.memory_space<vmem>>
    %dma_start3A_40 = arith.constant 0 : i32
    %dma_start3A_41 = tpu.memref_slice %arg2[%add3A_25, %dma_start3A_40] : memref<16384x1024xf32, #tpu.memory_space<hbm>> -> memref<16x1024xf32, #tpu.memory_space<hbm>>
    tpu.enqueue_dma source(%dma_start3A_41 : memref<16x1024xf32, #tpu.memory_space<hbm>>) target(%dma_start3A_39 : memref<16x1024xf32, #tpu.memory_space<vmem>>) target_semaphore(%dma_start3A_35 : memref<!tpu.dma_semaphore, #tpu.memory_space<semaphore_mem>>)
    %add3A_42 = arith.constant 8192 : i32
    %add3A_43 = arith.addi %add3A_42, %mul3A_2 : i32
    %add3A_44 = arith.constant 0 : i32
    %add3A_45 = arith.addi %add3A_43, %add3A_44 : i32
    %dma_start3A_46 = arith.constant 2 : i32
    %dma_start3A_47 = arith.constant 2 : i32
    %dma_start3A_48 = arith.constant 0 : i32
    %dma_start3A_49 = arith.constant 0 : i32
    %dma_start3A_50 = tpu.memref_slice %arg6[%dma_start3A_46, %dma_start3A_48, %dma_start3A_49] : memref<5x16x1024xf32, #tpu.memory_space<vmem>> -> memref<1x16x1024xf32, #tpu.memory_space<vmem>>
    %dma_start3A_51 = tpu.memref_squeeze %dma_start3A_50 : memref<1x16x1024xf32, #tpu.memory_space<vmem>> -> memref<16x1024xf32, #tpu.memory_space<vmem>>
    %dma_start3A_52 = arith.constant 0 : i32
    %dma_start3A_53 = tpu.memref_slice %arg2[%add3A_45, %dma_start3A_52] : memref<16384x1024xf32, #tpu.memory_space<hbm>> -> memref<16x1024xf32, #tpu.memory_space<hbm>>
    %dma_start3A_54 = tpu.memref_slice %arg7[%dma_start3A_47] : memref<5x!tpu.dma_semaphore, #tpu.memory_space<semaphore_mem>> -> memref<1x!tpu.dma_semaphore, #tpu.memory_space<semaphore_mem>>
    %dma_start3A_55 = tpu.memref_squeeze %dma_start3A_54 : memref<1x!tpu.dma_semaphore, #tpu.memory_space<semaphore_mem>> -> memref<!tpu.dma_semaphore, #tpu.memory_space<semaphore_mem>>
    %dma_start3A_56 = arith.constant 0 : i32
    %dma_start3A_57 = arith.constant 0 : i32
    %dma_start3A_58 = tpu.memref_slice %arg6[%dma_start3A_46, %dma_start3A_56, %dma_start3A_57] : memref<5x16x1024xf32, #tpu.memory_space<vmem>> -> memref<1x16x1024xf32, #tpu.memory_space<vmem>>
    %dma_start3A_59 = tpu.memref_squeeze %dma_start3A_58 : memref<1x16x1024xf32, #tpu.memory_space<vmem>> -> memref<16x1024xf32, #tpu.memory_space<vmem>>
    %dma_start3A_60 = arith.constant 0 : i32
    %dma_start3A_61 = tpu.memref_slice %arg2[%add3A_45, %dma_start3A_60] : memref<16384x1024xf32, #tpu.memory_space<hbm>> -> memref<16x1024xf32, #tpu.memory_space<hbm>>
    tpu.enqueue_dma source(%dma_start3A_61 : memref<16x1024xf32, #tpu.memory_space<hbm>>) target(%dma_start3A_59 : memref<16x1024xf32, #tpu.memory_space<vmem>>) target_semaphore(%dma_start3A_55 : memref<!tpu.dma_semaphore, #tpu.memory_space<semaphore_mem>>)
    %add3A_62 = arith.constant 0 : i32
    %add3A_63 = arith.addi %add3A_62, %mul3A_2 : i32
    %add3A_64 = arith.constant 0 : i32
    %add3A_65 = arith.addi %add3A_63, %add3A_64 : i32
    %dma_wait3A = arith.constant 0 : i32
    %dma_wait3A_66 = arith.constant 0 : i32
    %dma_wait3A_67 = arith.constant 0 : i32
    %dma_wait3A_68 = arith.constant 0 : i32
    %dma_wait3A_69 = tpu.memref_slice %arg6[%dma_wait3A, %dma_wait3A_67, %dma_wait3A_68] : memref<5x16x1024xf32, #tpu.memory_space<vmem>> -> memref<1x16x1024xf32, #tpu.memory_space<vmem>>
    %dma_wait3A_70 = tpu.memref_squeeze %dma_wait3A_69 : memref<1x16x1024xf32, #tpu.memory_space<vmem>> -> memref<16x1024xf32, #tpu.memory_space<vmem>>
    %dma_wait3A_71 = arith.constant 0 : i32
    %dma_wait3A_72 = tpu.memref_slice %arg2[%add3A_65, %dma_wait3A_71] : memref<16384x1024xf32, #tpu.memory_space<hbm>> -> memref<16x1024xf32, #tpu.memory_space<hbm>>
    %dma_wait3A_73 = tpu.memref_slice %arg7[%dma_wait3A_66] : memref<5x!tpu.dma_semaphore, #tpu.memory_space<semaphore_mem>> -> memref<1x!tpu.dma_semaphore, #tpu.memory_space<semaphore_mem>>
    %dma_wait3A_74 = tpu.memref_squeeze %dma_wait3A_73 : memref<1x!tpu.dma_semaphore, #tpu.memory_space<semaphore_mem>> -> memref<!tpu.dma_semaphore, #tpu.memory_space<semaphore_mem>>
    %dma_wait3A_75 = arith.constant 0 : i32
    %dma_wait3A_76 = arith.constant 0 : i32
    %dma_wait3A_77 = tpu.memref_slice %arg6[%dma_wait3A, %dma_wait3A_75, %dma_wait3A_76] : memref<5x16x1024xf32, #tpu.memory_space<vmem>> -> memref<1x16x1024xf32, #tpu.memory_space<vmem>>
    %dma_wait3A_78 = tpu.memref_squeeze %dma_wait3A_77 : memref<1x16x1024xf32, #tpu.memory_space<vmem>> -> memref<16x1024xf32, #tpu.memory_space<vmem>>
    %dma_wait3A_79 = arith.constant 0 : i32
    %dma_wait3A_80 = tpu.memref_slice %arg2[%add3A_65, %dma_wait3A_79] : memref<16384x1024xf32, #tpu.memory_space<hbm>> -> memref<16x1024xf32, #tpu.memory_space<hbm>>
    tpu.wait_dma2 semaphore(%dma_wait3A_74 : memref<!tpu.dma_semaphore, #tpu.memory_space<semaphore_mem>>) src(%dma_wait3A_80 : memref<16x1024xf32, #tpu.memory_space<hbm>>) dst(%dma_wait3A_78 : memref<16x1024xf32, #tpu.memory_space<vmem>>)
    %add3A_81 = arith.constant 12288 : i32
    %add3A_82 = arith.addi %add3A_81, %mul3A_2 : i32
    %add3A_83 = arith.constant 0 : i32
    %add3A_84 = arith.addi %add3A_82, %add3A_83 : i32
    %dma_start3A_85 = arith.constant 3 : i32
    %dma_start3A_86 = arith.constant 3 : i32
    %dma_start3A_87 = arith.constant 0 : i32
    %dma_start3A_88 = arith.constant 0 : i32
    %dma_start3A_89 = tpu.memref_slice %arg6[%dma_start3A_85, %dma_start3A_87, %dma_start3A_88] : memref<5x16x1024xf32, #tpu.memory_space<vmem>> -> memref<1x16x1024xf32, #tpu.memory_space<vmem>>
    %dma_start3A_90 = tpu.memref_squeeze %dma_start3A_89 : memref<1x16x1024xf32, #tpu.memory_space<vmem>> -> memref<16x1024xf32, #tpu.memory_space<vmem>>
    %dma_start3A_91 = arith.constant 0 : i32
    %dma_start3A_92 = tpu.memref_slice %arg2[%add3A_84, %dma_start3A_91] : memref<16384x1024xf32, #tpu.memory_space<hbm>> -> memref<16x1024xf32, #tpu.memory_space<hbm>>
    %dma_start3A_93 = tpu.memref_slice %arg7[%dma_start3A_86] : memref<5x!tpu.dma_semaphore, #tpu.memory_space<semaphore_mem>> -> memref<1x!tpu.dma_semaphore, #tpu.memory_space<semaphore_mem>>
    %dma_start3A_94 = tpu.memref_squeeze %dma_start3A_93 : memref<1x!tpu.dma_semaphore, #tpu.memory_space<semaphore_mem>> -> memref<!tpu.dma_semaphore, #tpu.memory_space<semaphore_mem>>
    %dma_start3A_95 = arith.constant 0 : i32
    %dma_start3A_96 = arith.constant 0 : i32
    %dma_start3A_97 = tpu.memref_slice %arg6[%dma_start3A_85, %dma_start3A_95, %dma_start3A_96] : memref<5x16x1024xf32, #tpu.memory_space<vmem>> -> memref<1x16x1024xf32, #tpu.memory_space<vmem>>
    %dma_start3A_98 = tpu.memref_squeeze %dma_start3A_97 : memref<1x16x1024xf32, #tpu.memory_space<vmem>> -> memref<16x1024xf32, #tpu.memory_space<vmem>>
    %dma_start3A_99 = arith.constant 0 : i32
    %dma_start3A_100 = tpu.memref_slice %arg2[%add3A_84, %dma_start3A_99] : memref<16384x1024xf32, #tpu.memory_space<hbm>> -> memref<16x1024xf32, #tpu.memory_space<hbm>>
    tpu.enqueue_dma source(%dma_start3A_100 : memref<16x1024xf32, #tpu.memory_space<hbm>>) target(%dma_start3A_98 : memref<16x1024xf32, #tpu.memory_space<vmem>>) target_semaphore(%dma_start3A_94 : memref<!tpu.dma_semaphore, #tpu.memory_space<semaphore_mem>>)
    %add3A_101 = arith.constant 4096 : i32
    %add3A_102 = arith.addi %add3A_101, %mul3A_2 : i32
    %add3A_103 = arith.constant 0 : i32
    %add3A_104 = arith.addi %add3A_102, %add3A_103 : i32
    %dma_wait3A_105 = arith.constant 1 : i32
    %dma_wait3A_106 = arith.constant 1 : i32
    %dma_wait3A_107 = arith.constant 0 : i32
    %dma_wait3A_108 = arith.constant 0 : i32
    %dma_wait3A_109 = tpu.memref_slice %arg6[%dma_wait3A_105, %dma_wait3A_107, %dma_wait3A_108] : memref<5x16x1024xf32, #tpu.memory_space<vmem>> -> memref<1x16x1024xf32, #tpu.memory_space<vmem>>
    %dma_wait3A_110 = tpu.memref_squeeze %dma_wait3A_109 : memref<1x16x1024xf32, #tpu.memory_space<vmem>> -> memref<16x1024xf32, #tpu.memory_space<vmem>>
    %dma_wait3A_111 = arith.constant 0 : i32
    %dma_wait3A_112 = tpu.memref_slice %arg2[%add3A_104, %dma_wait3A_111] : memref<16384x1024xf32, #tpu.memory_space<hbm>> -> memref<16x1024xf32, #tpu.memory_space<hbm>>
    %dma_wait3A_113 = tpu.memref_slice %arg7[%dma_wait3A_106] : memref<5x!tpu.dma_semaphore, #tpu.memory_space<semaphore_mem>> -> memref<1x!tpu.dma_semaphore, #tpu.memory_space<semaphore_mem>>
    %dma_wait3A_114 = tpu.memref_squeeze %dma_wait3A_113 : memref<1x!tpu.dma_semaphore, #tpu.memory_space<semaphore_mem>> -> memref<!tpu.dma_semaphore, #tpu.memory_space<semaphore_mem>>
    %dma_wait3A_115 = arith.constant 0 : i32
    %dma_wait3A_116 = arith.constant 0 : i32
    %dma_wait3A_117 = tpu.memref_slice %arg6[%dma_wait3A_105, %dma_wait3A_115, %dma_wait3A_116] : memref<5x16x1024xf32, #tpu.memory_space<vmem>> -> memref<1x16x1024xf32, #tpu.memory_space<vmem>>
    %dma_wait3A_118 = tpu.memref_squeeze %dma_wait3A_117 : memref<1x16x1024xf32, #tpu.memory_space<vmem>> -> memref<16x1024xf32, #tpu.memory_space<vmem>>
    %dma_wait3A_119 = arith.constant 0 : i32
    %dma_wait3A_120 = tpu.memref_slice %arg2[%add3A_104, %dma_wait3A_119] : memref<16384x1024xf32, #tpu.memory_space<hbm>> -> memref<16x1024xf32, #tpu.memory_space<hbm>>
    tpu.wait_dma2 semaphore(%dma_wait3A_114 : memref<!tpu.dma_semaphore, #tpu.memory_space<semaphore_mem>>) src(%dma_wait3A_120 : memref<16x1024xf32, #tpu.memory_space<hbm>>) dst(%dma_wait3A_118 : memref<16x1024xf32, #tpu.memory_space<vmem>>)
    %add3A_121 = arith.constant 0 : i32
    %add3A_122 = arith.addi %add3A_121, %mul3A_2 : i32
    %add3A_123 = arith.constant 16 : i32
    %add3A_124 = arith.addi %add3A_122, %add3A_123 : i32
    %dma_start3A_125 = arith.constant 4 : i32
    %dma_start3A_126 = arith.constant 4 : i32
    %dma_start3A_127 = arith.constant 0 : i32
    %dma_start3A_128 = arith.constant 0 : i32
    %dma_start3A_129 = tpu.memref_slice %arg6[%dma_start3A_125, %dma_start3A_127, %dma_start3A_128] : memref<5x16x1024xf32, #tpu.memory_space<vmem>> -> memref<1x16x1024xf32, #tpu.memory_space<vmem>>
    %dma_start3A_130 = tpu.memref_squeeze %dma_start3A_129 : memref<1x16x1024xf32, #tpu.memory_space<vmem>> -> memref<16x1024xf32, #tpu.memory_space<vmem>>
    %dma_start3A_131 = arith.constant 0 : i32
    %dma_start3A_132 = tpu.memref_slice %arg2[%add3A_124, %dma_start3A_131] : memref<16384x1024xf32, #tpu.memory_space<hbm>> -> memref<16x1024xf32, #tpu.memory_space<hbm>>
    %dma_start3A_133 = tpu.memref_slice %arg7[%dma_start3A_126] : memref<5x!tpu.dma_semaphore, #tpu.memory_space<semaphore_mem>> -> memref<1x!tpu.dma_semaphore, #tpu.memory_space<semaphore_mem>>
    %dma_start3A_134 = tpu.memref_squeeze %dma_start3A_133 : memref<1x!tpu.dma_semaphore, #tpu.memory_space<semaphore_mem>> -> memref<!tpu.dma_semaphore, #tpu.memory_space<semaphore_mem>>
    %dma_start3A_135 = arith.constant 0 : i32
    %dma_start3A_136 = arith.constant 0 : i32
    %dma_start3A_137 = tpu.memref_slice %arg6[%dma_start3A_125, %dma_start3A_135, %dma_start3A_136] : memref<5x16x1024xf32, #tpu.memory_space<vmem>> -> memref<1x16x1024xf32, #tpu.memory_space<vmem>>
    %dma_start3A_138 = tpu.memref_squeeze %dma_start3A_137 : memref<1x16x1024xf32, #tpu.memory_space<vmem>> -> memref<16x1024xf32, #tpu.memory_space<vmem>>
    %dma_start3A_139 = arith.constant 0 : i32
    %dma_start3A_140 = tpu.memref_slice %arg2[%add3A_124, %dma_start3A_139] : memref<16384x1024xf32, #tpu.memory_space<hbm>> -> memref<16x1024xf32, #tpu.memory_space<hbm>>
    tpu.enqueue_dma source(%dma_start3A_140 : memref<16x1024xf32, #tpu.memory_space<hbm>>) target(%dma_start3A_138 : memref<16x1024xf32, #tpu.memory_space<vmem>>) target_semaphore(%dma_start3A_134 : memref<!tpu.dma_semaphore, #tpu.memory_space<semaphore_mem>>)
    %add3A_141 = arith.constant 8192 : i32
    %add3A_142 = arith.addi %add3A_141, %mul3A_2 : i32
    %add3A_143 = arith.constant 0 : i32
    %add3A_144 = arith.addi %add3A_142, %add3A_143 : i32
    %dma_wait3A_145 = arith.constant 2 : i32
    %dma_wait3A_146 = arith.constant 2 : i32
    %dma_wait3A_147 = arith.constant 0 : i32
    %dma_wait3A_148 = arith.constant 0 : i32
    %dma_wait3A_149 = tpu.memref_slice %arg6[%dma_wait3A_145, %dma_wait3A_147, %dma_wait3A_148] : memref<5x16x1024xf32, #tpu.memory_space<vmem>> -> memref<1x16x1024xf32, #tpu.memory_space<vmem>>
    %dma_wait3A_150 = tpu.memref_squeeze %dma_wait3A_149 : memref<1x16x1024xf32, #tpu.memory_space<vmem>> -> memref<16x1024xf32, #tpu.memory_space<vmem>>
    %dma_wait3A_151 = arith.constant 0 : i32
    %dma_wait3A_152 = tpu.memref_slice %arg2[%add3A_144, %dma_wait3A_151] : memref<16384x1024xf32, #tpu.memory_space<hbm>> -> memref<16x1024xf32, #tpu.memory_space<hbm>>
    %dma_wait3A_153 = tpu.memref_slice %arg7[%dma_wait3A_146] : memref<5x!tpu.dma_semaphore, #tpu.memory_space<semaphore_mem>> -> memref<1x!tpu.dma_semaphore, #tpu.memory_space<semaphore_mem>>
    %dma_wait3A_154 = tpu.memref_squeeze %dma_wait3A_153 : memref<1x!tpu.dma_semaphore, #tpu.memory_space<semaphore_mem>> -> memref<!tpu.dma_semaphore, #tpu.memory_space<semaphore_mem>>
    %dma_wait3A_155 = arith.constant 0 : i32
    %dma_wait3A_156 = arith.constant 0 : i32
    %dma_wait3A_157 = tpu.memref_slice %arg6[%dma_wait3A_145, %dma_wait3A_155, %dma_wait3A_156] : memref<5x16x1024xf32, #tpu.memory_space<vmem>> -> memref<1x16x1024xf32, #tpu.memory_space<vmem>>
    %dma_wait3A_158 = tpu.memref_squeeze %dma_wait3A_157 : memref<1x16x1024xf32, #tpu.memory_space<vmem>> -> memref<16x1024xf32, #tpu.memory_space<vmem>>
    %dma_wait3A_159 = arith.constant 0 : i32
    %dma_wait3A_160 = tpu.memref_slice %arg2[%add3A_144, %dma_wait3A_159] : memref<16384x1024xf32, #tpu.memory_space<hbm>> -> memref<16x1024xf32, #tpu.memory_space<hbm>>
    tpu.wait_dma2 semaphore(%dma_wait3A_154 : memref<!tpu.dma_semaphore, #tpu.memory_space<semaphore_mem>>) src(%dma_wait3A_160 : memref<16x1024xf32, #tpu.memory_space<hbm>>) dst(%dma_wait3A_158 : memref<16x1024xf32, #tpu.memory_space<vmem>>)
    %add3A_161 = arith.constant 0 : i32
    %add3A_162 = arith.addi %add3A_161, %mul3A_2 : i32
    %add3A_163 = arith.constant 0 : i32
    %add3A_164 = arith.addi %add3A_162, %add3A_163 : i32
    %dma_start3A_165 = arith.constant 0 : i32
    %dma_start3A_166 = arith.constant 0 : i32
    %dma_start3A_167 = arith.constant 0 : i32
    %dma_start3A_168 = arith.constant 0 : i32
    %dma_start3A_169 = tpu.memref_slice %arg6[%dma_start3A_165, %dma_start3A_167, %dma_start3A_168] : memref<5x16x1024xf32, #tpu.memory_space<vmem>> -> memref<1x16x1024xf32, #tpu.memory_space<vmem>>
    %dma_start3A_170 = tpu.memref_squeeze %dma_start3A_169 : memref<1x16x1024xf32, #tpu.memory_space<vmem>> -> memref<16x1024xf32, #tpu.memory_space<vmem>>
    %dma_start3A_171 = arith.constant 0 : i32
    %dma_start3A_172 = tpu.memref_slice %arg4[%add3A_164, %dma_start3A_171] : memref<16384x1024xf32, #tpu.memory_space<hbm>> -> memref<16x1024xf32, #tpu.memory_space<hbm>>
    %dma_start3A_173 = tpu.memref_slice %arg9[%dma_start3A_166] : memref<5x!tpu.dma_semaphore, #tpu.memory_space<semaphore_mem>> -> memref<1x!tpu.dma_semaphore, #tpu.memory_space<semaphore_mem>>
    %dma_start3A_174 = tpu.memref_squeeze %dma_start3A_173 : memref<1x!tpu.dma_semaphore, #tpu.memory_space<semaphore_mem>> -> memref<!tpu.dma_semaphore, #tpu.memory_space<semaphore_mem>>
    %dma_start3A_175 = arith.constant 0 : i32
    %dma_start3A_176 = tpu.memref_slice %arg4[%add3A_164, %dma_start3A_175] : memref<16384x1024xf32, #tpu.memory_space<hbm>> -> memref<16x1024xf32, #tpu.memory_space<hbm>>
    %dma_start3A_177 = arith.constant 0 : i32
    %dma_start3A_178 = arith.constant 0 : i32
    %dma_start3A_179 = tpu.memref_slice %arg6[%dma_start3A_165, %dma_start3A_177, %dma_start3A_178] : memref<5x16x1024xf32, #tpu.memory_space<vmem>> -> memref<1x16x1024xf32, #tpu.memory_space<vmem>>
    %dma_start3A_180 = tpu.memref_squeeze %dma_start3A_179 : memref<1x16x1024xf32, #tpu.memory_space<vmem>> -> memref<16x1024xf32, #tpu.memory_space<vmem>>
    tpu.enqueue_dma source(%dma_start3A_180 : memref<16x1024xf32, #tpu.memory_space<vmem>>) target(%dma_start3A_176 : memref<16x1024xf32, #tpu.memory_space<hbm>>) target_semaphore(%dma_start3A_174 : memref<!tpu.dma_semaphore, #tpu.memory_space<semaphore_mem>>)
    %add3A_181 = arith.constant 0 : i32
    %add3A_182 = arith.addi %add3A_181, %mul3A_2 : i32
    %add3A_183 = arith.constant 0 : i32
    %add3A_184 = arith.addi %add3A_182, %add3A_183 : i32
    %dma_wait3A_185 = arith.constant 0 : i32
    %dma_wait3A_186 = arith.constant 0 : i32
    %dma_wait3A_187 = arith.constant 0 : i32
    %dma_wait3A_188 = arith.constant 0 : i32
    %dma_wait3A_189 = tpu.memref_slice %arg6[%dma_wait3A_185, %dma_wait3A_187, %dma_wait3A_188] : memref<5x16x1024xf32, #tpu.memory_space<vmem>> -> memref<1x16x1024xf32, #tpu.memory_space<vmem>>
    %dma_wait3A_190 = tpu.memref_squeeze %dma_wait3A_189 : memref<1x16x1024xf32, #tpu.memory_space<vmem>> -> memref<16x1024xf32, #tpu.memory_space<vmem>>
    %dma_wait3A_191 = arith.constant 0 : i32
    %dma_wait3A_192 = tpu.memref_slice %arg4[%add3A_184, %dma_wait3A_191] : memref<16384x1024xf32, #tpu.memory_space<hbm>> -> memref<16x1024xf32, #tpu.memory_space<hbm>>
    %dma_wait3A_193 = tpu.memref_slice %arg9[%dma_wait3A_186] : memref<5x!tpu.dma_semaphore, #tpu.memory_space<semaphore_mem>> -> memref<1x!tpu.dma_semaphore, #tpu.memory_space<semaphore_mem>>
    %dma_wait3A_194 = tpu.memref_squeeze %dma_wait3A_193 : memref<1x!tpu.dma_semaphore, #tpu.memory_space<semaphore_mem>> -> memref<!tpu.dma_semaphore, #tpu.memory_space<semaphore_mem>>
    %dma_wait3A_195 = arith.constant 0 : i32
    %dma_wait3A_196 = tpu.memref_slice %arg4[%add3A_184, %dma_wait3A_195] : memref<16384x1024xf32, #tpu.memory_space<hbm>> -> memref<16x1024xf32, #tpu.memory_space<hbm>>
    %dma_wait3A_197 = arith.constant 0 : i32
    %dma_wait3A_198 = arith.constant 0 : i32
    %dma_wait3A_199 = tpu.memref_slice %arg6[%dma_wait3A_185, %dma_wait3A_197, %dma_wait3A_198] : memref<5x16x1024xf32, #tpu.memory_space<vmem>> -> memref<1x16x1024xf32, #tpu.memory_space<vmem>>
    %dma_wait3A_200 = tpu.memref_squeeze %dma_wait3A_199 : memref<1x16x1024xf32, #tpu.memory_space<vmem>> -> memref<16x1024xf32, #tpu.memory_space<vmem>>
    tpu.wait_dma2 semaphore(%dma_wait3A_194 : memref<!tpu.dma_semaphore, #tpu.memory_space<semaphore_mem>>) src(%dma_wait3A_200 : memref<16x1024xf32, #tpu.memory_space<vmem>>) dst(%dma_wait3A_196 : memref<16x1024xf32, #tpu.memory_space<hbm>>)
    %add3A_201 = arith.constant 4096 : i32
    %add3A_202 = arith.addi %add3A_201, %mul3A_2 : i32
    %add3A_203 = arith.constant 16 : i32
    %add3A_204 = arith.addi %add3A_202, %add3A_203 : i32
    %dma_start3A_205 = arith.constant 0 : i32
    %dma_start3A_206 = arith.constant 0 : i32
    %dma_start3A_207 = arith.constant 0 : i32
    %dma_start3A_208 = arith.constant 0 : i32
    %dma_start3A_209 = tpu.memref_slice %arg6[%dma_start3A_205, %dma_start3A_207, %dma_start3A_208] : memref<5x16x1024xf32, #tpu.memory_space<vmem>> -> memref<1x16x1024xf32, #tpu.memory_space<vmem>>
    %dma_start3A_210 = tpu.memref_squeeze %dma_start3A_209 : memref<1x16x1024xf32, #tpu.memory_space<vmem>> -> memref<16x1024xf32, #tpu.memory_space<vmem>>
    %dma_start3A_211 = arith.constant 0 : i32
    %dma_start3A_212 = tpu.memref_slice %arg2[%add3A_204, %dma_start3A_211] : memref<16384x1024xf32, #tpu.memory_space<hbm>> -> memref<16x1024xf32, #tpu.memory_space<hbm>>
    %dma_start3A_213 = tpu.memref_slice %arg7[%dma_start3A_206] : memref<5x!tpu.dma_semaphore, #tpu.memory_space<semaphore_mem>> -> memref<1x!tpu.dma_semaphore, #tpu.memory_space<semaphore_mem>>
    %dma_start3A_214 = tpu.memref_squeeze %dma_start3A_213 : memref<1x!tpu.dma_semaphore, #tpu.memory_space<semaphore_mem>> -> memref<!tpu.dma_semaphore, #tpu.memory_space<semaphore_mem>>
    %dma_start3A_215 = arith.constant 0 : i32
    %dma_start3A_216 = arith.constant 0 : i32
    %dma_start3A_217 = tpu.memref_slice %arg6[%dma_start3A_205, %dma_start3A_215, %dma_start3A_216] : memref<5x16x1024xf32, #tpu.memory_space<vmem>> -> memref<1x16x1024xf32, #tpu.memory_space<vmem>>
    %dma_start3A_218 = tpu.memref_squeeze %dma_start3A_217 : memref<1x16x1024xf32, #tpu.memory_space<vmem>> -> memref<16x1024xf32, #tpu.memory_space<vmem>>
    %dma_start3A_219 = arith.constant 0 : i32
    %dma_start3A_220 = tpu.memref_slice %arg2[%add3A_204, %dma_start3A_219] : memref<16384x1024xf32, #tpu.memory_space<hbm>> -> memref<16x1024xf32, #tpu.memory_space<hbm>>
    tpu.enqueue_dma source(%dma_start3A_220 : memref<16x1024xf32, #tpu.memory_space<hbm>>) target(%dma_start3A_218 : memref<16x1024xf32, #tpu.memory_space<vmem>>) target_semaphore(%dma_start3A_214 : memref<!tpu.dma_semaphore, #tpu.memory_space<semaphore_mem>>)
    %add3A_221 = arith.constant 12288 : i32
    %add3A_222 = arith.addi %add3A_221, %mul3A_2 : i32
    %add3A_223 = arith.constant 0 : i32
    %add3A_224 = arith.addi %add3A_222, %add3A_223 : i32
    %dma_wait3A_225 = arith.constant 3 : i32
    %dma_wait3A_226 = arith.constant 3 : i32
    %dma_wait3A_227 = arith.constant 0 : i32
    %dma_wait3A_228 = arith.constant 0 : i32
    %dma_wait3A_229 = tpu.memref_slice %arg6[%dma_wait3A_225, %dma_wait3A_227, %dma_wait3A_228] : memref<5x16x1024xf32, #tpu.memory_space<vmem>> -> memref<1x16x1024xf32, #tpu.memory_space<vmem>>
    %dma_wait3A_230 = tpu.memref_squeeze %dma_wait3A_229 : memref<1x16x1024xf32, #tpu.memory_space<vmem>> -> memref<16x1024xf32, #tpu.memory_space<vmem>>
    %dma_wait3A_231 = arith.constant 0 : i32
    %dma_wait3A_232 = tpu.memref_slice %arg2[%add3A_224, %dma_wait3A_231] : memref<16384x1024xf32, #tpu.memory_space<hbm>> -> memref<16x1024xf32, #tpu.memory_space<hbm>>
    %dma_wait3A_233 = tpu.memref_slice %arg7[%dma_wait3A_226] : memref<5x!tpu.dma_semaphore, #tpu.memory_space<semaphore_mem>> -> memref<1x!tpu.dma_semaphore, #tpu.memory_space<semaphore_mem>>
    %dma_wait3A_234 = tpu.memref_squeeze %dma_wait3A_233 : memref<1x!tpu.dma_semaphore, #tpu.memory_space<semaphore_mem>> -> memref<!tpu.dma_semaphore, #tpu.memory_space<semaphore_mem>>
    %dma_wait3A_235 = arith.constant 0 : i32
    %dma_wait3A_236 = arith.constant 0 : i32
    %dma_wait3A_237 = tpu.memref_slice %arg6[%dma_wait3A_225, %dma_wait3A_235, %dma_wait3A_236] : memref<5x16x1024xf32, #tpu.memory_space<vmem>> -> memref<1x16x1024xf32, #tpu.memory_space<vmem>>
    %dma_wait3A_238 = tpu.memref_squeeze %dma_wait3A_237 : memref<1x16x1024xf32, #tpu.memory_space<vmem>> -> memref<16x1024xf32, #tpu.memory_space<vmem>>
    %dma_wait3A_239 = arith.constant 0 : i32
    %dma_wait3A_240 = tpu.memref_slice %arg2[%add3A_224, %dma_wait3A_239] : memref<16384x1024xf32, #tpu.memory_space<hbm>> -> memref<16x1024xf32, #tpu.memory_space<hbm>>
    tpu.wait_dma2 semaphore(%dma_wait3A_234 : memref<!tpu.dma_semaphore, #tpu.memory_space<semaphore_mem>>) src(%dma_wait3A_240 : memref<16x1024xf32, #tpu.memory_space<hbm>>) dst(%dma_wait3A_238 : memref<16x1024xf32, #tpu.memory_space<vmem>>)
    %add3A_241 = arith.constant 4096 : i32
    %add3A_242 = arith.addi %add3A_241, %mul3A_2 : i32
    %add3A_243 = arith.constant 0 : i32
    %add3A_244 = arith.addi %add3A_242, %add3A_243 : i32
    %dma_start3A_245 = arith.constant 1 : i32
    %dma_start3A_246 = arith.constant 1 : i32
    %dma_start3A_247 = arith.constant 0 : i32
    %dma_start3A_248 = arith.constant 0 : i32
    %dma_start3A_249 = tpu.memref_slice %arg6[%dma_start3A_245, %dma_start3A_247, %dma_start3A_248] : memref<5x16x1024xf32, #tpu.memory_space<vmem>> -> memref<1x16x1024xf32, #tpu.memory_space<vmem>>
    %dma_start3A_250 = tpu.memref_squeeze %dma_start3A_249 : memref<1x16x1024xf32, #tpu.memory_space<vmem>> -> memref<16x1024xf32, #tpu.memory_space<vmem>>
    %dma_start3A_251 = arith.constant 0 : i32
    %dma_start3A_252 = tpu.memref_slice %arg4[%add3A_244, %dma_start3A_251] : memref<16384x1024xf32, #tpu.memory_space<hbm>> -> memref<16x1024xf32, #tpu.memory_space<hbm>>
    %dma_start3A_253 = tpu.memref_slice %arg9[%dma_start3A_246] : memref<5x!tpu.dma_semaphore, #tpu.memory_space<semaphore_mem>> -> memref<1x!tpu.dma_semaphore, #tpu.memory_space<semaphore_mem>>
    %dma_start3A_254 = tpu.memref_squeeze %dma_start3A_253 : memref<1x!tpu.dma_semaphore, #tpu.memory_space<semaphore_mem>> -> memref<!tpu.dma_semaphore, #tpu.memory_space<semaphore_mem>>
    %dma_start3A_255 = arith.constant 0 : i32
    %dma_start3A_256 = tpu.memref_slice %arg4[%add3A_244, %dma_start3A_255] : memref<16384x1024xf32, #tpu.memory_space<hbm>> -> memref<16x1024xf32, #tpu.memory_space<hbm>>
    %dma_start3A_257 = arith.constant 0 : i32
    %dma_start3A_258 = arith.constant 0 : i32
    %dma_start3A_259 = tpu.memref_slice %arg6[%dma_start3A_245, %dma_start3A_257, %dma_start3A_258] : memref<5x16x1024xf32, #tpu.memory_space<vmem>> -> memref<1x16x1024xf32, #tpu.memory_space<vmem>>
    %dma_start3A_260 = tpu.memref_squeeze %dma_start3A_259 : memref<1x16x1024xf32, #tpu.memory_space<vmem>> -> memref<16x1024xf32, #tpu.memory_space<vmem>>
    tpu.enqueue_dma source(%dma_start3A_260 : memref<16x1024xf32, #tpu.memory_space<vmem>>) target(%dma_start3A_256 : memref<16x1024xf32, #tpu.memory_space<hbm>>) target_semaphore(%dma_start3A_254 : memref<!tpu.dma_semaphore, #tpu.memory_space<semaphore_mem>>)
    %add3A_261 = arith.constant 4096 : i32
    %add3A_262 = arith.addi %add3A_261, %mul3A_2 : i32
    %add3A_263 = arith.constant 0 : i32
    %add3A_264 = arith.addi %add3A_262, %add3A_263 : i32
    %dma_wait3A_265 = arith.constant 1 : i32
    %dma_wait3A_266 = arith.constant 1 : i32
    %dma_wait3A_267 = arith.constant 0 : i32
    %dma_wait3A_268 = arith.constant 0 : i32
    %dma_wait3A_269 = tpu.memref_slice %arg6[%dma_wait3A_265, %dma_wait3A_267, %dma_wait3A_268] : memref<5x16x1024xf32, #tpu.memory_space<vmem>> -> memref<1x16x1024xf32, #tpu.memory_space<vmem>>
    %dma_wait3A_270 = tpu.memref_squeeze %dma_wait3A_269 : memref<1x16x1024xf32, #tpu.memory_space<vmem>> -> memref<16x1024xf32, #tpu.memory_space<vmem>>
    %dma_wait3A_271 = arith.constant 0 : i32
    %dma_wait3A_272 = tpu.memref_slice %arg4[%add3A_264, %dma_wait3A_271] : memref<16384x1024xf32, #tpu.memory_space<hbm>> -> memref<16x1024xf32, #tpu.memory_space<hbm>>
    %dma_wait3A_273 = tpu.memref_slice %arg9[%dma_wait3A_266] : memref<5x!tpu.dma_semaphore, #tpu.memory_space<semaphore_mem>> -> memref<1x!tpu.dma_semaphore, #tpu.memory_space<semaphore_mem>>
    %dma_wait3A_274 = tpu.memref_squeeze %dma_wait3A_273 : memref<1x!tpu.dma_semaphore, #tpu.memory_space<semaphore_mem>> -> memref<!tpu.dma_semaphore, #tpu.memory_space<semaphore_mem>>
    %dma_wait3A_275 = arith.constant 0 : i32
    %dma_wait3A_276 = tpu.memref_slice %arg4[%add3A_264, %dma_wait3A_275] : memref<16384x1024xf32, #tpu.memory_space<hbm>> -> memref<16x1024xf32, #tpu.memory_space<hbm>>
    %dma_wait3A_277 = arith.constant 0 : i32
    %dma_wait3A_278 = arith.constant 0 : i32
    %dma_wait3A_279 = tpu.memref_slice %arg6[%dma_wait3A_265, %dma_wait3A_277, %dma_wait3A_278] : memref<5x16x1024xf32, #tpu.memory_space<vmem>> -> memref<1x16x1024xf32, #tpu.memory_space<vmem>>
    %dma_wait3A_280 = tpu.memref_squeeze %dma_wait3A_279 : memref<1x16x1024xf32, #tpu.memory_space<vmem>> -> memref<16x1024xf32, #tpu.memory_space<vmem>>
    tpu.wait_dma2 semaphore(%dma_wait3A_274 : memref<!tpu.dma_semaphore, #tpu.memory_space<semaphore_mem>>) src(%dma_wait3A_280 : memref<16x1024xf32, #tpu.memory_space<vmem>>) dst(%dma_wait3A_276 : memref<16x1024xf32, #tpu.memory_space<hbm>>)
    %add3A_281 = arith.constant 8192 : i32
    %add3A_282 = arith.addi %add3A_281, %mul3A_2 : i32
    %add3A_283 = arith.constant 16 : i32
    %add3A_284 = arith.addi %add3A_282, %add3A_283 : i32
    %dma_start3A_285 = arith.constant 1 : i32
    %dma_start3A_286 = arith.constant 1 : i32
    %dma_start3A_287 = arith.constant 0 : i32
    %dma_start3A_288 = arith.constant 0 : i32
    %dma_start3A_289 = tpu.memref_slice %arg6[%dma_start3A_285, %dma_start3A_287, %dma_start3A_288] : memref<5x16x1024xf32, #tpu.memory_space<vmem>> -> memref<1x16x1024xf32, #tpu.memory_space<vmem>>
    %dma_start3A_290 = tpu.memref_squeeze %dma_start3A_289 : memref<1x16x1024xf32, #tpu.memory_space<vmem>> -> memref<16x1024xf32, #tpu.memory_space<vmem>>
    %dma_start3A_291 = arith.constant 0 : i32
    %dma_start3A_292 = tpu.memref_slice %arg2[%add3A_284, %dma_start3A_291] : memref<16384x1024xf32, #tpu.memory_space<hbm>> -> memref<16x1024xf32, #tpu.memory_space<hbm>>
    %dma_start3A_293 = tpu.memref_slice %arg7[%dma_start3A_286] : memref<5x!tpu.dma_semaphore, #tpu.memory_space<semaphore_mem>> -> memref<1x!tpu.dma_semaphore, #tpu.memory_space<semaphore_mem>>
    %dma_start3A_294 = tpu.memref_squeeze %dma_start3A_293 : memref<1x!tpu.dma_semaphore, #tpu.memory_space<semaphore_mem>> -> memref<!tpu.dma_semaphore, #tpu.memory_space<semaphore_mem>>
    %dma_start3A_295 = arith.constant 0 : i32
    %dma_start3A_296 = arith.constant 0 : i32
    %dma_start3A_297 = tpu.memref_slice %arg6[%dma_start3A_285, %dma_start3A_295, %dma_start3A_296] : memref<5x16x1024xf32, #tpu.memory_space<vmem>> -> memref<1x16x1024xf32, #tpu.memory_space<vmem>>
    %dma_start3A_298 = tpu.memref_squeeze %dma_start3A_297 : memref<1x16x1024xf32, #tpu.memory_space<vmem>> -> memref<16x1024xf32, #tpu.memory_space<vmem>>
    %dma_start3A_299 = arith.constant 0 : i32
    %dma_start3A_300 = tpu.memref_slice %arg2[%add3A_284, %dma_start3A_299] : memref<16384x1024xf32, #tpu.memory_space<hbm>> -> memref<16x1024xf32, #tpu.memory_space<hbm>>
    tpu.enqueue_dma source(%dma_start3A_300 : memref<16x1024xf32, #tpu.memory_space<hbm>>) target(%dma_start3A_298 : memref<16x1024xf32, #tpu.memory_space<vmem>>) target_semaphore(%dma_start3A_294 : memref<!tpu.dma_semaphore, #tpu.memory_space<semaphore_mem>>)
    %add3A_301 = arith.constant 0 : i32
    %add3A_302 = arith.addi %add3A_301, %mul3A_2 : i32
    %add3A_303 = arith.constant 16 : i32
    %add3A_304 = arith.addi %add3A_302, %add3A_303 : i32
    %dma_wait3A_305 = arith.constant 4 : i32
    %dma_wait3A_306 = arith.constant 4 : i32
    %dma_wait3A_307 = arith.constant 0 : i32
    %dma_wait3A_308 = arith.constant 0 : i32
    %dma_wait3A_309 = tpu.memref_slice %arg6[%dma_wait3A_305, %dma_wait3A_307, %dma_wait3A_308] : memref<5x16x1024xf32, #tpu.memory_space<vmem>> -> memref<1x16x1024xf32, #tpu.memory_space<vmem>>
    %dma_wait3A_310 = tpu.memref_squeeze %dma_wait3A_309 : memref<1x16x1024xf32, #tpu.memory_space<vmem>> -> memref<16x1024xf32, #tpu.memory_space<vmem>>
    %dma_wait3A_311 = arith.constant 0 : i32
    %dma_wait3A_312 = tpu.memref_slice %arg2[%add3A_304, %dma_wait3A_311] : memref<16384x1024xf32, #tpu.memory_space<hbm>> -> memref<16x1024xf32, #tpu.memory_space<hbm>>
    %dma_wait3A_313 = tpu.memref_slice %arg7[%dma_wait3A_306] : memref<5x!tpu.dma_semaphore, #tpu.memory_space<semaphore_mem>> -> memref<1x!tpu.dma_semaphore, #tpu.memory_space<semaphore_mem>>
    %dma_wait3A_314 = tpu.memref_squeeze %dma_wait3A_313 : memref<1x!tpu.dma_semaphore, #tpu.memory_space<semaphore_mem>> -> memref<!tpu.dma_semaphore, #tpu.memory_space<semaphore_mem>>
    %dma_wait3A_315 = arith.constant 0 : i32
    %dma_wait3A_316 = arith.constant 0 : i32
    %dma_wait3A_317 = tpu.memref_slice %arg6[%dma_wait3A_305, %dma_wait3A_315, %dma_wait3A_316] : memref<5x16x1024xf32, #tpu.memory_space<vmem>> -> memref<1x16x1024xf32, #tpu.memory_space<vmem>>
    %dma_wait3A_318 = tpu.memref_squeeze %dma_wait3A_317 : memref<1x16x1024xf32, #tpu.memory_space<vmem>> -> memref<16x1024xf32, #tpu.memory_space<vmem>>
    %dma_wait3A_319 = arith.constant 0 : i32
    %dma_wait3A_320 = tpu.memref_slice %arg2[%add3A_304, %dma_wait3A_319] : memref<16384x1024xf32, #tpu.memory_space<hbm>> -> memref<16x1024xf32, #tpu.memory_space<hbm>>
    tpu.wait_dma2 semaphore(%dma_wait3A_314 : memref<!tpu.dma_semaphore, #tpu.memory_space<semaphore_mem>>) src(%dma_wait3A_320 : memref<16x1024xf32, #tpu.memory_space<hbm>>) dst(%dma_wait3A_318 : memref<16x1024xf32, #tpu.memory_space<vmem>>)
    %add3A_321 = arith.constant 8192 : i32
    %add3A_322 = arith.addi %add3A_321, %mul3A_2 : i32
    %add3A_323 = arith.constant 0 : i32
    %add3A_324 = arith.addi %add3A_322, %add3A_323 : i32
    %dma_start3A_325 = arith.constant 2 : i32
    %dma_start3A_326 = arith.constant 2 : i32
    %dma_start3A_327 = arith.constant 0 : i32
    %dma_start3A_328 = arith.constant 0 : i32
    %dma_start3A_329 = tpu.memref_slice %arg6[%dma_start3A_325, %dma_start3A_327, %dma_start3A_328] : memref<5x16x1024xf32, #tpu.memory_space<vmem>> -> memref<1x16x1024xf32, #tpu.memory_space<vmem>>
    %dma_start3A_330 = tpu.memref_squeeze %dma_start3A_329 : memref<1x16x1024xf32, #tpu.memory_space<vmem>> -> memref<16x1024xf32, #tpu.memory_space<vmem>>
    %dma_start3A_331 = arith.constant 0 : i32
    %dma_start3A_332 = tpu.memref_slice %arg4[%add3A_324, %dma_start3A_331] : memref<16384x1024xf32, #tpu.memory_space<hbm>> -> memref<16x1024xf32, #tpu.memory_space<hbm>>
    %dma_start3A_333 = tpu.memref_slice %arg9[%dma_start3A_326] : memref<5x!tpu.dma_semaphore, #tpu.memory_space<semaphore_mem>> -> memref<1x!tpu.dma_semaphore, #tpu.memory_space<semaphore_mem>>
    %dma_start3A_334 = tpu.memref_squeeze %dma_start3A_333 : memref<1x!tpu.dma_semaphore, #tpu.memory_space<semaphore_mem>> -> memref<!tpu.dma_semaphore, #tpu.memory_space<semaphore_mem>>
    %dma_start3A_335 = arith.constant 0 : i32
    %dma_start3A_336 = tpu.memref_slice %arg4[%add3A_324, %dma_start3A_335] : memref<16384x1024xf32, #tpu.memory_space<hbm>> -> memref<16x1024xf32, #tpu.memory_space<hbm>>
    %dma_start3A_337 = arith.constant 0 : i32
    %dma_start3A_338 = arith.constant 0 : i32
    %dma_start3A_339 = tpu.memref_slice %arg6[%dma_start3A_325, %dma_start3A_337, %dma_start3A_338] : memref<5x16x1024xf32, #tpu.memory_space<vmem>> -> memref<1x16x1024xf32, #tpu.memory_space<vmem>>
    %dma_start3A_340 = tpu.memref_squeeze %dma_start3A_339 : memref<1x16x1024xf32, #tpu.memory_space<vmem>> -> memref<16x1024xf32, #tpu.memory_space<vmem>>
    tpu.enqueue_dma source(%dma_start3A_340 : memref<16x1024xf32, #tpu.memory_space<vmem>>) target(%dma_start3A_336 : memref<16x1024xf32, #tpu.memory_space<hbm>>) target_semaphore(%dma_start3A_334 : memref<!tpu.dma_semaphore, #tpu.memory_space<semaphore_mem>>)
    %add3A_341 = arith.constant 8192 : i32
    %add3A_342 = arith.addi %add3A_341, %mul3A_2 : i32
    %add3A_343 = arith.constant 0 : i32
    %add3A_344 = arith.addi %add3A_342, %add3A_343 : i32
    %dma_wait3A_345 = arith.constant 2 : i32
    %dma_wait3A_346 = arith.constant 2 : i32
    %dma_wait3A_347 = arith.constant 0 : i32
    %dma_wait3A_348 = arith.constant 0 : i32
    %dma_wait3A_349 = tpu.memref_slice %arg6[%dma_wait3A_345, %dma_wait3A_347, %dma_wait3A_348] : memref<5x16x1024xf32, #tpu.memory_space<vmem>> -> memref<1x16x1024xf32, #tpu.memory_space<vmem>>
    %dma_wait3A_350 = tpu.memref_squeeze %dma_wait3A_349 : memref<1x16x1024xf32, #tpu.memory_space<vmem>> -> memref<16x1024xf32, #tpu.memory_space<vmem>>
    %dma_wait3A_351 = arith.constant 0 : i32
    %dma_wait3A_352 = tpu.memref_slice %arg4[%add3A_344, %dma_wait3A_351] : memref<16384x1024xf32, #tpu.memory_space<hbm>> -> memref<16x1024xf32, #tpu.memory_space<hbm>>
    %dma_wait3A_353 = tpu.memref_slice %arg9[%dma_wait3A_346] : memref<5x!tpu.dma_semaphore, #tpu.memory_space<semaphore_mem>> -> memref<1x!tpu.dma_semaphore, #tpu.memory_space<semaphore_mem>>
    %dma_wait3A_354 = tpu.memref_squeeze %dma_wait3A_353 : memref<1x!tpu.dma_semaphore, #tpu.memory_space<semaphore_mem>> -> memref<!tpu.dma_semaphore, #tpu.memory_space<semaphore_mem>>
    %dma_wait3A_355 = arith.constant 0 : i32
    %dma_wait3A_356 = tpu.memref_slice %arg4[%add3A_344, %dma_wait3A_355] : memref<16384x1024xf32, #tpu.memory_space<hbm>> -> memref<16x1024xf32, #tpu.memory_space<hbm>>
    %dma_wait3A_357 = arith.constant 0 : i32
    %dma_wait3A_358 = arith.constant 0 : i32
    %dma_wait3A_359 = tpu.memref_slice %arg6[%dma_wait3A_345, %dma_wait3A_357, %dma_wait3A_358] : memref<5x16x1024xf32, #tpu.memory_space<vmem>> -> memref<1x16x1024xf32, #tpu.memory_space<vmem>>
    %dma_wait3A_360 = tpu.memref_squeeze %dma_wait3A_359 : memref<1x16x1024xf32, #tpu.memory_space<vmem>> -> memref<16x1024xf32, #tpu.memory_space<vmem>>
    tpu.wait_dma2 semaphore(%dma_wait3A_354 : memref<!tpu.dma_semaphore, #tpu.memory_space<semaphore_mem>>) src(%dma_wait3A_360 : memref<16x1024xf32, #tpu.memory_space<vmem>>) dst(%dma_wait3A_356 : memref<16x1024xf32, #tpu.memory_space<hbm>>)
    %add3A_361 = arith.constant 12288 : i32
    %add3A_362 = arith.addi %add3A_361, %mul3A_2 : i32
    %add3A_363 = arith.constant 16 : i32
    %add3A_364 = arith.addi %add3A_362, %add3A_363 : i32
    %dma_start3A_365 = arith.constant 2 : i32
    %dma_start3A_366 = arith.constant 2 : i32
    %dma_start3A_367 = arith.constant 0 : i32
    %dma_start3A_368 = arith.constant 0 : i32
    %dma_start3A_369 = tpu.memref_slice %arg6[%dma_start3A_365, %dma_start3A_367, %dma_start3A_368] : memref<5x16x1024xf32, #tpu.memory_space<vmem>> -> memref<1x16x1024xf32, #tpu.memory_space<vmem>>
    %dma_start3A_370 = tpu.memref_squeeze %dma_start3A_369 : memref<1x16x1024xf32, #tpu.memory_space<vmem>> -> memref<16x1024xf32, #tpu.memory_space<vmem>>
    %dma_start3A_371 = arith.constant 0 : i32
    %dma_start3A_372 = tpu.memref_slice %arg2[%add3A_364, %dma_start3A_371] : memref<16384x1024xf32, #tpu.memory_space<hbm>> -> memref<16x1024xf32, #tpu.memory_space<hbm>>
    %dma_start3A_373 = tpu.memref_slice %arg7[%dma_start3A_366] : memref<5x!tpu.dma_semaphore, #tpu.memory_space<semaphore_mem>> -> memref<1x!tpu.dma_semaphore, #tpu.memory_space<semaphore_mem>>
    %dma_start3A_374 = tpu.memref_squeeze %dma_start3A_373 : memref<1x!tpu.dma_semaphore, #tpu.memory_space<semaphore_mem>> -> memref<!tpu.dma_semaphore, #tpu.memory_space<semaphore_mem>>
    %dma_start3A_375 = arith.constant 0 : i32
    %dma_start3A_376 = arith.constant 0 : i32
    %dma_start3A_377 = tpu.memref_slice %arg6[%dma_start3A_365, %dma_start3A_375, %dma_start3A_376] : memref<5x16x1024xf32, #tpu.memory_space<vmem>> -> memref<1x16x1024xf32, #tpu.memory_space<vmem>>
    %dma_start3A_378 = tpu.memref_squeeze %dma_start3A_377 : memref<1x16x1024xf32, #tpu.memory_space<vmem>> -> memref<16x1024xf32, #tpu.memory_space<vmem>>
    %dma_start3A_379 = arith.constant 0 : i32
    %dma_start3A_380 = tpu.memref_slice %arg2[%add3A_364, %dma_start3A_379] : memref<16384x1024xf32, #tpu.memory_space<hbm>> -> memref<16x1024xf32, #tpu.memory_space<hbm>>
    tpu.enqueue_dma source(%dma_start3A_380 : memref<16x1024xf32, #tpu.memory_space<hbm>>) target(%dma_start3A_378 : memref<16x1024xf32, #tpu.memory_space<vmem>>) target_semaphore(%dma_start3A_374 : memref<!tpu.dma_semaphore, #tpu.memory_space<semaphore_mem>>)
    %add3A_381 = arith.constant 4096 : i32
    %add3A_382 = arith.addi %add3A_381, %mul3A_2 : i32
    %add3A_383 = arith.constant 16 : i32
    %add3A_384 = arith.addi %add3A_382, %add3A_383 : i32
    %dma_wait3A_385 = arith.constant 0 : i32
    %dma_wait3A_386 = arith.constant 0 : i32
    %dma_wait3A_387 = arith.constant 0 : i32
    %dma_wait3A_388 = arith.constant 0 : i32
    %dma_wait3A_389 = tpu.memref_slice %arg6[%dma_wait3A_385, %dma_wait3A_387, %dma_wait3A_388] : memref<5x16x1024xf32, #tpu.memory_space<vmem>> -> memref<1x16x1024xf32, #tpu.memory_space<vmem>>
    %dma_wait3A_390 = tpu.memref_squeeze %dma_wait3A_389 : memref<1x16x1024xf32, #tpu.memory_space<vmem>> -> memref<16x1024xf32, #tpu.memory_space<vmem>>
    %dma_wait3A_391 = arith.constant 0 : i32
    %dma_wait3A_392 = tpu.memref_slice %arg2[%add3A_384, %dma_wait3A_391] : memref<16384x1024xf32, #tpu.memory_space<hbm>> -> memref<16x1024xf32, #tpu.memory_space<hbm>>
    %dma_wait3A_393 = tpu.memref_slice %arg7[%dma_wait3A_386] : memref<5x!tpu.dma_semaphore, #tpu.memory_space<semaphore_mem>> -> memref<1x!tpu.dma_semaphore, #tpu.memory_space<semaphore_mem>>
    %dma_wait3A_394 = tpu.memref_squeeze %dma_wait3A_393 : memref<1x!tpu.dma_semaphore, #tpu.memory_space<semaphore_mem>> -> memref<!tpu.dma_semaphore, #tpu.memory_space<semaphore_mem>>
    %dma_wait3A_395 = arith.constant 0 : i32
    %dma_wait3A_396 = arith.constant 0 : i32
    %dma_wait3A_397 = tpu.memref_slice %arg6[%dma_wait3A_385, %dma_wait3A_395, %dma_wait3A_396] : memref<5x16x1024xf32, #tpu.memory_space<vmem>> -> memref<1x16x1024xf32, #tpu.memory_space<vmem>>
    %dma_wait3A_398 = tpu.memref_squeeze %dma_wait3A_397 : memref<1x16x1024xf32, #tpu.memory_space<vmem>> -> memref<16x1024xf32, #tpu.memory_space<vmem>>
    %dma_wait3A_399 = arith.constant 0 : i32
    %dma_wait3A_400 = tpu.memref_slice %arg2[%add3A_384, %dma_wait3A_399] : memref<16384x1024xf32, #tpu.memory_space<hbm>> -> memref<16x1024xf32, #tpu.memory_space<hbm>>
    tpu.wait_dma2 semaphore(%dma_wait3A_394 : memref<!tpu.dma_semaphore, #tpu.memory_space<semaphore_mem>>) src(%dma_wait3A_400 : memref<16x1024xf32, #tpu.memory_space<hbm>>) dst(%dma_wait3A_398 : memref<16x1024xf32, #tpu.memory_space<vmem>>)
    %add3A_401 = arith.constant 12288 : i32
    %add3A_402 = arith.addi %add3A_401, %mul3A_2 : i32
    %add3A_403 = arith.constant 0 : i32
    %add3A_404 = arith.addi %add3A_402, %add3A_403 : i32
    %dma_start3A_405 = arith.constant 3 : i32
    %dma_start3A_406 = arith.constant 3 : i32
    %dma_start3A_407 = arith.constant 0 : i32
    %dma_start3A_408 = arith.constant 0 : i32
    %dma_start3A_409 = tpu.memref_slice %arg6[%dma_start3A_405, %dma_start3A_407, %dma_start3A_408] : memref<5x16x1024xf32, #tpu.memory_space<vmem>> -> memref<1x16x1024xf32, #tpu.memory_space<vmem>>
    %dma_start3A_410 = tpu.memref_squeeze %dma_start3A_409 : memref<1x16x1024xf32, #tpu.memory_space<vmem>> -> memref<16x1024xf32, #tpu.memory_space<vmem>>
    %dma_start3A_411 = arith.constant 0 : i32
    %dma_start3A_412 = tpu.memref_slice %arg4[%add3A_404, %dma_start3A_411] : memref<16384x1024xf32, #tpu.memory_space<hbm>> -> memref<16x1024xf32, #tpu.memory_space<hbm>>
    %dma_start3A_413 = tpu.memref_slice %arg9[%dma_start3A_406] : memref<5x!tpu.dma_semaphore, #tpu.memory_space<semaphore_mem>> -> memref<1x!tpu.dma_semaphore, #tpu.memory_space<semaphore_mem>>
    %dma_start3A_414 = tpu.memref_squeeze %dma_start3A_413 : memref<1x!tpu.dma_semaphore, #tpu.memory_space<semaphore_mem>> -> memref<!tpu.dma_semaphore, #tpu.memory_space<semaphore_mem>>
    %dma_start3A_415 = arith.constant 0 : i32
    %dma_start3A_416 = tpu.memref_slice %arg4[%add3A_404, %dma_start3A_415] : memref<16384x1024xf32, #tpu.memory_space<hbm>> -> memref<16x1024xf32, #tpu.memory_space<hbm>>
    %dma_start3A_417 = arith.constant 0 : i32
    %dma_start3A_418 = arith.constant 0 : i32
    %dma_start3A_419 = tpu.memref_slice %arg6[%dma_start3A_405, %dma_start3A_417, %dma_start3A_418] : memref<5x16x1024xf32, #tpu.memory_space<vmem>> -> memref<1x16x1024xf32, #tpu.memory_space<vmem>>
    %dma_start3A_420 = tpu.memref_squeeze %dma_start3A_419 : memref<1x16x1024xf32, #tpu.memory_space<vmem>> -> memref<16x1024xf32, #tpu.memory_space<vmem>>
    tpu.enqueue_dma source(%dma_start3A_420 : memref<16x1024xf32, #tpu.memory_space<vmem>>) target(%dma_start3A_416 : memref<16x1024xf32, #tpu.memory_space<hbm>>) target_semaphore(%dma_start3A_414 : memref<!tpu.dma_semaphore, #tpu.memory_space<semaphore_mem>>)
    %add3A_421 = arith.constant 12288 : i32
    %add3A_422 = arith.addi %add3A_421, %mul3A_2 : i32
    %add3A_423 = arith.constant 0 : i32
    %add3A_424 = arith.addi %add3A_422, %add3A_423 : i32
    %dma_wait3A_425 = arith.constant 3 : i32
    %dma_wait3A_426 = arith.constant 3 : i32
    %dma_wait3A_427 = arith.constant 0 : i32
    %dma_wait3A_428 = arith.constant 0 : i32
    %dma_wait3A_429 = tpu.memref_slice %arg6[%dma_wait3A_425, %dma_wait3A_427, %dma_wait3A_428] : memref<5x16x1024xf32, #tpu.memory_space<vmem>> -> memref<1x16x1024xf32, #tpu.memory_space<vmem>>
    %dma_wait3A_430 = tpu.memref_squeeze %dma_wait3A_429 : memref<1x16x1024xf32, #tpu.memory_space<vmem>> -> memref<16x1024xf32, #tpu.memory_space<vmem>>
    %dma_wait3A_431 = arith.constant 0 : i32
    %dma_wait3A_432 = tpu.memref_slice %arg4[%add3A_424, %dma_wait3A_431] : memref<16384x1024xf32, #tpu.memory_space<hbm>> -> memref<16x1024xf32, #tpu.memory_space<hbm>>
    %dma_wait3A_433 = tpu.memref_slice %arg9[%dma_wait3A_426] : memref<5x!tpu.dma_semaphore, #tpu.memory_space<semaphore_mem>> -> memref<1x!tpu.dma_semaphore, #tpu.memory_space<semaphore_mem>>
    %dma_wait3A_434 = tpu.memref_squeeze %dma_wait3A_433 : memref<1x!tpu.dma_semaphore, #tpu.memory_space<semaphore_mem>> -> memref<!tpu.dma_semaphore, #tpu.memory_space<semaphore_mem>>
    %dma_wait3A_435 = arith.constant 0 : i32
    %dma_wait3A_436 = tpu.memref_slice %arg4[%add3A_424, %dma_wait3A_435] : memref<16384x1024xf32, #tpu.memory_space<hbm>> -> memref<16x1024xf32, #tpu.memory_space<hbm>>
    %dma_wait3A_437 = arith.constant 0 : i32
    %dma_wait3A_438 = arith.constant 0 : i32
    %dma_wait3A_439 = tpu.memref_slice %arg6[%dma_wait3A_425, %dma_wait3A_437, %dma_wait3A_438] : memref<5x16x1024xf32, #tpu.memory_space<vmem>> -> memref<1x16x1024xf32, #tpu.memory_space<vmem>>
    %dma_wait3A_440 = tpu.memref_squeeze %dma_wait3A_439 : memref<1x16x1024xf32, #tpu.memory_space<vmem>> -> memref<16x1024xf32, #tpu.memory_space<vmem>>
    tpu.wait_dma2 semaphore(%dma_wait3A_434 : memref<!tpu.dma_semaphore, #tpu.memory_space<semaphore_mem>>) src(%dma_wait3A_440 : memref<16x1024xf32, #tpu.memory_space<vmem>>) dst(%dma_wait3A_436 : memref<16x1024xf32, #tpu.memory_space<hbm>>)
    %add3A_441 = arith.constant 0 : i32
    %add3A_442 = arith.addi %add3A_441, %mul3A_2 : i32
    %add3A_443 = arith.constant 32 : i32
    %add3A_444 = arith.addi %add3A_442, %add3A_443 : i32
    %dma_start3A_445 = arith.constant 3 : i32
    %dma_start3A_446 = arith.constant 3 : i32
    %dma_start3A_447 = arith.constant 0 : i32
    %dma_start3A_448 = arith.constant 0 : i32
    %dma_start3A_449 = tpu.memref_slice %arg6[%dma_start3A_445, %dma_start3A_447, %dma_start3A_448] : memref<5x16x1024xf32, #tpu.memory_space<vmem>> -> memref<1x16x1024xf32, #tpu.memory_space<vmem>>
    %dma_start3A_450 = tpu.memref_squeeze %dma_start3A_449 : memref<1x16x1024xf32, #tpu.memory_space<vmem>> -> memref<16x1024xf32, #tpu.memory_space<vmem>>
    %dma_start3A_451 = arith.constant 0 : i32
    %dma_start3A_452 = tpu.memref_slice %arg2[%add3A_444, %dma_start3A_451] : memref<16384x1024xf32, #tpu.memory_space<hbm>> -> memref<16x1024xf32, #tpu.memory_space<hbm>>
    %dma_start3A_453 = tpu.memref_slice %arg7[%dma_start3A_446] : memref<5x!tpu.dma_semaphore, #tpu.memory_space<semaphore_mem>> -> memref<1x!tpu.dma_semaphore, #tpu.memory_space<semaphore_mem>>
    %dma_start3A_454 = tpu.memref_squeeze %dma_start3A_453 : memref<1x!tpu.dma_semaphore, #tpu.memory_space<semaphore_mem>> -> memref<!tpu.dma_semaphore, #tpu.memory_space<semaphore_mem>>
    %dma_start3A_455 = arith.constant 0 : i32
    %dma_start3A_456 = arith.constant 0 : i32
    %dma_start3A_457 = tpu.memref_slice %arg6[%dma_start3A_445, %dma_start3A_455, %dma_start3A_456] : memref<5x16x1024xf32, #tpu.memory_space<vmem>> -> memref<1x16x1024xf32, #tpu.memory_space<vmem>>
    %dma_start3A_458 = tpu.memref_squeeze %dma_start3A_457 : memref<1x16x1024xf32, #tpu.memory_space<vmem>> -> memref<16x1024xf32, #tpu.memory_space<vmem>>
    %dma_start3A_459 = arith.constant 0 : i32
    %dma_start3A_460 = tpu.memref_slice %arg2[%add3A_444, %dma_start3A_459] : memref<16384x1024xf32, #tpu.memory_space<hbm>> -> memref<16x1024xf32, #tpu.memory_space<hbm>>
    tpu.enqueue_dma source(%dma_start3A_460 : memref<16x1024xf32, #tpu.memory_space<hbm>>) target(%dma_start3A_458 : memref<16x1024xf32, #tpu.memory_space<vmem>>) target_semaphore(%dma_start3A_454 : memref<!tpu.dma_semaphore, #tpu.memory_space<semaphore_mem>>)
    %add3A_461 = arith.constant 8192 : i32
    %add3A_462 = arith.addi %add3A_461, %mul3A_2 : i32
    %add3A_463 = arith.constant 16 : i32
    %add3A_464 = arith.addi %add3A_462, %add3A_463 : i32
    %dma_wait3A_465 = arith.constant 1 : i32
    %dma_wait3A_466 = arith.constant 1 : i32
    %dma_wait3A_467 = arith.constant 0 : i32
    %dma_wait3A_468 = arith.constant 0 : i32
    %dma_wait3A_469 = tpu.memref_slice %arg6[%dma_wait3A_465, %dma_wait3A_467, %dma_wait3A_468] : memref<5x16x1024xf32, #tpu.memory_space<vmem>> -> memref<1x16x1024xf32, #tpu.memory_space<vmem>>
    %dma_wait3A_470 = tpu.memref_squeeze %dma_wait3A_469 : memref<1x16x1024xf32, #tpu.memory_space<vmem>> -> memref<16x1024xf32, #tpu.memory_space<vmem>>
    %dma_wait3A_471 = arith.constant 0 : i32
    %dma_wait3A_472 = tpu.memref_slice %arg2[%add3A_464, %dma_wait3A_471] : memref<16384x1024xf32, #tpu.memory_space<hbm>> -> memref<16x1024xf32, #tpu.memory_space<hbm>>
    %dma_wait3A_473 = tpu.memref_slice %arg7[%dma_wait3A_466] : memref<5x!tpu.dma_semaphore, #tpu.memory_space<semaphore_mem>> -> memref<1x!tpu.dma_semaphore, #tpu.memory_space<semaphore_mem>>
    %dma_wait3A_474 = tpu.memref_squeeze %dma_wait3A_473 : memref<1x!tpu.dma_semaphore, #tpu.memory_space<semaphore_mem>> -> memref<!tpu.dma_semaphore, #tpu.memory_space<semaphore_mem>>
    %dma_wait3A_475 = arith.constant 0 : i32
    %dma_wait3A_476 = arith.constant 0 : i32
    %dma_wait3A_477 = tpu.memref_slice %arg6[%dma_wait3A_465, %dma_wait3A_475, %dma_wait3A_476] : memref<5x16x1024xf32, #tpu.memory_space<vmem>> -> memref<1x16x1024xf32, #tpu.memory_space<vmem>>
    %dma_wait3A_478 = tpu.memref_squeeze %dma_wait3A_477 : memref<1x16x1024xf32, #tpu.memory_space<vmem>> -> memref<16x1024xf32, #tpu.memory_space<vmem>>
    %dma_wait3A_479 = arith.constant 0 : i32
    %dma_wait3A_480 = tpu.memref_slice %arg2[%add3A_464, %dma_wait3A_479] : memref<16384x1024xf32, #tpu.memory_space<hbm>> -> memref<16x1024xf32, #tpu.memory_space<hbm>>
    tpu.wait_dma2 semaphore(%dma_wait3A_474 : memref<!tpu.dma_semaphore, #tpu.memory_space<semaphore_mem>>) src(%dma_wait3A_480 : memref<16x1024xf32, #tpu.memory_space<hbm>>) dst(%dma_wait3A_478 : memref<16x1024xf32, #tpu.memory_space<vmem>>)
    %add3A_481 = arith.constant 0 : i32
    %add3A_482 = arith.addi %add3A_481, %mul3A_2 : i32
    %add3A_483 = arith.constant 16 : i32
    %add3A_484 = arith.addi %add3A_482, %add3A_483 : i32
    %dma_start3A_485 = arith.constant 4 : i32
    %dma_start3A_486 = arith.constant 4 : i32
    %dma_start3A_487 = arith.constant 0 : i32
    %dma_start3A_488 = arith.constant 0 : i32
    %dma_start3A_489 = tpu.memref_slice %arg6[%dma_start3A_485, %dma_start3A_487, %dma_start3A_488] : memref<5x16x1024xf32, #tpu.memory_space<vmem>> -> memref<1x16x1024xf32, #tpu.memory_space<vmem>>
    %dma_start3A_490 = tpu.memref_squeeze %dma_start3A_489 : memref<1x16x1024xf32, #tpu.memory_space<vmem>> -> memref<16x1024xf32, #tpu.memory_space<vmem>>
    %dma_start3A_491 = arith.constant 0 : i32
    %dma_start3A_492 = tpu.memref_slice %arg4[%add3A_484, %dma_start3A_491] : memref<16384x1024xf32, #tpu.memory_space<hbm>> -> memref<16x1024xf32, #tpu.memory_space<hbm>>
    %dma_start3A_493 = tpu.memref_slice %arg9[%dma_start3A_486] : memref<5x!tpu.dma_semaphore, #tpu.memory_space<semaphore_mem>> -> memref<1x!tpu.dma_semaphore, #tpu.memory_space<semaphore_mem>>
    %dma_start3A_494 = tpu.memref_squeeze %dma_start3A_493 : memref<1x!tpu.dma_semaphore, #tpu.memory_space<semaphore_mem>> -> memref<!tpu.dma_semaphore, #tpu.memory_space<semaphore_mem>>
    %dma_start3A_495 = arith.constant 0 : i32
    %dma_start3A_496 = tpu.memref_slice %arg4[%add3A_484, %dma_start3A_495] : memref<16384x1024xf32, #tpu.memory_space<hbm>> -> memref<16x1024xf32, #tpu.memory_space<hbm>>
    %dma_start3A_497 = arith.constant 0 : i32
    %dma_start3A_498 = arith.constant 0 : i32
    %dma_start3A_499 = tpu.memref_slice %arg6[%dma_start3A_485, %dma_start3A_497, %dma_start3A_498] : memref<5x16x1024xf32, #tpu.memory_space<vmem>> -> memref<1x16x1024xf32, #tpu.memory_space<vmem>>
    %dma_start3A_500 = tpu.memref_squeeze %dma_start3A_499 : memref<1x16x1024xf32, #tpu.memory_space<vmem>> -> memref<16x1024xf32, #tpu.memory_space<vmem>>
    tpu.enqueue_dma source(%dma_start3A_500 : memref<16x1024xf32, #tpu.memory_space<vmem>>) target(%dma_start3A_496 : memref<16x1024xf32, #tpu.memory_space<hbm>>) target_semaphore(%dma_start3A_494 : memref<!tpu.dma_semaphore, #tpu.memory_space<semaphore_mem>>)
    %add3A_501 = arith.constant 0 : i32
    %add3A_502 = arith.addi %add3A_501, %mul3A_2 : i32
    %add3A_503 = arith.constant 16 : i32
    %add3A_504 = arith.addi %add3A_502, %add3A_503 : i32
    %dma_wait3A_505 = arith.constant 4 : i32
    %dma_wait3A_506 = arith.constant 4 : i32
    %dma_wait3A_507 = arith.constant 0 : i32
    %dma_wait3A_508 = arith.constant 0 : i32
    %dma_wait3A_509 = tpu.memref_slice %arg6[%dma_wait3A_505, %dma_wait3A_507, %dma_wait3A_508] : memref<5x16x1024xf32, #tpu.memory_space<vmem>> -> memref<1x16x1024xf32, #tpu.memory_space<vmem>>
    %dma_wait3A_510 = tpu.memref_squeeze %dma_wait3A_509 : memref<1x16x1024xf32, #tpu.memory_space<vmem>> -> memref<16x1024xf32, #tpu.memory_space<vmem>>
    %dma_wait3A_511 = arith.constant 0 : i32
    %dma_wait3A_512 = tpu.memref_slice %arg4[%add3A_504, %dma_wait3A_511] : memref<16384x1024xf32, #tpu.memory_space<hbm>> -> memref<16x1024xf32, #tpu.memory_space<hbm>>
    %dma_wait3A_513 = tpu.memref_slice %arg9[%dma_wait3A_506] : memref<5x!tpu.dma_semaphore, #tpu.memory_space<semaphore_mem>> -> memref<1x!tpu.dma_semaphore, #tpu.memory_space<semaphore_mem>>
    %dma_wait3A_514 = tpu.memref_squeeze %dma_wait3A_513 : memref<1x!tpu.dma_semaphore, #tpu.memory_space<semaphore_mem>> -> memref<!tpu.dma_semaphore, #tpu.memory_space<semaphore_mem>>
    %dma_wait3A_515 = arith.constant 0 : i32
    %dma_wait3A_516 = tpu.memref_slice %arg4[%add3A_504, %dma_wait3A_515] : memref<16384x1024xf32, #tpu.memory_space<hbm>> -> memref<16x1024xf32, #tpu.memory_space<hbm>>
    %dma_wait3A_517 = arith.constant 0 : i32
    %dma_wait3A_518 = arith.constant 0 : i32
    %dma_wait3A_519 = tpu.memref_slice %arg6[%dma_wait3A_505, %dma_wait3A_517, %dma_wait3A_518] : memref<5x16x1024xf32, #tpu.memory_space<vmem>> -> memref<1x16x1024xf32, #tpu.memory_space<vmem>>
    %dma_wait3A_520 = tpu.memref_squeeze %dma_wait3A_519 : memref<1x16x1024xf32, #tpu.memory_space<vmem>> -> memref<16x1024xf32, #tpu.memory_space<vmem>>
    tpu.wait_dma2 semaphore(%dma_wait3A_514 : memref<!tpu.dma_semaphore, #tpu.memory_space<semaphore_mem>>) src(%dma_wait3A_520 : memref<16x1024xf32, #tpu.memory_space<vmem>>) dst(%dma_wait3A_516 : memref<16x1024xf32, #tpu.memory_space<hbm>>)
    %add3A_521 = arith.constant 4096 : i32
    %add3A_522 = arith.addi %add3A_521, %mul3A_2 : i32
    %add3A_523 = arith.constant 32 : i32
    %add3A_524 = arith.addi %add3A_522, %add3A_523 : i32
    %dma_start3A_525 = arith.constant 4 : i32
    %dma_start3A_526 = arith.constant 4 : i32
    %dma_start3A_527 = arith.constant 0 : i32
    %dma_start3A_528 = arith.constant 0 : i32
    %dma_start3A_529 = tpu.memref_slice %arg6[%dma_start3A_525, %dma_start3A_527, %dma_start3A_528] : memref<5x16x1024xf32, #tpu.memory_space<vmem>> -> memref<1x16x1024xf32, #tpu.memory_space<vmem>>
    %dma_start3A_530 = tpu.memref_squeeze %dma_start3A_529 : memref<1x16x1024xf32, #tpu.memory_space<vmem>> -> memref<16x1024xf32, #tpu.memory_space<vmem>>
    %dma_start3A_531 = arith.constant 0 : i32
    %dma_start3A_532 = tpu.memref_slice %arg2[%add3A_524, %dma_start3A_531] : memref<16384x1024xf32, #tpu.memory_space<hbm>> -> memref<16x1024xf32, #tpu.memory_space<hbm>>
    %dma_start3A_533 = tpu.memref_slice %arg7[%dma_start3A_526] : memref<5x!tpu.dma_semaphore, #tpu.memory_space<semaphore_mem>> -> memref<1x!tpu.dma_semaphore, #tpu.memory_space<semaphore_mem>>
    %dma_start3A_534 = tpu.memref_squeeze %dma_start3A_533 : memref<1x!tpu.dma_semaphore, #tpu.memory_space<semaphore_mem>> -> memref<!tpu.dma_semaphore, #tpu.memory_space<semaphore_mem>>
    %dma_start3A_535 = arith.constant 0 : i32
    %dma_start3A_536 = arith.constant 0 : i32
    %dma_start3A_537 = tpu.memref_slice %arg6[%dma_start3A_525, %dma_start3A_535, %dma_start3A_536] : memref<5x16x1024xf32, #tpu.memory_space<vmem>> -> memref<1x16x1024xf32, #tpu.memory_space<vmem>>
    %dma_start3A_538 = tpu.memref_squeeze %dma_start3A_537 : memref<1x16x1024xf32, #tpu.memory_space<vmem>> -> memref<16x1024xf32, #tpu.memory_space<vmem>>
    %dma_start3A_539 = arith.constant 0 : i32
    %dma_start3A_540 = tpu.memref_slice %arg2[%add3A_524, %dma_start3A_539] : memref<16384x1024xf32, #tpu.memory_space<hbm>> -> memref<16x1024xf32, #tpu.memory_space<hbm>>
    tpu.enqueue_dma source(%dma_start3A_540 : memref<16x1024xf32, #tpu.memory_space<hbm>>) target(%dma_start3A_538 : memref<16x1024xf32, #tpu.memory_space<vmem>>) target_semaphore(%dma_start3A_534 : memref<!tpu.dma_semaphore, #tpu.memory_space<semaphore_mem>>)
    %add3A_541 = arith.constant 12288 : i32
    %add3A_542 = arith.addi %add3A_541, %mul3A_2 : i32
    %add3A_543 = arith.constant 16 : i32
    %add3A_544 = arith.addi %add3A_542, %add3A_543 : i32
    %dma_wait3A_545 = arith.constant 2 : i32
    %dma_wait3A_546 = arith.constant 2 : i32
    %dma_wait3A_547 = arith.constant 0 : i32
    %dma_wait3A_548 = arith.constant 0 : i32
    %dma_wait3A_549 = tpu.memref_slice %arg6[%dma_wait3A_545, %dma_wait3A_547, %dma_wait3A_548] : memref<5x16x1024xf32, #tpu.memory_space<vmem>> -> memref<1x16x1024xf32, #tpu.memory_space<vmem>>
    %dma_wait3A_550 = tpu.memref_squeeze %dma_wait3A_549 : memref<1x16x1024xf32, #tpu.memory_space<vmem>> -> memref<16x1024xf32, #tpu.memory_space<vmem>>
    %dma_wait3A_551 = arith.constant 0 : i32
    %dma_wait3A_552 = tpu.memref_slice %arg2[%add3A_544, %dma_wait3A_551] : memref<16384x1024xf32, #tpu.memory_space<hbm>> -> memref<16x1024xf32, #tpu.memory_space<hbm>>
    %dma_wait3A_553 = tpu.memref_slice %arg7[%dma_wait3A_546] : memref<5x!tpu.dma_semaphore, #tpu.memory_space<semaphore_mem>> -> memref<1x!tpu.dma_semaphore, #tpu.memory_space<semaphore_mem>>
    %dma_wait3A_554 = tpu.memref_squeeze %dma_wait3A_553 : memref<1x!tpu.dma_semaphore, #tpu.memory_space<semaphore_mem>> -> memref<!tpu.dma_semaphore, #tpu.memory_space<semaphore_mem>>
    %dma_wait3A_555 = arith.constant 0 : i32
    %dma_wait3A_556 = arith.constant 0 : i32
    %dma_wait3A_557 = tpu.memref_slice %arg6[%dma_wait3A_545, %dma_wait3A_555, %dma_wait3A_556] : memref<5x16x1024xf32, #tpu.memory_space<vmem>> -> memref<1x16x1024xf32, #tpu.memory_space<vmem>>
    %dma_wait3A_558 = tpu.memref_squeeze %dma_wait3A_557 : memref<1x16x1024xf32, #tpu.memory_space<vmem>> -> memref<16x1024xf32, #tpu.memory_space<vmem>>
    %dma_wait3A_559 = arith.constant 0 : i32
    %dma_wait3A_560 = tpu.memref_slice %arg2[%add3A_544, %dma_wait3A_559] : memref<16384x1024xf32, #tpu.memory_space<hbm>> -> memref<16x1024xf32, #tpu.memory_space<hbm>>
    tpu.wait_dma2 semaphore(%dma_wait3A_554 : memref<!tpu.dma_semaphore, #tpu.memory_space<semaphore_mem>>) src(%dma_wait3A_560 : memref<16x1024xf32, #tpu.memory_space<hbm>>) dst(%dma_wait3A_558 : memref<16x1024xf32, #tpu.memory_space<vmem>>)
    %add3A_561 = arith.constant 4096 : i32
    %add3A_562 = arith.addi %add3A_561, %mul3A_2 : i32
    %add3A_563 = arith.constant 16 : i32
    %add3A_564 = arith.addi %add3A_562, %add3A_563 : i32
    %dma_start3A_565 = arith.constant 0 : i32
    %dma_start3A_566 = arith.constant 0 : i32
    %dma_start3A_567 = arith.constant 0 : i32
    %dma_start3A_568 = arith.constant 0 : i32
    %dma_start3A_569 = tpu.memref_slice %arg6[%dma_start3A_565, %dma_start3A_567, %dma_start3A_568] : memref<5x16x1024xf32, #tpu.memory_space<vmem>> -> memref<1x16x1024xf32, #tpu.memory_space<vmem>>
    %dma_start3A_570 = tpu.memref_squeeze %dma_start3A_569 : memref<1x16x1024xf32, #tpu.memory_space<vmem>> -> memref<16x1024xf32, #tpu.memory_space<vmem>>
    %dma_start3A_571 = arith.constant 0 : i32
    %dma_start3A_572 = tpu.memref_slice %arg4[%add3A_564, %dma_start3A_571] : memref<16384x1024xf32, #tpu.memory_space<hbm>> -> memref<16x1024xf32, #tpu.memory_space<hbm>>
    %dma_start3A_573 = tpu.memref_slice %arg9[%dma_start3A_566] : memref<5x!tpu.dma_semaphore, #tpu.memory_space<semaphore_mem>> -> memref<1x!tpu.dma_semaphore, #tpu.memory_space<semaphore_mem>>
    %dma_start3A_574 = tpu.memref_squeeze %dma_start3A_573 : memref<1x!tpu.dma_semaphore, #tpu.memory_space<semaphore_mem>> -> memref<!tpu.dma_semaphore, #tpu.memory_space<semaphore_mem>>
    %dma_start3A_575 = arith.constant 0 : i32
    %dma_start3A_576 = tpu.memref_slice %arg4[%add3A_564, %dma_start3A_575] : memref<16384x1024xf32, #tpu.memory_space<hbm>> -> memref<16x1024xf32, #tpu.memory_space<hbm>>
    %dma_start3A_577 = arith.constant 0 : i32
    %dma_start3A_578 = arith.constant 0 : i32
    %dma_start3A_579 = tpu.memref_slice %arg6[%dma_start3A_565, %dma_start3A_577, %dma_start3A_578] : memref<5x16x1024xf32, #tpu.memory_space<vmem>> -> memref<1x16x1024xf32, #tpu.memory_space<vmem>>
    %dma_start3A_580 = tpu.memref_squeeze %dma_start3A_579 : memref<1x16x1024xf32, #tpu.memory_space<vmem>> -> memref<16x1024xf32, #tpu.memory_space<vmem>>
    tpu.enqueue_dma source(%dma_start3A_580 : memref<16x1024xf32, #tpu.memory_space<vmem>>) target(%dma_start3A_576 : memref<16x1024xf32, #tpu.memory_space<hbm>>) target_semaphore(%dma_start3A_574 : memref<!tpu.dma_semaphore, #tpu.memory_space<semaphore_mem>>)
    %add3A_581 = arith.constant 4096 : i32
    %add3A_582 = arith.addi %add3A_581, %mul3A_2 : i32
    %add3A_583 = arith.constant 16 : i32
    %add3A_584 = arith.addi %add3A_582, %add3A_583 : i32
    %dma_wait3A_585 = arith.constant 0 : i32
    %dma_wait3A_586 = arith.constant 0 : i32
    %dma_wait3A_587 = arith.constant 0 : i32
    %dma_wait3A_588 = arith.constant 0 : i32
    %dma_wait3A_589 = tpu.memref_slice %arg6[%dma_wait3A_585, %dma_wait3A_587, %dma_wait3A_588] : memref<5x16x1024xf32, #tpu.memory_space<vmem>> -> memref<1x16x1024xf32, #tpu.memory_space<vmem>>
    %dma_wait3A_590 = tpu.memref_squeeze %dma_wait3A_589 : memref<1x16x1024xf32, #tpu.memory_space<vmem>> -> memref<16x1024xf32, #tpu.memory_space<vmem>>
    %dma_wait3A_591 = arith.constant 0 : i32
    %dma_wait3A_592 = tpu.memref_slice %arg4[%add3A_584, %dma_wait3A_591] : memref<16384x1024xf32, #tpu.memory_space<hbm>> -> memref<16x1024xf32, #tpu.memory_space<hbm>>
    %dma_wait3A_593 = tpu.memref_slice %arg9[%dma_wait3A_586] : memref<5x!tpu.dma_semaphore, #tpu.memory_space<semaphore_mem>> -> memref<1x!tpu.dma_semaphore, #tpu.memory_space<semaphore_mem>>
    %dma_wait3A_594 = tpu.memref_squeeze %dma_wait3A_593 : memref<1x!tpu.dma_semaphore, #tpu.memory_space<semaphore_mem>> -> memref<!tpu.dma_semaphore, #tpu.memory_space<semaphore_mem>>
    %dma_wait3A_595 = arith.constant 0 : i32
    %dma_wait3A_596 = tpu.memref_slice %arg4[%add3A_584, %dma_wait3A_595] : memref<16384x1024xf32, #tpu.memory_space<hbm>> -> memref<16x1024xf32, #tpu.memory_space<hbm>>
    %dma_wait3A_597 = arith.constant 0 : i32
    %dma_wait3A_598 = arith.constant 0 : i32
    %dma_wait3A_599 = tpu.memref_slice %arg6[%dma_wait3A_585, %dma_wait3A_597, %dma_wait3A_598] : memref<5x16x1024xf32, #tpu.memory_space<vmem>> -> memref<1x16x1024xf32, #tpu.memory_space<vmem>>
    %dma_wait3A_600 = tpu.memref_squeeze %dma_wait3A_599 : memref<1x16x1024xf32, #tpu.memory_space<vmem>> -> memref<16x1024xf32, #tpu.memory_space<vmem>>
    tpu.wait_dma2 semaphore(%dma_wait3A_594 : memref<!tpu.dma_semaphore, #tpu.memory_space<semaphore_mem>>) src(%dma_wait3A_600 : memref<16x1024xf32, #tpu.memory_space<vmem>>) dst(%dma_wait3A_596 : memref<16x1024xf32, #tpu.memory_space<hbm>>)
    %add3A_601 = arith.constant 8192 : i32
    %add3A_602 = arith.addi %add3A_601, %mul3A_2 : i32
    %add3A_603 = arith.constant 32 : i32
    %add3A_604 = arith.addi %add3A_602, %add3A_603 : i32
    %dma_start3A_605 = arith.constant 0 : i32
    %dma_start3A_606 = arith.constant 0 : i32
    %dma_start3A_607 = arith.constant 0 : i32
    %dma_start3A_608 = arith.constant 0 : i32
    %dma_start3A_609 = tpu.memref_slice %arg6[%dma_start3A_605, %dma_start3A_607, %dma_start3A_608] : memref<5x16x1024xf32, #tpu.memory_space<vmem>> -> memref<1x16x1024xf32, #tpu.memory_space<vmem>>
    %dma_start3A_610 = tpu.memref_squeeze %dma_start3A_609 : memref<1x16x1024xf32, #tpu.memory_space<vmem>> -> memref<16x1024xf32, #tpu.memory_space<vmem>>
    %dma_start3A_611 = arith.constant 0 : i32
    %dma_start3A_612 = tpu.memref_slice %arg2[%add3A_604, %dma_start3A_611] : memref<16384x1024xf32, #tpu.memory_space<hbm>> -> memref<16x1024xf32, #tpu.memory_space<hbm>>
    %dma_start3A_613 = tpu.memref_slice %arg7[%dma_start3A_606] : memref<5x!tpu.dma_semaphore, #tpu.memory_space<semaphore_mem>> -> memref<1x!tpu.dma_semaphore, #tpu.memory_space<semaphore_mem>>
    %dma_start3A_614 = tpu.memref_squeeze %dma_start3A_613 : memref<1x!tpu.dma_semaphore, #tpu.memory_space<semaphore_mem>> -> memref<!tpu.dma_semaphore, #tpu.memory_space<semaphore_mem>>
    %dma_start3A_615 = arith.constant 0 : i32
    %dma_start3A_616 = arith.constant 0 : i32
    %dma_start3A_617 = tpu.memref_slice %arg6[%dma_start3A_605, %dma_start3A_615, %dma_start3A_616] : memref<5x16x1024xf32, #tpu.memory_space<vmem>> -> memref<1x16x1024xf32, #tpu.memory_space<vmem>>
    %dma_start3A_618 = tpu.memref_squeeze %dma_start3A_617 : memref<1x16x1024xf32, #tpu.memory_space<vmem>> -> memref<16x1024xf32, #tpu.memory_space<vmem>>
    %dma_start3A_619 = arith.constant 0 : i32
    %dma_start3A_620 = tpu.memref_slice %arg2[%add3A_604, %dma_start3A_619] : memref<16384x1024xf32, #tpu.memory_space<hbm>> -> memref<16x1024xf32, #tpu.memory_space<hbm>>
    tpu.enqueue_dma source(%dma_start3A_620 : memref<16x1024xf32, #tpu.memory_space<hbm>>) target(%dma_start3A_618 : memref<16x1024xf32, #tpu.memory_space<vmem>>) target_semaphore(%dma_start3A_614 : memref<!tpu.dma_semaphore, #tpu.memory_space<semaphore_mem>>)
    %add3A_621 = arith.constant 0 : i32
    %add3A_622 = arith.addi %add3A_621, %mul3A_2 : i32
    %add3A_623 = arith.constant 32 : i32
    %add3A_624 = arith.addi %add3A_622, %add3A_623 : i32
    %dma_wait3A_625 = arith.constant 3 : i32
    %dma_wait3A_626 = arith.constant 3 : i32
    %dma_wait3A_627 = arith.constant 0 : i32
    %dma_wait3A_628 = arith.constant 0 : i32
    %dma_wait3A_629 = tpu.memref_slice %arg6[%dma_wait3A_625, %dma_wait3A_627, %dma_wait3A_628] : memref<5x16x1024xf32, #tpu.memory_space<vmem>> -> memref<1x16x1024xf32, #tpu.memory_space<vmem>>
    %dma_wait3A_630 = tpu.memref_squeeze %dma_wait3A_629 : memref<1x16x1024xf32, #tpu.memory_space<vmem>> -> memref<16x1024xf32, #tpu.memory_space<vmem>>
    %dma_wait3A_631 = arith.constant 0 : i32
    %dma_wait3A_632 = tpu.memref_slice %arg2[%add3A_624, %dma_wait3A_631] : memref<16384x1024xf32, #tpu.memory_space<hbm>> -> memref<16x1024xf32, #tpu.memory_space<hbm>>
    %dma_wait3A_633 = tpu.memref_slice %arg7[%dma_wait3A_626] : memref<5x!tpu.dma_semaphore, #tpu.memory_space<semaphore_mem>> -> memref<1x!tpu.dma_semaphore, #tpu.memory_space<semaphore_mem>>
    %dma_wait3A_634 = tpu.memref_squeeze %dma_wait3A_633 : memref<1x!tpu.dma_semaphore, #tpu.memory_space<semaphore_mem>> -> memref<!tpu.dma_semaphore, #tpu.memory_space<semaphore_mem>>
    %dma_wait3A_635 = arith.constant 0 : i32
    %dma_wait3A_636 = arith.constant 0 : i32
    %dma_wait3A_637 = tpu.memref_slice %arg6[%dma_wait3A_625, %dma_wait3A_635, %dma_wait3A_636] : memref<5x16x1024xf32, #tpu.memory_space<vmem>> -> memref<1x16x1024xf32, #tpu.memory_space<vmem>>
    %dma_wait3A_638 = tpu.memref_squeeze %dma_wait3A_637 : memref<1x16x1024xf32, #tpu.memory_space<vmem>> -> memref<16x1024xf32, #tpu.memory_space<vmem>>
    %dma_wait3A_639 = arith.constant 0 : i32
    %dma_wait3A_640 = tpu.memref_slice %arg2[%add3A_624, %dma_wait3A_639] : memref<16384x1024xf32, #tpu.memory_space<hbm>> -> memref<16x1024xf32, #tpu.memory_space<hbm>>
    tpu.wait_dma2 semaphore(%dma_wait3A_634 : memref<!tpu.dma_semaphore, #tpu.memory_space<semaphore_mem>>) src(%dma_wait3A_640 : memref<16x1024xf32, #tpu.memory_space<hbm>>) dst(%dma_wait3A_638 : memref<16x1024xf32, #tpu.memory_space<vmem>>)
    %add3A_641 = arith.constant 8192 : i32
    %add3A_642 = arith.addi %add3A_641, %mul3A_2 : i32
    %add3A_643 = arith.constant 16 : i32
    %add3A_644 = arith.addi %add3A_642, %add3A_643 : i32
    %dma_start3A_645 = arith.constant 1 : i32
    %dma_start3A_646 = arith.constant 1 : i32
    %dma_start3A_647 = arith.constant 0 : i32
    %dma_start3A_648 = arith.constant 0 : i32
    %dma_start3A_649 = tpu.memref_slice %arg6[%dma_start3A_645, %dma_start3A_647, %dma_start3A_648] : memref<5x16x1024xf32, #tpu.memory_space<vmem>> -> memref<1x16x1024xf32, #tpu.memory_space<vmem>>
    %dma_start3A_650 = tpu.memref_squeeze %dma_start3A_649 : memref<1x16x1024xf32, #tpu.memory_space<vmem>> -> memref<16x1024xf32, #tpu.memory_space<vmem>>
    %dma_start3A_651 = arith.constant 0 : i32
    %dma_start3A_652 = tpu.memref_slice %arg4[%add3A_644, %dma_start3A_651] : memref<16384x1024xf32, #tpu.memory_space<hbm>> -> memref<16x1024xf32, #tpu.memory_space<hbm>>
    %dma_start3A_653 = tpu.memref_slice %arg9[%dma_start3A_646] : memref<5x!tpu.dma_semaphore, #tpu.memory_space<semaphore_mem>> -> memref<1x!tpu.dma_semaphore, #tpu.memory_space<semaphore_mem>>
    %dma_start3A_654 = tpu.memref_squeeze %dma_start3A_653 : memref<1x!tpu.dma_semaphore, #tpu.memory_space<semaphore_mem>> -> memref<!tpu.dma_semaphore, #tpu.memory_space<semaphore_mem>>
    %dma_start3A_655 = arith.constant 0 : i32
    %dma_start3A_656 = tpu.memref_slice %arg4[%add3A_644, %dma_start3A_655] : memref<16384x1024xf32, #tpu.memory_space<hbm>> -> memref<16x1024xf32, #tpu.memory_space<hbm>>
    %dma_start3A_657 = arith.constant 0 : i32
    %dma_start3A_658 = arith.constant 0 : i32
    %dma_start3A_659 = tpu.memref_slice %arg6[%dma_start3A_645, %dma_start3A_657, %dma_start3A_658] : memref<5x16x1024xf32, #tpu.memory_space<vmem>> -> memref<1x16x1024xf32, #tpu.memory_space<vmem>>
    %dma_start3A_660 = tpu.memref_squeeze %dma_start3A_659 : memref<1x16x1024xf32, #tpu.memory_space<vmem>> -> memref<16x1024xf32, #tpu.memory_space<vmem>>
    tpu.enqueue_dma source(%dma_start3A_660 : memref<16x1024xf32, #tpu.memory_space<vmem>>) target(%dma_start3A_656 : memref<16x1024xf32, #tpu.memory_space<hbm>>) target_semaphore(%dma_start3A_654 : memref<!tpu.dma_semaphore, #tpu.memory_space<semaphore_mem>>)
    %add3A_661 = arith.constant 8192 : i32
    %add3A_662 = arith.addi %add3A_661, %mul3A_2 : i32
    %add3A_663 = arith.constant 16 : i32
    %add3A_664 = arith.addi %add3A_662, %add3A_663 : i32
    %dma_wait3A_665 = arith.constant 1 : i32
    %dma_wait3A_666 = arith.constant 1 : i32
    %dma_wait3A_667 = arith.constant 0 : i32
    %dma_wait3A_668 = arith.constant 0 : i32
    %dma_wait3A_669 = tpu.memref_slice %arg6[%dma_wait3A_665, %dma_wait3A_667, %dma_wait3A_668] : memref<5x16x1024xf32, #tpu.memory_space<vmem>> -> memref<1x16x1024xf32, #tpu.memory_space<vmem>>
    %dma_wait3A_670 = tpu.memref_squeeze %dma_wait3A_669 : memref<1x16x1024xf32, #tpu.memory_space<vmem>> -> memref<16x1024xf32, #tpu.memory_space<vmem>>
    %dma_wait3A_671 = arith.constant 0 : i32
    %dma_wait3A_672 = tpu.memref_slice %arg4[%add3A_664, %dma_wait3A_671] : memref<16384x1024xf32, #tpu.memory_space<hbm>> -> memref<16x1024xf32, #tpu.memory_space<hbm>>
    %dma_wait3A_673 = tpu.memref_slice %arg9[%dma_wait3A_666] : memref<5x!tpu.dma_semaphore, #tpu.memory_space<semaphore_mem>> -> memref<1x!tpu.dma_semaphore, #tpu.memory_space<semaphore_mem>>
    %dma_wait3A_674 = tpu.memref_squeeze %dma_wait3A_673 : memref<1x!tpu.dma_semaphore, #tpu.memory_space<semaphore_mem>> -> memref<!tpu.dma_semaphore, #tpu.memory_space<semaphore_mem>>
    %dma_wait3A_675 = arith.constant 0 : i32
    %dma_wait3A_676 = tpu.memref_slice %arg4[%add3A_664, %dma_wait3A_675] : memref<16384x1024xf32, #tpu.memory_space<hbm>> -> memref<16x1024xf32, #tpu.memory_space<hbm>>
    %dma_wait3A_677 = arith.constant 0 : i32
    %dma_wait3A_678 = arith.constant 0 : i32
    %dma_wait3A_679 = tpu.memref_slice %arg6[%dma_wait3A_665, %dma_wait3A_677, %dma_wait3A_678] : memref<5x16x1024xf32, #tpu.memory_space<vmem>> -> memref<1x16x1024xf32, #tpu.memory_space<vmem>>
    %dma_wait3A_680 = tpu.memref_squeeze %dma_wait3A_679 : memref<1x16x1024xf32, #tpu.memory_space<vmem>> -> memref<16x1024xf32, #tpu.memory_space<vmem>>
    tpu.wait_dma2 semaphore(%dma_wait3A_674 : memref<!tpu.dma_semaphore, #tpu.memory_space<semaphore_mem>>) src(%dma_wait3A_680 : memref<16x1024xf32, #tpu.memory_space<vmem>>) dst(%dma_wait3A_676 : memref<16x1024xf32, #tpu.memory_space<hbm>>)
    %add3A_681 = arith.constant 12288 : i32
    %add3A_682 = arith.addi %add3A_681, %mul3A_2 : i32
    %add3A_683 = arith.constant 32 : i32
    %add3A_684 = arith.addi %add3A_682, %add3A_683 : i32
    %dma_start3A_685 = arith.constant 1 : i32
    %dma_start3A_686 = arith.constant 1 : i32
    %dma_start3A_687 = arith.constant 0 : i32
    %dma_start3A_688 = arith.constant 0 : i32
    %dma_start3A_689 = tpu.memref_slice %arg6[%dma_start3A_685, %dma_start3A_687, %dma_start3A_688] : memref<5x16x1024xf32, #tpu.memory_space<vmem>> -> memref<1x16x1024xf32, #tpu.memory_space<vmem>>
    %dma_start3A_690 = tpu.memref_squeeze %dma_start3A_689 : memref<1x16x1024xf32, #tpu.memory_space<vmem>> -> memref<16x1024xf32, #tpu.memory_space<vmem>>
    %dma_start3A_691 = arith.constant 0 : i32
    %dma_start3A_692 = tpu.memref_slice %arg2[%add3A_684, %dma_start3A_691] : memref<16384x1024xf32, #tpu.memory_space<hbm>> -> memref<16x1024xf32, #tpu.memory_space<hbm>>
    %dma_start3A_693 = tpu.memref_slice %arg7[%dma_start3A_686] : memref<5x!tpu.dma_semaphore, #tpu.memory_space<semaphore_mem>> -> memref<1x!tpu.dma_semaphore, #tpu.memory_space<semaphore_mem>>
    %dma_start3A_694 = tpu.memref_squeeze %dma_start3A_693 : memref<1x!tpu.dma_semaphore, #tpu.memory_space<semaphore_mem>> -> memref<!tpu.dma_semaphore, #tpu.memory_space<semaphore_mem>>
    %dma_start3A_695 = arith.constant 0 : i32
    %dma_start3A_696 = arith.constant 0 : i32
    %dma_start3A_697 = tpu.memref_slice %arg6[%dma_start3A_685, %dma_start3A_695, %dma_start3A_696] : memref<5x16x1024xf32, #tpu.memory_space<vmem>> -> memref<1x16x1024xf32, #tpu.memory_space<vmem>>
    %dma_start3A_698 = tpu.memref_squeeze %dma_start3A_697 : memref<1x16x1024xf32, #tpu.memory_space<vmem>> -> memref<16x1024xf32, #tpu.memory_space<vmem>>
    %dma_start3A_699 = arith.constant 0 : i32
    %dma_start3A_700 = tpu.memref_slice %arg2[%add3A_684, %dma_start3A_699] : memref<16384x1024xf32, #tpu.memory_space<hbm>> -> memref<16x1024xf32, #tpu.memory_space<hbm>>
    tpu.enqueue_dma source(%dma_start3A_700 : memref<16x1024xf32, #tpu.memory_space<hbm>>) target(%dma_start3A_698 : memref<16x1024xf32, #tpu.memory_space<vmem>>) target_semaphore(%dma_start3A_694 : memref<!tpu.dma_semaphore, #tpu.memory_space<semaphore_mem>>)
    %add3A_701 = arith.constant 4096 : i32
    %add3A_702 = arith.addi %add3A_701, %mul3A_2 : i32
    %add3A_703 = arith.constant 32 : i32
    %add3A_704 = arith.addi %add3A_702, %add3A_703 : i32
    %dma_wait3A_705 = arith.constant 4 : i32
    %dma_wait3A_706 = arith.constant 4 : i32
    %dma_wait3A_707 = arith.constant 0 : i32
    %dma_wait3A_708 = arith.constant 0 : i32
    %dma_wait3A_709 = tpu.memref_slice %arg6[%dma_wait3A_705, %dma_wait3A_707, %dma_wait3A_708] : memref<5x16x1024xf32, #tpu.memory_space<vmem>> -> memref<1x16x1024xf32, #tpu.memory_space<vmem>>
    %dma_wait3A_710 = tpu.memref_squeeze %dma_wait3A_709 : memref<1x16x1024xf32, #tpu.memory_space<vmem>> -> memref<16x1024xf32, #tpu.memory_space<vmem>>
    %dma_wait3A_711 = arith.constant 0 : i32
    %dma_wait3A_712 = tpu.memref_slice %arg2[%add3A_704, %dma_wait3A_711] : memref<16384x1024xf32, #tpu.memory_space<hbm>> -> memref<16x1024xf32, #tpu.memory_space<hbm>>
    %dma_wait3A_713 = tpu.memref_slice %arg7[%dma_wait3A_706] : memref<5x!tpu.dma_semaphore, #tpu.memory_space<semaphore_mem>> -> memref<1x!tpu.dma_semaphore, #tpu.memory_space<semaphore_mem>>
    %dma_wait3A_714 = tpu.memref_squeeze %dma_wait3A_713 : memref<1x!tpu.dma_semaphore, #tpu.memory_space<semaphore_mem>> -> memref<!tpu.dma_semaphore, #tpu.memory_space<semaphore_mem>>
    %dma_wait3A_715 = arith.constant 0 : i32
    %dma_wait3A_716 = arith.constant 0 : i32
    %dma_wait3A_717 = tpu.memref_slice %arg6[%dma_wait3A_705, %dma_wait3A_715, %dma_wait3A_716] : memref<5x16x1024xf32, #tpu.memory_space<vmem>> -> memref<1x16x1024xf32, #tpu.memory_space<vmem>>
    %dma_wait3A_718 = tpu.memref_squeeze %dma_wait3A_717 : memref<1x16x1024xf32, #tpu.memory_space<vmem>> -> memref<16x1024xf32, #tpu.memory_space<vmem>>
    %dma_wait3A_719 = arith.constant 0 : i32
    %dma_wait3A_720 = tpu.memref_slice %arg2[%add3A_704, %dma_wait3A_719] : memref<16384x1024xf32, #tpu.memory_space<hbm>> -> memref<16x1024xf32, #tpu.memory_space<hbm>>
    tpu.wait_dma2 semaphore(%dma_wait3A_714 : memref<!tpu.dma_semaphore, #tpu.memory_space<semaphore_mem>>) src(%dma_wait3A_720 : memref<16x1024xf32, #tpu.memory_space<hbm>>) dst(%dma_wait3A_718 : memref<16x1024xf32, #tpu.memory_space<vmem>>)
    %add3A_721 = arith.constant 12288 : i32
    %add3A_722 = arith.addi %add3A_721, %mul3A_2 : i32
    %add3A_723 = arith.constant 16 : i32
    %add3A_724 = arith.addi %add3A_722, %add3A_723 : i32
    %dma_start3A_725 = arith.constant 2 : i32
    %dma_start3A_726 = arith.constant 2 : i32
    %dma_start3A_727 = arith.constant 0 : i32
    %dma_start3A_728 = arith.constant 0 : i32
    %dma_start3A_729 = tpu.memref_slice %arg6[%dma_start3A_725, %dma_start3A_727, %dma_start3A_728] : memref<5x16x1024xf32, #tpu.memory_space<vmem>> -> memref<1x16x1024xf32, #tpu.memory_space<vmem>>
    %dma_start3A_730 = tpu.memref_squeeze %dma_start3A_729 : memref<1x16x1024xf32, #tpu.memory_space<vmem>> -> memref<16x1024xf32, #tpu.memory_space<vmem>>
    %dma_start3A_731 = arith.constant 0 : i32
    %dma_start3A_732 = tpu.memref_slice %arg4[%add3A_724, %dma_start3A_731] : memref<16384x1024xf32, #tpu.memory_space<hbm>> -> memref<16x1024xf32, #tpu.memory_space<hbm>>
    %dma_start3A_733 = tpu.memref_slice %arg9[%dma_start3A_726] : memref<5x!tpu.dma_semaphore, #tpu.memory_space<semaphore_mem>> -> memref<1x!tpu.dma_semaphore, #tpu.memory_space<semaphore_mem>>
    %dma_start3A_734 = tpu.memref_squeeze %dma_start3A_733 : memref<1x!tpu.dma_semaphore, #tpu.memory_space<semaphore_mem>> -> memref<!tpu.dma_semaphore, #tpu.memory_space<semaphore_mem>>
    %dma_start3A_735 = arith.constant 0 : i32
    %dma_start3A_736 = tpu.memref_slice %arg4[%add3A_724, %dma_start3A_735] : memref<16384x1024xf32, #tpu.memory_space<hbm>> -> memref<16x1024xf32, #tpu.memory_space<hbm>>
    %dma_start3A_737 = arith.constant 0 : i32
    %dma_start3A_738 = arith.constant 0 : i32
    %dma_start3A_739 = tpu.memref_slice %arg6[%dma_start3A_725, %dma_start3A_737, %dma_start3A_738] : memref<5x16x1024xf32, #tpu.memory_space<vmem>> -> memref<1x16x1024xf32, #tpu.memory_space<vmem>>
    %dma_start3A_740 = tpu.memref_squeeze %dma_start3A_739 : memref<1x16x1024xf32, #tpu.memory_space<vmem>> -> memref<16x1024xf32, #tpu.memory_space<vmem>>
    tpu.enqueue_dma source(%dma_start3A_740 : memref<16x1024xf32, #tpu.memory_space<vmem>>) target(%dma_start3A_736 : memref<16x1024xf32, #tpu.memory_space<hbm>>) target_semaphore(%dma_start3A_734 : memref<!tpu.dma_semaphore, #tpu.memory_space<semaphore_mem>>)
    %add3A_741 = arith.constant 12288 : i32
    %add3A_742 = arith.addi %add3A_741, %mul3A_2 : i32
    %add3A_743 = arith.constant 16 : i32
    %add3A_744 = arith.addi %add3A_742, %add3A_743 : i32
    %dma_wait3A_745 = arith.constant 2 : i32
    %dma_wait3A_746 = arith.constant 2 : i32
    %dma_wait3A_747 = arith.constant 0 : i32
    %dma_wait3A_748 = arith.constant 0 : i32
    %dma_wait3A_749 = tpu.memref_slice %arg6[%dma_wait3A_745, %dma_wait3A_747, %dma_wait3A_748] : memref<5x16x1024xf32, #tpu.memory_space<vmem>> -> memref<1x16x1024xf32, #tpu.memory_space<vmem>>
    %dma_wait3A_750 = tpu.memref_squeeze %dma_wait3A_749 : memref<1x16x1024xf32, #tpu.memory_space<vmem>> -> memref<16x1024xf32, #tpu.memory_space<vmem>>
    %dma_wait3A_751 = arith.constant 0 : i32
    %dma_wait3A_752 = tpu.memref_slice %arg4[%add3A_744, %dma_wait3A_751] : memref<16384x1024xf32, #tpu.memory_space<hbm>> -> memref<16x1024xf32, #tpu.memory_space<hbm>>
    %dma_wait3A_753 = tpu.memref_slice %arg9[%dma_wait3A_746] : memref<5x!tpu.dma_semaphore, #tpu.memory_space<semaphore_mem>> -> memref<1x!tpu.dma_semaphore, #tpu.memory_space<semaphore_mem>>
    %dma_wait3A_754 = tpu.memref_squeeze %dma_wait3A_753 : memref<1x!tpu.dma_semaphore, #tpu.memory_space<semaphore_mem>> -> memref<!tpu.dma_semaphore, #tpu.memory_space<semaphore_mem>>
    %dma_wait3A_755 = arith.constant 0 : i32
    %dma_wait3A_756 = tpu.memref_slice %arg4[%add3A_744, %dma_wait3A_755] : memref<16384x1024xf32, #tpu.memory_space<hbm>> -> memref<16x1024xf32, #tpu.memory_space<hbm>>
    %dma_wait3A_757 = arith.constant 0 : i32
    %dma_wait3A_758 = arith.constant 0 : i32
    %dma_wait3A_759 = tpu.memref_slice %arg6[%dma_wait3A_745, %dma_wait3A_757, %dma_wait3A_758] : memref<5x16x1024xf32, #tpu.memory_space<vmem>> -> memref<1x16x1024xf32, #tpu.memory_space<vmem>>
    %dma_wait3A_760 = tpu.memref_squeeze %dma_wait3A_759 : memref<1x16x1024xf32, #tpu.memory_space<vmem>> -> memref<16x1024xf32, #tpu.memory_space<vmem>>
    tpu.wait_dma2 semaphore(%dma_wait3A_754 : memref<!tpu.dma_semaphore, #tpu.memory_space<semaphore_mem>>) src(%dma_wait3A_760 : memref<16x1024xf32, #tpu.memory_space<vmem>>) dst(%dma_wait3A_756 : memref<16x1024xf32, #tpu.memory_space<hbm>>)
    %add3A_761 = arith.constant 0 : i32
    %add3A_762 = arith.addi %add3A_761, %mul3A_2 : i32
    %add3A_763 = arith.constant 48 : i32
    %add3A_764 = arith.addi %add3A_762, %add3A_763 : i32
    %dma_start3A_765 = arith.constant 2 : i32
    %dma_start3A_766 = arith.constant 2 : i32
    %dma_start3A_767 = arith.constant 0 : i32
    %dma_start3A_768 = arith.constant 0 : i32
    %dma_start3A_769 = tpu.memref_slice %arg6[%dma_start3A_765, %dma_start3A_767, %dma_start3A_768] : memref<5x16x1024xf32, #tpu.memory_space<vmem>> -> memref<1x16x1024xf32, #tpu.memory_space<vmem>>
    %dma_start3A_770 = tpu.memref_squeeze %dma_start3A_769 : memref<1x16x1024xf32, #tpu.memory_space<vmem>> -> memref<16x1024xf32, #tpu.memory_space<vmem>>
    %dma_start3A_771 = arith.constant 0 : i32
    %dma_start3A_772 = tpu.memref_slice %arg2[%add3A_764, %dma_start3A_771] : memref<16384x1024xf32, #tpu.memory_space<hbm>> -> memref<16x1024xf32, #tpu.memory_space<hbm>>
    %dma_start3A_773 = tpu.memref_slice %arg7[%dma_start3A_766] : memref<5x!tpu.dma_semaphore, #tpu.memory_space<semaphore_mem>> -> memref<1x!tpu.dma_semaphore, #tpu.memory_space<semaphore_mem>>
    %dma_start3A_774 = tpu.memref_squeeze %dma_start3A_773 : memref<1x!tpu.dma_semaphore, #tpu.memory_space<semaphore_mem>> -> memref<!tpu.dma_semaphore, #tpu.memory_space<semaphore_mem>>
    %dma_start3A_775 = arith.constant 0 : i32
    %dma_start3A_776 = arith.constant 0 : i32
    %dma_start3A_777 = tpu.memref_slice %arg6[%dma_start3A_765, %dma_start3A_775, %dma_start3A_776] : memref<5x16x1024xf32, #tpu.memory_space<vmem>> -> memref<1x16x1024xf32, #tpu.memory_space<vmem>>
    %dma_start3A_778 = tpu.memref_squeeze %dma_start3A_777 : memref<1x16x1024xf32, #tpu.memory_space<vmem>> -> memref<16x1024xf32, #tpu.memory_space<vmem>>
    %dma_start3A_779 = arith.constant 0 : i32
    %dma_start3A_780 = tpu.memref_slice %arg2[%add3A_764, %dma_start3A_779] : memref<16384x1024xf32, #tpu.memory_space<hbm>> -> memref<16x1024xf32, #tpu.memory_space<hbm>>
    tpu.enqueue_dma source(%dma_start3A_780 : memref<16x1024xf32, #tpu.memory_space<hbm>>) target(%dma_start3A_778 : memref<16x1024xf32, #tpu.memory_space<vmem>>) target_semaphore(%dma_start3A_774 : memref<!tpu.dma_semaphore, #tpu.memory_space<semaphore_mem>>)
    %add3A_781 = arith.constant 8192 : i32
    %add3A_782 = arith.addi %add3A_781, %mul3A_2 : i32
    %add3A_783 = arith.constant 32 : i32
    %add3A_784 = arith.addi %add3A_782, %add3A_783 : i32
    %dma_wait3A_785 = arith.constant 0 : i32
    %dma_wait3A_786 = arith.constant 0 : i32
    %dma_wait3A_787 = arith.constant 0 : i32
    %dma_wait3A_788 = arith.constant 0 : i32
    %dma_wait3A_789 = tpu.memref_slice %arg6[%dma_wait3A_785, %dma_wait3A_787, %dma_wait3A_788] : memref<5x16x1024xf32, #tpu.memory_space<vmem>> -> memref<1x16x1024xf32, #tpu.memory_space<vmem>>
    %dma_wait3A_790 = tpu.memref_squeeze %dma_wait3A_789 : memref<1x16x1024xf32, #tpu.memory_space<vmem>> -> memref<16x1024xf32, #tpu.memory_space<vmem>>
    %dma_wait3A_791 = arith.constant 0 : i32
    %dma_wait3A_792 = tpu.memref_slice %arg2[%add3A_784, %dma_wait3A_791] : memref<16384x1024xf32, #tpu.memory_space<hbm>> -> memref<16x1024xf32, #tpu.memory_space<hbm>>
    %dma_wait3A_793 = tpu.memref_slice %arg7[%dma_wait3A_786] : memref<5x!tpu.dma_semaphore, #tpu.memory_space<semaphore_mem>> -> memref<1x!tpu.dma_semaphore, #tpu.memory_space<semaphore_mem>>
    %dma_wait3A_794 = tpu.memref_squeeze %dma_wait3A_793 : memref<1x!tpu.dma_semaphore, #tpu.memory_space<semaphore_mem>> -> memref<!tpu.dma_semaphore, #tpu.memory_space<semaphore_mem>>
    %dma_wait3A_795 = arith.constant 0 : i32
    %dma_wait3A_796 = arith.constant 0 : i32
    %dma_wait3A_797 = tpu.memref_slice %arg6[%dma_wait3A_785, %dma_wait3A_795, %dma_wait3A_796] : memref<5x16x1024xf32, #tpu.memory_space<vmem>> -> memref<1x16x1024xf32, #tpu.memory_space<vmem>>
    %dma_wait3A_798 = tpu.memref_squeeze %dma_wait3A_797 : memref<1x16x1024xf32, #tpu.memory_space<vmem>> -> memref<16x1024xf32, #tpu.memory_space<vmem>>
    %dma_wait3A_799 = arith.constant 0 : i32
    %dma_wait3A_800 = tpu.memref_slice %arg2[%add3A_784, %dma_wait3A_799] : memref<16384x1024xf32, #tpu.memory_space<hbm>> -> memref<16x1024xf32, #tpu.memory_space<hbm>>
    tpu.wait_dma2 semaphore(%dma_wait3A_794 : memref<!tpu.dma_semaphore, #tpu.memory_space<semaphore_mem>>) src(%dma_wait3A_800 : memref<16x1024xf32, #tpu.memory_space<hbm>>) dst(%dma_wait3A_798 : memref<16x1024xf32, #tpu.memory_space<vmem>>)
    %add3A_801 = arith.constant 0 : i32
    %add3A_802 = arith.addi %add3A_801, %mul3A_2 : i32
    %add3A_803 = arith.constant 32 : i32
    %add3A_804 = arith.addi %add3A_802, %add3A_803 : i32
    %dma_start3A_805 = arith.constant 3 : i32
    %dma_start3A_806 = arith.constant 3 : i32
    %dma_start3A_807 = arith.constant 0 : i32
    %dma_start3A_808 = arith.constant 0 : i32
    %dma_start3A_809 = tpu.memref_slice %arg6[%dma_start3A_805, %dma_start3A_807, %dma_start3A_808] : memref<5x16x1024xf32, #tpu.memory_space<vmem>> -> memref<1x16x1024xf32, #tpu.memory_space<vmem>>
    %dma_start3A_810 = tpu.memref_squeeze %dma_start3A_809 : memref<1x16x1024xf32, #tpu.memory_space<vmem>> -> memref<16x1024xf32, #tpu.memory_space<vmem>>
    %dma_start3A_811 = arith.constant 0 : i32
    %dma_start3A_812 = tpu.memref_slice %arg4[%add3A_804, %dma_start3A_811] : memref<16384x1024xf32, #tpu.memory_space<hbm>> -> memref<16x1024xf32, #tpu.memory_space<hbm>>
    %dma_start3A_813 = tpu.memref_slice %arg9[%dma_start3A_806] : memref<5x!tpu.dma_semaphore, #tpu.memory_space<semaphore_mem>> -> memref<1x!tpu.dma_semaphore, #tpu.memory_space<semaphore_mem>>
    %dma_start3A_814 = tpu.memref_squeeze %dma_start3A_813 : memref<1x!tpu.dma_semaphore, #tpu.memory_space<semaphore_mem>> -> memref<!tpu.dma_semaphore, #tpu.memory_space<semaphore_mem>>
    %dma_start3A_815 = arith.constant 0 : i32
    %dma_start3A_816 = tpu.memref_slice %arg4[%add3A_804, %dma_start3A_815] : memref<16384x1024xf32, #tpu.memory_space<hbm>> -> memref<16x1024xf32, #tpu.memory_space<hbm>>
    %dma_start3A_817 = arith.constant 0 : i32
    %dma_start3A_818 = arith.constant 0 : i32
    %dma_start3A_819 = tpu.memref_slice %arg6[%dma_start3A_805, %dma_start3A_817, %dma_start3A_818] : memref<5x16x1024xf32, #tpu.memory_space<vmem>> -> memref<1x16x1024xf32, #tpu.memory_space<vmem>>
    %dma_start3A_820 = tpu.memref_squeeze %dma_start3A_819 : memref<1x16x1024xf32, #tpu.memory_space<vmem>> -> memref<16x1024xf32, #tpu.memory_space<vmem>>
    tpu.enqueue_dma source(%dma_start3A_820 : memref<16x1024xf32, #tpu.memory_space<vmem>>) target(%dma_start3A_816 : memref<16x1024xf32, #tpu.memory_space<hbm>>) target_semaphore(%dma_start3A_814 : memref<!tpu.dma_semaphore, #tpu.memory_space<semaphore_mem>>)
    %add3A_821 = arith.constant 0 : i32
    %add3A_822 = arith.addi %add3A_821, %mul3A_2 : i32
    %add3A_823 = arith.constant 32 : i32
    %add3A_824 = arith.addi %add3A_822, %add3A_823 : i32
    %dma_wait3A_825 = arith.constant 3 : i32
    %dma_wait3A_826 = arith.constant 3 : i32
    %dma_wait3A_827 = arith.constant 0 : i32
    %dma_wait3A_828 = arith.constant 0 : i32
    %dma_wait3A_829 = tpu.memref_slice %arg6[%dma_wait3A_825, %dma_wait3A_827, %dma_wait3A_828] : memref<5x16x1024xf32, #tpu.memory_space<vmem>> -> memref<1x16x1024xf32, #tpu.memory_space<vmem>>
    %dma_wait3A_830 = tpu.memref_squeeze %dma_wait3A_829 : memref<1x16x1024xf32, #tpu.memory_space<vmem>> -> memref<16x1024xf32, #tpu.memory_space<vmem>>
    %dma_wait3A_831 = arith.constant 0 : i32
    %dma_wait3A_832 = tpu.memref_slice %arg4[%add3A_824, %dma_wait3A_831] : memref<16384x1024xf32, #tpu.memory_space<hbm>> -> memref<16x1024xf32, #tpu.memory_space<hbm>>
    %dma_wait3A_833 = tpu.memref_slice %arg9[%dma_wait3A_826] : memref<5x!tpu.dma_semaphore, #tpu.memory_space<semaphore_mem>> -> memref<1x!tpu.dma_semaphore, #tpu.memory_space<semaphore_mem>>
    %dma_wait3A_834 = tpu.memref_squeeze %dma_wait3A_833 : memref<1x!tpu.dma_semaphore, #tpu.memory_space<semaphore_mem>> -> memref<!tpu.dma_semaphore, #tpu.memory_space<semaphore_mem>>
    %dma_wait3A_835 = arith.constant 0 : i32
    %dma_wait3A_836 = tpu.memref_slice %arg4[%add3A_824, %dma_wait3A_835] : memref<16384x1024xf32, #tpu.memory_space<hbm>> -> memref<16x1024xf32, #tpu.memory_space<hbm>>
    %dma_wait3A_837 = arith.constant 0 : i32
    %dma_wait3A_838 = arith.constant 0 : i32
    %dma_wait3A_839 = tpu.memref_slice %arg6[%dma_wait3A_825, %dma_wait3A_837, %dma_wait3A_838] : memref<5x16x1024xf32, #tpu.memory_space<vmem>> -> memref<1x16x1024xf32, #tpu.memory_space<vmem>>
    %dma_wait3A_840 = tpu.memref_squeeze %dma_wait3A_839 : memref<1x16x1024xf32, #tpu.memory_space<vmem>> -> memref<16x1024xf32, #tpu.memory_space<vmem>>
    tpu.wait_dma2 semaphore(%dma_wait3A_834 : memref<!tpu.dma_semaphore, #tpu.memory_space<semaphore_mem>>) src(%dma_wait3A_840 : memref<16x1024xf32, #tpu.memory_space<vmem>>) dst(%dma_wait3A_836 : memref<16x1024xf32, #tpu.memory_space<hbm>>)
    %add3A_841 = arith.constant 4096 : i32
    %add3A_842 = arith.addi %add3A_841, %mul3A_2 : i32
    %add3A_843 = arith.constant 48 : i32
    %add3A_844 = arith.addi %add3A_842, %add3A_843 : i32
    %dma_start3A_845 = arith.constant 3 : i32
    %dma_start3A_846 = arith.constant 3 : i32
    %dma_start3A_847 = arith.constant 0 : i32
    %dma_start3A_848 = arith.constant 0 : i32
    %dma_start3A_849 = tpu.memref_slice %arg6[%dma_start3A_845, %dma_start3A_847, %dma_start3A_848] : memref<5x16x1024xf32, #tpu.memory_space<vmem>> -> memref<1x16x1024xf32, #tpu.memory_space<vmem>>
    %dma_start3A_850 = tpu.memref_squeeze %dma_start3A_849 : memref<1x16x1024xf32, #tpu.memory_space<vmem>> -> memref<16x1024xf32, #tpu.memory_space<vmem>>
    %dma_start3A_851 = arith.constant 0 : i32
    %dma_start3A_852 = tpu.memref_slice %arg2[%add3A_844, %dma_start3A_851] : memref<16384x1024xf32, #tpu.memory_space<hbm>> -> memref<16x1024xf32, #tpu.memory_space<hbm>>
    %dma_start3A_853 = tpu.memref_slice %arg7[%dma_start3A_846] : memref<5x!tpu.dma_semaphore, #tpu.memory_space<semaphore_mem>> -> memref<1x!tpu.dma_semaphore, #tpu.memory_space<semaphore_mem>>
    %dma_start3A_854 = tpu.memref_squeeze %dma_start3A_853 : memref<1x!tpu.dma_semaphore, #tpu.memory_space<semaphore_mem>> -> memref<!tpu.dma_semaphore, #tpu.memory_space<semaphore_mem>>
    %dma_start3A_855 = arith.constant 0 : i32
    %dma_start3A_856 = arith.constant 0 : i32
    %dma_start3A_857 = tpu.memref_slice %arg6[%dma_start3A_845, %dma_start3A_855, %dma_start3A_856] : memref<5x16x1024xf32, #tpu.memory_space<vmem>> -> memref<1x16x1024xf32, #tpu.memory_space<vmem>>
    %dma_start3A_858 = tpu.memref_squeeze %dma_start3A_857 : memref<1x16x1024xf32, #tpu.memory_space<vmem>> -> memref<16x1024xf32, #tpu.memory_space<vmem>>
    %dma_start3A_859 = arith.constant 0 : i32
    %dma_start3A_860 = tpu.memref_slice %arg2[%add3A_844, %dma_start3A_859] : memref<16384x1024xf32, #tpu.memory_space<hbm>> -> memref<16x1024xf32, #tpu.memory_space<hbm>>
    tpu.enqueue_dma source(%dma_start3A_860 : memref<16x1024xf32, #tpu.memory_space<hbm>>) target(%dma_start3A_858 : memref<16x1024xf32, #tpu.memory_space<vmem>>) target_semaphore(%dma_start3A_854 : memref<!tpu.dma_semaphore, #tpu.memory_space<semaphore_mem>>)
    %add3A_861 = arith.constant 12288 : i32
    %add3A_862 = arith.addi %add3A_861, %mul3A_2 : i32
    %add3A_863 = arith.constant 32 : i32
    %add3A_864 = arith.addi %add3A_862, %add3A_863 : i32
    %dma_wait3A_865 = arith.constant 1 : i32
    %dma_wait3A_866 = arith.constant 1 : i32
    %dma_wait3A_867 = arith.constant 0 : i32
    %dma_wait3A_868 = arith.constant 0 : i32
    %dma_wait3A_869 = tpu.memref_slice %arg6[%dma_wait3A_865, %dma_wait3A_867, %dma_wait3A_868] : memref<5x16x1024xf32, #tpu.memory_space<vmem>> -> memref<1x16x1024xf32, #tpu.memory_space<vmem>>
    %dma_wait3A_870 = tpu.memref_squeeze %dma_wait3A_869 : memref<1x16x1024xf32, #tpu.memory_space<vmem>> -> memref<16x1024xf32, #tpu.memory_space<vmem>>
    %dma_wait3A_871 = arith.constant 0 : i32
    %dma_wait3A_872 = tpu.memref_slice %arg2[%add3A_864, %dma_wait3A_871] : memref<16384x1024xf32, #tpu.memory_space<hbm>> -> memref<16x1024xf32, #tpu.memory_space<hbm>>
    %dma_wait3A_873 = tpu.memref_slice %arg7[%dma_wait3A_866] : memref<5x!tpu.dma_semaphore, #tpu.memory_space<semaphore_mem>> -> memref<1x!tpu.dma_semaphore, #tpu.memory_space<semaphore_mem>>
    %dma_wait3A_874 = tpu.memref_squeeze %dma_wait3A_873 : memref<1x!tpu.dma_semaphore, #tpu.memory_space<semaphore_mem>> -> memref<!tpu.dma_semaphore, #tpu.memory_space<semaphore_mem>>
    %dma_wait3A_875 = arith.constant 0 : i32
    %dma_wait3A_876 = arith.constant 0 : i32
    %dma_wait3A_877 = tpu.memref_slice %arg6[%dma_wait3A_865, %dma_wait3A_875, %dma_wait3A_876] : memref<5x16x1024xf32, #tpu.memory_space<vmem>> -> memref<1x16x1024xf32, #tpu.memory_space<vmem>>
    %dma_wait3A_878 = tpu.memref_squeeze %dma_wait3A_877 : memref<1x16x1024xf32, #tpu.memory_space<vmem>> -> memref<16x1024xf32, #tpu.memory_space<vmem>>
    %dma_wait3A_879 = arith.constant 0 : i32
    %dma_wait3A_880 = tpu.memref_slice %arg2[%add3A_864, %dma_wait3A_879] : memref<16384x1024xf32, #tpu.memory_space<hbm>> -> memref<16x1024xf32, #tpu.memory_space<hbm>>
    tpu.wait_dma2 semaphore(%dma_wait3A_874 : memref<!tpu.dma_semaphore, #tpu.memory_space<semaphore_mem>>) src(%dma_wait3A_880 : memref<16x1024xf32, #tpu.memory_space<hbm>>) dst(%dma_wait3A_878 : memref<16x1024xf32, #tpu.memory_space<vmem>>)
    %add3A_881 = arith.constant 4096 : i32
    %add3A_882 = arith.addi %add3A_881, %mul3A_2 : i32
    %add3A_883 = arith.constant 32 : i32
    %add3A_884 = arith.addi %add3A_882, %add3A_883 : i32
    %dma_start3A_885 = arith.constant 4 : i32
    %dma_start3A_886 = arith.constant 4 : i32
    %dma_start3A_887 = arith.constant 0 : i32
    %dma_start3A_888 = arith.constant 0 : i32
    %dma_start3A_889 = tpu.memref_slice %arg6[%dma_start3A_885, %dma_start3A_887, %dma_start3A_888] : memref<5x16x1024xf32, #tpu.memory_space<vmem>> -> memref<1x16x1024xf32, #tpu.memory_space<vmem>>
    %dma_start3A_890 = tpu.memref_squeeze %dma_start3A_889 : memref<1x16x1024xf32, #tpu.memory_space<vmem>> -> memref<16x1024xf32, #tpu.memory_space<vmem>>
    %dma_start3A_891 = arith.constant 0 : i32
    %dma_start3A_892 = tpu.memref_slice %arg4[%add3A_884, %dma_start3A_891] : memref<16384x1024xf32, #tpu.memory_space<hbm>> -> memref<16x1024xf32, #tpu.memory_space<hbm>>
    %dma_start3A_893 = tpu.memref_slice %arg9[%dma_start3A_886] : memref<5x!tpu.dma_semaphore, #tpu.memory_space<semaphore_mem>> -> memref<1x!tpu.dma_semaphore, #tpu.memory_space<semaphore_mem>>
    %dma_start3A_894 = tpu.memref_squeeze %dma_start3A_893 : memref<1x!tpu.dma_semaphore, #tpu.memory_space<semaphore_mem>> -> memref<!tpu.dma_semaphore, #tpu.memory_space<semaphore_mem>>
    %dma_start3A_895 = arith.constant 0 : i32
    %dma_start3A_896 = tpu.memref_slice %arg4[%add3A_884, %dma_start3A_895] : memref<16384x1024xf32, #tpu.memory_space<hbm>> -> memref<16x1024xf32, #tpu.memory_space<hbm>>
    %dma_start3A_897 = arith.constant 0 : i32
    %dma_start3A_898 = arith.constant 0 : i32
    %dma_start3A_899 = tpu.memref_slice %arg6[%dma_start3A_885, %dma_start3A_897, %dma_start3A_898] : memref<5x16x1024xf32, #tpu.memory_space<vmem>> -> memref<1x16x1024xf32, #tpu.memory_space<vmem>>
    %dma_start3A_900 = tpu.memref_squeeze %dma_start3A_899 : memref<1x16x1024xf32, #tpu.memory_space<vmem>> -> memref<16x1024xf32, #tpu.memory_space<vmem>>
    tpu.enqueue_dma source(%dma_start3A_900 : memref<16x1024xf32, #tpu.memory_space<vmem>>) target(%dma_start3A_896 : memref<16x1024xf32, #tpu.memory_space<hbm>>) target_semaphore(%dma_start3A_894 : memref<!tpu.dma_semaphore, #tpu.memory_space<semaphore_mem>>)
    %add3A_901 = arith.constant 4096 : i32
    %add3A_902 = arith.addi %add3A_901, %mul3A_2 : i32
    %add3A_903 = arith.constant 32 : i32
    %add3A_904 = arith.addi %add3A_902, %add3A_903 : i32
    %dma_wait3A_905 = arith.constant 4 : i32
    %dma_wait3A_906 = arith.constant 4 : i32
    %dma_wait3A_907 = arith.constant 0 : i32
    %dma_wait3A_908 = arith.constant 0 : i32
    %dma_wait3A_909 = tpu.memref_slice %arg6[%dma_wait3A_905, %dma_wait3A_907, %dma_wait3A_908] : memref<5x16x1024xf32, #tpu.memory_space<vmem>> -> memref<1x16x1024xf32, #tpu.memory_space<vmem>>
    %dma_wait3A_910 = tpu.memref_squeeze %dma_wait3A_909 : memref<1x16x1024xf32, #tpu.memory_space<vmem>> -> memref<16x1024xf32, #tpu.memory_space<vmem>>
    %dma_wait3A_911 = arith.constant 0 : i32
    %dma_wait3A_912 = tpu.memref_slice %arg4[%add3A_904, %dma_wait3A_911] : memref<16384x1024xf32, #tpu.memory_space<hbm>> -> memref<16x1024xf32, #tpu.memory_space<hbm>>
    %dma_wait3A_913 = tpu.memref_slice %arg9[%dma_wait3A_906] : memref<5x!tpu.dma_semaphore, #tpu.memory_space<semaphore_mem>> -> memref<1x!tpu.dma_semaphore, #tpu.memory_space<semaphore_mem>>
    %dma_wait3A_914 = tpu.memref_squeeze %dma_wait3A_913 : memref<1x!tpu.dma_semaphore, #tpu.memory_space<semaphore_mem>> -> memref<!tpu.dma_semaphore, #tpu.memory_space<semaphore_mem>>
    %dma_wait3A_915 = arith.constant 0 : i32
    %dma_wait3A_916 = tpu.memref_slice %arg4[%add3A_904, %dma_wait3A_915] : memref<16384x1024xf32, #tpu.memory_space<hbm>> -> memref<16x1024xf32, #tpu.memory_space<hbm>>
    %dma_wait3A_917 = arith.constant 0 : i32
    %dma_wait3A_918 = arith.constant 0 : i32
    %dma_wait3A_919 = tpu.memref_slice %arg6[%dma_wait3A_905, %dma_wait3A_917, %dma_wait3A_918] : memref<5x16x1024xf32, #tpu.memory_space<vmem>> -> memref<1x16x1024xf32, #tpu.memory_space<vmem>>
    %dma_wait3A_920 = tpu.memref_squeeze %dma_wait3A_919 : memref<1x16x1024xf32, #tpu.memory_space<vmem>> -> memref<16x1024xf32, #tpu.memory_space<vmem>>
    tpu.wait_dma2 semaphore(%dma_wait3A_914 : memref<!tpu.dma_semaphore, #tpu.memory_space<semaphore_mem>>) src(%dma_wait3A_920 : memref<16x1024xf32, #tpu.memory_space<vmem>>) dst(%dma_wait3A_916 : memref<16x1024xf32, #tpu.memory_space<hbm>>)
    %add3A_921 = arith.constant 8192 : i32
    %add3A_922 = arith.addi %add3A_921, %mul3A_2 : i32
    %add3A_923 = arith.constant 48 : i32
    %add3A_924 = arith.addi %add3A_922, %add3A_923 : i32
    %dma_start3A_925 = arith.constant 4 : i32
    %dma_start3A_926 = arith.constant 4 : i32
    %dma_start3A_927 = arith.constant 0 : i32
    %dma_start3A_928 = arith.constant 0 : i32
    %dma_start3A_929 = tpu.memref_slice %arg6[%dma_start3A_925, %dma_start3A_927, %dma_start3A_928] : memref<5x16x1024xf32, #tpu.memory_space<vmem>> -> memref<1x16x1024xf32, #tpu.memory_space<vmem>>
    %dma_start3A_930 = tpu.memref_squeeze %dma_start3A_929 : memref<1x16x1024xf32, #tpu.memory_space<vmem>> -> memref<16x1024xf32, #tpu.memory_space<vmem>>
    %dma_start3A_931 = arith.constant 0 : i32
    %dma_start3A_932 = tpu.memref_slice %arg2[%add3A_924, %dma_start3A_931] : memref<16384x1024xf32, #tpu.memory_space<hbm>> -> memref<16x1024xf32, #tpu.memory_space<hbm>>
    %dma_start3A_933 = tpu.memref_slice %arg7[%dma_start3A_926] : memref<5x!tpu.dma_semaphore, #tpu.memory_space<semaphore_mem>> -> memref<1x!tpu.dma_semaphore, #tpu.memory_space<semaphore_mem>>
    %dma_start3A_934 = tpu.memref_squeeze %dma_start3A_933 : memref<1x!tpu.dma_semaphore, #tpu.memory_space<semaphore_mem>> -> memref<!tpu.dma_semaphore, #tpu.memory_space<semaphore_mem>>
    %dma_start3A_935 = arith.constant 0 : i32
    %dma_start3A_936 = arith.constant 0 : i32
    %dma_start3A_937 = tpu.memref_slice %arg6[%dma_start3A_925, %dma_start3A_935, %dma_start3A_936] : memref<5x16x1024xf32, #tpu.memory_space<vmem>> -> memref<1x16x1024xf32, #tpu.memory_space<vmem>>
    %dma_start3A_938 = tpu.memref_squeeze %dma_start3A_937 : memref<1x16x1024xf32, #tpu.memory_space<vmem>> -> memref<16x1024xf32, #tpu.memory_space<vmem>>
    %dma_start3A_939 = arith.constant 0 : i32
    %dma_start3A_940 = tpu.memref_slice %arg2[%add3A_924, %dma_start3A_939] : memref<16384x1024xf32, #tpu.memory_space<hbm>> -> memref<16x1024xf32, #tpu.memory_space<hbm>>
    tpu.enqueue_dma source(%dma_start3A_940 : memref<16x1024xf32, #tpu.memory_space<hbm>>) target(%dma_start3A_938 : memref<16x1024xf32, #tpu.memory_space<vmem>>) target_semaphore(%dma_start3A_934 : memref<!tpu.dma_semaphore, #tpu.memory_space<semaphore_mem>>)
    %add3A_941 = arith.constant 0 : i32
    %add3A_942 = arith.addi %add3A_941, %mul3A_2 : i32
    %add3A_943 = arith.constant 48 : i32
    %add3A_944 = arith.addi %add3A_942, %add3A_943 : i32
    %dma_wait3A_945 = arith.constant 2 : i32
    %dma_wait3A_946 = arith.constant 2 : i32
    %dma_wait3A_947 = arith.constant 0 : i32
    %dma_wait3A_948 = arith.constant 0 : i32
    %dma_wait3A_949 = tpu.memref_slice %arg6[%dma_wait3A_945, %dma_wait3A_947, %dma_wait3A_948] : memref<5x16x1024xf32, #tpu.memory_space<vmem>> -> memref<1x16x1024xf32, #tpu.memory_space<vmem>>
    %dma_wait3A_950 = tpu.memref_squeeze %dma_wait3A_949 : memref<1x16x1024xf32, #tpu.memory_space<vmem>> -> memref<16x1024xf32, #tpu.memory_space<vmem>>
    %dma_wait3A_951 = arith.constant 0 : i32
    %dma_wait3A_952 = tpu.memref_slice %arg2[%add3A_944, %dma_wait3A_951] : memref<16384x1024xf32, #tpu.memory_space<hbm>> -> memref<16x1024xf32, #tpu.memory_space<hbm>>
    %dma_wait3A_953 = tpu.memref_slice %arg7[%dma_wait3A_946] : memref<5x!tpu.dma_semaphore, #tpu.memory_space<semaphore_mem>> -> memref<1x!tpu.dma_semaphore, #tpu.memory_space<semaphore_mem>>
    %dma_wait3A_954 = tpu.memref_squeeze %dma_wait3A_953 : memref<1x!tpu.dma_semaphore, #tpu.memory_space<semaphore_mem>> -> memref<!tpu.dma_semaphore, #tpu.memory_space<semaphore_mem>>
    %dma_wait3A_955 = arith.constant 0 : i32
    %dma_wait3A_956 = arith.constant 0 : i32
    %dma_wait3A_957 = tpu.memref_slice %arg6[%dma_wait3A_945, %dma_wait3A_955, %dma_wait3A_956] : memref<5x16x1024xf32, #tpu.memory_space<vmem>> -> memref<1x16x1024xf32, #tpu.memory_space<vmem>>
    %dma_wait3A_958 = tpu.memref_squeeze %dma_wait3A_957 : memref<1x16x1024xf32, #tpu.memory_space<vmem>> -> memref<16x1024xf32, #tpu.memory_space<vmem>>
    %dma_wait3A_959 = arith.constant 0 : i32
    %dma_wait3A_960 = tpu.memref_slice %arg2[%add3A_944, %dma_wait3A_959] : memref<16384x1024xf32, #tpu.memory_space<hbm>> -> memref<16x1024xf32, #tpu.memory_space<hbm>>
    tpu.wait_dma2 semaphore(%dma_wait3A_954 : memref<!tpu.dma_semaphore, #tpu.memory_space<semaphore_mem>>) src(%dma_wait3A_960 : memref<16x1024xf32, #tpu.memory_space<hbm>>) dst(%dma_wait3A_958 : memref<16x1024xf32, #tpu.memory_space<vmem>>)
    %add3A_961 = arith.constant 8192 : i32
    %add3A_962 = arith.addi %add3A_961, %mul3A_2 : i32
    %add3A_963 = arith.constant 32 : i32
    %add3A_964 = arith.addi %add3A_962, %add3A_963 : i32
    %dma_start3A_965 = arith.constant 0 : i32
    %dma_start3A_966 = arith.constant 0 : i32
    %dma_start3A_967 = arith.constant 0 : i32
    %dma_start3A_968 = arith.constant 0 : i32
    %dma_start3A_969 = tpu.memref_slice %arg6[%dma_start3A_965, %dma_start3A_967, %dma_start3A_968] : memref<5x16x1024xf32, #tpu.memory_space<vmem>> -> memref<1x16x1024xf32, #tpu.memory_space<vmem>>
    %dma_start3A_970 = tpu.memref_squeeze %dma_start3A_969 : memref<1x16x1024xf32, #tpu.memory_space<vmem>> -> memref<16x1024xf32, #tpu.memory_space<vmem>>
    %dma_start3A_971 = arith.constant 0 : i32
    %dma_start3A_972 = tpu.memref_slice %arg4[%add3A_964, %dma_start3A_971] : memref<16384x1024xf32, #tpu.memory_space<hbm>> -> memref<16x1024xf32, #tpu.memory_space<hbm>>
    %dma_start3A_973 = tpu.memref_slice %arg9[%dma_start3A_966] : memref<5x!tpu.dma_semaphore, #tpu.memory_space<semaphore_mem>> -> memref<1x!tpu.dma_semaphore, #tpu.memory_space<semaphore_mem>>
    %dma_start3A_974 = tpu.memref_squeeze %dma_start3A_973 : memref<1x!tpu.dma_semaphore, #tpu.memory_space<semaphore_mem>> -> memref<!tpu.dma_semaphore, #tpu.memory_space<semaphore_mem>>
    %dma_start3A_975 = arith.constant 0 : i32
    %dma_start3A_976 = tpu.memref_slice %arg4[%add3A_964, %dma_start3A_975] : memref<16384x1024xf32, #tpu.memory_space<hbm>> -> memref<16x1024xf32, #tpu.memory_space<hbm>>
    %dma_start3A_977 = arith.constant 0 : i32
    %dma_start3A_978 = arith.constant 0 : i32
    %dma_start3A_979 = tpu.memref_slice %arg6[%dma_start3A_965, %dma_start3A_977, %dma_start3A_978] : memref<5x16x1024xf32, #tpu.memory_space<vmem>> -> memref<1x16x1024xf32, #tpu.memory_space<vmem>>
    %dma_start3A_980 = tpu.memref_squeeze %dma_start3A_979 : memref<1x16x1024xf32, #tpu.memory_space<vmem>> -> memref<16x1024xf32, #tpu.memory_space<vmem>>
    tpu.enqueue_dma source(%dma_start3A_980 : memref<16x1024xf32, #tpu.memory_space<vmem>>) target(%dma_start3A_976 : memref<16x1024xf32, #tpu.memory_space<hbm>>) target_semaphore(%dma_start3A_974 : memref<!tpu.dma_semaphore, #tpu.memory_space<semaphore_mem>>)
    %add3A_981 = arith.constant 8192 : i32
    %add3A_982 = arith.addi %add3A_981, %mul3A_2 : i32
    %add3A_983 = arith.constant 32 : i32
    %add3A_984 = arith.addi %add3A_982, %add3A_983 : i32
    %dma_wait3A_985 = arith.constant 0 : i32
    %dma_wait3A_986 = arith.constant 0 : i32
    %dma_wait3A_987 = arith.constant 0 : i32
    %dma_wait3A_988 = arith.constant 0 : i32
    %dma_wait3A_989 = tpu.memref_slice %arg6[%dma_wait3A_985, %dma_wait3A_987, %dma_wait3A_988] : memref<5x16x1024xf32, #tpu.memory_space<vmem>> -> memref<1x16x1024xf32, #tpu.memory_space<vmem>>
    %dma_wait3A_990 = tpu.memref_squeeze %dma_wait3A_989 : memref<1x16x1024xf32, #tpu.memory_space<vmem>> -> memref<16x1024xf32, #tpu.memory_space<vmem>>
    %dma_wait3A_991 = arith.constant 0 : i32
    %dma_wait3A_992 = tpu.memref_slice %arg4[%add3A_984, %dma_wait3A_991] : memref<16384x1024xf32, #tpu.memory_space<hbm>> -> memref<16x1024xf32, #tpu.memory_space<hbm>>
    %dma_wait3A_993 = tpu.memref_slice %arg9[%dma_wait3A_986] : memref<5x!tpu.dma_semaphore, #tpu.memory_space<semaphore_mem>> -> memref<1x!tpu.dma_semaphore, #tpu.memory_space<semaphore_mem>>
    %dma_wait3A_994 = tpu.memref_squeeze %dma_wait3A_993 : memref<1x!tpu.dma_semaphore, #tpu.memory_space<semaphore_mem>> -> memref<!tpu.dma_semaphore, #tpu.memory_space<semaphore_mem>>
    %dma_wait3A_995 = arith.constant 0 : i32
    %dma_wait3A_996 = tpu.memref_slice %arg4[%add3A_984, %dma_wait3A_995] : memref<16384x1024xf32, #tpu.memory_space<hbm>> -> memref<16x1024xf32, #tpu.memory_space<hbm>>
    %dma_wait3A_997 = arith.constant 0 : i32
    %dma_wait3A_998 = arith.constant 0 : i32
    %dma_wait3A_999 = tpu.memref_slice %arg6[%dma_wait3A_985, %dma_wait3A_997, %dma_wait3A_998] : memref<5x16x1024xf32, #tpu.memory_space<vmem>> -> memref<1x16x1024xf32, #tpu.memory_space<vmem>>
    %dma_wait3A_1000 = tpu.memref_squeeze %dma_wait3A_999 : memref<1x16x1024xf32, #tpu.memory_space<vmem>> -> memref<16x1024xf32, #tpu.memory_space<vmem>>
    tpu.wait_dma2 semaphore(%dma_wait3A_994 : memref<!tpu.dma_semaphore, #tpu.memory_space<semaphore_mem>>) src(%dma_wait3A_1000 : memref<16x1024xf32, #tpu.memory_space<vmem>>) dst(%dma_wait3A_996 : memref<16x1024xf32, #tpu.memory_space<hbm>>)
    %add3A_1001 = arith.constant 12288 : i32
    %add3A_1002 = arith.addi %add3A_1001, %mul3A_2 : i32
    %add3A_1003 = arith.constant 48 : i32
    %add3A_1004 = arith.addi %add3A_1002, %add3A_1003 : i32
    %dma_start3A_1005 = arith.constant 0 : i32
    %dma_start3A_1006 = arith.constant 0 : i32
    %dma_start3A_1007 = arith.constant 0 : i32
    %dma_start3A_1008 = arith.constant 0 : i32
    %dma_start3A_1009 = tpu.memref_slice %arg6[%dma_start3A_1005, %dma_start3A_1007, %dma_start3A_1008] : memref<5x16x1024xf32, #tpu.memory_space<vmem>> -> memref<1x16x1024xf32, #tpu.memory_space<vmem>>
    %dma_start3A_1010 = tpu.memref_squeeze %dma_start3A_1009 : memref<1x16x1024xf32, #tpu.memory_space<vmem>> -> memref<16x1024xf32, #tpu.memory_space<vmem>>
    %dma_start3A_1011 = arith.constant 0 : i32
    %dma_start3A_1012 = tpu.memref_slice %arg2[%add3A_1004, %dma_start3A_1011] : memref<16384x1024xf32, #tpu.memory_space<hbm>> -> memref<16x1024xf32, #tpu.memory_space<hbm>>
    %dma_start3A_1013 = tpu.memref_slice %arg7[%dma_start3A_1006] : memref<5x!tpu.dma_semaphore, #tpu.memory_space<semaphore_mem>> -> memref<1x!tpu.dma_semaphore, #tpu.memory_space<semaphore_mem>>
    %dma_start3A_1014 = tpu.memref_squeeze %dma_start3A_1013 : memref<1x!tpu.dma_semaphore, #tpu.memory_space<semaphore_mem>> -> memref<!tpu.dma_semaphore, #tpu.memory_space<semaphore_mem>>
    %dma_start3A_1015 = arith.constant 0 : i32
    %dma_start3A_1016 = arith.constant 0 : i32
    %dma_start3A_1017 = tpu.memref_slice %arg6[%dma_start3A_1005, %dma_start3A_1015, %dma_start3A_1016] : memref<5x16x1024xf32, #tpu.memory_space<vmem>> -> memref<1x16x1024xf32, #tpu.memory_space<vmem>>
    %dma_start3A_1018 = tpu.memref_squeeze %dma_start3A_1017 : memref<1x16x1024xf32, #tpu.memory_space<vmem>> -> memref<16x1024xf32, #tpu.memory_space<vmem>>
    %dma_start3A_1019 = arith.constant 0 : i32
    %dma_start3A_1020 = tpu.memref_slice %arg2[%add3A_1004, %dma_start3A_1019] : memref<16384x1024xf32, #tpu.memory_space<hbm>> -> memref<16x1024xf32, #tpu.memory_space<hbm>>
    tpu.enqueue_dma source(%dma_start3A_1020 : memref<16x1024xf32, #tpu.memory_space<hbm>>) target(%dma_start3A_1018 : memref<16x1024xf32, #tpu.memory_space<vmem>>) target_semaphore(%dma_start3A_1014 : memref<!tpu.dma_semaphore, #tpu.memory_space<semaphore_mem>>)
    %add3A_1021 = arith.constant 4096 : i32
    %add3A_1022 = arith.addi %add3A_1021, %mul3A_2 : i32
    %add3A_1023 = arith.constant 48 : i32
    %add3A_1024 = arith.addi %add3A_1022, %add3A_1023 : i32
    %dma_wait3A_1025 = arith.constant 3 : i32
    %dma_wait3A_1026 = arith.constant 3 : i32
    %dma_wait3A_1027 = arith.constant 0 : i32
    %dma_wait3A_1028 = arith.constant 0 : i32
    %dma_wait3A_1029 = tpu.memref_slice %arg6[%dma_wait3A_1025, %dma_wait3A_1027, %dma_wait3A_1028] : memref<5x16x1024xf32, #tpu.memory_space<vmem>> -> memref<1x16x1024xf32, #tpu.memory_space<vmem>>
    %dma_wait3A_1030 = tpu.memref_squeeze %dma_wait3A_1029 : memref<1x16x1024xf32, #tpu.memory_space<vmem>> -> memref<16x1024xf32, #tpu.memory_space<vmem>>
    %dma_wait3A_1031 = arith.constant 0 : i32
    %dma_wait3A_1032 = tpu.memref_slice %arg2[%add3A_1024, %dma_wait3A_1031] : memref<16384x1024xf32, #tpu.memory_space<hbm>> -> memref<16x1024xf32, #tpu.memory_space<hbm>>
    %dma_wait3A_1033 = tpu.memref_slice %arg7[%dma_wait3A_1026] : memref<5x!tpu.dma_semaphore, #tpu.memory_space<semaphore_mem>> -> memref<1x!tpu.dma_semaphore, #tpu.memory_space<semaphore_mem>>
    %dma_wait3A_1034 = tpu.memref_squeeze %dma_wait3A_1033 : memref<1x!tpu.dma_semaphore, #tpu.memory_space<semaphore_mem>> -> memref<!tpu.dma_semaphore, #tpu.memory_space<semaphore_mem>>
    %dma_wait3A_1035 = arith.constant 0 : i32
    %dma_wait3A_1036 = arith.constant 0 : i32
    %dma_wait3A_1037 = tpu.memref_slice %arg6[%dma_wait3A_1025, %dma_wait3A_1035, %dma_wait3A_1036] : memref<5x16x1024xf32, #tpu.memory_space<vmem>> -> memref<1x16x1024xf32, #tpu.memory_space<vmem>>
    %dma_wait3A_1038 = tpu.memref_squeeze %dma_wait3A_1037 : memref<1x16x1024xf32, #tpu.memory_space<vmem>> -> memref<16x1024xf32, #tpu.memory_space<vmem>>
    %dma_wait3A_1039 = arith.constant 0 : i32
    %dma_wait3A_1040 = tpu.memref_slice %arg2[%add3A_1024, %dma_wait3A_1039] : memref<16384x1024xf32, #tpu.memory_space<hbm>> -> memref<16x1024xf32, #tpu.memory_space<hbm>>
    tpu.wait_dma2 semaphore(%dma_wait3A_1034 : memref<!tpu.dma_semaphore, #tpu.memory_space<semaphore_mem>>) src(%dma_wait3A_1040 : memref<16x1024xf32, #tpu.memory_space<hbm>>) dst(%dma_wait3A_1038 : memref<16x1024xf32, #tpu.memory_space<vmem>>)
    %add3A_1041 = arith.constant 12288 : i32
    %add3A_1042 = arith.addi %add3A_1041, %mul3A_2 : i32
    %add3A_1043 = arith.constant 32 : i32
    %add3A_1044 = arith.addi %add3A_1042, %add3A_1043 : i32
    %dma_start3A_1045 = arith.constant 1 : i32
    %dma_start3A_1046 = arith.constant 1 : i32
    %dma_start3A_1047 = arith.constant 0 : i32
    %dma_start3A_1048 = arith.constant 0 : i32
    %dma_start3A_1049 = tpu.memref_slice %arg6[%dma_start3A_1045, %dma_start3A_1047, %dma_start3A_1048] : memref<5x16x1024xf32, #tpu.memory_space<vmem>> -> memref<1x16x1024xf32, #tpu.memory_space<vmem>>
    %dma_start3A_1050 = tpu.memref_squeeze %dma_start3A_1049 : memref<1x16x1024xf32, #tpu.memory_space<vmem>> -> memref<16x1024xf32, #tpu.memory_space<vmem>>
    %dma_start3A_1051 = arith.constant 0 : i32
    %dma_start3A_1052 = tpu.memref_slice %arg4[%add3A_1044, %dma_start3A_1051] : memref<16384x1024xf32, #tpu.memory_space<hbm>> -> memref<16x1024xf32, #tpu.memory_space<hbm>>
    %dma_start3A_1053 = tpu.memref_slice %arg9[%dma_start3A_1046] : memref<5x!tpu.dma_semaphore, #tpu.memory_space<semaphore_mem>> -> memref<1x!tpu.dma_semaphore, #tpu.memory_space<semaphore_mem>>
    %dma_start3A_1054 = tpu.memref_squeeze %dma_start3A_1053 : memref<1x!tpu.dma_semaphore, #tpu.memory_space<semaphore_mem>> -> memref<!tpu.dma_semaphore, #tpu.memory_space<semaphore_mem>>
    %dma_start3A_1055 = arith.constant 0 : i32
    %dma_start3A_1056 = tpu.memref_slice %arg4[%add3A_1044, %dma_start3A_1055] : memref<16384x1024xf32, #tpu.memory_space<hbm>> -> memref<16x1024xf32, #tpu.memory_space<hbm>>
    %dma_start3A_1057 = arith.constant 0 : i32
    %dma_start3A_1058 = arith.constant 0 : i32
    %dma_start3A_1059 = tpu.memref_slice %arg6[%dma_start3A_1045, %dma_start3A_1057, %dma_start3A_1058] : memref<5x16x1024xf32, #tpu.memory_space<vmem>> -> memref<1x16x1024xf32, #tpu.memory_space<vmem>>
    %dma_start3A_1060 = tpu.memref_squeeze %dma_start3A_1059 : memref<1x16x1024xf32, #tpu.memory_space<vmem>> -> memref<16x1024xf32, #tpu.memory_space<vmem>>
    tpu.enqueue_dma source(%dma_start3A_1060 : memref<16x1024xf32, #tpu.memory_space<vmem>>) target(%dma_start3A_1056 : memref<16x1024xf32, #tpu.memory_space<hbm>>) target_semaphore(%dma_start3A_1054 : memref<!tpu.dma_semaphore, #tpu.memory_space<semaphore_mem>>)
    %add3A_1061 = arith.constant 12288 : i32
    %add3A_1062 = arith.addi %add3A_1061, %mul3A_2 : i32
    %add3A_1063 = arith.constant 32 : i32
    %add3A_1064 = arith.addi %add3A_1062, %add3A_1063 : i32
    %dma_wait3A_1065 = arith.constant 1 : i32
    %dma_wait3A_1066 = arith.constant 1 : i32
    %dma_wait3A_1067 = arith.constant 0 : i32
    %dma_wait3A_1068 = arith.constant 0 : i32
    %dma_wait3A_1069 = tpu.memref_slice %arg6[%dma_wait3A_1065, %dma_wait3A_1067, %dma_wait3A_1068] : memref<5x16x1024xf32, #tpu.memory_space<vmem>> -> memref<1x16x1024xf32, #tpu.memory_space<vmem>>
    %dma_wait3A_1070 = tpu.memref_squeeze %dma_wait3A_1069 : memref<1x16x1024xf32, #tpu.memory_space<vmem>> -> memref<16x1024xf32, #tpu.memory_space<vmem>>
    %dma_wait3A_1071 = arith.constant 0 : i32
    %dma_wait3A_1072 = tpu.memref_slice %arg4[%add3A_1064, %dma_wait3A_1071] : memref<16384x1024xf32, #tpu.memory_space<hbm>> -> memref<16x1024xf32, #tpu.memory_space<hbm>>
    %dma_wait3A_1073 = tpu.memref_slice %arg9[%dma_wait3A_1066] : memref<5x!tpu.dma_semaphore, #tpu.memory_space<semaphore_mem>> -> memref<1x!tpu.dma_semaphore, #tpu.memory_space<semaphore_mem>>
    %dma_wait3A_1074 = tpu.memref_squeeze %dma_wait3A_1073 : memref<1x!tpu.dma_semaphore, #tpu.memory_space<semaphore_mem>> -> memref<!tpu.dma_semaphore, #tpu.memory_space<semaphore_mem>>
    %dma_wait3A_1075 = arith.constant 0 : i32
    %dma_wait3A_1076 = tpu.memref_slice %arg4[%add3A_1064, %dma_wait3A_1075] : memref<16384x1024xf32, #tpu.memory_space<hbm>> -> memref<16x1024xf32, #tpu.memory_space<hbm>>
    %dma_wait3A_1077 = arith.constant 0 : i32
    %dma_wait3A_1078 = arith.constant 0 : i32
    %dma_wait3A_1079 = tpu.memref_slice %arg6[%dma_wait3A_1065, %dma_wait3A_1077, %dma_wait3A_1078] : memref<5x16x1024xf32, #tpu.memory_space<vmem>> -> memref<1x16x1024xf32, #tpu.memory_space<vmem>>
    %dma_wait3A_1080 = tpu.memref_squeeze %dma_wait3A_1079 : memref<1x16x1024xf32, #tpu.memory_space<vmem>> -> memref<16x1024xf32, #tpu.memory_space<vmem>>
    tpu.wait_dma2 semaphore(%dma_wait3A_1074 : memref<!tpu.dma_semaphore, #tpu.memory_space<semaphore_mem>>) src(%dma_wait3A_1080 : memref<16x1024xf32, #tpu.memory_space<vmem>>) dst(%dma_wait3A_1076 : memref<16x1024xf32, #tpu.memory_space<hbm>>)
    %add3A_1081 = arith.constant 0 : i32
    %add3A_1082 = arith.addi %add3A_1081, %mul3A_2 : i32
    %add3A_1083 = arith.constant 64 : i32
    %add3A_1084 = arith.addi %add3A_1082, %add3A_1083 : i32
    %dma_start3A_1085 = arith.constant 1 : i32
    %dma_start3A_1086 = arith.constant 1 : i32
    %dma_start3A_1087 = arith.constant 0 : i32
    %dma_start3A_1088 = arith.constant 0 : i32
    %dma_start3A_1089 = tpu.memref_slice %arg6[%dma_start3A_1085, %dma_start3A_1087, %dma_start3A_1088] : memref<5x16x1024xf32, #tpu.memory_space<vmem>> -> memref<1x16x1024xf32, #tpu.memory_space<vmem>>
    %dma_start3A_1090 = tpu.memref_squeeze %dma_start3A_1089 : memref<1x16x1024xf32, #tpu.memory_space<vmem>> -> memref<16x1024xf32, #tpu.memory_space<vmem>>
    %dma_start3A_1091 = arith.constant 0 : i32
    %dma_start3A_1092 = tpu.memref_slice %arg2[%add3A_1084, %dma_start3A_1091] : memref<16384x1024xf32, #tpu.memory_space<hbm>> -> memref<16x1024xf32, #tpu.memory_space<hbm>>
    %dma_start3A_1093 = tpu.memref_slice %arg7[%dma_start3A_1086] : memref<5x!tpu.dma_semaphore, #tpu.memory_space<semaphore_mem>> -> memref<1x!tpu.dma_semaphore, #tpu.memory_space<semaphore_mem>>
    %dma_start3A_1094 = tpu.memref_squeeze %dma_start3A_1093 : memref<1x!tpu.dma_semaphore, #tpu.memory_space<semaphore_mem>> -> memref<!tpu.dma_semaphore, #tpu.memory_space<semaphore_mem>>
    %dma_start3A_1095 = arith.constant 0 : i32
    %dma_start3A_1096 = arith.constant 0 : i32
    %dma_start3A_1097 = tpu.memref_slice %arg6[%dma_start3A_1085, %dma_start3A_1095, %dma_start3A_1096] : memref<5x16x1024xf32, #tpu.memory_space<vmem>> -> memref<1x16x1024xf32, #tpu.memory_space<vmem>>
    %dma_start3A_1098 = tpu.memref_squeeze %dma_start3A_1097 : memref<1x16x1024xf32, #tpu.memory_space<vmem>> -> memref<16x1024xf32, #tpu.memory_space<vmem>>
    %dma_start3A_1099 = arith.constant 0 : i32
    %dma_start3A_1100 = tpu.memref_slice %arg2[%add3A_1084, %dma_start3A_1099] : memref<16384x1024xf32, #tpu.memory_space<hbm>> -> memref<16x1024xf32, #tpu.memory_space<hbm>>
    tpu.enqueue_dma source(%dma_start3A_1100 : memref<16x1024xf32, #tpu.memory_space<hbm>>) target(%dma_start3A_1098 : memref<16x1024xf32, #tpu.memory_space<vmem>>) target_semaphore(%dma_start3A_1094 : memref<!tpu.dma_semaphore, #tpu.memory_space<semaphore_mem>>)
    %add3A_1101 = arith.constant 8192 : i32
    %add3A_1102 = arith.addi %add3A_1101, %mul3A_2 : i32
    %add3A_1103 = arith.constant 48 : i32
    %add3A_1104 = arith.addi %add3A_1102, %add3A_1103 : i32
    %dma_wait3A_1105 = arith.constant 4 : i32
    %dma_wait3A_1106 = arith.constant 4 : i32
    %dma_wait3A_1107 = arith.constant 0 : i32
    %dma_wait3A_1108 = arith.constant 0 : i32
    %dma_wait3A_1109 = tpu.memref_slice %arg6[%dma_wait3A_1105, %dma_wait3A_1107, %dma_wait3A_1108] : memref<5x16x1024xf32, #tpu.memory_space<vmem>> -> memref<1x16x1024xf32, #tpu.memory_space<vmem>>
    %dma_wait3A_1110 = tpu.memref_squeeze %dma_wait3A_1109 : memref<1x16x1024xf32, #tpu.memory_space<vmem>> -> memref<16x1024xf32, #tpu.memory_space<vmem>>
    %dma_wait3A_1111 = arith.constant 0 : i32
    %dma_wait3A_1112 = tpu.memref_slice %arg2[%add3A_1104, %dma_wait3A_1111] : memref<16384x1024xf32, #tpu.memory_space<hbm>> -> memref<16x1024xf32, #tpu.memory_space<hbm>>
    %dma_wait3A_1113 = tpu.memref_slice %arg7[%dma_wait3A_1106] : memref<5x!tpu.dma_semaphore, #tpu.memory_space<semaphore_mem>> -> memref<1x!tpu.dma_semaphore, #tpu.memory_space<semaphore_mem>>
    %dma_wait3A_1114 = tpu.memref_squeeze %dma_wait3A_1113 : memref<1x!tpu.dma_semaphore, #tpu.memory_space<semaphore_mem>> -> memref<!tpu.dma_semaphore, #tpu.memory_space<semaphore_mem>>
    %dma_wait3A_1115 = arith.constant 0 : i32
    %dma_wait3A_1116 = arith.constant 0 : i32
    %dma_wait3A_1117 = tpu.memref_slice %arg6[%dma_wait3A_1105, %dma_wait3A_1115, %dma_wait3A_1116] : memref<5x16x1024xf32, #tpu.memory_space<vmem>> -> memref<1x16x1024xf32, #tpu.memory_space<vmem>>
    %dma_wait3A_1118 = tpu.memref_squeeze %dma_wait3A_1117 : memref<1x16x1024xf32, #tpu.memory_space<vmem>> -> memref<16x1024xf32, #tpu.memory_space<vmem>>
    %dma_wait3A_1119 = arith.constant 0 : i32
    %dma_wait3A_1120 = tpu.memref_slice %arg2[%add3A_1104, %dma_wait3A_1119] : memref<16384x1024xf32, #tpu.memory_space<hbm>> -> memref<16x1024xf32, #tpu.memory_space<hbm>>
    tpu.wait_dma2 semaphore(%dma_wait3A_1114 : memref<!tpu.dma_semaphore, #tpu.memory_space<semaphore_mem>>) src(%dma_wait3A_1120 : memref<16x1024xf32, #tpu.memory_space<hbm>>) dst(%dma_wait3A_1118 : memref<16x1024xf32, #tpu.memory_space<vmem>>)
    %add3A_1121 = arith.constant 0 : i32
    %add3A_1122 = arith.addi %add3A_1121, %mul3A_2 : i32
    %add3A_1123 = arith.constant 48 : i32
    %add3A_1124 = arith.addi %add3A_1122, %add3A_1123 : i32
    %dma_start3A_1125 = arith.constant 2 : i32
    %dma_start3A_1126 = arith.constant 2 : i32
    %dma_start3A_1127 = arith.constant 0 : i32
    %dma_start3A_1128 = arith.constant 0 : i32
    %dma_start3A_1129 = tpu.memref_slice %arg6[%dma_start3A_1125, %dma_start3A_1127, %dma_start3A_1128] : memref<5x16x1024xf32, #tpu.memory_space<vmem>> -> memref<1x16x1024xf32, #tpu.memory_space<vmem>>
    %dma_start3A_1130 = tpu.memref_squeeze %dma_start3A_1129 : memref<1x16x1024xf32, #tpu.memory_space<vmem>> -> memref<16x1024xf32, #tpu.memory_space<vmem>>
    %dma_start3A_1131 = arith.constant 0 : i32
    %dma_start3A_1132 = tpu.memref_slice %arg4[%add3A_1124, %dma_start3A_1131] : memref<16384x1024xf32, #tpu.memory_space<hbm>> -> memref<16x1024xf32, #tpu.memory_space<hbm>>
    %dma_start3A_1133 = tpu.memref_slice %arg9[%dma_start3A_1126] : memref<5x!tpu.dma_semaphore, #tpu.memory_space<semaphore_mem>> -> memref<1x!tpu.dma_semaphore, #tpu.memory_space<semaphore_mem>>
    %dma_start3A_1134 = tpu.memref_squeeze %dma_start3A_1133 : memref<1x!tpu.dma_semaphore, #tpu.memory_space<semaphore_mem>> -> memref<!tpu.dma_semaphore, #tpu.memory_space<semaphore_mem>>
    %dma_start3A_1135 = arith.constant 0 : i32
    %dma_start3A_1136 = tpu.memref_slice %arg4[%add3A_1124, %dma_start3A_1135] : memref<16384x1024xf32, #tpu.memory_space<hbm>> -> memref<16x1024xf32, #tpu.memory_space<hbm>>
    %dma_start3A_1137 = arith.constant 0 : i32
    %dma_start3A_1138 = arith.constant 0 : i32
    %dma_start3A_1139 = tpu.memref_slice %arg6[%dma_start3A_1125, %dma_start3A_1137, %dma_start3A_1138] : memref<5x16x1024xf32, #tpu.memory_space<vmem>> -> memref<1x16x1024xf32, #tpu.memory_space<vmem>>
    %dma_start3A_1140 = tpu.memref_squeeze %dma_start3A_1139 : memref<1x16x1024xf32, #tpu.memory_space<vmem>> -> memref<16x1024xf32, #tpu.memory_space<vmem>>
    tpu.enqueue_dma source(%dma_start3A_1140 : memref<16x1024xf32, #tpu.memory_space<vmem>>) target(%dma_start3A_1136 : memref<16x1024xf32, #tpu.memory_space<hbm>>) target_semaphore(%dma_start3A_1134 : memref<!tpu.dma_semaphore, #tpu.memory_space<semaphore_mem>>)
    %add3A_1141 = arith.constant 0 : i32
    %add3A_1142 = arith.addi %add3A_1141, %mul3A_2 : i32
    %add3A_1143 = arith.constant 48 : i32
    %add3A_1144 = arith.addi %add3A_1142, %add3A_1143 : i32
    %dma_wait3A_1145 = arith.constant 2 : i32
    %dma_wait3A_1146 = arith.constant 2 : i32
    %dma_wait3A_1147 = arith.constant 0 : i32
    %dma_wait3A_1148 = arith.constant 0 : i32
    %dma_wait3A_1149 = tpu.memref_slice %arg6[%dma_wait3A_1145, %dma_wait3A_1147, %dma_wait3A_1148] : memref<5x16x1024xf32, #tpu.memory_space<vmem>> -> memref<1x16x1024xf32, #tpu.memory_space<vmem>>
    %dma_wait3A_1150 = tpu.memref_squeeze %dma_wait3A_1149 : memref<1x16x1024xf32, #tpu.memory_space<vmem>> -> memref<16x1024xf32, #tpu.memory_space<vmem>>
    %dma_wait3A_1151 = arith.constant 0 : i32
    %dma_wait3A_1152 = tpu.memref_slice %arg4[%add3A_1144, %dma_wait3A_1151] : memref<16384x1024xf32, #tpu.memory_space<hbm>> -> memref<16x1024xf32, #tpu.memory_space<hbm>>
    %dma_wait3A_1153 = tpu.memref_slice %arg9[%dma_wait3A_1146] : memref<5x!tpu.dma_semaphore, #tpu.memory_space<semaphore_mem>> -> memref<1x!tpu.dma_semaphore, #tpu.memory_space<semaphore_mem>>
    %dma_wait3A_1154 = tpu.memref_squeeze %dma_wait3A_1153 : memref<1x!tpu.dma_semaphore, #tpu.memory_space<semaphore_mem>> -> memref<!tpu.dma_semaphore, #tpu.memory_space<semaphore_mem>>
    %dma_wait3A_1155 = arith.constant 0 : i32
    %dma_wait3A_1156 = tpu.memref_slice %arg4[%add3A_1144, %dma_wait3A_1155] : memref<16384x1024xf32, #tpu.memory_space<hbm>> -> memref<16x1024xf32, #tpu.memory_space<hbm>>
    %dma_wait3A_1157 = arith.constant 0 : i32
    %dma_wait3A_1158 = arith.constant 0 : i32
    %dma_wait3A_1159 = tpu.memref_slice %arg6[%dma_wait3A_1145, %dma_wait3A_1157, %dma_wait3A_1158] : memref<5x16x1024xf32, #tpu.memory_space<vmem>> -> memref<1x16x1024xf32, #tpu.memory_space<vmem>>
    %dma_wait3A_1160 = tpu.memref_squeeze %dma_wait3A_1159 : memref<1x16x1024xf32, #tpu.memory_space<vmem>> -> memref<16x1024xf32, #tpu.memory_space<vmem>>
    tpu.wait_dma2 semaphore(%dma_wait3A_1154 : memref<!tpu.dma_semaphore, #tpu.memory_space<semaphore_mem>>) src(%dma_wait3A_1160 : memref<16x1024xf32, #tpu.memory_space<vmem>>) dst(%dma_wait3A_1156 : memref<16x1024xf32, #tpu.memory_space<hbm>>)
    %add3A_1161 = arith.constant 4096 : i32
    %add3A_1162 = arith.addi %add3A_1161, %mul3A_2 : i32
    %add3A_1163 = arith.constant 64 : i32
    %add3A_1164 = arith.addi %add3A_1162, %add3A_1163 : i32
    %dma_start3A_1165 = arith.constant 2 : i32
    %dma_start3A_1166 = arith.constant 2 : i32
    %dma_start3A_1167 = arith.constant 0 : i32
    %dma_start3A_1168 = arith.constant 0 : i32
    %dma_start3A_1169 = tpu.memref_slice %arg6[%dma_start3A_1165, %dma_start3A_1167, %dma_start3A_1168] : memref<5x16x1024xf32, #tpu.memory_space<vmem>> -> memref<1x16x1024xf32, #tpu.memory_space<vmem>>
    %dma_start3A_1170 = tpu.memref_squeeze %dma_start3A_1169 : memref<1x16x1024xf32, #tpu.memory_space<vmem>> -> memref<16x1024xf32, #tpu.memory_space<vmem>>
    %dma_start3A_1171 = arith.constant 0 : i32
    %dma_start3A_1172 = tpu.memref_slice %arg2[%add3A_1164, %dma_start3A_1171] : memref<16384x1024xf32, #tpu.memory_space<hbm>> -> memref<16x1024xf32, #tpu.memory_space<hbm>>
    %dma_start3A_1173 = tpu.memref_slice %arg7[%dma_start3A_1166] : memref<5x!tpu.dma_semaphore, #tpu.memory_space<semaphore_mem>> -> memref<1x!tpu.dma_semaphore, #tpu.memory_space<semaphore_mem>>
    %dma_start3A_1174 = tpu.memref_squeeze %dma_start3A_1173 : memref<1x!tpu.dma_semaphore, #tpu.memory_space<semaphore_mem>> -> memref<!tpu.dma_semaphore, #tpu.memory_space<semaphore_mem>>
    %dma_start3A_1175 = arith.constant 0 : i32
    %dma_start3A_1176 = arith.constant 0 : i32
    %dma_start3A_1177 = tpu.memref_slice %arg6[%dma_start3A_1165, %dma_start3A_1175, %dma_start3A_1176] : memref<5x16x1024xf32, #tpu.memory_space<vmem>> -> memref<1x16x1024xf32, #tpu.memory_space<vmem>>
    %dma_start3A_1178 = tpu.memref_squeeze %dma_start3A_1177 : memref<1x16x1024xf32, #tpu.memory_space<vmem>> -> memref<16x1024xf32, #tpu.memory_space<vmem>>
    %dma_start3A_1179 = arith.constant 0 : i32
    %dma_start3A_1180 = tpu.memref_slice %arg2[%add3A_1164, %dma_start3A_1179] : memref<16384x1024xf32, #tpu.memory_space<hbm>> -> memref<16x1024xf32, #tpu.memory_space<hbm>>
    tpu.enqueue_dma source(%dma_start3A_1180 : memref<16x1024xf32, #tpu.memory_space<hbm>>) target(%dma_start3A_1178 : memref<16x1024xf32, #tpu.memory_space<vmem>>) target_semaphore(%dma_start3A_1174 : memref<!tpu.dma_semaphore, #tpu.memory_space<semaphore_mem>>)
    %add3A_1181 = arith.constant 12288 : i32
    %add3A_1182 = arith.addi %add3A_1181, %mul3A_2 : i32
    %add3A_1183 = arith.constant 48 : i32
    %add3A_1184 = arith.addi %add3A_1182, %add3A_1183 : i32
    %dma_wait3A_1185 = arith.constant 0 : i32
    %dma_wait3A_1186 = arith.constant 0 : i32
    %dma_wait3A_1187 = arith.constant 0 : i32
    %dma_wait3A_1188 = arith.constant 0 : i32
    %dma_wait3A_1189 = tpu.memref_slice %arg6[%dma_wait3A_1185, %dma_wait3A_1187, %dma_wait3A_1188] : memref<5x16x1024xf32, #tpu.memory_space<vmem>> -> memref<1x16x1024xf32, #tpu.memory_space<vmem>>
    %dma_wait3A_1190 = tpu.memref_squeeze %dma_wait3A_1189 : memref<1x16x1024xf32, #tpu.memory_space<vmem>> -> memref<16x1024xf32, #tpu.memory_space<vmem>>
    %dma_wait3A_1191 = arith.constant 0 : i32
    %dma_wait3A_1192 = tpu.memref_slice %arg2[%add3A_1184, %dma_wait3A_1191] : memref<16384x1024xf32, #tpu.memory_space<hbm>> -> memref<16x1024xf32, #tpu.memory_space<hbm>>
    %dma_wait3A_1193 = tpu.memref_slice %arg7[%dma_wait3A_1186] : memref<5x!tpu.dma_semaphore, #tpu.memory_space<semaphore_mem>> -> memref<1x!tpu.dma_semaphore, #tpu.memory_space<semaphore_mem>>
    %dma_wait3A_1194 = tpu.memref_squeeze %dma_wait3A_1193 : memref<1x!tpu.dma_semaphore, #tpu.memory_space<semaphore_mem>> -> memref<!tpu.dma_semaphore, #tpu.memory_space<semaphore_mem>>
    %dma_wait3A_1195 = arith.constant 0 : i32
    %dma_wait3A_1196 = arith.constant 0 : i32
    %dma_wait3A_1197 = tpu.memref_slice %arg6[%dma_wait3A_1185, %dma_wait3A_1195, %dma_wait3A_1196] : memref<5x16x1024xf32, #tpu.memory_space<vmem>> -> memref<1x16x1024xf32, #tpu.memory_space<vmem>>
    %dma_wait3A_1198 = tpu.memref_squeeze %dma_wait3A_1197 : memref<1x16x1024xf32, #tpu.memory_space<vmem>> -> memref<16x1024xf32, #tpu.memory_space<vmem>>
    %dma_wait3A_1199 = arith.constant 0 : i32
    %dma_wait3A_1200 = tpu.memref_slice %arg2[%add3A_1184, %dma_wait3A_1199] : memref<16384x1024xf32, #tpu.memory_space<hbm>> -> memref<16x1024xf32, #tpu.memory_space<hbm>>
    tpu.wait_dma2 semaphore(%dma_wait3A_1194 : memref<!tpu.dma_semaphore, #tpu.memory_space<semaphore_mem>>) src(%dma_wait3A_1200 : memref<16x1024xf32, #tpu.memory_space<hbm>>) dst(%dma_wait3A_1198 : memref<16x1024xf32, #tpu.memory_space<vmem>>)
    %add3A_1201 = arith.constant 4096 : i32
    %add3A_1202 = arith.addi %add3A_1201, %mul3A_2 : i32
    %add3A_1203 = arith.constant 48 : i32
    %add3A_1204 = arith.addi %add3A_1202, %add3A_1203 : i32
    %dma_start3A_1205 = arith.constant 3 : i32
    %dma_start3A_1206 = arith.constant 3 : i32
    %dma_start3A_1207 = arith.constant 0 : i32
    %dma_start3A_1208 = arith.constant 0 : i32
    %dma_start3A_1209 = tpu.memref_slice %arg6[%dma_start3A_1205, %dma_start3A_1207, %dma_start3A_1208] : memref<5x16x1024xf32, #tpu.memory_space<vmem>> -> memref<1x16x1024xf32, #tpu.memory_space<vmem>>
    %dma_start3A_1210 = tpu.memref_squeeze %dma_start3A_1209 : memref<1x16x1024xf32, #tpu.memory_space<vmem>> -> memref<16x1024xf32, #tpu.memory_space<vmem>>
    %dma_start3A_1211 = arith.constant 0 : i32
    %dma_start3A_1212 = tpu.memref_slice %arg4[%add3A_1204, %dma_start3A_1211] : memref<16384x1024xf32, #tpu.memory_space<hbm>> -> memref<16x1024xf32, #tpu.memory_space<hbm>>
    %dma_start3A_1213 = tpu.memref_slice %arg9[%dma_start3A_1206] : memref<5x!tpu.dma_semaphore, #tpu.memory_space<semaphore_mem>> -> memref<1x!tpu.dma_semaphore, #tpu.memory_space<semaphore_mem>>
    %dma_start3A_1214 = tpu.memref_squeeze %dma_start3A_1213 : memref<1x!tpu.dma_semaphore, #tpu.memory_space<semaphore_mem>> -> memref<!tpu.dma_semaphore, #tpu.memory_space<semaphore_mem>>
    %dma_start3A_1215 = arith.constant 0 : i32
    %dma_start3A_1216 = tpu.memref_slice %arg4[%add3A_1204, %dma_start3A_1215] : memref<16384x1024xf32, #tpu.memory_space<hbm>> -> memref<16x1024xf32, #tpu.memory_space<hbm>>
    %dma_start3A_1217 = arith.constant 0 : i32
    %dma_start3A_1218 = arith.constant 0 : i32
    %dma_start3A_1219 = tpu.memref_slice %arg6[%dma_start3A_1205, %dma_start3A_1217, %dma_start3A_1218] : memref<5x16x1024xf32, #tpu.memory_space<vmem>> -> memref<1x16x1024xf32, #tpu.memory_space<vmem>>
    %dma_start3A_1220 = tpu.memref_squeeze %dma_start3A_1219 : memref<1x16x1024xf32, #tpu.memory_space<vmem>> -> memref<16x1024xf32, #tpu.memory_space<vmem>>
    tpu.enqueue_dma source(%dma_start3A_1220 : memref<16x1024xf32, #tpu.memory_space<vmem>>) target(%dma_start3A_1216 : memref<16x1024xf32, #tpu.memory_space<hbm>>) target_semaphore(%dma_start3A_1214 : memref<!tpu.dma_semaphore, #tpu.memory_space<semaphore_mem>>)
    %add3A_1221 = arith.constant 4096 : i32
    %add3A_1222 = arith.addi %add3A_1221, %mul3A_2 : i32
    %add3A_1223 = arith.constant 48 : i32
    %add3A_1224 = arith.addi %add3A_1222, %add3A_1223 : i32
    %dma_wait3A_1225 = arith.constant 3 : i32
    %dma_wait3A_1226 = arith.constant 3 : i32
    %dma_wait3A_1227 = arith.constant 0 : i32
    %dma_wait3A_1228 = arith.constant 0 : i32
    %dma_wait3A_1229 = tpu.memref_slice %arg6[%dma_wait3A_1225, %dma_wait3A_1227, %dma_wait3A_1228] : memref<5x16x1024xf32, #tpu.memory_space<vmem>> -> memref<1x16x1024xf32, #tpu.memory_space<vmem>>
    %dma_wait3A_1230 = tpu.memref_squeeze %dma_wait3A_1229 : memref<1x16x1024xf32, #tpu.memory_space<vmem>> -> memref<16x1024xf32, #tpu.memory_space<vmem>>
    %dma_wait3A_1231 = arith.constant 0 : i32
    %dma_wait3A_1232 = tpu.memref_slice %arg4[%add3A_1224, %dma_wait3A_1231] : memref<16384x1024xf32, #tpu.memory_space<hbm>> -> memref<16x1024xf32, #tpu.memory_space<hbm>>
    %dma_wait3A_1233 = tpu.memref_slice %arg9[%dma_wait3A_1226] : memref<5x!tpu.dma_semaphore, #tpu.memory_space<semaphore_mem>> -> memref<1x!tpu.dma_semaphore, #tpu.memory_space<semaphore_mem>>
    %dma_wait3A_1234 = tpu.memref_squeeze %dma_wait3A_1233 : memref<1x!tpu.dma_semaphore, #tpu.memory_space<semaphore_mem>> -> memref<!tpu.dma_semaphore, #tpu.memory_space<semaphore_mem>>
    %dma_wait3A_1235 = arith.constant 0 : i32
    %dma_wait3A_1236 = tpu.memref_slice %arg4[%add3A_1224, %dma_wait3A_1235] : memref<16384x1024xf32, #tpu.memory_space<hbm>> -> memref<16x1024xf32, #tpu.memory_space<hbm>>
    %dma_wait3A_1237 = arith.constant 0 : i32
    %dma_wait3A_1238 = arith.constant 0 : i32
    %dma_wait3A_1239 = tpu.memref_slice %arg6[%dma_wait3A_1225, %dma_wait3A_1237, %dma_wait3A_1238] : memref<5x16x1024xf32, #tpu.memory_space<vmem>> -> memref<1x16x1024xf32, #tpu.memory_space<vmem>>
    %dma_wait3A_1240 = tpu.memref_squeeze %dma_wait3A_1239 : memref<1x16x1024xf32, #tpu.memory_space<vmem>> -> memref<16x1024xf32, #tpu.memory_space<vmem>>
    tpu.wait_dma2 semaphore(%dma_wait3A_1234 : memref<!tpu.dma_semaphore, #tpu.memory_space<semaphore_mem>>) src(%dma_wait3A_1240 : memref<16x1024xf32, #tpu.memory_space<vmem>>) dst(%dma_wait3A_1236 : memref<16x1024xf32, #tpu.memory_space<hbm>>)
    %add3A_1241 = arith.constant 8192 : i32
    %add3A_1242 = arith.addi %add3A_1241, %mul3A_2 : i32
    %add3A_1243 = arith.constant 64 : i32
    %add3A_1244 = arith.addi %add3A_1242, %add3A_1243 : i32
    %dma_start3A_1245 = arith.constant 3 : i32
    %dma_start3A_1246 = arith.constant 3 : i32
    %dma_start3A_1247 = arith.constant 0 : i32
    %dma_start3A_1248 = arith.constant 0 : i32
    %dma_start3A_1249 = tpu.memref_slice %arg6[%dma_start3A_1245, %dma_start3A_1247, %dma_start3A_1248] : memref<5x16x1024xf32, #tpu.memory_space<vmem>> -> memref<1x16x1024xf32, #tpu.memory_space<vmem>>
    %dma_start3A_1250 = tpu.memref_squeeze %dma_start3A_1249 : memref<1x16x1024xf32, #tpu.memory_space<vmem>> -> memref<16x1024xf32, #tpu.memory_space<vmem>>
    %dma_start3A_1251 = arith.constant 0 : i32
    %dma_start3A_1252 = tpu.memref_slice %arg2[%add3A_1244, %dma_start3A_1251] : memref<16384x1024xf32, #tpu.memory_space<hbm>> -> memref<16x1024xf32, #tpu.memory_space<hbm>>
    %dma_start3A_1253 = tpu.memref_slice %arg7[%dma_start3A_1246] : memref<5x!tpu.dma_semaphore, #tpu.memory_space<semaphore_mem>> -> memref<1x!tpu.dma_semaphore, #tpu.memory_space<semaphore_mem>>
    %dma_start3A_1254 = tpu.memref_squeeze %dma_start3A_1253 : memref<1x!tpu.dma_semaphore, #tpu.memory_space<semaphore_mem>> -> memref<!tpu.dma_semaphore, #tpu.memory_space<semaphore_mem>>
    %dma_start3A_1255 = arith.constant 0 : i32
    %dma_start3A_1256 = arith.constant 0 : i32
    %dma_start3A_1257 = tpu.memref_slice %arg6[%dma_start3A_1245, %dma_start3A_1255, %dma_start3A_1256] : memref<5x16x1024xf32, #tpu.memory_space<vmem>> -> memref<1x16x1024xf32, #tpu.memory_space<vmem>>
    %dma_start3A_1258 = tpu.memref_squeeze %dma_start3A_1257 : memref<1x16x1024xf32, #tpu.memory_space<vmem>> -> memref<16x1024xf32, #tpu.memory_space<vmem>>
    %dma_start3A_1259 = arith.constant 0 : i32
    %dma_start3A_1260 = tpu.memref_slice %arg2[%add3A_1244, %dma_start3A_1259] : memref<16384x1024xf32, #tpu.memory_space<hbm>> -> memref<16x1024xf32, #tpu.memory_space<hbm>>
    tpu.enqueue_dma source(%dma_start3A_1260 : memref<16x1024xf32, #tpu.memory_space<hbm>>) target(%dma_start3A_1258 : memref<16x1024xf32, #tpu.memory_space<vmem>>) target_semaphore(%dma_start3A_1254 : memref<!tpu.dma_semaphore, #tpu.memory_space<semaphore_mem>>)
    %add3A_1261 = arith.constant 0 : i32
    %add3A_1262 = arith.addi %add3A_1261, %mul3A_2 : i32
    %add3A_1263 = arith.constant 64 : i32
    %add3A_1264 = arith.addi %add3A_1262, %add3A_1263 : i32
    %dma_wait3A_1265 = arith.constant 1 : i32
    %dma_wait3A_1266 = arith.constant 1 : i32
    %dma_wait3A_1267 = arith.constant 0 : i32
    %dma_wait3A_1268 = arith.constant 0 : i32
    %dma_wait3A_1269 = tpu.memref_slice %arg6[%dma_wait3A_1265, %dma_wait3A_1267, %dma_wait3A_1268] : memref<5x16x1024xf32, #tpu.memory_space<vmem>> -> memref<1x16x1024xf32, #tpu.memory_space<vmem>>
    %dma_wait3A_1270 = tpu.memref_squeeze %dma_wait3A_1269 : memref<1x16x1024xf32, #tpu.memory_space<vmem>> -> memref<16x1024xf32, #tpu.memory_space<vmem>>
    %dma_wait3A_1271 = arith.constant 0 : i32
    %dma_wait3A_1272 = tpu.memref_slice %arg2[%add3A_1264, %dma_wait3A_1271] : memref<16384x1024xf32, #tpu.memory_space<hbm>> -> memref<16x1024xf32, #tpu.memory_space<hbm>>
    %dma_wait3A_1273 = tpu.memref_slice %arg7[%dma_wait3A_1266] : memref<5x!tpu.dma_semaphore, #tpu.memory_space<semaphore_mem>> -> memref<1x!tpu.dma_semaphore, #tpu.memory_space<semaphore_mem>>
    %dma_wait3A_1274 = tpu.memref_squeeze %dma_wait3A_1273 : memref<1x!tpu.dma_semaphore, #tpu.memory_space<semaphore_mem>> -> memref<!tpu.dma_semaphore, #tpu.memory_space<semaphore_mem>>
    %dma_wait3A_1275 = arith.constant 0 : i32
    %dma_wait3A_1276 = arith.constant 0 : i32
    %dma_wait3A_1277 = tpu.memref_slice %arg6[%dma_wait3A_1265, %dma_wait3A_1275, %dma_wait3A_1276] : memref<5x16x1024xf32, #tpu.memory_space<vmem>> -> memref<1x16x1024xf32, #tpu.memory_space<vmem>>
    %dma_wait3A_1278 = tpu.memref_squeeze %dma_wait3A_1277 : memref<1x16x1024xf32, #tpu.memory_space<vmem>> -> memref<16x1024xf32, #tpu.memory_space<vmem>>
    %dma_wait3A_1279 = arith.constant 0 : i32
    %dma_wait3A_1280 = tpu.memref_slice %arg2[%add3A_1264, %dma_wait3A_1279] : memref<16384x1024xf32, #tpu.memory_space<hbm>> -> memref<16x1024xf32, #tpu.memory_space<hbm>>
    tpu.wait_dma2 semaphore(%dma_wait3A_1274 : memref<!tpu.dma_semaphore, #tpu.memory_space<semaphore_mem>>) src(%dma_wait3A_1280 : memref<16x1024xf32, #tpu.memory_space<hbm>>) dst(%dma_wait3A_1278 : memref<16x1024xf32, #tpu.memory_space<vmem>>)
    %add3A_1281 = arith.constant 8192 : i32
    %add3A_1282 = arith.addi %add3A_1281, %mul3A_2 : i32
    %add3A_1283 = arith.constant 48 : i32
    %add3A_1284 = arith.addi %add3A_1282, %add3A_1283 : i32
    %dma_start3A_1285 = arith.constant 4 : i32
    %dma_start3A_1286 = arith.constant 4 : i32
    %dma_start3A_1287 = arith.constant 0 : i32
    %dma_start3A_1288 = arith.constant 0 : i32
    %dma_start3A_1289 = tpu.memref_slice %arg6[%dma_start3A_1285, %dma_start3A_1287, %dma_start3A_1288] : memref<5x16x1024xf32, #tpu.memory_space<vmem>> -> memref<1x16x1024xf32, #tpu.memory_space<vmem>>
    %dma_start3A_1290 = tpu.memref_squeeze %dma_start3A_1289 : memref<1x16x1024xf32, #tpu.memory_space<vmem>> -> memref<16x1024xf32, #tpu.memory_space<vmem>>
    %dma_start3A_1291 = arith.constant 0 : i32
    %dma_start3A_1292 = tpu.memref_slice %arg4[%add3A_1284, %dma_start3A_1291] : memref<16384x1024xf32, #tpu.memory_space<hbm>> -> memref<16x1024xf32, #tpu.memory_space<hbm>>
    %dma_start3A_1293 = tpu.memref_slice %arg9[%dma_start3A_1286] : memref<5x!tpu.dma_semaphore, #tpu.memory_space<semaphore_mem>> -> memref<1x!tpu.dma_semaphore, #tpu.memory_space<semaphore_mem>>
    %dma_start3A_1294 = tpu.memref_squeeze %dma_start3A_1293 : memref<1x!tpu.dma_semaphore, #tpu.memory_space<semaphore_mem>> -> memref<!tpu.dma_semaphore, #tpu.memory_space<semaphore_mem>>
    %dma_start3A_1295 = arith.constant 0 : i32
    %dma_start3A_1296 = tpu.memref_slice %arg4[%add3A_1284, %dma_start3A_1295] : memref<16384x1024xf32, #tpu.memory_space<hbm>> -> memref<16x1024xf32, #tpu.memory_space<hbm>>
    %dma_start3A_1297 = arith.constant 0 : i32
    %dma_start3A_1298 = arith.constant 0 : i32
    %dma_start3A_1299 = tpu.memref_slice %arg6[%dma_start3A_1285, %dma_start3A_1297, %dma_start3A_1298] : memref<5x16x1024xf32, #tpu.memory_space<vmem>> -> memref<1x16x1024xf32, #tpu.memory_space<vmem>>
    %dma_start3A_1300 = tpu.memref_squeeze %dma_start3A_1299 : memref<1x16x1024xf32, #tpu.memory_space<vmem>> -> memref<16x1024xf32, #tpu.memory_space<vmem>>
    tpu.enqueue_dma source(%dma_start3A_1300 : memref<16x1024xf32, #tpu.memory_space<vmem>>) target(%dma_start3A_1296 : memref<16x1024xf32, #tpu.memory_space<hbm>>) target_semaphore(%dma_start3A_1294 : memref<!tpu.dma_semaphore, #tpu.memory_space<semaphore_mem>>)
    %add3A_1301 = arith.constant 8192 : i32
    %add3A_1302 = arith.addi %add3A_1301, %mul3A_2 : i32
    %add3A_1303 = arith.constant 48 : i32
    %add3A_1304 = arith.addi %add3A_1302, %add3A_1303 : i32
    %dma_wait3A_1305 = arith.constant 4 : i32
    %dma_wait3A_1306 = arith.constant 4 : i32
    %dma_wait3A_1307 = arith.constant 0 : i32
    %dma_wait3A_1308 = arith.constant 0 : i32
    %dma_wait3A_1309 = tpu.memref_slice %arg6[%dma_wait3A_1305, %dma_wait3A_1307, %dma_wait3A_1308] : memref<5x16x1024xf32, #tpu.memory_space<vmem>> -> memref<1x16x1024xf32, #tpu.memory_space<vmem>>
    %dma_wait3A_1310 = tpu.memref_squeeze %dma_wait3A_1309 : memref<1x16x1024xf32, #tpu.memory_space<vmem>> -> memref<16x1024xf32, #tpu.memory_space<vmem>>
    %dma_wait3A_1311 = arith.constant 0 : i32
    %dma_wait3A_1312 = tpu.memref_slice %arg4[%add3A_1304, %dma_wait3A_1311] : memref<16384x1024xf32, #tpu.memory_space<hbm>> -> memref<16x1024xf32, #tpu.memory_space<hbm>>
    %dma_wait3A_1313 = tpu.memref_slice %arg9[%dma_wait3A_1306] : memref<5x!tpu.dma_semaphore, #tpu.memory_space<semaphore_mem>> -> memref<1x!tpu.dma_semaphore, #tpu.memory_space<semaphore_mem>>
    %dma_wait3A_1314 = tpu.memref_squeeze %dma_wait3A_1313 : memref<1x!tpu.dma_semaphore, #tpu.memory_space<semaphore_mem>> -> memref<!tpu.dma_semaphore, #tpu.memory_space<semaphore_mem>>
    %dma_wait3A_1315 = arith.constant 0 : i32
    %dma_wait3A_1316 = tpu.memref_slice %arg4[%add3A_1304, %dma_wait3A_1315] : memref<16384x1024xf32, #tpu.memory_space<hbm>> -> memref<16x1024xf32, #tpu.memory_space<hbm>>
    %dma_wait3A_1317 = arith.constant 0 : i32
    %dma_wait3A_1318 = arith.constant 0 : i32
    %dma_wait3A_1319 = tpu.memref_slice %arg6[%dma_wait3A_1305, %dma_wait3A_1317, %dma_wait3A_1318] : memref<5x16x1024xf32, #tpu.memory_space<vmem>> -> memref<1x16x1024xf32, #tpu.memory_space<vmem>>
    %dma_wait3A_1320 = tpu.memref_squeeze %dma_wait3A_1319 : memref<1x16x1024xf32, #tpu.memory_space<vmem>> -> memref<16x1024xf32, #tpu.memory_space<vmem>>
    tpu.wait_dma2 semaphore(%dma_wait3A_1314 : memref<!tpu.dma_semaphore, #tpu.memory_space<semaphore_mem>>) src(%dma_wait3A_1320 : memref<16x1024xf32, #tpu.memory_space<vmem>>) dst(%dma_wait3A_1316 : memref<16x1024xf32, #tpu.memory_space<hbm>>)
    %add3A_1321 = arith.constant 12288 : i32
    %add3A_1322 = arith.addi %add3A_1321, %mul3A_2 : i32
    %add3A_1323 = arith.constant 64 : i32
    %add3A_1324 = arith.addi %add3A_1322, %add3A_1323 : i32
    %dma_start3A_1325 = arith.constant 4 : i32
    %dma_start3A_1326 = arith.constant 4 : i32
    %dma_start3A_1327 = arith.constant 0 : i32
    %dma_start3A_1328 = arith.constant 0 : i32
    %dma_start3A_1329 = tpu.memref_slice %arg6[%dma_start3A_1325, %dma_start3A_1327, %dma_start3A_1328] : memref<5x16x1024xf32, #tpu.memory_space<vmem>> -> memref<1x16x1024xf32, #tpu.memory_space<vmem>>
    %dma_start3A_1330 = tpu.memref_squeeze %dma_start3A_1329 : memref<1x16x1024xf32, #tpu.memory_space<vmem>> -> memref<16x1024xf32, #tpu.memory_space<vmem>>
    %dma_start3A_1331 = arith.constant 0 : i32
    %dma_start3A_1332 = tpu.memref_slice %arg2[%add3A_1324, %dma_start3A_1331] : memref<16384x1024xf32, #tpu.memory_space<hbm>> -> memref<16x1024xf32, #tpu.memory_space<hbm>>
    %dma_start3A_1333 = tpu.memref_slice %arg7[%dma_start3A_1326] : memref<5x!tpu.dma_semaphore, #tpu.memory_space<semaphore_mem>> -> memref<1x!tpu.dma_semaphore, #tpu.memory_space<semaphore_mem>>
    %dma_start3A_1334 = tpu.memref_squeeze %dma_start3A_1333 : memref<1x!tpu.dma_semaphore, #tpu.memory_space<semaphore_mem>> -> memref<!tpu.dma_semaphore, #tpu.memory_space<semaphore_mem>>
    %dma_start3A_1335 = arith.constant 0 : i32
    %dma_start3A_1336 = arith.constant 0 : i32
    %dma_start3A_1337 = tpu.memref_slice %arg6[%dma_start3A_1325, %dma_start3A_1335, %dma_start3A_1336] : memref<5x16x1024xf32, #tpu.memory_space<vmem>> -> memref<1x16x1024xf32, #tpu.memory_space<vmem>>
    %dma_start3A_1338 = tpu.memref_squeeze %dma_start3A_1337 : memref<1x16x1024xf32, #tpu.memory_space<vmem>> -> memref<16x1024xf32, #tpu.memory_space<vmem>>
    %dma_start3A_1339 = arith.constant 0 : i32
    %dma_start3A_1340 = tpu.memref_slice %arg2[%add3A_1324, %dma_start3A_1339] : memref<16384x1024xf32, #tpu.memory_space<hbm>> -> memref<16x1024xf32, #tpu.memory_space<hbm>>
    tpu.enqueue_dma source(%dma_start3A_1340 : memref<16x1024xf32, #tpu.memory_space<hbm>>) target(%dma_start3A_1338 : memref<16x1024xf32, #tpu.memory_space<vmem>>) target_semaphore(%dma_start3A_1334 : memref<!tpu.dma_semaphore, #tpu.memory_space<semaphore_mem>>)
    %add3A_1341 = arith.constant 4096 : i32
    %add3A_1342 = arith.addi %add3A_1341, %mul3A_2 : i32
    %add3A_1343 = arith.constant 64 : i32
    %add3A_1344 = arith.addi %add3A_1342, %add3A_1343 : i32
    %dma_wait3A_1345 = arith.constant 2 : i32
    %dma_wait3A_1346 = arith.constant 2 : i32
    %dma_wait3A_1347 = arith.constant 0 : i32
    %dma_wait3A_1348 = arith.constant 0 : i32
    %dma_wait3A_1349 = tpu.memref_slice %arg6[%dma_wait3A_1345, %dma_wait3A_1347, %dma_wait3A_1348] : memref<5x16x1024xf32, #tpu.memory_space<vmem>> -> memref<1x16x1024xf32, #tpu.memory_space<vmem>>
    %dma_wait3A_1350 = tpu.memref_squeeze %dma_wait3A_1349 : memref<1x16x1024xf32, #tpu.memory_space<vmem>> -> memref<16x1024xf32, #tpu.memory_space<vmem>>
    %dma_wait3A_1351 = arith.constant 0 : i32
    %dma_wait3A_1352 = tpu.memref_slice %arg2[%add3A_1344, %dma_wait3A_1351] : memref<16384x1024xf32, #tpu.memory_space<hbm>> -> memref<16x1024xf32, #tpu.memory_space<hbm>>
    %dma_wait3A_1353 = tpu.memref_slice %arg7[%dma_wait3A_1346] : memref<5x!tpu.dma_semaphore, #tpu.memory_space<semaphore_mem>> -> memref<1x!tpu.dma_semaphore, #tpu.memory_space<semaphore_mem>>
    %dma_wait3A_1354 = tpu.memref_squeeze %dma_wait3A_1353 : memref<1x!tpu.dma_semaphore, #tpu.memory_space<semaphore_mem>> -> memref<!tpu.dma_semaphore, #tpu.memory_space<semaphore_mem>>
    %dma_wait3A_1355 = arith.constant 0 : i32
    %dma_wait3A_1356 = arith.constant 0 : i32
    %dma_wait3A_1357 = tpu.memref_slice %arg6[%dma_wait3A_1345, %dma_wait3A_1355, %dma_wait3A_1356] : memref<5x16x1024xf32, #tpu.memory_space<vmem>> -> memref<1x16x1024xf32, #tpu.memory_space<vmem>>
    %dma_wait3A_1358 = tpu.memref_squeeze %dma_wait3A_1357 : memref<1x16x1024xf32, #tpu.memory_space<vmem>> -> memref<16x1024xf32, #tpu.memory_space<vmem>>
    %dma_wait3A_1359 = arith.constant 0 : i32
    %dma_wait3A_1360 = tpu.memref_slice %arg2[%add3A_1344, %dma_wait3A_1359] : memref<16384x1024xf32, #tpu.memory_space<hbm>> -> memref<16x1024xf32, #tpu.memory_space<hbm>>
    tpu.wait_dma2 semaphore(%dma_wait3A_1354 : memref<!tpu.dma_semaphore, #tpu.memory_space<semaphore_mem>>) src(%dma_wait3A_1360 : memref<16x1024xf32, #tpu.memory_space<hbm>>) dst(%dma_wait3A_1358 : memref<16x1024xf32, #tpu.memory_space<vmem>>)
    %add3A_1361 = arith.constant 12288 : i32
    %add3A_1362 = arith.addi %add3A_1361, %mul3A_2 : i32
    %add3A_1363 = arith.constant 48 : i32
    %add3A_1364 = arith.addi %add3A_1362, %add3A_1363 : i32
    %dma_start3A_1365 = arith.constant 0 : i32
    %dma_start3A_1366 = arith.constant 0 : i32
    %dma_start3A_1367 = arith.constant 0 : i32
    %dma_start3A_1368 = arith.constant 0 : i32
    %dma_start3A_1369 = tpu.memref_slice %arg6[%dma_start3A_1365, %dma_start3A_1367, %dma_start3A_1368] : memref<5x16x1024xf32, #tpu.memory_space<vmem>> -> memref<1x16x1024xf32, #tpu.memory_space<vmem>>
    %dma_start3A_1370 = tpu.memref_squeeze %dma_start3A_1369 : memref<1x16x1024xf32, #tpu.memory_space<vmem>> -> memref<16x1024xf32, #tpu.memory_space<vmem>>
    %dma_start3A_1371 = arith.constant 0 : i32
    %dma_start3A_1372 = tpu.memref_slice %arg4[%add3A_1364, %dma_start3A_1371] : memref<16384x1024xf32, #tpu.memory_space<hbm>> -> memref<16x1024xf32, #tpu.memory_space<hbm>>
    %dma_start3A_1373 = tpu.memref_slice %arg9[%dma_start3A_1366] : memref<5x!tpu.dma_semaphore, #tpu.memory_space<semaphore_mem>> -> memref<1x!tpu.dma_semaphore, #tpu.memory_space<semaphore_mem>>
    %dma_start3A_1374 = tpu.memref_squeeze %dma_start3A_1373 : memref<1x!tpu.dma_semaphore, #tpu.memory_space<semaphore_mem>> -> memref<!tpu.dma_semaphore, #tpu.memory_space<semaphore_mem>>
    %dma_start3A_1375 = arith.constant 0 : i32
    %dma_start3A_1376 = tpu.memref_slice %arg4[%add3A_1364, %dma_start3A_1375] : memref<16384x1024xf32, #tpu.memory_space<hbm>> -> memref<16x1024xf32, #tpu.memory_space<hbm>>
    %dma_start3A_1377 = arith.constant 0 : i32
    %dma_start3A_1378 = arith.constant 0 : i32
    %dma_start3A_1379 = tpu.memref_slice %arg6[%dma_start3A_1365, %dma_start3A_1377, %dma_start3A_1378] : memref<5x16x1024xf32, #tpu.memory_space<vmem>> -> memref<1x16x1024xf32, #tpu.memory_space<vmem>>
    %dma_start3A_1380 = tpu.memref_squeeze %dma_start3A_1379 : memref<1x16x1024xf32, #tpu.memory_space<vmem>> -> memref<16x1024xf32, #tpu.memory_space<vmem>>
    tpu.enqueue_dma source(%dma_start3A_1380 : memref<16x1024xf32, #tpu.memory_space<vmem>>) target(%dma_start3A_1376 : memref<16x1024xf32, #tpu.memory_space<hbm>>) target_semaphore(%dma_start3A_1374 : memref<!tpu.dma_semaphore, #tpu.memory_space<semaphore_mem>>)
    %add3A_1381 = arith.constant 12288 : i32
    %add3A_1382 = arith.addi %add3A_1381, %mul3A_2 : i32
    %add3A_1383 = arith.constant 48 : i32
    %add3A_1384 = arith.addi %add3A_1382, %add3A_1383 : i32
    %dma_wait3A_1385 = arith.constant 0 : i32
    %dma_wait3A_1386 = arith.constant 0 : i32
    %dma_wait3A_1387 = arith.constant 0 : i32
    %dma_wait3A_1388 = arith.constant 0 : i32
    %dma_wait3A_1389 = tpu.memref_slice %arg6[%dma_wait3A_1385, %dma_wait3A_1387, %dma_wait3A_1388] : memref<5x16x1024xf32, #tpu.memory_space<vmem>> -> memref<1x16x1024xf32, #tpu.memory_space<vmem>>
    %dma_wait3A_1390 = tpu.memref_squeeze %dma_wait3A_1389 : memref<1x16x1024xf32, #tpu.memory_space<vmem>> -> memref<16x1024xf32, #tpu.memory_space<vmem>>
    %dma_wait3A_1391 = arith.constant 0 : i32
    %dma_wait3A_1392 = tpu.memref_slice %arg4[%add3A_1384, %dma_wait3A_1391] : memref<16384x1024xf32, #tpu.memory_space<hbm>> -> memref<16x1024xf32, #tpu.memory_space<hbm>>
    %dma_wait3A_1393 = tpu.memref_slice %arg9[%dma_wait3A_1386] : memref<5x!tpu.dma_semaphore, #tpu.memory_space<semaphore_mem>> -> memref<1x!tpu.dma_semaphore, #tpu.memory_space<semaphore_mem>>
    %dma_wait3A_1394 = tpu.memref_squeeze %dma_wait3A_1393 : memref<1x!tpu.dma_semaphore, #tpu.memory_space<semaphore_mem>> -> memref<!tpu.dma_semaphore, #tpu.memory_space<semaphore_mem>>
    %dma_wait3A_1395 = arith.constant 0 : i32
    %dma_wait3A_1396 = tpu.memref_slice %arg4[%add3A_1384, %dma_wait3A_1395] : memref<16384x1024xf32, #tpu.memory_space<hbm>> -> memref<16x1024xf32, #tpu.memory_space<hbm>>
    %dma_wait3A_1397 = arith.constant 0 : i32
    %dma_wait3A_1398 = arith.constant 0 : i32
    %dma_wait3A_1399 = tpu.memref_slice %arg6[%dma_wait3A_1385, %dma_wait3A_1397, %dma_wait3A_1398] : memref<5x16x1024xf32, #tpu.memory_space<vmem>> -> memref<1x16x1024xf32, #tpu.memory_space<vmem>>
    %dma_wait3A_1400 = tpu.memref_squeeze %dma_wait3A_1399 : memref<1x16x1024xf32, #tpu.memory_space<vmem>> -> memref<16x1024xf32, #tpu.memory_space<vmem>>
    tpu.wait_dma2 semaphore(%dma_wait3A_1394 : memref<!tpu.dma_semaphore, #tpu.memory_space<semaphore_mem>>) src(%dma_wait3A_1400 : memref<16x1024xf32, #tpu.memory_space<vmem>>) dst(%dma_wait3A_1396 : memref<16x1024xf32, #tpu.memory_space<hbm>>)
    %add3A_1401 = arith.constant 0 : i32
    %add3A_1402 = arith.addi %add3A_1401, %mul3A_2 : i32
    %add3A_1403 = arith.constant 80 : i32
    %add3A_1404 = arith.addi %add3A_1402, %add3A_1403 : i32
    %dma_start3A_1405 = arith.constant 0 : i32
    %dma_start3A_1406 = arith.constant 0 : i32
    %dma_start3A_1407 = arith.constant 0 : i32
    %dma_start3A_1408 = arith.constant 0 : i32
    %dma_start3A_1409 = tpu.memref_slice %arg6[%dma_start3A_1405, %dma_start3A_1407, %dma_start3A_1408] : memref<5x16x1024xf32, #tpu.memory_space<vmem>> -> memref<1x16x1024xf32, #tpu.memory_space<vmem>>
    %dma_start3A_1410 = tpu.memref_squeeze %dma_start3A_1409 : memref<1x16x1024xf32, #tpu.memory_space<vmem>> -> memref<16x1024xf32, #tpu.memory_space<vmem>>
    %dma_start3A_1411 = arith.constant 0 : i32
    %dma_start3A_1412 = tpu.memref_slice %arg2[%add3A_1404, %dma_start3A_1411] : memref<16384x1024xf32, #tpu.memory_space<hbm>> -> memref<16x1024xf32, #tpu.memory_space<hbm>>
    %dma_start3A_1413 = tpu.memref_slice %arg7[%dma_start3A_1406] : memref<5x!tpu.dma_semaphore, #tpu.memory_space<semaphore_mem>> -> memref<1x!tpu.dma_semaphore, #tpu.memory_space<semaphore_mem>>
    %dma_start3A_1414 = tpu.memref_squeeze %dma_start3A_1413 : memref<1x!tpu.dma_semaphore, #tpu.memory_space<semaphore_mem>> -> memref<!tpu.dma_semaphore, #tpu.memory_space<semaphore_mem>>
    %dma_start3A_1415 = arith.constant 0 : i32
    %dma_start3A_1416 = arith.constant 0 : i32
    %dma_start3A_1417 = tpu.memref_slice %arg6[%dma_start3A_1405, %dma_start3A_1415, %dma_start3A_1416] : memref<5x16x1024xf32, #tpu.memory_space<vmem>> -> memref<1x16x1024xf32, #tpu.memory_space<vmem>>
    %dma_start3A_1418 = tpu.memref_squeeze %dma_start3A_1417 : memref<1x16x1024xf32, #tpu.memory_space<vmem>> -> memref<16x1024xf32, #tpu.memory_space<vmem>>
    %dma_start3A_1419 = arith.constant 0 : i32
    %dma_start3A_1420 = tpu.memref_slice %arg2[%add3A_1404, %dma_start3A_1419] : memref<16384x1024xf32, #tpu.memory_space<hbm>> -> memref<16x1024xf32, #tpu.memory_space<hbm>>
    tpu.enqueue_dma source(%dma_start3A_1420 : memref<16x1024xf32, #tpu.memory_space<hbm>>) target(%dma_start3A_1418 : memref<16x1024xf32, #tpu.memory_space<vmem>>) target_semaphore(%dma_start3A_1414 : memref<!tpu.dma_semaphore, #tpu.memory_space<semaphore_mem>>)
    %add3A_1421 = arith.constant 8192 : i32
    %add3A_1422 = arith.addi %add3A_1421, %mul3A_2 : i32
    %add3A_1423 = arith.constant 64 : i32
    %add3A_1424 = arith.addi %add3A_1422, %add3A_1423 : i32
    %dma_wait3A_1425 = arith.constant 3 : i32
    %dma_wait3A_1426 = arith.constant 3 : i32
    %dma_wait3A_1427 = arith.constant 0 : i32
    %dma_wait3A_1428 = arith.constant 0 : i32
    %dma_wait3A_1429 = tpu.memref_slice %arg6[%dma_wait3A_1425, %dma_wait3A_1427, %dma_wait3A_1428] : memref<5x16x1024xf32, #tpu.memory_space<vmem>> -> memref<1x16x1024xf32, #tpu.memory_space<vmem>>
    %dma_wait3A_1430 = tpu.memref_squeeze %dma_wait3A_1429 : memref<1x16x1024xf32, #tpu.memory_space<vmem>> -> memref<16x1024xf32, #tpu.memory_space<vmem>>
    %dma_wait3A_1431 = arith.constant 0 : i32
    %dma_wait3A_1432 = tpu.memref_slice %arg2[%add3A_1424, %dma_wait3A_1431] : memref<16384x1024xf32, #tpu.memory_space<hbm>> -> memref<16x1024xf32, #tpu.memory_space<hbm>>
    %dma_wait3A_1433 = tpu.memref_slice %arg7[%dma_wait3A_1426] : memref<5x!tpu.dma_semaphore, #tpu.memory_space<semaphore_mem>> -> memref<1x!tpu.dma_semaphore, #tpu.memory_space<semaphore_mem>>
    %dma_wait3A_1434 = tpu.memref_squeeze %dma_wait3A_1433 : memref<1x!tpu.dma_semaphore, #tpu.memory_space<semaphore_mem>> -> memref<!tpu.dma_semaphore, #tpu.memory_space<semaphore_mem>>
    %dma_wait3A_1435 = arith.constant 0 : i32
    %dma_wait3A_1436 = arith.constant 0 : i32
    %dma_wait3A_1437 = tpu.memref_slice %arg6[%dma_wait3A_1425, %dma_wait3A_1435, %dma_wait3A_1436] : memref<5x16x1024xf32, #tpu.memory_space<vmem>> -> memref<1x16x1024xf32, #tpu.memory_space<vmem>>
    %dma_wait3A_1438 = tpu.memref_squeeze %dma_wait3A_1437 : memref<1x16x1024xf32, #tpu.memory_space<vmem>> -> memref<16x1024xf32, #tpu.memory_space<vmem>>
    %dma_wait3A_1439 = arith.constant 0 : i32
    %dma_wait3A_1440 = tpu.memref_slice %arg2[%add3A_1424, %dma_wait3A_1439] : memref<16384x1024xf32, #tpu.memory_space<hbm>> -> memref<16x1024xf32, #tpu.memory_space<hbm>>
    tpu.wait_dma2 semaphore(%dma_wait3A_1434 : memref<!tpu.dma_semaphore, #tpu.memory_space<semaphore_mem>>) src(%dma_wait3A_1440 : memref<16x1024xf32, #tpu.memory_space<hbm>>) dst(%dma_wait3A_1438 : memref<16x1024xf32, #tpu.memory_space<vmem>>)
    %add3A_1441 = arith.constant 0 : i32
    %add3A_1442 = arith.addi %add3A_1441, %mul3A_2 : i32
    %add3A_1443 = arith.constant 64 : i32
    %add3A_1444 = arith.addi %add3A_1442, %add3A_1443 : i32
    %dma_start3A_1445 = arith.constant 1 : i32
    %dma_start3A_1446 = arith.constant 1 : i32
    %dma_start3A_1447 = arith.constant 0 : i32
    %dma_start3A_1448 = arith.constant 0 : i32
    %dma_start3A_1449 = tpu.memref_slice %arg6[%dma_start3A_1445, %dma_start3A_1447, %dma_start3A_1448] : memref<5x16x1024xf32, #tpu.memory_space<vmem>> -> memref<1x16x1024xf32, #tpu.memory_space<vmem>>
    %dma_start3A_1450 = tpu.memref_squeeze %dma_start3A_1449 : memref<1x16x1024xf32, #tpu.memory_space<vmem>> -> memref<16x1024xf32, #tpu.memory_space<vmem>>
    %dma_start3A_1451 = arith.constant 0 : i32
    %dma_start3A_1452 = tpu.memref_slice %arg4[%add3A_1444, %dma_start3A_1451] : memref<16384x1024xf32, #tpu.memory_space<hbm>> -> memref<16x1024xf32, #tpu.memory_space<hbm>>
    %dma_start3A_1453 = tpu.memref_slice %arg9[%dma_start3A_1446] : memref<5x!tpu.dma_semaphore, #tpu.memory_space<semaphore_mem>> -> memref<1x!tpu.dma_semaphore, #tpu.memory_space<semaphore_mem>>
    %dma_start3A_1454 = tpu.memref_squeeze %dma_start3A_1453 : memref<1x!tpu.dma_semaphore, #tpu.memory_space<semaphore_mem>> -> memref<!tpu.dma_semaphore, #tpu.memory_space<semaphore_mem>>
    %dma_start3A_1455 = arith.constant 0 : i32
    %dma_start3A_1456 = tpu.memref_slice %arg4[%add3A_1444, %dma_start3A_1455] : memref<16384x1024xf32, #tpu.memory_space<hbm>> -> memref<16x1024xf32, #tpu.memory_space<hbm>>
    %dma_start3A_1457 = arith.constant 0 : i32
    %dma_start3A_1458 = arith.constant 0 : i32
    %dma_start3A_1459 = tpu.memref_slice %arg6[%dma_start3A_1445, %dma_start3A_1457, %dma_start3A_1458] : memref<5x16x1024xf32, #tpu.memory_space<vmem>> -> memref<1x16x1024xf32, #tpu.memory_space<vmem>>
    %dma_start3A_1460 = tpu.memref_squeeze %dma_start3A_1459 : memref<1x16x1024xf32, #tpu.memory_space<vmem>> -> memref<16x1024xf32, #tpu.memory_space<vmem>>
    tpu.enqueue_dma source(%dma_start3A_1460 : memref<16x1024xf32, #tpu.memory_space<vmem>>) target(%dma_start3A_1456 : memref<16x1024xf32, #tpu.memory_space<hbm>>) target_semaphore(%dma_start3A_1454 : memref<!tpu.dma_semaphore, #tpu.memory_space<semaphore_mem>>)
    %add3A_1461 = arith.constant 0 : i32
    %add3A_1462 = arith.addi %add3A_1461, %mul3A_2 : i32
    %add3A_1463 = arith.constant 64 : i32
    %add3A_1464 = arith.addi %add3A_1462, %add3A_1463 : i32
    %dma_wait3A_1465 = arith.constant 1 : i32
    %dma_wait3A_1466 = arith.constant 1 : i32
    %dma_wait3A_1467 = arith.constant 0 : i32
    %dma_wait3A_1468 = arith.constant 0 : i32
    %dma_wait3A_1469 = tpu.memref_slice %arg6[%dma_wait3A_1465, %dma_wait3A_1467, %dma_wait3A_1468] : memref<5x16x1024xf32, #tpu.memory_space<vmem>> -> memref<1x16x1024xf32, #tpu.memory_space<vmem>>
    %dma_wait3A_1470 = tpu.memref_squeeze %dma_wait3A_1469 : memref<1x16x1024xf32, #tpu.memory_space<vmem>> -> memref<16x1024xf32, #tpu.memory_space<vmem>>
    %dma_wait3A_1471 = arith.constant 0 : i32
    %dma_wait3A_1472 = tpu.memref_slice %arg4[%add3A_1464, %dma_wait3A_1471] : memref<16384x1024xf32, #tpu.memory_space<hbm>> -> memref<16x1024xf32, #tpu.memory_space<hbm>>
    %dma_wait3A_1473 = tpu.memref_slice %arg9[%dma_wait3A_1466] : memref<5x!tpu.dma_semaphore, #tpu.memory_space<semaphore_mem>> -> memref<1x!tpu.dma_semaphore, #tpu.memory_space<semaphore_mem>>
    %dma_wait3A_1474 = tpu.memref_squeeze %dma_wait3A_1473 : memref<1x!tpu.dma_semaphore, #tpu.memory_space<semaphore_mem>> -> memref<!tpu.dma_semaphore, #tpu.memory_space<semaphore_mem>>
    %dma_wait3A_1475 = arith.constant 0 : i32
    %dma_wait3A_1476 = tpu.memref_slice %arg4[%add3A_1464, %dma_wait3A_1475] : memref<16384x1024xf32, #tpu.memory_space<hbm>> -> memref<16x1024xf32, #tpu.memory_space<hbm>>
    %dma_wait3A_1477 = arith.constant 0 : i32
    %dma_wait3A_1478 = arith.constant 0 : i32
    %dma_wait3A_1479 = tpu.memref_slice %arg6[%dma_wait3A_1465, %dma_wait3A_1477, %dma_wait3A_1478] : memref<5x16x1024xf32, #tpu.memory_space<vmem>> -> memref<1x16x1024xf32, #tpu.memory_space<vmem>>
    %dma_wait3A_1480 = tpu.memref_squeeze %dma_wait3A_1479 : memref<1x16x1024xf32, #tpu.memory_space<vmem>> -> memref<16x1024xf32, #tpu.memory_space<vmem>>
    tpu.wait_dma2 semaphore(%dma_wait3A_1474 : memref<!tpu.dma_semaphore, #tpu.memory_space<semaphore_mem>>) src(%dma_wait3A_1480 : memref<16x1024xf32, #tpu.memory_space<vmem>>) dst(%dma_wait3A_1476 : memref<16x1024xf32, #tpu.memory_space<hbm>>)
    %add3A_1481 = arith.constant 4096 : i32
    %add3A_1482 = arith.addi %add3A_1481, %mul3A_2 : i32
    %add3A_1483 = arith.constant 80 : i32
    %add3A_1484 = arith.addi %add3A_1482, %add3A_1483 : i32
    %dma_start3A_1485 = arith.constant 1 : i32
    %dma_start3A_1486 = arith.constant 1 : i32
    %dma_start3A_1487 = arith.constant 0 : i32
    %dma_start3A_1488 = arith.constant 0 : i32
    %dma_start3A_1489 = tpu.memref_slice %arg6[%dma_start3A_1485, %dma_start3A_1487, %dma_start3A_1488] : memref<5x16x1024xf32, #tpu.memory_space<vmem>> -> memref<1x16x1024xf32, #tpu.memory_space<vmem>>
    %dma_start3A_1490 = tpu.memref_squeeze %dma_start3A_1489 : memref<1x16x1024xf32, #tpu.memory_space<vmem>> -> memref<16x1024xf32, #tpu.memory_space<vmem>>
    %dma_start3A_1491 = arith.constant 0 : i32
    %dma_start3A_1492 = tpu.memref_slice %arg2[%add3A_1484, %dma_start3A_1491] : memref<16384x1024xf32, #tpu.memory_space<hbm>> -> memref<16x1024xf32, #tpu.memory_space<hbm>>
    %dma_start3A_1493 = tpu.memref_slice %arg7[%dma_start3A_1486] : memref<5x!tpu.dma_semaphore, #tpu.memory_space<semaphore_mem>> -> memref<1x!tpu.dma_semaphore, #tpu.memory_space<semaphore_mem>>
    %dma_start3A_1494 = tpu.memref_squeeze %dma_start3A_1493 : memref<1x!tpu.dma_semaphore, #tpu.memory_space<semaphore_mem>> -> memref<!tpu.dma_semaphore, #tpu.memory_space<semaphore_mem>>
    %dma_start3A_1495 = arith.constant 0 : i32
    %dma_start3A_1496 = arith.constant 0 : i32
    %dma_start3A_1497 = tpu.memref_slice %arg6[%dma_start3A_1485, %dma_start3A_1495, %dma_start3A_1496] : memref<5x16x1024xf32, #tpu.memory_space<vmem>> -> memref<1x16x1024xf32, #tpu.memory_space<vmem>>
    %dma_start3A_1498 = tpu.memref_squeeze %dma_start3A_1497 : memref<1x16x1024xf32, #tpu.memory_space<vmem>> -> memref<16x1024xf32, #tpu.memory_space<vmem>>
    %dma_start3A_1499 = arith.constant 0 : i32
    %dma_start3A_1500 = tpu.memref_slice %arg2[%add3A_1484, %dma_start3A_1499] : memref<16384x1024xf32, #tpu.memory_space<hbm>> -> memref<16x1024xf32, #tpu.memory_space<hbm>>
    tpu.enqueue_dma source(%dma_start3A_1500 : memref<16x1024xf32, #tpu.memory_space<hbm>>) target(%dma_start3A_1498 : memref<16x1024xf32, #tpu.memory_space<vmem>>) target_semaphore(%dma_start3A_1494 : memref<!tpu.dma_semaphore, #tpu.memory_space<semaphore_mem>>)
    %add3A_1501 = arith.constant 12288 : i32
    %add3A_1502 = arith.addi %add3A_1501, %mul3A_2 : i32
    %add3A_1503 = arith.constant 64 : i32
    %add3A_1504 = arith.addi %add3A_1502, %add3A_1503 : i32
    %dma_wait3A_1505 = arith.constant 4 : i32
    %dma_wait3A_1506 = arith.constant 4 : i32
    %dma_wait3A_1507 = arith.constant 0 : i32
    %dma_wait3A_1508 = arith.constant 0 : i32
    %dma_wait3A_1509 = tpu.memref_slice %arg6[%dma_wait3A_1505, %dma_wait3A_1507, %dma_wait3A_1508] : memref<5x16x1024xf32, #tpu.memory_space<vmem>> -> memref<1x16x1024xf32, #tpu.memory_space<vmem>>
    %dma_wait3A_1510 = tpu.memref_squeeze %dma_wait3A_1509 : memref<1x16x1024xf32, #tpu.memory_space<vmem>> -> memref<16x1024xf32, #tpu.memory_space<vmem>>
    %dma_wait3A_1511 = arith.constant 0 : i32
    %dma_wait3A_1512 = tpu.memref_slice %arg2[%add3A_1504, %dma_wait3A_1511] : memref<16384x1024xf32, #tpu.memory_space<hbm>> -> memref<16x1024xf32, #tpu.memory_space<hbm>>
    %dma_wait3A_1513 = tpu.memref_slice %arg7[%dma_wait3A_1506] : memref<5x!tpu.dma_semaphore, #tpu.memory_space<semaphore_mem>> -> memref<1x!tpu.dma_semaphore, #tpu.memory_space<semaphore_mem>>
    %dma_wait3A_1514 = tpu.memref_squeeze %dma_wait3A_1513 : memref<1x!tpu.dma_semaphore, #tpu.memory_space<semaphore_mem>> -> memref<!tpu.dma_semaphore, #tpu.memory_space<semaphore_mem>>
    %dma_wait3A_1515 = arith.constant 0 : i32
    %dma_wait3A_1516 = arith.constant 0 : i32
    %dma_wait3A_1517 = tpu.memref_slice %arg6[%dma_wait3A_1505, %dma_wait3A_1515, %dma_wait3A_1516] : memref<5x16x1024xf32, #tpu.memory_space<vmem>> -> memref<1x16x1024xf32, #tpu.memory_space<vmem>>
    %dma_wait3A_1518 = tpu.memref_squeeze %dma_wait3A_1517 : memref<1x16x1024xf32, #tpu.memory_space<vmem>> -> memref<16x1024xf32, #tpu.memory_space<vmem>>
    %dma_wait3A_1519 = arith.constant 0 : i32
    %dma_wait3A_1520 = tpu.memref_slice %arg2[%add3A_1504, %dma_wait3A_1519] : memref<16384x1024xf32, #tpu.memory_space<hbm>> -> memref<16x1024xf32, #tpu.memory_space<hbm>>
    tpu.wait_dma2 semaphore(%dma_wait3A_1514 : memref<!tpu.dma_semaphore, #tpu.memory_space<semaphore_mem>>) src(%dma_wait3A_1520 : memref<16x1024xf32, #tpu.memory_space<hbm>>) dst(%dma_wait3A_1518 : memref<16x1024xf32, #tpu.memory_space<vmem>>)
    %add3A_1521 = arith.constant 4096 : i32
    %add3A_1522 = arith.addi %add3A_1521, %mul3A_2 : i32
    %add3A_1523 = arith.constant 64 : i32
    %add3A_1524 = arith.addi %add3A_1522, %add3A_1523 : i32
    %dma_start3A_1525 = arith.constant 2 : i32
    %dma_start3A_1526 = arith.constant 2 : i32
    %dma_start3A_1527 = arith.constant 0 : i32
    %dma_start3A_1528 = arith.constant 0 : i32
    %dma_start3A_1529 = tpu.memref_slice %arg6[%dma_start3A_1525, %dma_start3A_1527, %dma_start3A_1528] : memref<5x16x1024xf32, #tpu.memory_space<vmem>> -> memref<1x16x1024xf32, #tpu.memory_space<vmem>>
    %dma_start3A_1530 = tpu.memref_squeeze %dma_start3A_1529 : memref<1x16x1024xf32, #tpu.memory_space<vmem>> -> memref<16x1024xf32, #tpu.memory_space<vmem>>
    %dma_start3A_1531 = arith.constant 0 : i32
    %dma_start3A_1532 = tpu.memref_slice %arg4[%add3A_1524, %dma_start3A_1531] : memref<16384x1024xf32, #tpu.memory_space<hbm>> -> memref<16x1024xf32, #tpu.memory_space<hbm>>
    %dma_start3A_1533 = tpu.memref_slice %arg9[%dma_start3A_1526] : memref<5x!tpu.dma_semaphore, #tpu.memory_space<semaphore_mem>> -> memref<1x!tpu.dma_semaphore, #tpu.memory_space<semaphore_mem>>
    %dma_start3A_1534 = tpu.memref_squeeze %dma_start3A_1533 : memref<1x!tpu.dma_semaphore, #tpu.memory_space<semaphore_mem>> -> memref<!tpu.dma_semaphore, #tpu.memory_space<semaphore_mem>>
    %dma_start3A_1535 = arith.constant 0 : i32
    %dma_start3A_1536 = tpu.memref_slice %arg4[%add3A_1524, %dma_start3A_1535] : memref<16384x1024xf32, #tpu.memory_space<hbm>> -> memref<16x1024xf32, #tpu.memory_space<hbm>>
    %dma_start3A_1537 = arith.constant 0 : i32
    %dma_start3A_1538 = arith.constant 0 : i32
    %dma_start3A_1539 = tpu.memref_slice %arg6[%dma_start3A_1525, %dma_start3A_1537, %dma_start3A_1538] : memref<5x16x1024xf32, #tpu.memory_space<vmem>> -> memref<1x16x1024xf32, #tpu.memory_space<vmem>>
    %dma_start3A_1540 = tpu.memref_squeeze %dma_start3A_1539 : memref<1x16x1024xf32, #tpu.memory_space<vmem>> -> memref<16x1024xf32, #tpu.memory_space<vmem>>
    tpu.enqueue_dma source(%dma_start3A_1540 : memref<16x1024xf32, #tpu.memory_space<vmem>>) target(%dma_start3A_1536 : memref<16x1024xf32, #tpu.memory_space<hbm>>) target_semaphore(%dma_start3A_1534 : memref<!tpu.dma_semaphore, #tpu.memory_space<semaphore_mem>>)
    %add3A_1541 = arith.constant 4096 : i32
    %add3A_1542 = arith.addi %add3A_1541, %mul3A_2 : i32
    %add3A_1543 = arith.constant 64 : i32
    %add3A_1544 = arith.addi %add3A_1542, %add3A_1543 : i32
    %dma_wait3A_1545 = arith.constant 2 : i32
    %dma_wait3A_1546 = arith.constant 2 : i32
    %dma_wait3A_1547 = arith.constant 0 : i32
    %dma_wait3A_1548 = arith.constant 0 : i32
    %dma_wait3A_1549 = tpu.memref_slice %arg6[%dma_wait3A_1545, %dma_wait3A_1547, %dma_wait3A_1548] : memref<5x16x1024xf32, #tpu.memory_space<vmem>> -> memref<1x16x1024xf32, #tpu.memory_space<vmem>>
    %dma_wait3A_1550 = tpu.memref_squeeze %dma_wait3A_1549 : memref<1x16x1024xf32, #tpu.memory_space<vmem>> -> memref<16x1024xf32, #tpu.memory_space<vmem>>
    %dma_wait3A_1551 = arith.constant 0 : i32
    %dma_wait3A_1552 = tpu.memref_slice %arg4[%add3A_1544, %dma_wait3A_1551] : memref<16384x1024xf32, #tpu.memory_space<hbm>> -> memref<16x1024xf32, #tpu.memory_space<hbm>>
    %dma_wait3A_1553 = tpu.memref_slice %arg9[%dma_wait3A_1546] : memref<5x!tpu.dma_semaphore, #tpu.memory_space<semaphore_mem>> -> memref<1x!tpu.dma_semaphore, #tpu.memory_space<semaphore_mem>>
    %dma_wait3A_1554 = tpu.memref_squeeze %dma_wait3A_1553 : memref<1x!tpu.dma_semaphore, #tpu.memory_space<semaphore_mem>> -> memref<!tpu.dma_semaphore, #tpu.memory_space<semaphore_mem>>
    %dma_wait3A_1555 = arith.constant 0 : i32
    %dma_wait3A_1556 = tpu.memref_slice %arg4[%add3A_1544, %dma_wait3A_1555] : memref<16384x1024xf32, #tpu.memory_space<hbm>> -> memref<16x1024xf32, #tpu.memory_space<hbm>>
    %dma_wait3A_1557 = arith.constant 0 : i32
    %dma_wait3A_1558 = arith.constant 0 : i32
    %dma_wait3A_1559 = tpu.memref_slice %arg6[%dma_wait3A_1545, %dma_wait3A_1557, %dma_wait3A_1558] : memref<5x16x1024xf32, #tpu.memory_space<vmem>> -> memref<1x16x1024xf32, #tpu.memory_space<vmem>>
    %dma_wait3A_1560 = tpu.memref_squeeze %dma_wait3A_1559 : memref<1x16x1024xf32, #tpu.memory_space<vmem>> -> memref<16x1024xf32, #tpu.memory_space<vmem>>
    tpu.wait_dma2 semaphore(%dma_wait3A_1554 : memref<!tpu.dma_semaphore, #tpu.memory_space<semaphore_mem>>) src(%dma_wait3A_1560 : memref<16x1024xf32, #tpu.memory_space<vmem>>) dst(%dma_wait3A_1556 : memref<16x1024xf32, #tpu.memory_space<hbm>>)
    %add3A_1561 = arith.constant 8192 : i32
    %add3A_1562 = arith.addi %add3A_1561, %mul3A_2 : i32
    %add3A_1563 = arith.constant 80 : i32
    %add3A_1564 = arith.addi %add3A_1562, %add3A_1563 : i32
    %dma_start3A_1565 = arith.constant 2 : i32
    %dma_start3A_1566 = arith.constant 2 : i32
    %dma_start3A_1567 = arith.constant 0 : i32
    %dma_start3A_1568 = arith.constant 0 : i32
    %dma_start3A_1569 = tpu.memref_slice %arg6[%dma_start3A_1565, %dma_start3A_1567, %dma_start3A_1568] : memref<5x16x1024xf32, #tpu.memory_space<vmem>> -> memref<1x16x1024xf32, #tpu.memory_space<vmem>>
    %dma_start3A_1570 = tpu.memref_squeeze %dma_start3A_1569 : memref<1x16x1024xf32, #tpu.memory_space<vmem>> -> memref<16x1024xf32, #tpu.memory_space<vmem>>
    %dma_start3A_1571 = arith.constant 0 : i32
    %dma_start3A_1572 = tpu.memref_slice %arg2[%add3A_1564, %dma_start3A_1571] : memref<16384x1024xf32, #tpu.memory_space<hbm>> -> memref<16x1024xf32, #tpu.memory_space<hbm>>
    %dma_start3A_1573 = tpu.memref_slice %arg7[%dma_start3A_1566] : memref<5x!tpu.dma_semaphore, #tpu.memory_space<semaphore_mem>> -> memref<1x!tpu.dma_semaphore, #tpu.memory_space<semaphore_mem>>
    %dma_start3A_1574 = tpu.memref_squeeze %dma_start3A_1573 : memref<1x!tpu.dma_semaphore, #tpu.memory_space<semaphore_mem>> -> memref<!tpu.dma_semaphore, #tpu.memory_space<semaphore_mem>>
    %dma_start3A_1575 = arith.constant 0 : i32
    %dma_start3A_1576 = arith.constant 0 : i32
    %dma_start3A_1577 = tpu.memref_slice %arg6[%dma_start3A_1565, %dma_start3A_1575, %dma_start3A_1576] : memref<5x16x1024xf32, #tpu.memory_space<vmem>> -> memref<1x16x1024xf32, #tpu.memory_space<vmem>>
    %dma_start3A_1578 = tpu.memref_squeeze %dma_start3A_1577 : memref<1x16x1024xf32, #tpu.memory_space<vmem>> -> memref<16x1024xf32, #tpu.memory_space<vmem>>
    %dma_start3A_1579 = arith.constant 0 : i32
    %dma_start3A_1580 = tpu.memref_slice %arg2[%add3A_1564, %dma_start3A_1579] : memref<16384x1024xf32, #tpu.memory_space<hbm>> -> memref<16x1024xf32, #tpu.memory_space<hbm>>
    tpu.enqueue_dma source(%dma_start3A_1580 : memref<16x1024xf32, #tpu.memory_space<hbm>>) target(%dma_start3A_1578 : memref<16x1024xf32, #tpu.memory_space<vmem>>) target_semaphore(%dma_start3A_1574 : memref<!tpu.dma_semaphore, #tpu.memory_space<semaphore_mem>>)
    %add3A_1581 = arith.constant 0 : i32
    %add3A_1582 = arith.addi %add3A_1581, %mul3A_2 : i32
    %add3A_1583 = arith.constant 80 : i32
    %add3A_1584 = arith.addi %add3A_1582, %add3A_1583 : i32
    %dma_wait3A_1585 = arith.constant 0 : i32
    %dma_wait3A_1586 = arith.constant 0 : i32
    %dma_wait3A_1587 = arith.constant 0 : i32
    %dma_wait3A_1588 = arith.constant 0 : i32
    %dma_wait3A_1589 = tpu.memref_slice %arg6[%dma_wait3A_1585, %dma_wait3A_1587, %dma_wait3A_1588] : memref<5x16x1024xf32, #tpu.memory_space<vmem>> -> memref<1x16x1024xf32, #tpu.memory_space<vmem>>
    %dma_wait3A_1590 = tpu.memref_squeeze %dma_wait3A_1589 : memref<1x16x1024xf32, #tpu.memory_space<vmem>> -> memref<16x1024xf32, #tpu.memory_space<vmem>>
    %dma_wait3A_1591 = arith.constant 0 : i32
    %dma_wait3A_1592 = tpu.memref_slice %arg2[%add3A_1584, %dma_wait3A_1591] : memref<16384x1024xf32, #tpu.memory_space<hbm>> -> memref<16x1024xf32, #tpu.memory_space<hbm>>
    %dma_wait3A_1593 = tpu.memref_slice %arg7[%dma_wait3A_1586] : memref<5x!tpu.dma_semaphore, #tpu.memory_space<semaphore_mem>> -> memref<1x!tpu.dma_semaphore, #tpu.memory_space<semaphore_mem>>
    %dma_wait3A_1594 = tpu.memref_squeeze %dma_wait3A_1593 : memref<1x!tpu.dma_semaphore, #tpu.memory_space<semaphore_mem>> -> memref<!tpu.dma_semaphore, #tpu.memory_space<semaphore_mem>>
    %dma_wait3A_1595 = arith.constant 0 : i32
    %dma_wait3A_1596 = arith.constant 0 : i32
    %dma_wait3A_1597 = tpu.memref_slice %arg6[%dma_wait3A_1585, %dma_wait3A_1595, %dma_wait3A_1596] : memref<5x16x1024xf32, #tpu.memory_space<vmem>> -> memref<1x16x1024xf32, #tpu.memory_space<vmem>>
    %dma_wait3A_1598 = tpu.memref_squeeze %dma_wait3A_1597 : memref<1x16x1024xf32, #tpu.memory_space<vmem>> -> memref<16x1024xf32, #tpu.memory_space<vmem>>
    %dma_wait3A_1599 = arith.constant 0 : i32
    %dma_wait3A_1600 = tpu.memref_slice %arg2[%add3A_1584, %dma_wait3A_1599] : memref<16384x1024xf32, #tpu.memory_space<hbm>> -> memref<16x1024xf32, #tpu.memory_space<hbm>>
    tpu.wait_dma2 semaphore(%dma_wait3A_1594 : memref<!tpu.dma_semaphore, #tpu.memory_space<semaphore_mem>>) src(%dma_wait3A_1600 : memref<16x1024xf32, #tpu.memory_space<hbm>>) dst(%dma_wait3A_1598 : memref<16x1024xf32, #tpu.memory_space<vmem>>)
    %add3A_1601 = arith.constant 8192 : i32
    %add3A_1602 = arith.addi %add3A_1601, %mul3A_2 : i32
    %add3A_1603 = arith.constant 64 : i32
    %add3A_1604 = arith.addi %add3A_1602, %add3A_1603 : i32
    %dma_start3A_1605 = arith.constant 3 : i32
    %dma_start3A_1606 = arith.constant 3 : i32
    %dma_start3A_1607 = arith.constant 0 : i32
    %dma_start3A_1608 = arith.constant 0 : i32
    %dma_start3A_1609 = tpu.memref_slice %arg6[%dma_start3A_1605, %dma_start3A_1607, %dma_start3A_1608] : memref<5x16x1024xf32, #tpu.memory_space<vmem>> -> memref<1x16x1024xf32, #tpu.memory_space<vmem>>
    %dma_start3A_1610 = tpu.memref_squeeze %dma_start3A_1609 : memref<1x16x1024xf32, #tpu.memory_space<vmem>> -> memref<16x1024xf32, #tpu.memory_space<vmem>>
    %dma_start3A_1611 = arith.constant 0 : i32
    %dma_start3A_1612 = tpu.memref_slice %arg4[%add3A_1604, %dma_start3A_1611] : memref<16384x1024xf32, #tpu.memory_space<hbm>> -> memref<16x1024xf32, #tpu.memory_space<hbm>>
    %dma_start3A_1613 = tpu.memref_slice %arg9[%dma_start3A_1606] : memref<5x!tpu.dma_semaphore, #tpu.memory_space<semaphore_mem>> -> memref<1x!tpu.dma_semaphore, #tpu.memory_space<semaphore_mem>>
    %dma_start3A_1614 = tpu.memref_squeeze %dma_start3A_1613 : memref<1x!tpu.dma_semaphore, #tpu.memory_space<semaphore_mem>> -> memref<!tpu.dma_semaphore, #tpu.memory_space<semaphore_mem>>
    %dma_start3A_1615 = arith.constant 0 : i32
    %dma_start3A_1616 = tpu.memref_slice %arg4[%add3A_1604, %dma_start3A_1615] : memref<16384x1024xf32, #tpu.memory_space<hbm>> -> memref<16x1024xf32, #tpu.memory_space<hbm>>
    %dma_start3A_1617 = arith.constant 0 : i32
    %dma_start3A_1618 = arith.constant 0 : i32
    %dma_start3A_1619 = tpu.memref_slice %arg6[%dma_start3A_1605, %dma_start3A_1617, %dma_start3A_1618] : memref<5x16x1024xf32, #tpu.memory_space<vmem>> -> memref<1x16x1024xf32, #tpu.memory_space<vmem>>
    %dma_start3A_1620 = tpu.memref_squeeze %dma_start3A_1619 : memref<1x16x1024xf32, #tpu.memory_space<vmem>> -> memref<16x1024xf32, #tpu.memory_space<vmem>>
    tpu.enqueue_dma source(%dma_start3A_1620 : memref<16x1024xf32, #tpu.memory_space<vmem>>) target(%dma_start3A_1616 : memref<16x1024xf32, #tpu.memory_space<hbm>>) target_semaphore(%dma_start3A_1614 : memref<!tpu.dma_semaphore, #tpu.memory_space<semaphore_mem>>)
    %add3A_1621 = arith.constant 8192 : i32
    %add3A_1622 = arith.addi %add3A_1621, %mul3A_2 : i32
    %add3A_1623 = arith.constant 64 : i32
    %add3A_1624 = arith.addi %add3A_1622, %add3A_1623 : i32
    %dma_wait3A_1625 = arith.constant 3 : i32
    %dma_wait3A_1626 = arith.constant 3 : i32
    %dma_wait3A_1627 = arith.constant 0 : i32
    %dma_wait3A_1628 = arith.constant 0 : i32
    %dma_wait3A_1629 = tpu.memref_slice %arg6[%dma_wait3A_1625, %dma_wait3A_1627, %dma_wait3A_1628] : memref<5x16x1024xf32, #tpu.memory_space<vmem>> -> memref<1x16x1024xf32, #tpu.memory_space<vmem>>
    %dma_wait3A_1630 = tpu.memref_squeeze %dma_wait3A_1629 : memref<1x16x1024xf32, #tpu.memory_space<vmem>> -> memref<16x1024xf32, #tpu.memory_space<vmem>>
    %dma_wait3A_1631 = arith.constant 0 : i32
    %dma_wait3A_1632 = tpu.memref_slice %arg4[%add3A_1624, %dma_wait3A_1631] : memref<16384x1024xf32, #tpu.memory_space<hbm>> -> memref<16x1024xf32, #tpu.memory_space<hbm>>
    %dma_wait3A_1633 = tpu.memref_slice %arg9[%dma_wait3A_1626] : memref<5x!tpu.dma_semaphore, #tpu.memory_space<semaphore_mem>> -> memref<1x!tpu.dma_semaphore, #tpu.memory_space<semaphore_mem>>
    %dma_wait3A_1634 = tpu.memref_squeeze %dma_wait3A_1633 : memref<1x!tpu.dma_semaphore, #tpu.memory_space<semaphore_mem>> -> memref<!tpu.dma_semaphore, #tpu.memory_space<semaphore_mem>>
    %dma_wait3A_1635 = arith.constant 0 : i32
    %dma_wait3A_1636 = tpu.memref_slice %arg4[%add3A_1624, %dma_wait3A_1635] : memref<16384x1024xf32, #tpu.memory_space<hbm>> -> memref<16x1024xf32, #tpu.memory_space<hbm>>
    %dma_wait3A_1637 = arith.constant 0 : i32
    %dma_wait3A_1638 = arith.constant 0 : i32
    %dma_wait3A_1639 = tpu.memref_slice %arg6[%dma_wait3A_1625, %dma_wait3A_1637, %dma_wait3A_1638] : memref<5x16x1024xf32, #tpu.memory_space<vmem>> -> memref<1x16x1024xf32, #tpu.memory_space<vmem>>
    %dma_wait3A_1640 = tpu.memref_squeeze %dma_wait3A_1639 : memref<1x16x1024xf32, #tpu.memory_space<vmem>> -> memref<16x1024xf32, #tpu.memory_space<vmem>>
    tpu.wait_dma2 semaphore(%dma_wait3A_1634 : memref<!tpu.dma_semaphore, #tpu.memory_space<semaphore_mem>>) src(%dma_wait3A_1640 : memref<16x1024xf32, #tpu.memory_space<vmem>>) dst(%dma_wait3A_1636 : memref<16x1024xf32, #tpu.memory_space<hbm>>)
    %add3A_1641 = arith.constant 12288 : i32
    %add3A_1642 = arith.addi %add3A_1641, %mul3A_2 : i32
    %add3A_1643 = arith.constant 80 : i32
    %add3A_1644 = arith.addi %add3A_1642, %add3A_1643 : i32
    %dma_start3A_1645 = arith.constant 3 : i32
    %dma_start3A_1646 = arith.constant 3 : i32
    %dma_start3A_1647 = arith.constant 0 : i32
    %dma_start3A_1648 = arith.constant 0 : i32
    %dma_start3A_1649 = tpu.memref_slice %arg6[%dma_start3A_1645, %dma_start3A_1647, %dma_start3A_1648] : memref<5x16x1024xf32, #tpu.memory_space<vmem>> -> memref<1x16x1024xf32, #tpu.memory_space<vmem>>
    %dma_start3A_1650 = tpu.memref_squeeze %dma_start3A_1649 : memref<1x16x1024xf32, #tpu.memory_space<vmem>> -> memref<16x1024xf32, #tpu.memory_space<vmem>>
    %dma_start3A_1651 = arith.constant 0 : i32
    %dma_start3A_1652 = tpu.memref_slice %arg2[%add3A_1644, %dma_start3A_1651] : memref<16384x1024xf32, #tpu.memory_space<hbm>> -> memref<16x1024xf32, #tpu.memory_space<hbm>>
    %dma_start3A_1653 = tpu.memref_slice %arg7[%dma_start3A_1646] : memref<5x!tpu.dma_semaphore, #tpu.memory_space<semaphore_mem>> -> memref<1x!tpu.dma_semaphore, #tpu.memory_space<semaphore_mem>>
    %dma_start3A_1654 = tpu.memref_squeeze %dma_start3A_1653 : memref<1x!tpu.dma_semaphore, #tpu.memory_space<semaphore_mem>> -> memref<!tpu.dma_semaphore, #tpu.memory_space<semaphore_mem>>
    %dma_start3A_1655 = arith.constant 0 : i32
    %dma_start3A_1656 = arith.constant 0 : i32
    %dma_start3A_1657 = tpu.memref_slice %arg6[%dma_start3A_1645, %dma_start3A_1655, %dma_start3A_1656] : memref<5x16x1024xf32, #tpu.memory_space<vmem>> -> memref<1x16x1024xf32, #tpu.memory_space<vmem>>
    %dma_start3A_1658 = tpu.memref_squeeze %dma_start3A_1657 : memref<1x16x1024xf32, #tpu.memory_space<vmem>> -> memref<16x1024xf32, #tpu.memory_space<vmem>>
    %dma_start3A_1659 = arith.constant 0 : i32
    %dma_start3A_1660 = tpu.memref_slice %arg2[%add3A_1644, %dma_start3A_1659] : memref<16384x1024xf32, #tpu.memory_space<hbm>> -> memref<16x1024xf32, #tpu.memory_space<hbm>>
    tpu.enqueue_dma source(%dma_start3A_1660 : memref<16x1024xf32, #tpu.memory_space<hbm>>) target(%dma_start3A_1658 : memref<16x1024xf32, #tpu.memory_space<vmem>>) target_semaphore(%dma_start3A_1654 : memref<!tpu.dma_semaphore, #tpu.memory_space<semaphore_mem>>)
    %add3A_1661 = arith.constant 4096 : i32
    %add3A_1662 = arith.addi %add3A_1661, %mul3A_2 : i32
    %add3A_1663 = arith.constant 80 : i32
    %add3A_1664 = arith.addi %add3A_1662, %add3A_1663 : i32
    %dma_wait3A_1665 = arith.constant 1 : i32
    %dma_wait3A_1666 = arith.constant 1 : i32
    %dma_wait3A_1667 = arith.constant 0 : i32
    %dma_wait3A_1668 = arith.constant 0 : i32
    %dma_wait3A_1669 = tpu.memref_slice %arg6[%dma_wait3A_1665, %dma_wait3A_1667, %dma_wait3A_1668] : memref<5x16x1024xf32, #tpu.memory_space<vmem>> -> memref<1x16x1024xf32, #tpu.memory_space<vmem>>
    %dma_wait3A_1670 = tpu.memref_squeeze %dma_wait3A_1669 : memref<1x16x1024xf32, #tpu.memory_space<vmem>> -> memref<16x1024xf32, #tpu.memory_space<vmem>>
    %dma_wait3A_1671 = arith.constant 0 : i32
    %dma_wait3A_1672 = tpu.memref_slice %arg2[%add3A_1664, %dma_wait3A_1671] : memref<16384x1024xf32, #tpu.memory_space<hbm>> -> memref<16x1024xf32, #tpu.memory_space<hbm>>
    %dma_wait3A_1673 = tpu.memref_slice %arg7[%dma_wait3A_1666] : memref<5x!tpu.dma_semaphore, #tpu.memory_space<semaphore_mem>> -> memref<1x!tpu.dma_semaphore, #tpu.memory_space<semaphore_mem>>
    %dma_wait3A_1674 = tpu.memref_squeeze %dma_wait3A_1673 : memref<1x!tpu.dma_semaphore, #tpu.memory_space<semaphore_mem>> -> memref<!tpu.dma_semaphore, #tpu.memory_space<semaphore_mem>>
    %dma_wait3A_1675 = arith.constant 0 : i32
    %dma_wait3A_1676 = arith.constant 0 : i32
    %dma_wait3A_1677 = tpu.memref_slice %arg6[%dma_wait3A_1665, %dma_wait3A_1675, %dma_wait3A_1676] : memref<5x16x1024xf32, #tpu.memory_space<vmem>> -> memref<1x16x1024xf32, #tpu.memory_space<vmem>>
    %dma_wait3A_1678 = tpu.memref_squeeze %dma_wait3A_1677 : memref<1x16x1024xf32, #tpu.memory_space<vmem>> -> memref<16x1024xf32, #tpu.memory_space<vmem>>
    %dma_wait3A_1679 = arith.constant 0 : i32
    %dma_wait3A_1680 = tpu.memref_slice %arg2[%add3A_1664, %dma_wait3A_1679] : memref<16384x1024xf32, #tpu.memory_space<hbm>> -> memref<16x1024xf32, #tpu.memory_space<hbm>>
    tpu.wait_dma2 semaphore(%dma_wait3A_1674 : memref<!tpu.dma_semaphore, #tpu.memory_space<semaphore_mem>>) src(%dma_wait3A_1680 : memref<16x1024xf32, #tpu.memory_space<hbm>>) dst(%dma_wait3A_1678 : memref<16x1024xf32, #tpu.memory_space<vmem>>)
    %add3A_1681 = arith.constant 12288 : i32
    %add3A_1682 = arith.addi %add3A_1681, %mul3A_2 : i32
    %add3A_1683 = arith.constant 64 : i32
    %add3A_1684 = arith.addi %add3A_1682, %add3A_1683 : i32
    %dma_start3A_1685 = arith.constant 4 : i32
    %dma_start3A_1686 = arith.constant 4 : i32
    %dma_start3A_1687 = arith.constant 0 : i32
    %dma_start3A_1688 = arith.constant 0 : i32
    %dma_start3A_1689 = tpu.memref_slice %arg6[%dma_start3A_1685, %dma_start3A_1687, %dma_start3A_1688] : memref<5x16x1024xf32, #tpu.memory_space<vmem>> -> memref<1x16x1024xf32, #tpu.memory_space<vmem>>
    %dma_start3A_1690 = tpu.memref_squeeze %dma_start3A_1689 : memref<1x16x1024xf32, #tpu.memory_space<vmem>> -> memref<16x1024xf32, #tpu.memory_space<vmem>>
    %dma_start3A_1691 = arith.constant 0 : i32
    %dma_start3A_1692 = tpu.memref_slice %arg4[%add3A_1684, %dma_start3A_1691] : memref<16384x1024xf32, #tpu.memory_space<hbm>> -> memref<16x1024xf32, #tpu.memory_space<hbm>>
    %dma_start3A_1693 = tpu.memref_slice %arg9[%dma_start3A_1686] : memref<5x!tpu.dma_semaphore, #tpu.memory_space<semaphore_mem>> -> memref<1x!tpu.dma_semaphore, #tpu.memory_space<semaphore_mem>>
    %dma_start3A_1694 = tpu.memref_squeeze %dma_start3A_1693 : memref<1x!tpu.dma_semaphore, #tpu.memory_space<semaphore_mem>> -> memref<!tpu.dma_semaphore, #tpu.memory_space<semaphore_mem>>
    %dma_start3A_1695 = arith.constant 0 : i32
    %dma_start3A_1696 = tpu.memref_slice %arg4[%add3A_1684, %dma_start3A_1695] : memref<16384x1024xf32, #tpu.memory_space<hbm>> -> memref<16x1024xf32, #tpu.memory_space<hbm>>
    %dma_start3A_1697 = arith.constant 0 : i32
    %dma_start3A_1698 = arith.constant 0 : i32
    %dma_start3A_1699 = tpu.memref_slice %arg6[%dma_start3A_1685, %dma_start3A_1697, %dma_start3A_1698] : memref<5x16x1024xf32, #tpu.memory_space<vmem>> -> memref<1x16x1024xf32, #tpu.memory_space<vmem>>
    %dma_start3A_1700 = tpu.memref_squeeze %dma_start3A_1699 : memref<1x16x1024xf32, #tpu.memory_space<vmem>> -> memref<16x1024xf32, #tpu.memory_space<vmem>>
    tpu.enqueue_dma source(%dma_start3A_1700 : memref<16x1024xf32, #tpu.memory_space<vmem>>) target(%dma_start3A_1696 : memref<16x1024xf32, #tpu.memory_space<hbm>>) target_semaphore(%dma_start3A_1694 : memref<!tpu.dma_semaphore, #tpu.memory_space<semaphore_mem>>)
    %add3A_1701 = arith.constant 12288 : i32
    %add3A_1702 = arith.addi %add3A_1701, %mul3A_2 : i32
    %add3A_1703 = arith.constant 64 : i32
    %add3A_1704 = arith.addi %add3A_1702, %add3A_1703 : i32
    %dma_wait3A_1705 = arith.constant 4 : i32
    %dma_wait3A_1706 = arith.constant 4 : i32
    %dma_wait3A_1707 = arith.constant 0 : i32
    %dma_wait3A_1708 = arith.constant 0 : i32
    %dma_wait3A_1709 = tpu.memref_slice %arg6[%dma_wait3A_1705, %dma_wait3A_1707, %dma_wait3A_1708] : memref<5x16x1024xf32, #tpu.memory_space<vmem>> -> memref<1x16x1024xf32, #tpu.memory_space<vmem>>
    %dma_wait3A_1710 = tpu.memref_squeeze %dma_wait3A_1709 : memref<1x16x1024xf32, #tpu.memory_space<vmem>> -> memref<16x1024xf32, #tpu.memory_space<vmem>>
    %dma_wait3A_1711 = arith.constant 0 : i32
    %dma_wait3A_1712 = tpu.memref_slice %arg4[%add3A_1704, %dma_wait3A_1711] : memref<16384x1024xf32, #tpu.memory_space<hbm>> -> memref<16x1024xf32, #tpu.memory_space<hbm>>
    %dma_wait3A_1713 = tpu.memref_slice %arg9[%dma_wait3A_1706] : memref<5x!tpu.dma_semaphore, #tpu.memory_space<semaphore_mem>> -> memref<1x!tpu.dma_semaphore, #tpu.memory_space<semaphore_mem>>
    %dma_wait3A_1714 = tpu.memref_squeeze %dma_wait3A_1713 : memref<1x!tpu.dma_semaphore, #tpu.memory_space<semaphore_mem>> -> memref<!tpu.dma_semaphore, #tpu.memory_space<semaphore_mem>>
    %dma_wait3A_1715 = arith.constant 0 : i32
    %dma_wait3A_1716 = tpu.memref_slice %arg4[%add3A_1704, %dma_wait3A_1715] : memref<16384x1024xf32, #tpu.memory_space<hbm>> -> memref<16x1024xf32, #tpu.memory_space<hbm>>
    %dma_wait3A_1717 = arith.constant 0 : i32
    %dma_wait3A_1718 = arith.constant 0 : i32
    %dma_wait3A_1719 = tpu.memref_slice %arg6[%dma_wait3A_1705, %dma_wait3A_1717, %dma_wait3A_1718] : memref<5x16x1024xf32, #tpu.memory_space<vmem>> -> memref<1x16x1024xf32, #tpu.memory_space<vmem>>
    %dma_wait3A_1720 = tpu.memref_squeeze %dma_wait3A_1719 : memref<1x16x1024xf32, #tpu.memory_space<vmem>> -> memref<16x1024xf32, #tpu.memory_space<vmem>>
    tpu.wait_dma2 semaphore(%dma_wait3A_1714 : memref<!tpu.dma_semaphore, #tpu.memory_space<semaphore_mem>>) src(%dma_wait3A_1720 : memref<16x1024xf32, #tpu.memory_space<vmem>>) dst(%dma_wait3A_1716 : memref<16x1024xf32, #tpu.memory_space<hbm>>)
    %add3A_1721 = arith.constant 0 : i32
    %add3A_1722 = arith.addi %add3A_1721, %mul3A_2 : i32
    %add3A_1723 = arith.constant 96 : i32
    %add3A_1724 = arith.addi %add3A_1722, %add3A_1723 : i32
    %dma_start3A_1725 = arith.constant 4 : i32
    %dma_start3A_1726 = arith.constant 4 : i32
    %dma_start3A_1727 = arith.constant 0 : i32
    %dma_start3A_1728 = arith.constant 0 : i32
    %dma_start3A_1729 = tpu.memref_slice %arg6[%dma_start3A_1725, %dma_start3A_1727, %dma_start3A_1728] : memref<5x16x1024xf32, #tpu.memory_space<vmem>> -> memref<1x16x1024xf32, #tpu.memory_space<vmem>>
    %dma_start3A_1730 = tpu.memref_squeeze %dma_start3A_1729 : memref<1x16x1024xf32, #tpu.memory_space<vmem>> -> memref<16x1024xf32, #tpu.memory_space<vmem>>
    %dma_start3A_1731 = arith.constant 0 : i32
    %dma_start3A_1732 = tpu.memref_slice %arg2[%add3A_1724, %dma_start3A_1731] : memref<16384x1024xf32, #tpu.memory_space<hbm>> -> memref<16x1024xf32, #tpu.memory_space<hbm>>
    %dma_start3A_1733 = tpu.memref_slice %arg7[%dma_start3A_1726] : memref<5x!tpu.dma_semaphore, #tpu.memory_space<semaphore_mem>> -> memref<1x!tpu.dma_semaphore, #tpu.memory_space<semaphore_mem>>
    %dma_start3A_1734 = tpu.memref_squeeze %dma_start3A_1733 : memref<1x!tpu.dma_semaphore, #tpu.memory_space<semaphore_mem>> -> memref<!tpu.dma_semaphore, #tpu.memory_space<semaphore_mem>>
    %dma_start3A_1735 = arith.constant 0 : i32
    %dma_start3A_1736 = arith.constant 0 : i32
    %dma_start3A_1737 = tpu.memref_slice %arg6[%dma_start3A_1725, %dma_start3A_1735, %dma_start3A_1736] : memref<5x16x1024xf32, #tpu.memory_space<vmem>> -> memref<1x16x1024xf32, #tpu.memory_space<vmem>>
    %dma_start3A_1738 = tpu.memref_squeeze %dma_start3A_1737 : memref<1x16x1024xf32, #tpu.memory_space<vmem>> -> memref<16x1024xf32, #tpu.memory_space<vmem>>
    %dma_start3A_1739 = arith.constant 0 : i32
    %dma_start3A_1740 = tpu.memref_slice %arg2[%add3A_1724, %dma_start3A_1739] : memref<16384x1024xf32, #tpu.memory_space<hbm>> -> memref<16x1024xf32, #tpu.memory_space<hbm>>
    tpu.enqueue_dma source(%dma_start3A_1740 : memref<16x1024xf32, #tpu.memory_space<hbm>>) target(%dma_start3A_1738 : memref<16x1024xf32, #tpu.memory_space<vmem>>) target_semaphore(%dma_start3A_1734 : memref<!tpu.dma_semaphore, #tpu.memory_space<semaphore_mem>>)
    %add3A_1741 = arith.constant 8192 : i32
    %add3A_1742 = arith.addi %add3A_1741, %mul3A_2 : i32
    %add3A_1743 = arith.constant 80 : i32
    %add3A_1744 = arith.addi %add3A_1742, %add3A_1743 : i32
    %dma_wait3A_1745 = arith.constant 2 : i32
    %dma_wait3A_1746 = arith.constant 2 : i32
    %dma_wait3A_1747 = arith.constant 0 : i32
    %dma_wait3A_1748 = arith.constant 0 : i32
    %dma_wait3A_1749 = tpu.memref_slice %arg6[%dma_wait3A_1745, %dma_wait3A_1747, %dma_wait3A_1748] : memref<5x16x1024xf32, #tpu.memory_space<vmem>> -> memref<1x16x1024xf32, #tpu.memory_space<vmem>>
    %dma_wait3A_1750 = tpu.memref_squeeze %dma_wait3A_1749 : memref<1x16x1024xf32, #tpu.memory_space<vmem>> -> memref<16x1024xf32, #tpu.memory_space<vmem>>
    %dma_wait3A_1751 = arith.constant 0 : i32
    %dma_wait3A_1752 = tpu.memref_slice %arg2[%add3A_1744, %dma_wait3A_1751] : memref<16384x1024xf32, #tpu.memory_space<hbm>> -> memref<16x1024xf32, #tpu.memory_space<hbm>>
    %dma_wait3A_1753 = tpu.memref_slice %arg7[%dma_wait3A_1746] : memref<5x!tpu.dma_semaphore, #tpu.memory_space<semaphore_mem>> -> memref<1x!tpu.dma_semaphore, #tpu.memory_space<semaphore_mem>>
    %dma_wait3A_1754 = tpu.memref_squeeze %dma_wait3A_1753 : memref<1x!tpu.dma_semaphore, #tpu.memory_space<semaphore_mem>> -> memref<!tpu.dma_semaphore, #tpu.memory_space<semaphore_mem>>
    %dma_wait3A_1755 = arith.constant 0 : i32
    %dma_wait3A_1756 = arith.constant 0 : i32
    %dma_wait3A_1757 = tpu.memref_slice %arg6[%dma_wait3A_1745, %dma_wait3A_1755, %dma_wait3A_1756] : memref<5x16x1024xf32, #tpu.memory_space<vmem>> -> memref<1x16x1024xf32, #tpu.memory_space<vmem>>
    %dma_wait3A_1758 = tpu.memref_squeeze %dma_wait3A_1757 : memref<1x16x1024xf32, #tpu.memory_space<vmem>> -> memref<16x1024xf32, #tpu.memory_space<vmem>>
    %dma_wait3A_1759 = arith.constant 0 : i32
    %dma_wait3A_1760 = tpu.memref_slice %arg2[%add3A_1744, %dma_wait3A_1759] : memref<16384x1024xf32, #tpu.memory_space<hbm>> -> memref<16x1024xf32, #tpu.memory_space<hbm>>
    tpu.wait_dma2 semaphore(%dma_wait3A_1754 : memref<!tpu.dma_semaphore, #tpu.memory_space<semaphore_mem>>) src(%dma_wait3A_1760 : memref<16x1024xf32, #tpu.memory_space<hbm>>) dst(%dma_wait3A_1758 : memref<16x1024xf32, #tpu.memory_space<vmem>>)
    %add3A_1761 = arith.constant 0 : i32
    %add3A_1762 = arith.addi %add3A_1761, %mul3A_2 : i32
    %add3A_1763 = arith.constant 80 : i32
    %add3A_1764 = arith.addi %add3A_1762, %add3A_1763 : i32
    %dma_start3A_1765 = arith.constant 0 : i32
    %dma_start3A_1766 = arith.constant 0 : i32
    %dma_start3A_1767 = arith.constant 0 : i32
    %dma_start3A_1768 = arith.constant 0 : i32
    %dma_start3A_1769 = tpu.memref_slice %arg6[%dma_start3A_1765, %dma_start3A_1767, %dma_start3A_1768] : memref<5x16x1024xf32, #tpu.memory_space<vmem>> -> memref<1x16x1024xf32, #tpu.memory_space<vmem>>
    %dma_start3A_1770 = tpu.memref_squeeze %dma_start3A_1769 : memref<1x16x1024xf32, #tpu.memory_space<vmem>> -> memref<16x1024xf32, #tpu.memory_space<vmem>>
    %dma_start3A_1771 = arith.constant 0 : i32
    %dma_start3A_1772 = tpu.memref_slice %arg4[%add3A_1764, %dma_start3A_1771] : memref<16384x1024xf32, #tpu.memory_space<hbm>> -> memref<16x1024xf32, #tpu.memory_space<hbm>>
    %dma_start3A_1773 = tpu.memref_slice %arg9[%dma_start3A_1766] : memref<5x!tpu.dma_semaphore, #tpu.memory_space<semaphore_mem>> -> memref<1x!tpu.dma_semaphore, #tpu.memory_space<semaphore_mem>>
    %dma_start3A_1774 = tpu.memref_squeeze %dma_start3A_1773 : memref<1x!tpu.dma_semaphore, #tpu.memory_space<semaphore_mem>> -> memref<!tpu.dma_semaphore, #tpu.memory_space<semaphore_mem>>
    %dma_start3A_1775 = arith.constant 0 : i32
    %dma_start3A_1776 = tpu.memref_slice %arg4[%add3A_1764, %dma_start3A_1775] : memref<16384x1024xf32, #tpu.memory_space<hbm>> -> memref<16x1024xf32, #tpu.memory_space<hbm>>
    %dma_start3A_1777 = arith.constant 0 : i32
    %dma_start3A_1778 = arith.constant 0 : i32
    %dma_start3A_1779 = tpu.memref_slice %arg6[%dma_start3A_1765, %dma_start3A_1777, %dma_start3A_1778] : memref<5x16x1024xf32, #tpu.memory_space<vmem>> -> memref<1x16x1024xf32, #tpu.memory_space<vmem>>
    %dma_start3A_1780 = tpu.memref_squeeze %dma_start3A_1779 : memref<1x16x1024xf32, #tpu.memory_space<vmem>> -> memref<16x1024xf32, #tpu.memory_space<vmem>>
    tpu.enqueue_dma source(%dma_start3A_1780 : memref<16x1024xf32, #tpu.memory_space<vmem>>) target(%dma_start3A_1776 : memref<16x1024xf32, #tpu.memory_space<hbm>>) target_semaphore(%dma_start3A_1774 : memref<!tpu.dma_semaphore, #tpu.memory_space<semaphore_mem>>)
    %add3A_1781 = arith.constant 0 : i32
    %add3A_1782 = arith.addi %add3A_1781, %mul3A_2 : i32
    %add3A_1783 = arith.constant 80 : i32
    %add3A_1784 = arith.addi %add3A_1782, %add3A_1783 : i32
    %dma_wait3A_1785 = arith.constant 0 : i32
    %dma_wait3A_1786 = arith.constant 0 : i32
    %dma_wait3A_1787 = arith.constant 0 : i32
    %dma_wait3A_1788 = arith.constant 0 : i32
    %dma_wait3A_1789 = tpu.memref_slice %arg6[%dma_wait3A_1785, %dma_wait3A_1787, %dma_wait3A_1788] : memref<5x16x1024xf32, #tpu.memory_space<vmem>> -> memref<1x16x1024xf32, #tpu.memory_space<vmem>>
    %dma_wait3A_1790 = tpu.memref_squeeze %dma_wait3A_1789 : memref<1x16x1024xf32, #tpu.memory_space<vmem>> -> memref<16x1024xf32, #tpu.memory_space<vmem>>
    %dma_wait3A_1791 = arith.constant 0 : i32
    %dma_wait3A_1792 = tpu.memref_slice %arg4[%add3A_1784, %dma_wait3A_1791] : memref<16384x1024xf32, #tpu.memory_space<hbm>> -> memref<16x1024xf32, #tpu.memory_space<hbm>>
    %dma_wait3A_1793 = tpu.memref_slice %arg9[%dma_wait3A_1786] : memref<5x!tpu.dma_semaphore, #tpu.memory_space<semaphore_mem>> -> memref<1x!tpu.dma_semaphore, #tpu.memory_space<semaphore_mem>>
    %dma_wait3A_1794 = tpu.memref_squeeze %dma_wait3A_1793 : memref<1x!tpu.dma_semaphore, #tpu.memory_space<semaphore_mem>> -> memref<!tpu.dma_semaphore, #tpu.memory_space<semaphore_mem>>
    %dma_wait3A_1795 = arith.constant 0 : i32
    %dma_wait3A_1796 = tpu.memref_slice %arg4[%add3A_1784, %dma_wait3A_1795] : memref<16384x1024xf32, #tpu.memory_space<hbm>> -> memref<16x1024xf32, #tpu.memory_space<hbm>>
    %dma_wait3A_1797 = arith.constant 0 : i32
    %dma_wait3A_1798 = arith.constant 0 : i32
    %dma_wait3A_1799 = tpu.memref_slice %arg6[%dma_wait3A_1785, %dma_wait3A_1797, %dma_wait3A_1798] : memref<5x16x1024xf32, #tpu.memory_space<vmem>> -> memref<1x16x1024xf32, #tpu.memory_space<vmem>>
    %dma_wait3A_1800 = tpu.memref_squeeze %dma_wait3A_1799 : memref<1x16x1024xf32, #tpu.memory_space<vmem>> -> memref<16x1024xf32, #tpu.memory_space<vmem>>
    tpu.wait_dma2 semaphore(%dma_wait3A_1794 : memref<!tpu.dma_semaphore, #tpu.memory_space<semaphore_mem>>) src(%dma_wait3A_1800 : memref<16x1024xf32, #tpu.memory_space<vmem>>) dst(%dma_wait3A_1796 : memref<16x1024xf32, #tpu.memory_space<hbm>>)
    %add3A_1801 = arith.constant 4096 : i32
    %add3A_1802 = arith.addi %add3A_1801, %mul3A_2 : i32
    %add3A_1803 = arith.constant 96 : i32
    %add3A_1804 = arith.addi %add3A_1802, %add3A_1803 : i32
    %dma_start3A_1805 = arith.constant 0 : i32
    %dma_start3A_1806 = arith.constant 0 : i32
    %dma_start3A_1807 = arith.constant 0 : i32
    %dma_start3A_1808 = arith.constant 0 : i32
    %dma_start3A_1809 = tpu.memref_slice %arg6[%dma_start3A_1805, %dma_start3A_1807, %dma_start3A_1808] : memref<5x16x1024xf32, #tpu.memory_space<vmem>> -> memref<1x16x1024xf32, #tpu.memory_space<vmem>>
    %dma_start3A_1810 = tpu.memref_squeeze %dma_start3A_1809 : memref<1x16x1024xf32, #tpu.memory_space<vmem>> -> memref<16x1024xf32, #tpu.memory_space<vmem>>
    %dma_start3A_1811 = arith.constant 0 : i32
    %dma_start3A_1812 = tpu.memref_slice %arg2[%add3A_1804, %dma_start3A_1811] : memref<16384x1024xf32, #tpu.memory_space<hbm>> -> memref<16x1024xf32, #tpu.memory_space<hbm>>
    %dma_start3A_1813 = tpu.memref_slice %arg7[%dma_start3A_1806] : memref<5x!tpu.dma_semaphore, #tpu.memory_space<semaphore_mem>> -> memref<1x!tpu.dma_semaphore, #tpu.memory_space<semaphore_mem>>
    %dma_start3A_1814 = tpu.memref_squeeze %dma_start3A_1813 : memref<1x!tpu.dma_semaphore, #tpu.memory_space<semaphore_mem>> -> memref<!tpu.dma_semaphore, #tpu.memory_space<semaphore_mem>>
    %dma_start3A_1815 = arith.constant 0 : i32
    %dma_start3A_1816 = arith.constant 0 : i32
    %dma_start3A_1817 = tpu.memref_slice %arg6[%dma_start3A_1805, %dma_start3A_1815, %dma_start3A_1816] : memref<5x16x1024xf32, #tpu.memory_space<vmem>> -> memref<1x16x1024xf32, #tpu.memory_space<vmem>>
    %dma_start3A_1818 = tpu.memref_squeeze %dma_start3A_1817 : memref<1x16x1024xf32, #tpu.memory_space<vmem>> -> memref<16x1024xf32, #tpu.memory_space<vmem>>
    %dma_start3A_1819 = arith.constant 0 : i32
    %dma_start3A_1820 = tpu.memref_slice %arg2[%add3A_1804, %dma_start3A_1819] : memref<16384x1024xf32, #tpu.memory_space<hbm>> -> memref<16x1024xf32, #tpu.memory_space<hbm>>
    tpu.enqueue_dma source(%dma_start3A_1820 : memref<16x1024xf32, #tpu.memory_space<hbm>>) target(%dma_start3A_1818 : memref<16x1024xf32, #tpu.memory_space<vmem>>) target_semaphore(%dma_start3A_1814 : memref<!tpu.dma_semaphore, #tpu.memory_space<semaphore_mem>>)
    %add3A_1821 = arith.constant 12288 : i32
    %add3A_1822 = arith.addi %add3A_1821, %mul3A_2 : i32
    %add3A_1823 = arith.constant 80 : i32
    %add3A_1824 = arith.addi %add3A_1822, %add3A_1823 : i32
    %dma_wait3A_1825 = arith.constant 3 : i32
    %dma_wait3A_1826 = arith.constant 3 : i32
    %dma_wait3A_1827 = arith.constant 0 : i32
    %dma_wait3A_1828 = arith.constant 0 : i32
    %dma_wait3A_1829 = tpu.memref_slice %arg6[%dma_wait3A_1825, %dma_wait3A_1827, %dma_wait3A_1828] : memref<5x16x1024xf32, #tpu.memory_space<vmem>> -> memref<1x16x1024xf32, #tpu.memory_space<vmem>>
    %dma_wait3A_1830 = tpu.memref_squeeze %dma_wait3A_1829 : memref<1x16x1024xf32, #tpu.memory_space<vmem>> -> memref<16x1024xf32, #tpu.memory_space<vmem>>
    %dma_wait3A_1831 = arith.constant 0 : i32
    %dma_wait3A_1832 = tpu.memref_slice %arg2[%add3A_1824, %dma_wait3A_1831] : memref<16384x1024xf32, #tpu.memory_space<hbm>> -> memref<16x1024xf32, #tpu.memory_space<hbm>>
    %dma_wait3A_1833 = tpu.memref_slice %arg7[%dma_wait3A_1826] : memref<5x!tpu.dma_semaphore, #tpu.memory_space<semaphore_mem>> -> memref<1x!tpu.dma_semaphore, #tpu.memory_space<semaphore_mem>>
    %dma_wait3A_1834 = tpu.memref_squeeze %dma_wait3A_1833 : memref<1x!tpu.dma_semaphore, #tpu.memory_space<semaphore_mem>> -> memref<!tpu.dma_semaphore, #tpu.memory_space<semaphore_mem>>
    %dma_wait3A_1835 = arith.constant 0 : i32
    %dma_wait3A_1836 = arith.constant 0 : i32
    %dma_wait3A_1837 = tpu.memref_slice %arg6[%dma_wait3A_1825, %dma_wait3A_1835, %dma_wait3A_1836] : memref<5x16x1024xf32, #tpu.memory_space<vmem>> -> memref<1x16x1024xf32, #tpu.memory_space<vmem>>
    %dma_wait3A_1838 = tpu.memref_squeeze %dma_wait3A_1837 : memref<1x16x1024xf32, #tpu.memory_space<vmem>> -> memref<16x1024xf32, #tpu.memory_space<vmem>>
    %dma_wait3A_1839 = arith.constant 0 : i32
    %dma_wait3A_1840 = tpu.memref_slice %arg2[%add3A_1824, %dma_wait3A_1839] : memref<16384x1024xf32, #tpu.memory_space<hbm>> -> memref<16x1024xf32, #tpu.memory_space<hbm>>
    tpu.wait_dma2 semaphore(%dma_wait3A_1834 : memref<!tpu.dma_semaphore, #tpu.memory_space<semaphore_mem>>) src(%dma_wait3A_1840 : memref<16x1024xf32, #tpu.memory_space<hbm>>) dst(%dma_wait3A_1838 : memref<16x1024xf32, #tpu.memory_space<vmem>>)
    %add3A_1841 = arith.constant 4096 : i32
    %add3A_1842 = arith.addi %add3A_1841, %mul3A_2 : i32
    %add3A_1843 = arith.constant 80 : i32
    %add3A_1844 = arith.addi %add3A_1842, %add3A_1843 : i32
    %dma_start3A_1845 = arith.constant 1 : i32
    %dma_start3A_1846 = arith.constant 1 : i32
    %dma_start3A_1847 = arith.constant 0 : i32
    %dma_start3A_1848 = arith.constant 0 : i32
    %dma_start3A_1849 = tpu.memref_slice %arg6[%dma_start3A_1845, %dma_start3A_1847, %dma_start3A_1848] : memref<5x16x1024xf32, #tpu.memory_space<vmem>> -> memref<1x16x1024xf32, #tpu.memory_space<vmem>>
    %dma_start3A_1850 = tpu.memref_squeeze %dma_start3A_1849 : memref<1x16x1024xf32, #tpu.memory_space<vmem>> -> memref<16x1024xf32, #tpu.memory_space<vmem>>
    %dma_start3A_1851 = arith.constant 0 : i32
    %dma_start3A_1852 = tpu.memref_slice %arg4[%add3A_1844, %dma_start3A_1851] : memref<16384x1024xf32, #tpu.memory_space<hbm>> -> memref<16x1024xf32, #tpu.memory_space<hbm>>
    %dma_start3A_1853 = tpu.memref_slice %arg9[%dma_start3A_1846] : memref<5x!tpu.dma_semaphore, #tpu.memory_space<semaphore_mem>> -> memref<1x!tpu.dma_semaphore, #tpu.memory_space<semaphore_mem>>
    %dma_start3A_1854 = tpu.memref_squeeze %dma_start3A_1853 : memref<1x!tpu.dma_semaphore, #tpu.memory_space<semaphore_mem>> -> memref<!tpu.dma_semaphore, #tpu.memory_space<semaphore_mem>>
    %dma_start3A_1855 = arith.constant 0 : i32
    %dma_start3A_1856 = tpu.memref_slice %arg4[%add3A_1844, %dma_start3A_1855] : memref<16384x1024xf32, #tpu.memory_space<hbm>> -> memref<16x1024xf32, #tpu.memory_space<hbm>>
    %dma_start3A_1857 = arith.constant 0 : i32
    %dma_start3A_1858 = arith.constant 0 : i32
    %dma_start3A_1859 = tpu.memref_slice %arg6[%dma_start3A_1845, %dma_start3A_1857, %dma_start3A_1858] : memref<5x16x1024xf32, #tpu.memory_space<vmem>> -> memref<1x16x1024xf32, #tpu.memory_space<vmem>>
    %dma_start3A_1860 = tpu.memref_squeeze %dma_start3A_1859 : memref<1x16x1024xf32, #tpu.memory_space<vmem>> -> memref<16x1024xf32, #tpu.memory_space<vmem>>
    tpu.enqueue_dma source(%dma_start3A_1860 : memref<16x1024xf32, #tpu.memory_space<vmem>>) target(%dma_start3A_1856 : memref<16x1024xf32, #tpu.memory_space<hbm>>) target_semaphore(%dma_start3A_1854 : memref<!tpu.dma_semaphore, #tpu.memory_space<semaphore_mem>>)
    %add3A_1861 = arith.constant 4096 : i32
    %add3A_1862 = arith.addi %add3A_1861, %mul3A_2 : i32
    %add3A_1863 = arith.constant 80 : i32
    %add3A_1864 = arith.addi %add3A_1862, %add3A_1863 : i32
    %dma_wait3A_1865 = arith.constant 1 : i32
    %dma_wait3A_1866 = arith.constant 1 : i32
    %dma_wait3A_1867 = arith.constant 0 : i32
    %dma_wait3A_1868 = arith.constant 0 : i32
    %dma_wait3A_1869 = tpu.memref_slice %arg6[%dma_wait3A_1865, %dma_wait3A_1867, %dma_wait3A_1868] : memref<5x16x1024xf32, #tpu.memory_space<vmem>> -> memref<1x16x1024xf32, #tpu.memory_space<vmem>>
    %dma_wait3A_1870 = tpu.memref_squeeze %dma_wait3A_1869 : memref<1x16x1024xf32, #tpu.memory_space<vmem>> -> memref<16x1024xf32, #tpu.memory_space<vmem>>
    %dma_wait3A_1871 = arith.constant 0 : i32
    %dma_wait3A_1872 = tpu.memref_slice %arg4[%add3A_1864, %dma_wait3A_1871] : memref<16384x1024xf32, #tpu.memory_space<hbm>> -> memref<16x1024xf32, #tpu.memory_space<hbm>>
    %dma_wait3A_1873 = tpu.memref_slice %arg9[%dma_wait3A_1866] : memref<5x!tpu.dma_semaphore, #tpu.memory_space<semaphore_mem>> -> memref<1x!tpu.dma_semaphore, #tpu.memory_space<semaphore_mem>>
    %dma_wait3A_1874 = tpu.memref_squeeze %dma_wait3A_1873 : memref<1x!tpu.dma_semaphore, #tpu.memory_space<semaphore_mem>> -> memref<!tpu.dma_semaphore, #tpu.memory_space<semaphore_mem>>
    %dma_wait3A_1875 = arith.constant 0 : i32
    %dma_wait3A_1876 = tpu.memref_slice %arg4[%add3A_1864, %dma_wait3A_1875] : memref<16384x1024xf32, #tpu.memory_space<hbm>> -> memref<16x1024xf32, #tpu.memory_space<hbm>>
    %dma_wait3A_1877 = arith.constant 0 : i32
    %dma_wait3A_1878 = arith.constant 0 : i32
    %dma_wait3A_1879 = tpu.memref_slice %arg6[%dma_wait3A_1865, %dma_wait3A_1877, %dma_wait3A_1878] : memref<5x16x1024xf32, #tpu.memory_space<vmem>> -> memref<1x16x1024xf32, #tpu.memory_space<vmem>>
    %dma_wait3A_1880 = tpu.memref_squeeze %dma_wait3A_1879 : memref<1x16x1024xf32, #tpu.memory_space<vmem>> -> memref<16x1024xf32, #tpu.memory_space<vmem>>
    tpu.wait_dma2 semaphore(%dma_wait3A_1874 : memref<!tpu.dma_semaphore, #tpu.memory_space<semaphore_mem>>) src(%dma_wait3A_1880 : memref<16x1024xf32, #tpu.memory_space<vmem>>) dst(%dma_wait3A_1876 : memref<16x1024xf32, #tpu.memory_space<hbm>>)
    %add3A_1881 = arith.constant 8192 : i32
    %add3A_1882 = arith.addi %add3A_1881, %mul3A_2 : i32
    %add3A_1883 = arith.constant 96 : i32
    %add3A_1884 = arith.addi %add3A_1882, %add3A_1883 : i32
    %dma_start3A_1885 = arith.constant 1 : i32
    %dma_start3A_1886 = arith.constant 1 : i32
    %dma_start3A_1887 = arith.constant 0 : i32
    %dma_start3A_1888 = arith.constant 0 : i32
    %dma_start3A_1889 = tpu.memref_slice %arg6[%dma_start3A_1885, %dma_start3A_1887, %dma_start3A_1888] : memref<5x16x1024xf32, #tpu.memory_space<vmem>> -> memref<1x16x1024xf32, #tpu.memory_space<vmem>>
    %dma_start3A_1890 = tpu.memref_squeeze %dma_start3A_1889 : memref<1x16x1024xf32, #tpu.memory_space<vmem>> -> memref<16x1024xf32, #tpu.memory_space<vmem>>
    %dma_start3A_1891 = arith.constant 0 : i32
    %dma_start3A_1892 = tpu.memref_slice %arg2[%add3A_1884, %dma_start3A_1891] : memref<16384x1024xf32, #tpu.memory_space<hbm>> -> memref<16x1024xf32, #tpu.memory_space<hbm>>
    %dma_start3A_1893 = tpu.memref_slice %arg7[%dma_start3A_1886] : memref<5x!tpu.dma_semaphore, #tpu.memory_space<semaphore_mem>> -> memref<1x!tpu.dma_semaphore, #tpu.memory_space<semaphore_mem>>
    %dma_start3A_1894 = tpu.memref_squeeze %dma_start3A_1893 : memref<1x!tpu.dma_semaphore, #tpu.memory_space<semaphore_mem>> -> memref<!tpu.dma_semaphore, #tpu.memory_space<semaphore_mem>>
    %dma_start3A_1895 = arith.constant 0 : i32
    %dma_start3A_1896 = arith.constant 0 : i32
    %dma_start3A_1897 = tpu.memref_slice %arg6[%dma_start3A_1885, %dma_start3A_1895, %dma_start3A_1896] : memref<5x16x1024xf32, #tpu.memory_space<vmem>> -> memref<1x16x1024xf32, #tpu.memory_space<vmem>>
    %dma_start3A_1898 = tpu.memref_squeeze %dma_start3A_1897 : memref<1x16x1024xf32, #tpu.memory_space<vmem>> -> memref<16x1024xf32, #tpu.memory_space<vmem>>
    %dma_start3A_1899 = arith.constant 0 : i32
    %dma_start3A_1900 = tpu.memref_slice %arg2[%add3A_1884, %dma_start3A_1899] : memref<16384x1024xf32, #tpu.memory_space<hbm>> -> memref<16x1024xf32, #tpu.memory_space<hbm>>
    tpu.enqueue_dma source(%dma_start3A_1900 : memref<16x1024xf32, #tpu.memory_space<hbm>>) target(%dma_start3A_1898 : memref<16x1024xf32, #tpu.memory_space<vmem>>) target_semaphore(%dma_start3A_1894 : memref<!tpu.dma_semaphore, #tpu.memory_space<semaphore_mem>>)
    %add3A_1901 = arith.constant 0 : i32
    %add3A_1902 = arith.addi %add3A_1901, %mul3A_2 : i32
    %add3A_1903 = arith.constant 96 : i32
    %add3A_1904 = arith.addi %add3A_1902, %add3A_1903 : i32
    %dma_wait3A_1905 = arith.constant 4 : i32
    %dma_wait3A_1906 = arith.constant 4 : i32
    %dma_wait3A_1907 = arith.constant 0 : i32
    %dma_wait3A_1908 = arith.constant 0 : i32
    %dma_wait3A_1909 = tpu.memref_slice %arg6[%dma_wait3A_1905, %dma_wait3A_1907, %dma_wait3A_1908] : memref<5x16x1024xf32, #tpu.memory_space<vmem>> -> memref<1x16x1024xf32, #tpu.memory_space<vmem>>
    %dma_wait3A_1910 = tpu.memref_squeeze %dma_wait3A_1909 : memref<1x16x1024xf32, #tpu.memory_space<vmem>> -> memref<16x1024xf32, #tpu.memory_space<vmem>>
    %dma_wait3A_1911 = arith.constant 0 : i32
    %dma_wait3A_1912 = tpu.memref_slice %arg2[%add3A_1904, %dma_wait3A_1911] : memref<16384x1024xf32, #tpu.memory_space<hbm>> -> memref<16x1024xf32, #tpu.memory_space<hbm>>
    %dma_wait3A_1913 = tpu.memref_slice %arg7[%dma_wait3A_1906] : memref<5x!tpu.dma_semaphore, #tpu.memory_space<semaphore_mem>> -> memref<1x!tpu.dma_semaphore, #tpu.memory_space<semaphore_mem>>
    %dma_wait3A_1914 = tpu.memref_squeeze %dma_wait3A_1913 : memref<1x!tpu.dma_semaphore, #tpu.memory_space<semaphore_mem>> -> memref<!tpu.dma_semaphore, #tpu.memory_space<semaphore_mem>>
    %dma_wait3A_1915 = arith.constant 0 : i32
    %dma_wait3A_1916 = arith.constant 0 : i32
    %dma_wait3A_1917 = tpu.memref_slice %arg6[%dma_wait3A_1905, %dma_wait3A_1915, %dma_wait3A_1916] : memref<5x16x1024xf32, #tpu.memory_space<vmem>> -> memref<1x16x1024xf32, #tpu.memory_space<vmem>>
    %dma_wait3A_1918 = tpu.memref_squeeze %dma_wait3A_1917 : memref<1x16x1024xf32, #tpu.memory_space<vmem>> -> memref<16x1024xf32, #tpu.memory_space<vmem>>
    %dma_wait3A_1919 = arith.constant 0 : i32
    %dma_wait3A_1920 = tpu.memref_slice %arg2[%add3A_1904, %dma_wait3A_1919] : memref<16384x1024xf32, #tpu.memory_space<hbm>> -> memref<16x1024xf32, #tpu.memory_space<hbm>>
    tpu.wait_dma2 semaphore(%dma_wait3A_1914 : memref<!tpu.dma_semaphore, #tpu.memory_space<semaphore_mem>>) src(%dma_wait3A_1920 : memref<16x1024xf32, #tpu.memory_space<hbm>>) dst(%dma_wait3A_1918 : memref<16x1024xf32, #tpu.memory_space<vmem>>)
    %add3A_1921 = arith.constant 8192 : i32
    %add3A_1922 = arith.addi %add3A_1921, %mul3A_2 : i32
    %add3A_1923 = arith.constant 80 : i32
    %add3A_1924 = arith.addi %add3A_1922, %add3A_1923 : i32
    %dma_start3A_1925 = arith.constant 2 : i32
    %dma_start3A_1926 = arith.constant 2 : i32
    %dma_start3A_1927 = arith.constant 0 : i32
    %dma_start3A_1928 = arith.constant 0 : i32
    %dma_start3A_1929 = tpu.memref_slice %arg6[%dma_start3A_1925, %dma_start3A_1927, %dma_start3A_1928] : memref<5x16x1024xf32, #tpu.memory_space<vmem>> -> memref<1x16x1024xf32, #tpu.memory_space<vmem>>
    %dma_start3A_1930 = tpu.memref_squeeze %dma_start3A_1929 : memref<1x16x1024xf32, #tpu.memory_space<vmem>> -> memref<16x1024xf32, #tpu.memory_space<vmem>>
    %dma_start3A_1931 = arith.constant 0 : i32
    %dma_start3A_1932 = tpu.memref_slice %arg4[%add3A_1924, %dma_start3A_1931] : memref<16384x1024xf32, #tpu.memory_space<hbm>> -> memref<16x1024xf32, #tpu.memory_space<hbm>>
    %dma_start3A_1933 = tpu.memref_slice %arg9[%dma_start3A_1926] : memref<5x!tpu.dma_semaphore, #tpu.memory_space<semaphore_mem>> -> memref<1x!tpu.dma_semaphore, #tpu.memory_space<semaphore_mem>>
    %dma_start3A_1934 = tpu.memref_squeeze %dma_start3A_1933 : memref<1x!tpu.dma_semaphore, #tpu.memory_space<semaphore_mem>> -> memref<!tpu.dma_semaphore, #tpu.memory_space<semaphore_mem>>
    %dma_start3A_1935 = arith.constant 0 : i32
    %dma_start3A_1936 = tpu.memref_slice %arg4[%add3A_1924, %dma_start3A_1935] : memref<16384x1024xf32, #tpu.memory_space<hbm>> -> memref<16x1024xf32, #tpu.memory_space<hbm>>
    %dma_start3A_1937 = arith.constant 0 : i32
    %dma_start3A_1938 = arith.constant 0 : i32
    %dma_start3A_1939 = tpu.memref_slice %arg6[%dma_start3A_1925, %dma_start3A_1937, %dma_start3A_1938] : memref<5x16x1024xf32, #tpu.memory_space<vmem>> -> memref<1x16x1024xf32, #tpu.memory_space<vmem>>
    %dma_start3A_1940 = tpu.memref_squeeze %dma_start3A_1939 : memref<1x16x1024xf32, #tpu.memory_space<vmem>> -> memref<16x1024xf32, #tpu.memory_space<vmem>>
    tpu.enqueue_dma source(%dma_start3A_1940 : memref<16x1024xf32, #tpu.memory_space<vmem>>) target(%dma_start3A_1936 : memref<16x1024xf32, #tpu.memory_space<hbm>>) target_semaphore(%dma_start3A_1934 : memref<!tpu.dma_semaphore, #tpu.memory_space<semaphore_mem>>)
    %add3A_1941 = arith.constant 8192 : i32
    %add3A_1942 = arith.addi %add3A_1941, %mul3A_2 : i32
    %add3A_1943 = arith.constant 80 : i32
    %add3A_1944 = arith.addi %add3A_1942, %add3A_1943 : i32
    %dma_wait3A_1945 = arith.constant 2 : i32
    %dma_wait3A_1946 = arith.constant 2 : i32
    %dma_wait3A_1947 = arith.constant 0 : i32
    %dma_wait3A_1948 = arith.constant 0 : i32
    %dma_wait3A_1949 = tpu.memref_slice %arg6[%dma_wait3A_1945, %dma_wait3A_1947, %dma_wait3A_1948] : memref<5x16x1024xf32, #tpu.memory_space<vmem>> -> memref<1x16x1024xf32, #tpu.memory_space<vmem>>
    %dma_wait3A_1950 = tpu.memref_squeeze %dma_wait3A_1949 : memref<1x16x1024xf32, #tpu.memory_space<vmem>> -> memref<16x1024xf32, #tpu.memory_space<vmem>>
    %dma_wait3A_1951 = arith.constant 0 : i32
    %dma_wait3A_1952 = tpu.memref_slice %arg4[%add3A_1944, %dma_wait3A_1951] : memref<16384x1024xf32, #tpu.memory_space<hbm>> -> memref<16x1024xf32, #tpu.memory_space<hbm>>
    %dma_wait3A_1953 = tpu.memref_slice %arg9[%dma_wait3A_1946] : memref<5x!tpu.dma_semaphore, #tpu.memory_space<semaphore_mem>> -> memref<1x!tpu.dma_semaphore, #tpu.memory_space<semaphore_mem>>
    %dma_wait3A_1954 = tpu.memref_squeeze %dma_wait3A_1953 : memref<1x!tpu.dma_semaphore, #tpu.memory_space<semaphore_mem>> -> memref<!tpu.dma_semaphore, #tpu.memory_space<semaphore_mem>>
    %dma_wait3A_1955 = arith.constant 0 : i32
    %dma_wait3A_1956 = tpu.memref_slice %arg4[%add3A_1944, %dma_wait3A_1955] : memref<16384x1024xf32, #tpu.memory_space<hbm>> -> memref<16x1024xf32, #tpu.memory_space<hbm>>
    %dma_wait3A_1957 = arith.constant 0 : i32
    %dma_wait3A_1958 = arith.constant 0 : i32
    %dma_wait3A_1959 = tpu.memref_slice %arg6[%dma_wait3A_1945, %dma_wait3A_1957, %dma_wait3A_1958] : memref<5x16x1024xf32, #tpu.memory_space<vmem>> -> memref<1x16x1024xf32, #tpu.memory_space<vmem>>
    %dma_wait3A_1960 = tpu.memref_squeeze %dma_wait3A_1959 : memref<1x16x1024xf32, #tpu.memory_space<vmem>> -> memref<16x1024xf32, #tpu.memory_space<vmem>>
    tpu.wait_dma2 semaphore(%dma_wait3A_1954 : memref<!tpu.dma_semaphore, #tpu.memory_space<semaphore_mem>>) src(%dma_wait3A_1960 : memref<16x1024xf32, #tpu.memory_space<vmem>>) dst(%dma_wait3A_1956 : memref<16x1024xf32, #tpu.memory_space<hbm>>)
    %add3A_1961 = arith.constant 12288 : i32
    %add3A_1962 = arith.addi %add3A_1961, %mul3A_2 : i32
    %add3A_1963 = arith.constant 96 : i32
    %add3A_1964 = arith.addi %add3A_1962, %add3A_1963 : i32
    %dma_start3A_1965 = arith.constant 2 : i32
    %dma_start3A_1966 = arith.constant 2 : i32
    %dma_start3A_1967 = arith.constant 0 : i32
    %dma_start3A_1968 = arith.constant 0 : i32
    %dma_start3A_1969 = tpu.memref_slice %arg6[%dma_start3A_1965, %dma_start3A_1967, %dma_start3A_1968] : memref<5x16x1024xf32, #tpu.memory_space<vmem>> -> memref<1x16x1024xf32, #tpu.memory_space<vmem>>
    %dma_start3A_1970 = tpu.memref_squeeze %dma_start3A_1969 : memref<1x16x1024xf32, #tpu.memory_space<vmem>> -> memref<16x1024xf32, #tpu.memory_space<vmem>>
    %dma_start3A_1971 = arith.constant 0 : i32
    %dma_start3A_1972 = tpu.memref_slice %arg2[%add3A_1964, %dma_start3A_1971] : memref<16384x1024xf32, #tpu.memory_space<hbm>> -> memref<16x1024xf32, #tpu.memory_space<hbm>>
    %dma_start3A_1973 = tpu.memref_slice %arg7[%dma_start3A_1966] : memref<5x!tpu.dma_semaphore, #tpu.memory_space<semaphore_mem>> -> memref<1x!tpu.dma_semaphore, #tpu.memory_space<semaphore_mem>>
    %dma_start3A_1974 = tpu.memref_squeeze %dma_start3A_1973 : memref<1x!tpu.dma_semaphore, #tpu.memory_space<semaphore_mem>> -> memref<!tpu.dma_semaphore, #tpu.memory_space<semaphore_mem>>
    %dma_start3A_1975 = arith.constant 0 : i32
    %dma_start3A_1976 = arith.constant 0 : i32
    %dma_start3A_1977 = tpu.memref_slice %arg6[%dma_start3A_1965, %dma_start3A_1975, %dma_start3A_1976] : memref<5x16x1024xf32, #tpu.memory_space<vmem>> -> memref<1x16x1024xf32, #tpu.memory_space<vmem>>
    %dma_start3A_1978 = tpu.memref_squeeze %dma_start3A_1977 : memref<1x16x1024xf32, #tpu.memory_space<vmem>> -> memref<16x1024xf32, #tpu.memory_space<vmem>>
    %dma_start3A_1979 = arith.constant 0 : i32
    %dma_start3A_1980 = tpu.memref_slice %arg2[%add3A_1964, %dma_start3A_1979] : memref<16384x1024xf32, #tpu.memory_space<hbm>> -> memref<16x1024xf32, #tpu.memory_space<hbm>>
    tpu.enqueue_dma source(%dma_start3A_1980 : memref<16x1024xf32, #tpu.memory_space<hbm>>) target(%dma_start3A_1978 : memref<16x1024xf32, #tpu.memory_space<vmem>>) target_semaphore(%dma_start3A_1974 : memref<!tpu.dma_semaphore, #tpu.memory_space<semaphore_mem>>)
    %add3A_1981 = arith.constant 4096 : i32
    %add3A_1982 = arith.addi %add3A_1981, %mul3A_2 : i32
    %add3A_1983 = arith.constant 96 : i32
    %add3A_1984 = arith.addi %add3A_1982, %add3A_1983 : i32
    %dma_wait3A_1985 = arith.constant 0 : i32
    %dma_wait3A_1986 = arith.constant 0 : i32
    %dma_wait3A_1987 = arith.constant 0 : i32
    %dma_wait3A_1988 = arith.constant 0 : i32
    %dma_wait3A_1989 = tpu.memref_slice %arg6[%dma_wait3A_1985, %dma_wait3A_1987, %dma_wait3A_1988] : memref<5x16x1024xf32, #tpu.memory_space<vmem>> -> memref<1x16x1024xf32, #tpu.memory_space<vmem>>
    %dma_wait3A_1990 = tpu.memref_squeeze %dma_wait3A_1989 : memref<1x16x1024xf32, #tpu.memory_space<vmem>> -> memref<16x1024xf32, #tpu.memory_space<vmem>>
    %dma_wait3A_1991 = arith.constant 0 : i32
    %dma_wait3A_1992 = tpu.memref_slice %arg2[%add3A_1984, %dma_wait3A_1991] : memref<16384x1024xf32, #tpu.memory_space<hbm>> -> memref<16x1024xf32, #tpu.memory_space<hbm>>
    %dma_wait3A_1993 = tpu.memref_slice %arg7[%dma_wait3A_1986] : memref<5x!tpu.dma_semaphore, #tpu.memory_space<semaphore_mem>> -> memref<1x!tpu.dma_semaphore, #tpu.memory_space<semaphore_mem>>
    %dma_wait3A_1994 = tpu.memref_squeeze %dma_wait3A_1993 : memref<1x!tpu.dma_semaphore, #tpu.memory_space<semaphore_mem>> -> memref<!tpu.dma_semaphore, #tpu.memory_space<semaphore_mem>>
    %dma_wait3A_1995 = arith.constant 0 : i32
    %dma_wait3A_1996 = arith.constant 0 : i32
    %dma_wait3A_1997 = tpu.memref_slice %arg6[%dma_wait3A_1985, %dma_wait3A_1995, %dma_wait3A_1996] : memref<5x16x1024xf32, #tpu.memory_space<vmem>> -> memref<1x16x1024xf32, #tpu.memory_space<vmem>>
    %dma_wait3A_1998 = tpu.memref_squeeze %dma_wait3A_1997 : memref<1x16x1024xf32, #tpu.memory_space<vmem>> -> memref<16x1024xf32, #tpu.memory_space<vmem>>
    %dma_wait3A_1999 = arith.constant 0 : i32
    %dma_wait3A_2000 = tpu.memref_slice %arg2[%add3A_1984, %dma_wait3A_1999] : memref<16384x1024xf32, #tpu.memory_space<hbm>> -> memref<16x1024xf32, #tpu.memory_space<hbm>>
    tpu.wait_dma2 semaphore(%dma_wait3A_1994 : memref<!tpu.dma_semaphore, #tpu.memory_space<semaphore_mem>>) src(%dma_wait3A_2000 : memref<16x1024xf32, #tpu.memory_space<hbm>>) dst(%dma_wait3A_1998 : memref<16x1024xf32, #tpu.memory_space<vmem>>)
    %add3A_2001 = arith.constant 12288 : i32
    %add3A_2002 = arith.addi %add3A_2001, %mul3A_2 : i32
    %add3A_2003 = arith.constant 80 : i32
    %add3A_2004 = arith.addi %add3A_2002, %add3A_2003 : i32
    %dma_start3A_2005 = arith.constant 3 : i32
    %dma_start3A_2006 = arith.constant 3 : i32
    %dma_start3A_2007 = arith.constant 0 : i32
    %dma_start3A_2008 = arith.constant 0 : i32
    %dma_start3A_2009 = tpu.memref_slice %arg6[%dma_start3A_2005, %dma_start3A_2007, %dma_start3A_2008] : memref<5x16x1024xf32, #tpu.memory_space<vmem>> -> memref<1x16x1024xf32, #tpu.memory_space<vmem>>
    %dma_start3A_2010 = tpu.memref_squeeze %dma_start3A_2009 : memref<1x16x1024xf32, #tpu.memory_space<vmem>> -> memref<16x1024xf32, #tpu.memory_space<vmem>>
    %dma_start3A_2011 = arith.constant 0 : i32
    %dma_start3A_2012 = tpu.memref_slice %arg4[%add3A_2004, %dma_start3A_2011] : memref<16384x1024xf32, #tpu.memory_space<hbm>> -> memref<16x1024xf32, #tpu.memory_space<hbm>>
    %dma_start3A_2013 = tpu.memref_slice %arg9[%dma_start3A_2006] : memref<5x!tpu.dma_semaphore, #tpu.memory_space<semaphore_mem>> -> memref<1x!tpu.dma_semaphore, #tpu.memory_space<semaphore_mem>>
    %dma_start3A_2014 = tpu.memref_squeeze %dma_start3A_2013 : memref<1x!tpu.dma_semaphore, #tpu.memory_space<semaphore_mem>> -> memref<!tpu.dma_semaphore, #tpu.memory_space<semaphore_mem>>
    %dma_start3A_2015 = arith.constant 0 : i32
    %dma_start3A_2016 = tpu.memref_slice %arg4[%add3A_2004, %dma_start3A_2015] : memref<16384x1024xf32, #tpu.memory_space<hbm>> -> memref<16x1024xf32, #tpu.memory_space<hbm>>
    %dma_start3A_2017 = arith.constant 0 : i32
    %dma_start3A_2018 = arith.constant 0 : i32
    %dma_start3A_2019 = tpu.memref_slice %arg6[%dma_start3A_2005, %dma_start3A_2017, %dma_start3A_2018] : memref<5x16x1024xf32, #tpu.memory_space<vmem>> -> memref<1x16x1024xf32, #tpu.memory_space<vmem>>
    %dma_start3A_2020 = tpu.memref_squeeze %dma_start3A_2019 : memref<1x16x1024xf32, #tpu.memory_space<vmem>> -> memref<16x1024xf32, #tpu.memory_space<vmem>>
    tpu.enqueue_dma source(%dma_start3A_2020 : memref<16x1024xf32, #tpu.memory_space<vmem>>) target(%dma_start3A_2016 : memref<16x1024xf32, #tpu.memory_space<hbm>>) target_semaphore(%dma_start3A_2014 : memref<!tpu.dma_semaphore, #tpu.memory_space<semaphore_mem>>)
    %add3A_2021 = arith.constant 12288 : i32
    %add3A_2022 = arith.addi %add3A_2021, %mul3A_2 : i32
    %add3A_2023 = arith.constant 80 : i32
    %add3A_2024 = arith.addi %add3A_2022, %add3A_2023 : i32
    %dma_wait3A_2025 = arith.constant 3 : i32
    %dma_wait3A_2026 = arith.constant 3 : i32
    %dma_wait3A_2027 = arith.constant 0 : i32
    %dma_wait3A_2028 = arith.constant 0 : i32
    %dma_wait3A_2029 = tpu.memref_slice %arg6[%dma_wait3A_2025, %dma_wait3A_2027, %dma_wait3A_2028] : memref<5x16x1024xf32, #tpu.memory_space<vmem>> -> memref<1x16x1024xf32, #tpu.memory_space<vmem>>
    %dma_wait3A_2030 = tpu.memref_squeeze %dma_wait3A_2029 : memref<1x16x1024xf32, #tpu.memory_space<vmem>> -> memref<16x1024xf32, #tpu.memory_space<vmem>>
    %dma_wait3A_2031 = arith.constant 0 : i32
    %dma_wait3A_2032 = tpu.memref_slice %arg4[%add3A_2024, %dma_wait3A_2031] : memref<16384x1024xf32, #tpu.memory_space<hbm>> -> memref<16x1024xf32, #tpu.memory_space<hbm>>
    %dma_wait3A_2033 = tpu.memref_slice %arg9[%dma_wait3A_2026] : memref<5x!tpu.dma_semaphore, #tpu.memory_space<semaphore_mem>> -> memref<1x!tpu.dma_semaphore, #tpu.memory_space<semaphore_mem>>
    %dma_wait3A_2034 = tpu.memref_squeeze %dma_wait3A_2033 : memref<1x!tpu.dma_semaphore, #tpu.memory_space<semaphore_mem>> -> memref<!tpu.dma_semaphore, #tpu.memory_space<semaphore_mem>>
    %dma_wait3A_2035 = arith.constant 0 : i32
    %dma_wait3A_2036 = tpu.memref_slice %arg4[%add3A_2024, %dma_wait3A_2035] : memref<16384x1024xf32, #tpu.memory_space<hbm>> -> memref<16x1024xf32, #tpu.memory_space<hbm>>
    %dma_wait3A_2037 = arith.constant 0 : i32
    %dma_wait3A_2038 = arith.constant 0 : i32
    %dma_wait3A_2039 = tpu.memref_slice %arg6[%dma_wait3A_2025, %dma_wait3A_2037, %dma_wait3A_2038] : memref<5x16x1024xf32, #tpu.memory_space<vmem>> -> memref<1x16x1024xf32, #tpu.memory_space<vmem>>
    %dma_wait3A_2040 = tpu.memref_squeeze %dma_wait3A_2039 : memref<1x16x1024xf32, #tpu.memory_space<vmem>> -> memref<16x1024xf32, #tpu.memory_space<vmem>>
    tpu.wait_dma2 semaphore(%dma_wait3A_2034 : memref<!tpu.dma_semaphore, #tpu.memory_space<semaphore_mem>>) src(%dma_wait3A_2040 : memref<16x1024xf32, #tpu.memory_space<vmem>>) dst(%dma_wait3A_2036 : memref<16x1024xf32, #tpu.memory_space<hbm>>)
    %add3A_2041 = arith.constant 0 : i32
    %add3A_2042 = arith.addi %add3A_2041, %mul3A_2 : i32
    %add3A_2043 = arith.constant 112 : i32
    %add3A_2044 = arith.addi %add3A_2042, %add3A_2043 : i32
    %dma_start3A_2045 = arith.constant 3 : i32
    %dma_start3A_2046 = arith.constant 3 : i32
    %dma_start3A_2047 = arith.constant 0 : i32
    %dma_start3A_2048 = arith.constant 0 : i32
    %dma_start3A_2049 = tpu.memref_slice %arg6[%dma_start3A_2045, %dma_start3A_2047, %dma_start3A_2048] : memref<5x16x1024xf32, #tpu.memory_space<vmem>> -> memref<1x16x1024xf32, #tpu.memory_space<vmem>>
    %dma_start3A_2050 = tpu.memref_squeeze %dma_start3A_2049 : memref<1x16x1024xf32, #tpu.memory_space<vmem>> -> memref<16x1024xf32, #tpu.memory_space<vmem>>
    %dma_start3A_2051 = arith.constant 0 : i32
    %dma_start3A_2052 = tpu.memref_slice %arg2[%add3A_2044, %dma_start3A_2051] : memref<16384x1024xf32, #tpu.memory_space<hbm>> -> memref<16x1024xf32, #tpu.memory_space<hbm>>
    %dma_start3A_2053 = tpu.memref_slice %arg7[%dma_start3A_2046] : memref<5x!tpu.dma_semaphore, #tpu.memory_space<semaphore_mem>> -> memref<1x!tpu.dma_semaphore, #tpu.memory_space<semaphore_mem>>
    %dma_start3A_2054 = tpu.memref_squeeze %dma_start3A_2053 : memref<1x!tpu.dma_semaphore, #tpu.memory_space<semaphore_mem>> -> memref<!tpu.dma_semaphore, #tpu.memory_space<semaphore_mem>>
    %dma_start3A_2055 = arith.constant 0 : i32
    %dma_start3A_2056 = arith.constant 0 : i32
    %dma_start3A_2057 = tpu.memref_slice %arg6[%dma_start3A_2045, %dma_start3A_2055, %dma_start3A_2056] : memref<5x16x1024xf32, #tpu.memory_space<vmem>> -> memref<1x16x1024xf32, #tpu.memory_space<vmem>>
    %dma_start3A_2058 = tpu.memref_squeeze %dma_start3A_2057 : memref<1x16x1024xf32, #tpu.memory_space<vmem>> -> memref<16x1024xf32, #tpu.memory_space<vmem>>
    %dma_start3A_2059 = arith.constant 0 : i32
    %dma_start3A_2060 = tpu.memref_slice %arg2[%add3A_2044, %dma_start3A_2059] : memref<16384x1024xf32, #tpu.memory_space<hbm>> -> memref<16x1024xf32, #tpu.memory_space<hbm>>
    tpu.enqueue_dma source(%dma_start3A_2060 : memref<16x1024xf32, #tpu.memory_space<hbm>>) target(%dma_start3A_2058 : memref<16x1024xf32, #tpu.memory_space<vmem>>) target_semaphore(%dma_start3A_2054 : memref<!tpu.dma_semaphore, #tpu.memory_space<semaphore_mem>>)
    %add3A_2061 = arith.constant 8192 : i32
    %add3A_2062 = arith.addi %add3A_2061, %mul3A_2 : i32
    %add3A_2063 = arith.constant 96 : i32
    %add3A_2064 = arith.addi %add3A_2062, %add3A_2063 : i32
    %dma_wait3A_2065 = arith.constant 1 : i32
    %dma_wait3A_2066 = arith.constant 1 : i32
    %dma_wait3A_2067 = arith.constant 0 : i32
    %dma_wait3A_2068 = arith.constant 0 : i32
    %dma_wait3A_2069 = tpu.memref_slice %arg6[%dma_wait3A_2065, %dma_wait3A_2067, %dma_wait3A_2068] : memref<5x16x1024xf32, #tpu.memory_space<vmem>> -> memref<1x16x1024xf32, #tpu.memory_space<vmem>>
    %dma_wait3A_2070 = tpu.memref_squeeze %dma_wait3A_2069 : memref<1x16x1024xf32, #tpu.memory_space<vmem>> -> memref<16x1024xf32, #tpu.memory_space<vmem>>
    %dma_wait3A_2071 = arith.constant 0 : i32
    %dma_wait3A_2072 = tpu.memref_slice %arg2[%add3A_2064, %dma_wait3A_2071] : memref<16384x1024xf32, #tpu.memory_space<hbm>> -> memref<16x1024xf32, #tpu.memory_space<hbm>>
    %dma_wait3A_2073 = tpu.memref_slice %arg7[%dma_wait3A_2066] : memref<5x!tpu.dma_semaphore, #tpu.memory_space<semaphore_mem>> -> memref<1x!tpu.dma_semaphore, #tpu.memory_space<semaphore_mem>>
    %dma_wait3A_2074 = tpu.memref_squeeze %dma_wait3A_2073 : memref<1x!tpu.dma_semaphore, #tpu.memory_space<semaphore_mem>> -> memref<!tpu.dma_semaphore, #tpu.memory_space<semaphore_mem>>
    %dma_wait3A_2075 = arith.constant 0 : i32
    %dma_wait3A_2076 = arith.constant 0 : i32
    %dma_wait3A_2077 = tpu.memref_slice %arg6[%dma_wait3A_2065, %dma_wait3A_2075, %dma_wait3A_2076] : memref<5x16x1024xf32, #tpu.memory_space<vmem>> -> memref<1x16x1024xf32, #tpu.memory_space<vmem>>
    %dma_wait3A_2078 = tpu.memref_squeeze %dma_wait3A_2077 : memref<1x16x1024xf32, #tpu.memory_space<vmem>> -> memref<16x1024xf32, #tpu.memory_space<vmem>>
    %dma_wait3A_2079 = arith.constant 0 : i32
    %dma_wait3A_2080 = tpu.memref_slice %arg2[%add3A_2064, %dma_wait3A_2079] : memref<16384x1024xf32, #tpu.memory_space<hbm>> -> memref<16x1024xf32, #tpu.memory_space<hbm>>
    tpu.wait_dma2 semaphore(%dma_wait3A_2074 : memref<!tpu.dma_semaphore, #tpu.memory_space<semaphore_mem>>) src(%dma_wait3A_2080 : memref<16x1024xf32, #tpu.memory_space<hbm>>) dst(%dma_wait3A_2078 : memref<16x1024xf32, #tpu.memory_space<vmem>>)
    %add3A_2081 = arith.constant 0 : i32
    %add3A_2082 = arith.addi %add3A_2081, %mul3A_2 : i32
    %add3A_2083 = arith.constant 96 : i32
    %add3A_2084 = arith.addi %add3A_2082, %add3A_2083 : i32
    %dma_start3A_2085 = arith.constant 4 : i32
    %dma_start3A_2086 = arith.constant 4 : i32
    %dma_start3A_2087 = arith.constant 0 : i32
    %dma_start3A_2088 = arith.constant 0 : i32
    %dma_start3A_2089 = tpu.memref_slice %arg6[%dma_start3A_2085, %dma_start3A_2087, %dma_start3A_2088] : memref<5x16x1024xf32, #tpu.memory_space<vmem>> -> memref<1x16x1024xf32, #tpu.memory_space<vmem>>
    %dma_start3A_2090 = tpu.memref_squeeze %dma_start3A_2089 : memref<1x16x1024xf32, #tpu.memory_space<vmem>> -> memref<16x1024xf32, #tpu.memory_space<vmem>>
    %dma_start3A_2091 = arith.constant 0 : i32
    %dma_start3A_2092 = tpu.memref_slice %arg4[%add3A_2084, %dma_start3A_2091] : memref<16384x1024xf32, #tpu.memory_space<hbm>> -> memref<16x1024xf32, #tpu.memory_space<hbm>>
    %dma_start3A_2093 = tpu.memref_slice %arg9[%dma_start3A_2086] : memref<5x!tpu.dma_semaphore, #tpu.memory_space<semaphore_mem>> -> memref<1x!tpu.dma_semaphore, #tpu.memory_space<semaphore_mem>>
    %dma_start3A_2094 = tpu.memref_squeeze %dma_start3A_2093 : memref<1x!tpu.dma_semaphore, #tpu.memory_space<semaphore_mem>> -> memref<!tpu.dma_semaphore, #tpu.memory_space<semaphore_mem>>
    %dma_start3A_2095 = arith.constant 0 : i32
    %dma_start3A_2096 = tpu.memref_slice %arg4[%add3A_2084, %dma_start3A_2095] : memref<16384x1024xf32, #tpu.memory_space<hbm>> -> memref<16x1024xf32, #tpu.memory_space<hbm>>
    %dma_start3A_2097 = arith.constant 0 : i32
    %dma_start3A_2098 = arith.constant 0 : i32
    %dma_start3A_2099 = tpu.memref_slice %arg6[%dma_start3A_2085, %dma_start3A_2097, %dma_start3A_2098] : memref<5x16x1024xf32, #tpu.memory_space<vmem>> -> memref<1x16x1024xf32, #tpu.memory_space<vmem>>
    %dma_start3A_2100 = tpu.memref_squeeze %dma_start3A_2099 : memref<1x16x1024xf32, #tpu.memory_space<vmem>> -> memref<16x1024xf32, #tpu.memory_space<vmem>>
    tpu.enqueue_dma source(%dma_start3A_2100 : memref<16x1024xf32, #tpu.memory_space<vmem>>) target(%dma_start3A_2096 : memref<16x1024xf32, #tpu.memory_space<hbm>>) target_semaphore(%dma_start3A_2094 : memref<!tpu.dma_semaphore, #tpu.memory_space<semaphore_mem>>)
    %add3A_2101 = arith.constant 0 : i32
    %add3A_2102 = arith.addi %add3A_2101, %mul3A_2 : i32
    %add3A_2103 = arith.constant 96 : i32
    %add3A_2104 = arith.addi %add3A_2102, %add3A_2103 : i32
    %dma_wait3A_2105 = arith.constant 4 : i32
    %dma_wait3A_2106 = arith.constant 4 : i32
    %dma_wait3A_2107 = arith.constant 0 : i32
    %dma_wait3A_2108 = arith.constant 0 : i32
    %dma_wait3A_2109 = tpu.memref_slice %arg6[%dma_wait3A_2105, %dma_wait3A_2107, %dma_wait3A_2108] : memref<5x16x1024xf32, #tpu.memory_space<vmem>> -> memref<1x16x1024xf32, #tpu.memory_space<vmem>>
    %dma_wait3A_2110 = tpu.memref_squeeze %dma_wait3A_2109 : memref<1x16x1024xf32, #tpu.memory_space<vmem>> -> memref<16x1024xf32, #tpu.memory_space<vmem>>
    %dma_wait3A_2111 = arith.constant 0 : i32
    %dma_wait3A_2112 = tpu.memref_slice %arg4[%add3A_2104, %dma_wait3A_2111] : memref<16384x1024xf32, #tpu.memory_space<hbm>> -> memref<16x1024xf32, #tpu.memory_space<hbm>>
    %dma_wait3A_2113 = tpu.memref_slice %arg9[%dma_wait3A_2106] : memref<5x!tpu.dma_semaphore, #tpu.memory_space<semaphore_mem>> -> memref<1x!tpu.dma_semaphore, #tpu.memory_space<semaphore_mem>>
    %dma_wait3A_2114 = tpu.memref_squeeze %dma_wait3A_2113 : memref<1x!tpu.dma_semaphore, #tpu.memory_space<semaphore_mem>> -> memref<!tpu.dma_semaphore, #tpu.memory_space<semaphore_mem>>
    %dma_wait3A_2115 = arith.constant 0 : i32
    %dma_wait3A_2116 = tpu.memref_slice %arg4[%add3A_2104, %dma_wait3A_2115] : memref<16384x1024xf32, #tpu.memory_space<hbm>> -> memref<16x1024xf32, #tpu.memory_space<hbm>>
    %dma_wait3A_2117 = arith.constant 0 : i32
    %dma_wait3A_2118 = arith.constant 0 : i32
    %dma_wait3A_2119 = tpu.memref_slice %arg6[%dma_wait3A_2105, %dma_wait3A_2117, %dma_wait3A_2118] : memref<5x16x1024xf32, #tpu.memory_space<vmem>> -> memref<1x16x1024xf32, #tpu.memory_space<vmem>>
    %dma_wait3A_2120 = tpu.memref_squeeze %dma_wait3A_2119 : memref<1x16x1024xf32, #tpu.memory_space<vmem>> -> memref<16x1024xf32, #tpu.memory_space<vmem>>
    tpu.wait_dma2 semaphore(%dma_wait3A_2114 : memref<!tpu.dma_semaphore, #tpu.memory_space<semaphore_mem>>) src(%dma_wait3A_2120 : memref<16x1024xf32, #tpu.memory_space<vmem>>) dst(%dma_wait3A_2116 : memref<16x1024xf32, #tpu.memory_space<hbm>>)
    %add3A_2121 = arith.constant 4096 : i32
    %add3A_2122 = arith.addi %add3A_2121, %mul3A_2 : i32
    %add3A_2123 = arith.constant 112 : i32
    %add3A_2124 = arith.addi %add3A_2122, %add3A_2123 : i32
    %dma_start3A_2125 = arith.constant 4 : i32
    %dma_start3A_2126 = arith.constant 4 : i32
    %dma_start3A_2127 = arith.constant 0 : i32
    %dma_start3A_2128 = arith.constant 0 : i32
    %dma_start3A_2129 = tpu.memref_slice %arg6[%dma_start3A_2125, %dma_start3A_2127, %dma_start3A_2128] : memref<5x16x1024xf32, #tpu.memory_space<vmem>> -> memref<1x16x1024xf32, #tpu.memory_space<vmem>>
    %dma_start3A_2130 = tpu.memref_squeeze %dma_start3A_2129 : memref<1x16x1024xf32, #tpu.memory_space<vmem>> -> memref<16x1024xf32, #tpu.memory_space<vmem>>
    %dma_start3A_2131 = arith.constant 0 : i32
    %dma_start3A_2132 = tpu.memref_slice %arg2[%add3A_2124, %dma_start3A_2131] : memref<16384x1024xf32, #tpu.memory_space<hbm>> -> memref<16x1024xf32, #tpu.memory_space<hbm>>
    %dma_start3A_2133 = tpu.memref_slice %arg7[%dma_start3A_2126] : memref<5x!tpu.dma_semaphore, #tpu.memory_space<semaphore_mem>> -> memref<1x!tpu.dma_semaphore, #tpu.memory_space<semaphore_mem>>
    %dma_start3A_2134 = tpu.memref_squeeze %dma_start3A_2133 : memref<1x!tpu.dma_semaphore, #tpu.memory_space<semaphore_mem>> -> memref<!tpu.dma_semaphore, #tpu.memory_space<semaphore_mem>>
    %dma_start3A_2135 = arith.constant 0 : i32
    %dma_start3A_2136 = arith.constant 0 : i32
    %dma_start3A_2137 = tpu.memref_slice %arg6[%dma_start3A_2125, %dma_start3A_2135, %dma_start3A_2136] : memref<5x16x1024xf32, #tpu.memory_space<vmem>> -> memref<1x16x1024xf32, #tpu.memory_space<vmem>>
    %dma_start3A_2138 = tpu.memref_squeeze %dma_start3A_2137 : memref<1x16x1024xf32, #tpu.memory_space<vmem>> -> memref<16x1024xf32, #tpu.memory_space<vmem>>
    %dma_start3A_2139 = arith.constant 0 : i32
    %dma_start3A_2140 = tpu.memref_slice %arg2[%add3A_2124, %dma_start3A_2139] : memref<16384x1024xf32, #tpu.memory_space<hbm>> -> memref<16x1024xf32, #tpu.memory_space<hbm>>
    tpu.enqueue_dma source(%dma_start3A_2140 : memref<16x1024xf32, #tpu.memory_space<hbm>>) target(%dma_start3A_2138 : memref<16x1024xf32, #tpu.memory_space<vmem>>) target_semaphore(%dma_start3A_2134 : memref<!tpu.dma_semaphore, #tpu.memory_space<semaphore_mem>>)
    %add3A_2141 = arith.constant 12288 : i32
    %add3A_2142 = arith.addi %add3A_2141, %mul3A_2 : i32
    %add3A_2143 = arith.constant 96 : i32
    %add3A_2144 = arith.addi %add3A_2142, %add3A_2143 : i32
    %dma_wait3A_2145 = arith.constant 2 : i32
    %dma_wait3A_2146 = arith.constant 2 : i32
    %dma_wait3A_2147 = arith.constant 0 : i32
    %dma_wait3A_2148 = arith.constant 0 : i32
    %dma_wait3A_2149 = tpu.memref_slice %arg6[%dma_wait3A_2145, %dma_wait3A_2147, %dma_wait3A_2148] : memref<5x16x1024xf32, #tpu.memory_space<vmem>> -> memref<1x16x1024xf32, #tpu.memory_space<vmem>>
    %dma_wait3A_2150 = tpu.memref_squeeze %dma_wait3A_2149 : memref<1x16x1024xf32, #tpu.memory_space<vmem>> -> memref<16x1024xf32, #tpu.memory_space<vmem>>
    %dma_wait3A_2151 = arith.constant 0 : i32
    %dma_wait3A_2152 = tpu.memref_slice %arg2[%add3A_2144, %dma_wait3A_2151] : memref<16384x1024xf32, #tpu.memory_space<hbm>> -> memref<16x1024xf32, #tpu.memory_space<hbm>>
    %dma_wait3A_2153 = tpu.memref_slice %arg7[%dma_wait3A_2146] : memref<5x!tpu.dma_semaphore, #tpu.memory_space<semaphore_mem>> -> memref<1x!tpu.dma_semaphore, #tpu.memory_space<semaphore_mem>>
    %dma_wait3A_2154 = tpu.memref_squeeze %dma_wait3A_2153 : memref<1x!tpu.dma_semaphore, #tpu.memory_space<semaphore_mem>> -> memref<!tpu.dma_semaphore, #tpu.memory_space<semaphore_mem>>
    %dma_wait3A_2155 = arith.constant 0 : i32
    %dma_wait3A_2156 = arith.constant 0 : i32
    %dma_wait3A_2157 = tpu.memref_slice %arg6[%dma_wait3A_2145, %dma_wait3A_2155, %dma_wait3A_2156] : memref<5x16x1024xf32, #tpu.memory_space<vmem>> -> memref<1x16x1024xf32, #tpu.memory_space<vmem>>
    %dma_wait3A_2158 = tpu.memref_squeeze %dma_wait3A_2157 : memref<1x16x1024xf32, #tpu.memory_space<vmem>> -> memref<16x1024xf32, #tpu.memory_space<vmem>>
    %dma_wait3A_2159 = arith.constant 0 : i32
    %dma_wait3A_2160 = tpu.memref_slice %arg2[%add3A_2144, %dma_wait3A_2159] : memref<16384x1024xf32, #tpu.memory_space<hbm>> -> memref<16x1024xf32, #tpu.memory_space<hbm>>
    tpu.wait_dma2 semaphore(%dma_wait3A_2154 : memref<!tpu.dma_semaphore, #tpu.memory_space<semaphore_mem>>) src(%dma_wait3A_2160 : memref<16x1024xf32, #tpu.memory_space<hbm>>) dst(%dma_wait3A_2158 : memref<16x1024xf32, #tpu.memory_space<vmem>>)
    %add3A_2161 = arith.constant 4096 : i32
    %add3A_2162 = arith.addi %add3A_2161, %mul3A_2 : i32
    %add3A_2163 = arith.constant 96 : i32
    %add3A_2164 = arith.addi %add3A_2162, %add3A_2163 : i32
    %dma_start3A_2165 = arith.constant 0 : i32
    %dma_start3A_2166 = arith.constant 0 : i32
    %dma_start3A_2167 = arith.constant 0 : i32
    %dma_start3A_2168 = arith.constant 0 : i32
    %dma_start3A_2169 = tpu.memref_slice %arg6[%dma_start3A_2165, %dma_start3A_2167, %dma_start3A_2168] : memref<5x16x1024xf32, #tpu.memory_space<vmem>> -> memref<1x16x1024xf32, #tpu.memory_space<vmem>>
    %dma_start3A_2170 = tpu.memref_squeeze %dma_start3A_2169 : memref<1x16x1024xf32, #tpu.memory_space<vmem>> -> memref<16x1024xf32, #tpu.memory_space<vmem>>
    %dma_start3A_2171 = arith.constant 0 : i32
    %dma_start3A_2172 = tpu.memref_slice %arg4[%add3A_2164, %dma_start3A_2171] : memref<16384x1024xf32, #tpu.memory_space<hbm>> -> memref<16x1024xf32, #tpu.memory_space<hbm>>
    %dma_start3A_2173 = tpu.memref_slice %arg9[%dma_start3A_2166] : memref<5x!tpu.dma_semaphore, #tpu.memory_space<semaphore_mem>> -> memref<1x!tpu.dma_semaphore, #tpu.memory_space<semaphore_mem>>
    %dma_start3A_2174 = tpu.memref_squeeze %dma_start3A_2173 : memref<1x!tpu.dma_semaphore, #tpu.memory_space<semaphore_mem>> -> memref<!tpu.dma_semaphore, #tpu.memory_space<semaphore_mem>>
    %dma_start3A_2175 = arith.constant 0 : i32
    %dma_start3A_2176 = tpu.memref_slice %arg4[%add3A_2164, %dma_start3A_2175] : memref<16384x1024xf32, #tpu.memory_space<hbm>> -> memref<16x1024xf32, #tpu.memory_space<hbm>>
    %dma_start3A_2177 = arith.constant 0 : i32
    %dma_start3A_2178 = arith.constant 0 : i32
    %dma_start3A_2179 = tpu.memref_slice %arg6[%dma_start3A_2165, %dma_start3A_2177, %dma_start3A_2178] : memref<5x16x1024xf32, #tpu.memory_space<vmem>> -> memref<1x16x1024xf32, #tpu.memory_space<vmem>>
    %dma_start3A_2180 = tpu.memref_squeeze %dma_start3A_2179 : memref<1x16x1024xf32, #tpu.memory_space<vmem>> -> memref<16x1024xf32, #tpu.memory_space<vmem>>
    tpu.enqueue_dma source(%dma_start3A_2180 : memref<16x1024xf32, #tpu.memory_space<vmem>>) target(%dma_start3A_2176 : memref<16x1024xf32, #tpu.memory_space<hbm>>) target_semaphore(%dma_start3A_2174 : memref<!tpu.dma_semaphore, #tpu.memory_space<semaphore_mem>>)
    %add3A_2181 = arith.constant 4096 : i32
    %add3A_2182 = arith.addi %add3A_2181, %mul3A_2 : i32
    %add3A_2183 = arith.constant 96 : i32
    %add3A_2184 = arith.addi %add3A_2182, %add3A_2183 : i32
    %dma_wait3A_2185 = arith.constant 0 : i32
    %dma_wait3A_2186 = arith.constant 0 : i32
    %dma_wait3A_2187 = arith.constant 0 : i32
    %dma_wait3A_2188 = arith.constant 0 : i32
    %dma_wait3A_2189 = tpu.memref_slice %arg6[%dma_wait3A_2185, %dma_wait3A_2187, %dma_wait3A_2188] : memref<5x16x1024xf32, #tpu.memory_space<vmem>> -> memref<1x16x1024xf32, #tpu.memory_space<vmem>>
    %dma_wait3A_2190 = tpu.memref_squeeze %dma_wait3A_2189 : memref<1x16x1024xf32, #tpu.memory_space<vmem>> -> memref<16x1024xf32, #tpu.memory_space<vmem>>
    %dma_wait3A_2191 = arith.constant 0 : i32
    %dma_wait3A_2192 = tpu.memref_slice %arg4[%add3A_2184, %dma_wait3A_2191] : memref<16384x1024xf32, #tpu.memory_space<hbm>> -> memref<16x1024xf32, #tpu.memory_space<hbm>>
    %dma_wait3A_2193 = tpu.memref_slice %arg9[%dma_wait3A_2186] : memref<5x!tpu.dma_semaphore, #tpu.memory_space<semaphore_mem>> -> memref<1x!tpu.dma_semaphore, #tpu.memory_space<semaphore_mem>>
    %dma_wait3A_2194 = tpu.memref_squeeze %dma_wait3A_2193 : memref<1x!tpu.dma_semaphore, #tpu.memory_space<semaphore_mem>> -> memref<!tpu.dma_semaphore, #tpu.memory_space<semaphore_mem>>
    %dma_wait3A_2195 = arith.constant 0 : i32
    %dma_wait3A_2196 = tpu.memref_slice %arg4[%add3A_2184, %dma_wait3A_2195] : memref<16384x1024xf32, #tpu.memory_space<hbm>> -> memref<16x1024xf32, #tpu.memory_space<hbm>>
    %dma_wait3A_2197 = arith.constant 0 : i32
    %dma_wait3A_2198 = arith.constant 0 : i32
    %dma_wait3A_2199 = tpu.memref_slice %arg6[%dma_wait3A_2185, %dma_wait3A_2197, %dma_wait3A_2198] : memref<5x16x1024xf32, #tpu.memory_space<vmem>> -> memref<1x16x1024xf32, #tpu.memory_space<vmem>>
    %dma_wait3A_2200 = tpu.memref_squeeze %dma_wait3A_2199 : memref<1x16x1024xf32, #tpu.memory_space<vmem>> -> memref<16x1024xf32, #tpu.memory_space<vmem>>
    tpu.wait_dma2 semaphore(%dma_wait3A_2194 : memref<!tpu.dma_semaphore, #tpu.memory_space<semaphore_mem>>) src(%dma_wait3A_2200 : memref<16x1024xf32, #tpu.memory_space<vmem>>) dst(%dma_wait3A_2196 : memref<16x1024xf32, #tpu.memory_space<hbm>>)
    %add3A_2201 = arith.constant 8192 : i32
    %add3A_2202 = arith.addi %add3A_2201, %mul3A_2 : i32
    %add3A_2203 = arith.constant 112 : i32
    %add3A_2204 = arith.addi %add3A_2202, %add3A_2203 : i32
    %dma_start3A_2205 = arith.constant 0 : i32
    %dma_start3A_2206 = arith.constant 0 : i32
    %dma_start3A_2207 = arith.constant 0 : i32
    %dma_start3A_2208 = arith.constant 0 : i32
    %dma_start3A_2209 = tpu.memref_slice %arg6[%dma_start3A_2205, %dma_start3A_2207, %dma_start3A_2208] : memref<5x16x1024xf32, #tpu.memory_space<vmem>> -> memref<1x16x1024xf32, #tpu.memory_space<vmem>>
    %dma_start3A_2210 = tpu.memref_squeeze %dma_start3A_2209 : memref<1x16x1024xf32, #tpu.memory_space<vmem>> -> memref<16x1024xf32, #tpu.memory_space<vmem>>
    %dma_start3A_2211 = arith.constant 0 : i32
    %dma_start3A_2212 = tpu.memref_slice %arg2[%add3A_2204, %dma_start3A_2211] : memref<16384x1024xf32, #tpu.memory_space<hbm>> -> memref<16x1024xf32, #tpu.memory_space<hbm>>
    %dma_start3A_2213 = tpu.memref_slice %arg7[%dma_start3A_2206] : memref<5x!tpu.dma_semaphore, #tpu.memory_space<semaphore_mem>> -> memref<1x!tpu.dma_semaphore, #tpu.memory_space<semaphore_mem>>
    %dma_start3A_2214 = tpu.memref_squeeze %dma_start3A_2213 : memref<1x!tpu.dma_semaphore, #tpu.memory_space<semaphore_mem>> -> memref<!tpu.dma_semaphore, #tpu.memory_space<semaphore_mem>>
    %dma_start3A_2215 = arith.constant 0 : i32
    %dma_start3A_2216 = arith.constant 0 : i32
    %dma_start3A_2217 = tpu.memref_slice %arg6[%dma_start3A_2205, %dma_start3A_2215, %dma_start3A_2216] : memref<5x16x1024xf32, #tpu.memory_space<vmem>> -> memref<1x16x1024xf32, #tpu.memory_space<vmem>>
    %dma_start3A_2218 = tpu.memref_squeeze %dma_start3A_2217 : memref<1x16x1024xf32, #tpu.memory_space<vmem>> -> memref<16x1024xf32, #tpu.memory_space<vmem>>
    %dma_start3A_2219 = arith.constant 0 : i32
    %dma_start3A_2220 = tpu.memref_slice %arg2[%add3A_2204, %dma_start3A_2219] : memref<16384x1024xf32, #tpu.memory_space<hbm>> -> memref<16x1024xf32, #tpu.memory_space<hbm>>
    tpu.enqueue_dma source(%dma_start3A_2220 : memref<16x1024xf32, #tpu.memory_space<hbm>>) target(%dma_start3A_2218 : memref<16x1024xf32, #tpu.memory_space<vmem>>) target_semaphore(%dma_start3A_2214 : memref<!tpu.dma_semaphore, #tpu.memory_space<semaphore_mem>>)
    %add3A_2221 = arith.constant 0 : i32
    %add3A_2222 = arith.addi %add3A_2221, %mul3A_2 : i32
    %add3A_2223 = arith.constant 112 : i32
    %add3A_2224 = arith.addi %add3A_2222, %add3A_2223 : i32
    %dma_wait3A_2225 = arith.constant 3 : i32
    %dma_wait3A_2226 = arith.constant 3 : i32
    %dma_wait3A_2227 = arith.constant 0 : i32
    %dma_wait3A_2228 = arith.constant 0 : i32
    %dma_wait3A_2229 = tpu.memref_slice %arg6[%dma_wait3A_2225, %dma_wait3A_2227, %dma_wait3A_2228] : memref<5x16x1024xf32, #tpu.memory_space<vmem>> -> memref<1x16x1024xf32, #tpu.memory_space<vmem>>
    %dma_wait3A_2230 = tpu.memref_squeeze %dma_wait3A_2229 : memref<1x16x1024xf32, #tpu.memory_space<vmem>> -> memref<16x1024xf32, #tpu.memory_space<vmem>>
    %dma_wait3A_2231 = arith.constant 0 : i32
    %dma_wait3A_2232 = tpu.memref_slice %arg2[%add3A_2224, %dma_wait3A_2231] : memref<16384x1024xf32, #tpu.memory_space<hbm>> -> memref<16x1024xf32, #tpu.memory_space<hbm>>
    %dma_wait3A_2233 = tpu.memref_slice %arg7[%dma_wait3A_2226] : memref<5x!tpu.dma_semaphore, #tpu.memory_space<semaphore_mem>> -> memref<1x!tpu.dma_semaphore, #tpu.memory_space<semaphore_mem>>
    %dma_wait3A_2234 = tpu.memref_squeeze %dma_wait3A_2233 : memref<1x!tpu.dma_semaphore, #tpu.memory_space<semaphore_mem>> -> memref<!tpu.dma_semaphore, #tpu.memory_space<semaphore_mem>>
    %dma_wait3A_2235 = arith.constant 0 : i32
    %dma_wait3A_2236 = arith.constant 0 : i32
    %dma_wait3A_2237 = tpu.memref_slice %arg6[%dma_wait3A_2225, %dma_wait3A_2235, %dma_wait3A_2236] : memref<5x16x1024xf32, #tpu.memory_space<vmem>> -> memref<1x16x1024xf32, #tpu.memory_space<vmem>>
    %dma_wait3A_2238 = tpu.memref_squeeze %dma_wait3A_2237 : memref<1x16x1024xf32, #tpu.memory_space<vmem>> -> memref<16x1024xf32, #tpu.memory_space<vmem>>
    %dma_wait3A_2239 = arith.constant 0 : i32
    %dma_wait3A_2240 = tpu.memref_slice %arg2[%add3A_2224, %dma_wait3A_2239] : memref<16384x1024xf32, #tpu.memory_space<hbm>> -> memref<16x1024xf32, #tpu.memory_space<hbm>>
    tpu.wait_dma2 semaphore(%dma_wait3A_2234 : memref<!tpu.dma_semaphore, #tpu.memory_space<semaphore_mem>>) src(%dma_wait3A_2240 : memref<16x1024xf32, #tpu.memory_space<hbm>>) dst(%dma_wait3A_2238 : memref<16x1024xf32, #tpu.memory_space<vmem>>)
    %add3A_2241 = arith.constant 8192 : i32
    %add3A_2242 = arith.addi %add3A_2241, %mul3A_2 : i32
    %add3A_2243 = arith.constant 96 : i32
    %add3A_2244 = arith.addi %add3A_2242, %add3A_2243 : i32
    %dma_start3A_2245 = arith.constant 1 : i32
    %dma_start3A_2246 = arith.constant 1 : i32
    %dma_start3A_2247 = arith.constant 0 : i32
    %dma_start3A_2248 = arith.constant 0 : i32
    %dma_start3A_2249 = tpu.memref_slice %arg6[%dma_start3A_2245, %dma_start3A_2247, %dma_start3A_2248] : memref<5x16x1024xf32, #tpu.memory_space<vmem>> -> memref<1x16x1024xf32, #tpu.memory_space<vmem>>
    %dma_start3A_2250 = tpu.memref_squeeze %dma_start3A_2249 : memref<1x16x1024xf32, #tpu.memory_space<vmem>> -> memref<16x1024xf32, #tpu.memory_space<vmem>>
    %dma_start3A_2251 = arith.constant 0 : i32
    %dma_start3A_2252 = tpu.memref_slice %arg4[%add3A_2244, %dma_start3A_2251] : memref<16384x1024xf32, #tpu.memory_space<hbm>> -> memref<16x1024xf32, #tpu.memory_space<hbm>>
    %dma_start3A_2253 = tpu.memref_slice %arg9[%dma_start3A_2246] : memref<5x!tpu.dma_semaphore, #tpu.memory_space<semaphore_mem>> -> memref<1x!tpu.dma_semaphore, #tpu.memory_space<semaphore_mem>>
    %dma_start3A_2254 = tpu.memref_squeeze %dma_start3A_2253 : memref<1x!tpu.dma_semaphore, #tpu.memory_space<semaphore_mem>> -> memref<!tpu.dma_semaphore, #tpu.memory_space<semaphore_mem>>
    %dma_start3A_2255 = arith.constant 0 : i32
    %dma_start3A_2256 = tpu.memref_slice %arg4[%add3A_2244, %dma_start3A_2255] : memref<16384x1024xf32, #tpu.memory_space<hbm>> -> memref<16x1024xf32, #tpu.memory_space<hbm>>
    %dma_start3A_2257 = arith.constant 0 : i32
    %dma_start3A_2258 = arith.constant 0 : i32
    %dma_start3A_2259 = tpu.memref_slice %arg6[%dma_start3A_2245, %dma_start3A_2257, %dma_start3A_2258] : memref<5x16x1024xf32, #tpu.memory_space<vmem>> -> memref<1x16x1024xf32, #tpu.memory_space<vmem>>
    %dma_start3A_2260 = tpu.memref_squeeze %dma_start3A_2259 : memref<1x16x1024xf32, #tpu.memory_space<vmem>> -> memref<16x1024xf32, #tpu.memory_space<vmem>>
    tpu.enqueue_dma source(%dma_start3A_2260 : memref<16x1024xf32, #tpu.memory_space<vmem>>) target(%dma_start3A_2256 : memref<16x1024xf32, #tpu.memory_space<hbm>>) target_semaphore(%dma_start3A_2254 : memref<!tpu.dma_semaphore, #tpu.memory_space<semaphore_mem>>)
    %add3A_2261 = arith.constant 8192 : i32
    %add3A_2262 = arith.addi %add3A_2261, %mul3A_2 : i32
    %add3A_2263 = arith.constant 96 : i32
    %add3A_2264 = arith.addi %add3A_2262, %add3A_2263 : i32
    %dma_wait3A_2265 = arith.constant 1 : i32
    %dma_wait3A_2266 = arith.constant 1 : i32
    %dma_wait3A_2267 = arith.constant 0 : i32
    %dma_wait3A_2268 = arith.constant 0 : i32
    %dma_wait3A_2269 = tpu.memref_slice %arg6[%dma_wait3A_2265, %dma_wait3A_2267, %dma_wait3A_2268] : memref<5x16x1024xf32, #tpu.memory_space<vmem>> -> memref<1x16x1024xf32, #tpu.memory_space<vmem>>
    %dma_wait3A_2270 = tpu.memref_squeeze %dma_wait3A_2269 : memref<1x16x1024xf32, #tpu.memory_space<vmem>> -> memref<16x1024xf32, #tpu.memory_space<vmem>>
    %dma_wait3A_2271 = arith.constant 0 : i32
    %dma_wait3A_2272 = tpu.memref_slice %arg4[%add3A_2264, %dma_wait3A_2271] : memref<16384x1024xf32, #tpu.memory_space<hbm>> -> memref<16x1024xf32, #tpu.memory_space<hbm>>
    %dma_wait3A_2273 = tpu.memref_slice %arg9[%dma_wait3A_2266] : memref<5x!tpu.dma_semaphore, #tpu.memory_space<semaphore_mem>> -> memref<1x!tpu.dma_semaphore, #tpu.memory_space<semaphore_mem>>
    %dma_wait3A_2274 = tpu.memref_squeeze %dma_wait3A_2273 : memref<1x!tpu.dma_semaphore, #tpu.memory_space<semaphore_mem>> -> memref<!tpu.dma_semaphore, #tpu.memory_space<semaphore_mem>>
    %dma_wait3A_2275 = arith.constant 0 : i32
    %dma_wait3A_2276 = tpu.memref_slice %arg4[%add3A_2264, %dma_wait3A_2275] : memref<16384x1024xf32, #tpu.memory_space<hbm>> -> memref<16x1024xf32, #tpu.memory_space<hbm>>
    %dma_wait3A_2277 = arith.constant 0 : i32
    %dma_wait3A_2278 = arith.constant 0 : i32
    %dma_wait3A_2279 = tpu.memref_slice %arg6[%dma_wait3A_2265, %dma_wait3A_2277, %dma_wait3A_2278] : memref<5x16x1024xf32, #tpu.memory_space<vmem>> -> memref<1x16x1024xf32, #tpu.memory_space<vmem>>
    %dma_wait3A_2280 = tpu.memref_squeeze %dma_wait3A_2279 : memref<1x16x1024xf32, #tpu.memory_space<vmem>> -> memref<16x1024xf32, #tpu.memory_space<vmem>>
    tpu.wait_dma2 semaphore(%dma_wait3A_2274 : memref<!tpu.dma_semaphore, #tpu.memory_space<semaphore_mem>>) src(%dma_wait3A_2280 : memref<16x1024xf32, #tpu.memory_space<vmem>>) dst(%dma_wait3A_2276 : memref<16x1024xf32, #tpu.memory_space<hbm>>)
    %add3A_2281 = arith.constant 12288 : i32
    %add3A_2282 = arith.addi %add3A_2281, %mul3A_2 : i32
    %add3A_2283 = arith.constant 112 : i32
    %add3A_2284 = arith.addi %add3A_2282, %add3A_2283 : i32
    %dma_start3A_2285 = arith.constant 1 : i32
    %dma_start3A_2286 = arith.constant 1 : i32
    %dma_start3A_2287 = arith.constant 0 : i32
    %dma_start3A_2288 = arith.constant 0 : i32
    %dma_start3A_2289 = tpu.memref_slice %arg6[%dma_start3A_2285, %dma_start3A_2287, %dma_start3A_2288] : memref<5x16x1024xf32, #tpu.memory_space<vmem>> -> memref<1x16x1024xf32, #tpu.memory_space<vmem>>
    %dma_start3A_2290 = tpu.memref_squeeze %dma_start3A_2289 : memref<1x16x1024xf32, #tpu.memory_space<vmem>> -> memref<16x1024xf32, #tpu.memory_space<vmem>>
    %dma_start3A_2291 = arith.constant 0 : i32
    %dma_start3A_2292 = tpu.memref_slice %arg2[%add3A_2284, %dma_start3A_2291] : memref<16384x1024xf32, #tpu.memory_space<hbm>> -> memref<16x1024xf32, #tpu.memory_space<hbm>>
    %dma_start3A_2293 = tpu.memref_slice %arg7[%dma_start3A_2286] : memref<5x!tpu.dma_semaphore, #tpu.memory_space<semaphore_mem>> -> memref<1x!tpu.dma_semaphore, #tpu.memory_space<semaphore_mem>>
    %dma_start3A_2294 = tpu.memref_squeeze %dma_start3A_2293 : memref<1x!tpu.dma_semaphore, #tpu.memory_space<semaphore_mem>> -> memref<!tpu.dma_semaphore, #tpu.memory_space<semaphore_mem>>
    %dma_start3A_2295 = arith.constant 0 : i32
    %dma_start3A_2296 = arith.constant 0 : i32
    %dma_start3A_2297 = tpu.memref_slice %arg6[%dma_start3A_2285, %dma_start3A_2295, %dma_start3A_2296] : memref<5x16x1024xf32, #tpu.memory_space<vmem>> -> memref<1x16x1024xf32, #tpu.memory_space<vmem>>
    %dma_start3A_2298 = tpu.memref_squeeze %dma_start3A_2297 : memref<1x16x1024xf32, #tpu.memory_space<vmem>> -> memref<16x1024xf32, #tpu.memory_space<vmem>>
    %dma_start3A_2299 = arith.constant 0 : i32
    %dma_start3A_2300 = tpu.memref_slice %arg2[%add3A_2284, %dma_start3A_2299] : memref<16384x1024xf32, #tpu.memory_space<hbm>> -> memref<16x1024xf32, #tpu.memory_space<hbm>>
    tpu.enqueue_dma source(%dma_start3A_2300 : memref<16x1024xf32, #tpu.memory_space<hbm>>) target(%dma_start3A_2298 : memref<16x1024xf32, #tpu.memory_space<vmem>>) target_semaphore(%dma_start3A_2294 : memref<!tpu.dma_semaphore, #tpu.memory_space<semaphore_mem>>)
    %add3A_2301 = arith.constant 4096 : i32
    %add3A_2302 = arith.addi %add3A_2301, %mul3A_2 : i32
    %add3A_2303 = arith.constant 112 : i32
    %add3A_2304 = arith.addi %add3A_2302, %add3A_2303 : i32
    %dma_wait3A_2305 = arith.constant 4 : i32
    %dma_wait3A_2306 = arith.constant 4 : i32
    %dma_wait3A_2307 = arith.constant 0 : i32
    %dma_wait3A_2308 = arith.constant 0 : i32
    %dma_wait3A_2309 = tpu.memref_slice %arg6[%dma_wait3A_2305, %dma_wait3A_2307, %dma_wait3A_2308] : memref<5x16x1024xf32, #tpu.memory_space<vmem>> -> memref<1x16x1024xf32, #tpu.memory_space<vmem>>
    %dma_wait3A_2310 = tpu.memref_squeeze %dma_wait3A_2309 : memref<1x16x1024xf32, #tpu.memory_space<vmem>> -> memref<16x1024xf32, #tpu.memory_space<vmem>>
    %dma_wait3A_2311 = arith.constant 0 : i32
    %dma_wait3A_2312 = tpu.memref_slice %arg2[%add3A_2304, %dma_wait3A_2311] : memref<16384x1024xf32, #tpu.memory_space<hbm>> -> memref<16x1024xf32, #tpu.memory_space<hbm>>
    %dma_wait3A_2313 = tpu.memref_slice %arg7[%dma_wait3A_2306] : memref<5x!tpu.dma_semaphore, #tpu.memory_space<semaphore_mem>> -> memref<1x!tpu.dma_semaphore, #tpu.memory_space<semaphore_mem>>
    %dma_wait3A_2314 = tpu.memref_squeeze %dma_wait3A_2313 : memref<1x!tpu.dma_semaphore, #tpu.memory_space<semaphore_mem>> -> memref<!tpu.dma_semaphore, #tpu.memory_space<semaphore_mem>>
    %dma_wait3A_2315 = arith.constant 0 : i32
    %dma_wait3A_2316 = arith.constant 0 : i32
    %dma_wait3A_2317 = tpu.memref_slice %arg6[%dma_wait3A_2305, %dma_wait3A_2315, %dma_wait3A_2316] : memref<5x16x1024xf32, #tpu.memory_space<vmem>> -> memref<1x16x1024xf32, #tpu.memory_space<vmem>>
    %dma_wait3A_2318 = tpu.memref_squeeze %dma_wait3A_2317 : memref<1x16x1024xf32, #tpu.memory_space<vmem>> -> memref<16x1024xf32, #tpu.memory_space<vmem>>
    %dma_wait3A_2319 = arith.constant 0 : i32
    %dma_wait3A_2320 = tpu.memref_slice %arg2[%add3A_2304, %dma_wait3A_2319] : memref<16384x1024xf32, #tpu.memory_space<hbm>> -> memref<16x1024xf32, #tpu.memory_space<hbm>>
    tpu.wait_dma2 semaphore(%dma_wait3A_2314 : memref<!tpu.dma_semaphore, #tpu.memory_space<semaphore_mem>>) src(%dma_wait3A_2320 : memref<16x1024xf32, #tpu.memory_space<hbm>>) dst(%dma_wait3A_2318 : memref<16x1024xf32, #tpu.memory_space<vmem>>)
    %add3A_2321 = arith.constant 12288 : i32
    %add3A_2322 = arith.addi %add3A_2321, %mul3A_2 : i32
    %add3A_2323 = arith.constant 96 : i32
    %add3A_2324 = arith.addi %add3A_2322, %add3A_2323 : i32
    %dma_start3A_2325 = arith.constant 2 : i32
    %dma_start3A_2326 = arith.constant 2 : i32
    %dma_start3A_2327 = arith.constant 0 : i32
    %dma_start3A_2328 = arith.constant 0 : i32
    %dma_start3A_2329 = tpu.memref_slice %arg6[%dma_start3A_2325, %dma_start3A_2327, %dma_start3A_2328] : memref<5x16x1024xf32, #tpu.memory_space<vmem>> -> memref<1x16x1024xf32, #tpu.memory_space<vmem>>
    %dma_start3A_2330 = tpu.memref_squeeze %dma_start3A_2329 : memref<1x16x1024xf32, #tpu.memory_space<vmem>> -> memref<16x1024xf32, #tpu.memory_space<vmem>>
    %dma_start3A_2331 = arith.constant 0 : i32
    %dma_start3A_2332 = tpu.memref_slice %arg4[%add3A_2324, %dma_start3A_2331] : memref<16384x1024xf32, #tpu.memory_space<hbm>> -> memref<16x1024xf32, #tpu.memory_space<hbm>>
    %dma_start3A_2333 = tpu.memref_slice %arg9[%dma_start3A_2326] : memref<5x!tpu.dma_semaphore, #tpu.memory_space<semaphore_mem>> -> memref<1x!tpu.dma_semaphore, #tpu.memory_space<semaphore_mem>>
    %dma_start3A_2334 = tpu.memref_squeeze %dma_start3A_2333 : memref<1x!tpu.dma_semaphore, #tpu.memory_space<semaphore_mem>> -> memref<!tpu.dma_semaphore, #tpu.memory_space<semaphore_mem>>
    %dma_start3A_2335 = arith.constant 0 : i32
    %dma_start3A_2336 = tpu.memref_slice %arg4[%add3A_2324, %dma_start3A_2335] : memref<16384x1024xf32, #tpu.memory_space<hbm>> -> memref<16x1024xf32, #tpu.memory_space<hbm>>
    %dma_start3A_2337 = arith.constant 0 : i32
    %dma_start3A_2338 = arith.constant 0 : i32
    %dma_start3A_2339 = tpu.memref_slice %arg6[%dma_start3A_2325, %dma_start3A_2337, %dma_start3A_2338] : memref<5x16x1024xf32, #tpu.memory_space<vmem>> -> memref<1x16x1024xf32, #tpu.memory_space<vmem>>
    %dma_start3A_2340 = tpu.memref_squeeze %dma_start3A_2339 : memref<1x16x1024xf32, #tpu.memory_space<vmem>> -> memref<16x1024xf32, #tpu.memory_space<vmem>>
    tpu.enqueue_dma source(%dma_start3A_2340 : memref<16x1024xf32, #tpu.memory_space<vmem>>) target(%dma_start3A_2336 : memref<16x1024xf32, #tpu.memory_space<hbm>>) target_semaphore(%dma_start3A_2334 : memref<!tpu.dma_semaphore, #tpu.memory_space<semaphore_mem>>)
    %add3A_2341 = arith.constant 8192 : i32
    %add3A_2342 = arith.addi %add3A_2341, %mul3A_2 : i32
    %add3A_2343 = arith.constant 112 : i32
    %add3A_2344 = arith.addi %add3A_2342, %add3A_2343 : i32
    %dma_wait3A_2345 = arith.constant 0 : i32
    %dma_wait3A_2346 = arith.constant 0 : i32
    %dma_wait3A_2347 = arith.constant 0 : i32
    %dma_wait3A_2348 = arith.constant 0 : i32
    %dma_wait3A_2349 = tpu.memref_slice %arg6[%dma_wait3A_2345, %dma_wait3A_2347, %dma_wait3A_2348] : memref<5x16x1024xf32, #tpu.memory_space<vmem>> -> memref<1x16x1024xf32, #tpu.memory_space<vmem>>
    %dma_wait3A_2350 = tpu.memref_squeeze %dma_wait3A_2349 : memref<1x16x1024xf32, #tpu.memory_space<vmem>> -> memref<16x1024xf32, #tpu.memory_space<vmem>>
    %dma_wait3A_2351 = arith.constant 0 : i32
    %dma_wait3A_2352 = tpu.memref_slice %arg2[%add3A_2344, %dma_wait3A_2351] : memref<16384x1024xf32, #tpu.memory_space<hbm>> -> memref<16x1024xf32, #tpu.memory_space<hbm>>
    %dma_wait3A_2353 = tpu.memref_slice %arg7[%dma_wait3A_2346] : memref<5x!tpu.dma_semaphore, #tpu.memory_space<semaphore_mem>> -> memref<1x!tpu.dma_semaphore, #tpu.memory_space<semaphore_mem>>
    %dma_wait3A_2354 = tpu.memref_squeeze %dma_wait3A_2353 : memref<1x!tpu.dma_semaphore, #tpu.memory_space<semaphore_mem>> -> memref<!tpu.dma_semaphore, #tpu.memory_space<semaphore_mem>>
    %dma_wait3A_2355 = arith.constant 0 : i32
    %dma_wait3A_2356 = arith.constant 0 : i32
    %dma_wait3A_2357 = tpu.memref_slice %arg6[%dma_wait3A_2345, %dma_wait3A_2355, %dma_wait3A_2356] : memref<5x16x1024xf32, #tpu.memory_space<vmem>> -> memref<1x16x1024xf32, #tpu.memory_space<vmem>>
    %dma_wait3A_2358 = tpu.memref_squeeze %dma_wait3A_2357 : memref<1x16x1024xf32, #tpu.memory_space<vmem>> -> memref<16x1024xf32, #tpu.memory_space<vmem>>
    %dma_wait3A_2359 = arith.constant 0 : i32
    %dma_wait3A_2360 = tpu.memref_slice %arg2[%add3A_2344, %dma_wait3A_2359] : memref<16384x1024xf32, #tpu.memory_space<hbm>> -> memref<16x1024xf32, #tpu.memory_space<hbm>>
    tpu.wait_dma2 semaphore(%dma_wait3A_2354 : memref<!tpu.dma_semaphore, #tpu.memory_space<semaphore_mem>>) src(%dma_wait3A_2360 : memref<16x1024xf32, #tpu.memory_space<hbm>>) dst(%dma_wait3A_2358 : memref<16x1024xf32, #tpu.memory_space<vmem>>)
    %add3A_2361 = arith.constant 0 : i32
    %add3A_2362 = arith.addi %add3A_2361, %mul3A_2 : i32
    %add3A_2363 = arith.constant 112 : i32
    %add3A_2364 = arith.addi %add3A_2362, %add3A_2363 : i32
    %dma_start3A_2365 = arith.constant 3 : i32
    %dma_start3A_2366 = arith.constant 3 : i32
    %dma_start3A_2367 = arith.constant 0 : i32
    %dma_start3A_2368 = arith.constant 0 : i32
    %dma_start3A_2369 = tpu.memref_slice %arg6[%dma_start3A_2365, %dma_start3A_2367, %dma_start3A_2368] : memref<5x16x1024xf32, #tpu.memory_space<vmem>> -> memref<1x16x1024xf32, #tpu.memory_space<vmem>>
    %dma_start3A_2370 = tpu.memref_squeeze %dma_start3A_2369 : memref<1x16x1024xf32, #tpu.memory_space<vmem>> -> memref<16x1024xf32, #tpu.memory_space<vmem>>
    %dma_start3A_2371 = arith.constant 0 : i32
    %dma_start3A_2372 = tpu.memref_slice %arg4[%add3A_2364, %dma_start3A_2371] : memref<16384x1024xf32, #tpu.memory_space<hbm>> -> memref<16x1024xf32, #tpu.memory_space<hbm>>
    %dma_start3A_2373 = tpu.memref_slice %arg9[%dma_start3A_2366] : memref<5x!tpu.dma_semaphore, #tpu.memory_space<semaphore_mem>> -> memref<1x!tpu.dma_semaphore, #tpu.memory_space<semaphore_mem>>
    %dma_start3A_2374 = tpu.memref_squeeze %dma_start3A_2373 : memref<1x!tpu.dma_semaphore, #tpu.memory_space<semaphore_mem>> -> memref<!tpu.dma_semaphore, #tpu.memory_space<semaphore_mem>>
    %dma_start3A_2375 = arith.constant 0 : i32
    %dma_start3A_2376 = tpu.memref_slice %arg4[%add3A_2364, %dma_start3A_2375] : memref<16384x1024xf32, #tpu.memory_space<hbm>> -> memref<16x1024xf32, #tpu.memory_space<hbm>>
    %dma_start3A_2377 = arith.constant 0 : i32
    %dma_start3A_2378 = arith.constant 0 : i32
    %dma_start3A_2379 = tpu.memref_slice %arg6[%dma_start3A_2365, %dma_start3A_2377, %dma_start3A_2378] : memref<5x16x1024xf32, #tpu.memory_space<vmem>> -> memref<1x16x1024xf32, #tpu.memory_space<vmem>>
    %dma_start3A_2380 = tpu.memref_squeeze %dma_start3A_2379 : memref<1x16x1024xf32, #tpu.memory_space<vmem>> -> memref<16x1024xf32, #tpu.memory_space<vmem>>
    tpu.enqueue_dma source(%dma_start3A_2380 : memref<16x1024xf32, #tpu.memory_space<vmem>>) target(%dma_start3A_2376 : memref<16x1024xf32, #tpu.memory_space<hbm>>) target_semaphore(%dma_start3A_2374 : memref<!tpu.dma_semaphore, #tpu.memory_space<semaphore_mem>>)
    %add3A_2381 = arith.constant 12288 : i32
    %add3A_2382 = arith.addi %add3A_2381, %mul3A_2 : i32
    %add3A_2383 = arith.constant 112 : i32
    %add3A_2384 = arith.addi %add3A_2382, %add3A_2383 : i32
    %dma_wait3A_2385 = arith.constant 1 : i32
    %dma_wait3A_2386 = arith.constant 1 : i32
    %dma_wait3A_2387 = arith.constant 0 : i32
    %dma_wait3A_2388 = arith.constant 0 : i32
    %dma_wait3A_2389 = tpu.memref_slice %arg6[%dma_wait3A_2385, %dma_wait3A_2387, %dma_wait3A_2388] : memref<5x16x1024xf32, #tpu.memory_space<vmem>> -> memref<1x16x1024xf32, #tpu.memory_space<vmem>>
    %dma_wait3A_2390 = tpu.memref_squeeze %dma_wait3A_2389 : memref<1x16x1024xf32, #tpu.memory_space<vmem>> -> memref<16x1024xf32, #tpu.memory_space<vmem>>
    %dma_wait3A_2391 = arith.constant 0 : i32
    %dma_wait3A_2392 = tpu.memref_slice %arg2[%add3A_2384, %dma_wait3A_2391] : memref<16384x1024xf32, #tpu.memory_space<hbm>> -> memref<16x1024xf32, #tpu.memory_space<hbm>>
    %dma_wait3A_2393 = tpu.memref_slice %arg7[%dma_wait3A_2386] : memref<5x!tpu.dma_semaphore, #tpu.memory_space<semaphore_mem>> -> memref<1x!tpu.dma_semaphore, #tpu.memory_space<semaphore_mem>>
    %dma_wait3A_2394 = tpu.memref_squeeze %dma_wait3A_2393 : memref<1x!tpu.dma_semaphore, #tpu.memory_space<semaphore_mem>> -> memref<!tpu.dma_semaphore, #tpu.memory_space<semaphore_mem>>
    %dma_wait3A_2395 = arith.constant 0 : i32
    %dma_wait3A_2396 = arith.constant 0 : i32
    %dma_wait3A_2397 = tpu.memref_slice %arg6[%dma_wait3A_2385, %dma_wait3A_2395, %dma_wait3A_2396] : memref<5x16x1024xf32, #tpu.memory_space<vmem>> -> memref<1x16x1024xf32, #tpu.memory_space<vmem>>
    %dma_wait3A_2398 = tpu.memref_squeeze %dma_wait3A_2397 : memref<1x16x1024xf32, #tpu.memory_space<vmem>> -> memref<16x1024xf32, #tpu.memory_space<vmem>>
    %dma_wait3A_2399 = arith.constant 0 : i32
    %dma_wait3A_2400 = tpu.memref_slice %arg2[%add3A_2384, %dma_wait3A_2399] : memref<16384x1024xf32, #tpu.memory_space<hbm>> -> memref<16x1024xf32, #tpu.memory_space<hbm>>
    tpu.wait_dma2 semaphore(%dma_wait3A_2394 : memref<!tpu.dma_semaphore, #tpu.memory_space<semaphore_mem>>) src(%dma_wait3A_2400 : memref<16x1024xf32, #tpu.memory_space<hbm>>) dst(%dma_wait3A_2398 : memref<16x1024xf32, #tpu.memory_space<vmem>>)
    %add3A_2401 = arith.constant 4096 : i32
    %add3A_2402 = arith.addi %add3A_2401, %mul3A_2 : i32
    %add3A_2403 = arith.constant 112 : i32
    %add3A_2404 = arith.addi %add3A_2402, %add3A_2403 : i32
    %dma_start3A_2405 = arith.constant 4 : i32
    %dma_start3A_2406 = arith.constant 4 : i32
    %dma_start3A_2407 = arith.constant 0 : i32
    %dma_start3A_2408 = arith.constant 0 : i32
    %dma_start3A_2409 = tpu.memref_slice %arg6[%dma_start3A_2405, %dma_start3A_2407, %dma_start3A_2408] : memref<5x16x1024xf32, #tpu.memory_space<vmem>> -> memref<1x16x1024xf32, #tpu.memory_space<vmem>>
    %dma_start3A_2410 = tpu.memref_squeeze %dma_start3A_2409 : memref<1x16x1024xf32, #tpu.memory_space<vmem>> -> memref<16x1024xf32, #tpu.memory_space<vmem>>
    %dma_start3A_2411 = arith.constant 0 : i32
    %dma_start3A_2412 = tpu.memref_slice %arg4[%add3A_2404, %dma_start3A_2411] : memref<16384x1024xf32, #tpu.memory_space<hbm>> -> memref<16x1024xf32, #tpu.memory_space<hbm>>
    %dma_start3A_2413 = tpu.memref_slice %arg9[%dma_start3A_2406] : memref<5x!tpu.dma_semaphore, #tpu.memory_space<semaphore_mem>> -> memref<1x!tpu.dma_semaphore, #tpu.memory_space<semaphore_mem>>
    %dma_start3A_2414 = tpu.memref_squeeze %dma_start3A_2413 : memref<1x!tpu.dma_semaphore, #tpu.memory_space<semaphore_mem>> -> memref<!tpu.dma_semaphore, #tpu.memory_space<semaphore_mem>>
    %dma_start3A_2415 = arith.constant 0 : i32
    %dma_start3A_2416 = tpu.memref_slice %arg4[%add3A_2404, %dma_start3A_2415] : memref<16384x1024xf32, #tpu.memory_space<hbm>> -> memref<16x1024xf32, #tpu.memory_space<hbm>>
    %dma_start3A_2417 = arith.constant 0 : i32
    %dma_start3A_2418 = arith.constant 0 : i32
    %dma_start3A_2419 = tpu.memref_slice %arg6[%dma_start3A_2405, %dma_start3A_2417, %dma_start3A_2418] : memref<5x16x1024xf32, #tpu.memory_space<vmem>> -> memref<1x16x1024xf32, #tpu.memory_space<vmem>>
    %dma_start3A_2420 = tpu.memref_squeeze %dma_start3A_2419 : memref<1x16x1024xf32, #tpu.memory_space<vmem>> -> memref<16x1024xf32, #tpu.memory_space<vmem>>
    tpu.enqueue_dma source(%dma_start3A_2420 : memref<16x1024xf32, #tpu.memory_space<vmem>>) target(%dma_start3A_2416 : memref<16x1024xf32, #tpu.memory_space<hbm>>) target_semaphore(%dma_start3A_2414 : memref<!tpu.dma_semaphore, #tpu.memory_space<semaphore_mem>>)
    %add3A_2421 = arith.constant 8192 : i32
    %add3A_2422 = arith.addi %add3A_2421, %mul3A_2 : i32
    %add3A_2423 = arith.constant 112 : i32
    %add3A_2424 = arith.addi %add3A_2422, %add3A_2423 : i32
    %dma_start3A_2425 = arith.constant 0 : i32
    %dma_start3A_2426 = arith.constant 0 : i32
    %dma_start3A_2427 = arith.constant 0 : i32
    %dma_start3A_2428 = arith.constant 0 : i32
    %dma_start3A_2429 = tpu.memref_slice %arg6[%dma_start3A_2425, %dma_start3A_2427, %dma_start3A_2428] : memref<5x16x1024xf32, #tpu.memory_space<vmem>> -> memref<1x16x1024xf32, #tpu.memory_space<vmem>>
    %dma_start3A_2430 = tpu.memref_squeeze %dma_start3A_2429 : memref<1x16x1024xf32, #tpu.memory_space<vmem>> -> memref<16x1024xf32, #tpu.memory_space<vmem>>
    %dma_start3A_2431 = arith.constant 0 : i32
    %dma_start3A_2432 = tpu.memref_slice %arg4[%add3A_2424, %dma_start3A_2431] : memref<16384x1024xf32, #tpu.memory_space<hbm>> -> memref<16x1024xf32, #tpu.memory_space<hbm>>
    %dma_start3A_2433 = tpu.memref_slice %arg9[%dma_start3A_2426] : memref<5x!tpu.dma_semaphore, #tpu.memory_space<semaphore_mem>> -> memref<1x!tpu.dma_semaphore, #tpu.memory_space<semaphore_mem>>
    %dma_start3A_2434 = tpu.memref_squeeze %dma_start3A_2433 : memref<1x!tpu.dma_semaphore, #tpu.memory_space<semaphore_mem>> -> memref<!tpu.dma_semaphore, #tpu.memory_space<semaphore_mem>>
    %dma_start3A_2435 = arith.constant 0 : i32
    %dma_start3A_2436 = tpu.memref_slice %arg4[%add3A_2424, %dma_start3A_2435] : memref<16384x1024xf32, #tpu.memory_space<hbm>> -> memref<16x1024xf32, #tpu.memory_space<hbm>>
    %dma_start3A_2437 = arith.constant 0 : i32
    %dma_start3A_2438 = arith.constant 0 : i32
    %dma_start3A_2439 = tpu.memref_slice %arg6[%dma_start3A_2425, %dma_start3A_2437, %dma_start3A_2438] : memref<5x16x1024xf32, #tpu.memory_space<vmem>> -> memref<1x16x1024xf32, #tpu.memory_space<vmem>>
    %dma_start3A_2440 = tpu.memref_squeeze %dma_start3A_2439 : memref<1x16x1024xf32, #tpu.memory_space<vmem>> -> memref<16x1024xf32, #tpu.memory_space<vmem>>
    tpu.enqueue_dma source(%dma_start3A_2440 : memref<16x1024xf32, #tpu.memory_space<vmem>>) target(%dma_start3A_2436 : memref<16x1024xf32, #tpu.memory_space<hbm>>) target_semaphore(%dma_start3A_2434 : memref<!tpu.dma_semaphore, #tpu.memory_space<semaphore_mem>>)
    %add3A_2441 = arith.constant 12288 : i32
    %add3A_2442 = arith.addi %add3A_2441, %mul3A_2 : i32
    %add3A_2443 = arith.constant 112 : i32
    %add3A_2444 = arith.addi %add3A_2442, %add3A_2443 : i32
    %dma_start3A_2445 = arith.constant 1 : i32
    %dma_start3A_2446 = arith.constant 1 : i32
    %dma_start3A_2447 = arith.constant 0 : i32
    %dma_start3A_2448 = arith.constant 0 : i32
    %dma_start3A_2449 = tpu.memref_slice %arg6[%dma_start3A_2445, %dma_start3A_2447, %dma_start3A_2448] : memref<5x16x1024xf32, #tpu.memory_space<vmem>> -> memref<1x16x1024xf32, #tpu.memory_space<vmem>>
    %dma_start3A_2450 = tpu.memref_squeeze %dma_start3A_2449 : memref<1x16x1024xf32, #tpu.memory_space<vmem>> -> memref<16x1024xf32, #tpu.memory_space<vmem>>
    %dma_start3A_2451 = arith.constant 0 : i32
    %dma_start3A_2452 = tpu.memref_slice %arg4[%add3A_2444, %dma_start3A_2451] : memref<16384x1024xf32, #tpu.memory_space<hbm>> -> memref<16x1024xf32, #tpu.memory_space<hbm>>
    %dma_start3A_2453 = tpu.memref_slice %arg9[%dma_start3A_2446] : memref<5x!tpu.dma_semaphore, #tpu.memory_space<semaphore_mem>> -> memref<1x!tpu.dma_semaphore, #tpu.memory_space<semaphore_mem>>
    %dma_start3A_2454 = tpu.memref_squeeze %dma_start3A_2453 : memref<1x!tpu.dma_semaphore, #tpu.memory_space<semaphore_mem>> -> memref<!tpu.dma_semaphore, #tpu.memory_space<semaphore_mem>>
    %dma_start3A_2455 = arith.constant 0 : i32
    %dma_start3A_2456 = tpu.memref_slice %arg4[%add3A_2444, %dma_start3A_2455] : memref<16384x1024xf32, #tpu.memory_space<hbm>> -> memref<16x1024xf32, #tpu.memory_space<hbm>>
    %dma_start3A_2457 = arith.constant 0 : i32
    %dma_start3A_2458 = arith.constant 0 : i32
    %dma_start3A_2459 = tpu.memref_slice %arg6[%dma_start3A_2445, %dma_start3A_2457, %dma_start3A_2458] : memref<5x16x1024xf32, #tpu.memory_space<vmem>> -> memref<1x16x1024xf32, #tpu.memory_space<vmem>>
    %dma_start3A_2460 = tpu.memref_squeeze %dma_start3A_2459 : memref<1x16x1024xf32, #tpu.memory_space<vmem>> -> memref<16x1024xf32, #tpu.memory_space<vmem>>
    tpu.enqueue_dma source(%dma_start3A_2460 : memref<16x1024xf32, #tpu.memory_space<vmem>>) target(%dma_start3A_2456 : memref<16x1024xf32, #tpu.memory_space<hbm>>) target_semaphore(%dma_start3A_2454 : memref<!tpu.dma_semaphore, #tpu.memory_space<semaphore_mem>>)
    %add3A_2461 = arith.constant 12288 : i32
    %add3A_2462 = arith.addi %add3A_2461, %mul3A_2 : i32
    %add3A_2463 = arith.constant 96 : i32
    %add3A_2464 = arith.addi %add3A_2462, %add3A_2463 : i32
    %dma_wait3A_2465 = arith.constant 2 : i32
    %dma_wait3A_2466 = arith.constant 2 : i32
    %dma_wait3A_2467 = arith.constant 0 : i32
    %dma_wait3A_2468 = arith.constant 0 : i32
    %dma_wait3A_2469 = tpu.memref_slice %arg6[%dma_wait3A_2465, %dma_wait3A_2467, %dma_wait3A_2468] : memref<5x16x1024xf32, #tpu.memory_space<vmem>> -> memref<1x16x1024xf32, #tpu.memory_space<vmem>>
    %dma_wait3A_2470 = tpu.memref_squeeze %dma_wait3A_2469 : memref<1x16x1024xf32, #tpu.memory_space<vmem>> -> memref<16x1024xf32, #tpu.memory_space<vmem>>
    %dma_wait3A_2471 = arith.constant 0 : i32
    %dma_wait3A_2472 = tpu.memref_slice %arg4[%add3A_2464, %dma_wait3A_2471] : memref<16384x1024xf32, #tpu.memory_space<hbm>> -> memref<16x1024xf32, #tpu.memory_space<hbm>>
    %dma_wait3A_2473 = tpu.memref_slice %arg9[%dma_wait3A_2466] : memref<5x!tpu.dma_semaphore, #tpu.memory_space<semaphore_mem>> -> memref<1x!tpu.dma_semaphore, #tpu.memory_space<semaphore_mem>>
    %dma_wait3A_2474 = tpu.memref_squeeze %dma_wait3A_2473 : memref<1x!tpu.dma_semaphore, #tpu.memory_space<semaphore_mem>> -> memref<!tpu.dma_semaphore, #tpu.memory_space<semaphore_mem>>
    %dma_wait3A_2475 = arith.constant 0 : i32
    %dma_wait3A_2476 = tpu.memref_slice %arg4[%add3A_2464, %dma_wait3A_2475] : memref<16384x1024xf32, #tpu.memory_space<hbm>> -> memref<16x1024xf32, #tpu.memory_space<hbm>>
    %dma_wait3A_2477 = arith.constant 0 : i32
    %dma_wait3A_2478 = arith.constant 0 : i32
    %dma_wait3A_2479 = tpu.memref_slice %arg6[%dma_wait3A_2465, %dma_wait3A_2477, %dma_wait3A_2478] : memref<5x16x1024xf32, #tpu.memory_space<vmem>> -> memref<1x16x1024xf32, #tpu.memory_space<vmem>>
    %dma_wait3A_2480 = tpu.memref_squeeze %dma_wait3A_2479 : memref<1x16x1024xf32, #tpu.memory_space<vmem>> -> memref<16x1024xf32, #tpu.memory_space<vmem>>
    tpu.wait_dma2 semaphore(%dma_wait3A_2474 : memref<!tpu.dma_semaphore, #tpu.memory_space<semaphore_mem>>) src(%dma_wait3A_2480 : memref<16x1024xf32, #tpu.memory_space<vmem>>) dst(%dma_wait3A_2476 : memref<16x1024xf32, #tpu.memory_space<hbm>>)
    %add3A_2481 = arith.constant 0 : i32
    %add3A_2482 = arith.addi %add3A_2481, %mul3A_2 : i32
    %add3A_2483 = arith.constant 112 : i32
    %add3A_2484 = arith.addi %add3A_2482, %add3A_2483 : i32
    %dma_wait3A_2485 = arith.constant 3 : i32
    %dma_wait3A_2486 = arith.constant 3 : i32
    %dma_wait3A_2487 = arith.constant 0 : i32
    %dma_wait3A_2488 = arith.constant 0 : i32
    %dma_wait3A_2489 = tpu.memref_slice %arg6[%dma_wait3A_2485, %dma_wait3A_2487, %dma_wait3A_2488] : memref<5x16x1024xf32, #tpu.memory_space<vmem>> -> memref<1x16x1024xf32, #tpu.memory_space<vmem>>
    %dma_wait3A_2490 = tpu.memref_squeeze %dma_wait3A_2489 : memref<1x16x1024xf32, #tpu.memory_space<vmem>> -> memref<16x1024xf32, #tpu.memory_space<vmem>>
    %dma_wait3A_2491 = arith.constant 0 : i32
    %dma_wait3A_2492 = tpu.memref_slice %arg4[%add3A_2484, %dma_wait3A_2491] : memref<16384x1024xf32, #tpu.memory_space<hbm>> -> memref<16x1024xf32, #tpu.memory_space<hbm>>
    %dma_wait3A_2493 = tpu.memref_slice %arg9[%dma_wait3A_2486] : memref<5x!tpu.dma_semaphore, #tpu.memory_space<semaphore_mem>> -> memref<1x!tpu.dma_semaphore, #tpu.memory_space<semaphore_mem>>
    %dma_wait3A_2494 = tpu.memref_squeeze %dma_wait3A_2493 : memref<1x!tpu.dma_semaphore, #tpu.memory_space<semaphore_mem>> -> memref<!tpu.dma_semaphore, #tpu.memory_space<semaphore_mem>>
    %dma_wait3A_2495 = arith.constant 0 : i32
    %dma_wait3A_2496 = tpu.memref_slice %arg4[%add3A_2484, %dma_wait3A_2495] : memref<16384x1024xf32, #tpu.memory_space<hbm>> -> memref<16x1024xf32, #tpu.memory_space<hbm>>
    %dma_wait3A_2497 = arith.constant 0 : i32
    %dma_wait3A_2498 = arith.constant 0 : i32
    %dma_wait3A_2499 = tpu.memref_slice %arg6[%dma_wait3A_2485, %dma_wait3A_2497, %dma_wait3A_2498] : memref<5x16x1024xf32, #tpu.memory_space<vmem>> -> memref<1x16x1024xf32, #tpu.memory_space<vmem>>
    %dma_wait3A_2500 = tpu.memref_squeeze %dma_wait3A_2499 : memref<1x16x1024xf32, #tpu.memory_space<vmem>> -> memref<16x1024xf32, #tpu.memory_space<vmem>>
    tpu.wait_dma2 semaphore(%dma_wait3A_2494 : memref<!tpu.dma_semaphore, #tpu.memory_space<semaphore_mem>>) src(%dma_wait3A_2500 : memref<16x1024xf32, #tpu.memory_space<vmem>>) dst(%dma_wait3A_2496 : memref<16x1024xf32, #tpu.memory_space<hbm>>)
    %add3A_2501 = arith.constant 4096 : i32
    %add3A_2502 = arith.addi %add3A_2501, %mul3A_2 : i32
    %add3A_2503 = arith.constant 112 : i32
    %add3A_2504 = arith.addi %add3A_2502, %add3A_2503 : i32
    %dma_wait3A_2505 = arith.constant 4 : i32
    %dma_wait3A_2506 = arith.constant 4 : i32
    %dma_wait3A_2507 = arith.constant 0 : i32
    %dma_wait3A_2508 = arith.constant 0 : i32
    %dma_wait3A_2509 = tpu.memref_slice %arg6[%dma_wait3A_2505, %dma_wait3A_2507, %dma_wait3A_2508] : memref<5x16x1024xf32, #tpu.memory_space<vmem>> -> memref<1x16x1024xf32, #tpu.memory_space<vmem>>
    %dma_wait3A_2510 = tpu.memref_squeeze %dma_wait3A_2509 : memref<1x16x1024xf32, #tpu.memory_space<vmem>> -> memref<16x1024xf32, #tpu.memory_space<vmem>>
    %dma_wait3A_2511 = arith.constant 0 : i32
    %dma_wait3A_2512 = tpu.memref_slice %arg4[%add3A_2504, %dma_wait3A_2511] : memref<16384x1024xf32, #tpu.memory_space<hbm>> -> memref<16x1024xf32, #tpu.memory_space<hbm>>
    %dma_wait3A_2513 = tpu.memref_slice %arg9[%dma_wait3A_2506] : memref<5x!tpu.dma_semaphore, #tpu.memory_space<semaphore_mem>> -> memref<1x!tpu.dma_semaphore, #tpu.memory_space<semaphore_mem>>
    %dma_wait3A_2514 = tpu.memref_squeeze %dma_wait3A_2513 : memref<1x!tpu.dma_semaphore, #tpu.memory_space<semaphore_mem>> -> memref<!tpu.dma_semaphore, #tpu.memory_space<semaphore_mem>>
    %dma_wait3A_2515 = arith.constant 0 : i32
    %dma_wait3A_2516 = tpu.memref_slice %arg4[%add3A_2504, %dma_wait3A_2515] : memref<16384x1024xf32, #tpu.memory_space<hbm>> -> memref<16x1024xf32, #tpu.memory_space<hbm>>
    %dma_wait3A_2517 = arith.constant 0 : i32
    %dma_wait3A_2518 = arith.constant 0 : i32
    %dma_wait3A_2519 = tpu.memref_slice %arg6[%dma_wait3A_2505, %dma_wait3A_2517, %dma_wait3A_2518] : memref<5x16x1024xf32, #tpu.memory_space<vmem>> -> memref<1x16x1024xf32, #tpu.memory_space<vmem>>
    %dma_wait3A_2520 = tpu.memref_squeeze %dma_wait3A_2519 : memref<1x16x1024xf32, #tpu.memory_space<vmem>> -> memref<16x1024xf32, #tpu.memory_space<vmem>>
    tpu.wait_dma2 semaphore(%dma_wait3A_2514 : memref<!tpu.dma_semaphore, #tpu.memory_space<semaphore_mem>>) src(%dma_wait3A_2520 : memref<16x1024xf32, #tpu.memory_space<vmem>>) dst(%dma_wait3A_2516 : memref<16x1024xf32, #tpu.memory_space<hbm>>)
    %add3A_2521 = arith.constant 8192 : i32
    %add3A_2522 = arith.addi %add3A_2521, %mul3A_2 : i32
    %add3A_2523 = arith.constant 112 : i32
    %add3A_2524 = arith.addi %add3A_2522, %add3A_2523 : i32
    %dma_wait3A_2525 = arith.constant 0 : i32
    %dma_wait3A_2526 = arith.constant 0 : i32
    %dma_wait3A_2527 = arith.constant 0 : i32
    %dma_wait3A_2528 = arith.constant 0 : i32
    %dma_wait3A_2529 = tpu.memref_slice %arg6[%dma_wait3A_2525, %dma_wait3A_2527, %dma_wait3A_2528] : memref<5x16x1024xf32, #tpu.memory_space<vmem>> -> memref<1x16x1024xf32, #tpu.memory_space<vmem>>
    %dma_wait3A_2530 = tpu.memref_squeeze %dma_wait3A_2529 : memref<1x16x1024xf32, #tpu.memory_space<vmem>> -> memref<16x1024xf32, #tpu.memory_space<vmem>>
    %dma_wait3A_2531 = arith.constant 0 : i32
    %dma_wait3A_2532 = tpu.memref_slice %arg4[%add3A_2524, %dma_wait3A_2531] : memref<16384x1024xf32, #tpu.memory_space<hbm>> -> memref<16x1024xf32, #tpu.memory_space<hbm>>
    %dma_wait3A_2533 = tpu.memref_slice %arg9[%dma_wait3A_2526] : memref<5x!tpu.dma_semaphore, #tpu.memory_space<semaphore_mem>> -> memref<1x!tpu.dma_semaphore, #tpu.memory_space<semaphore_mem>>
    %dma_wait3A_2534 = tpu.memref_squeeze %dma_wait3A_2533 : memref<1x!tpu.dma_semaphore, #tpu.memory_space<semaphore_mem>> -> memref<!tpu.dma_semaphore, #tpu.memory_space<semaphore_mem>>
    %dma_wait3A_2535 = arith.constant 0 : i32
    %dma_wait3A_2536 = tpu.memref_slice %arg4[%add3A_2524, %dma_wait3A_2535] : memref<16384x1024xf32, #tpu.memory_space<hbm>> -> memref<16x1024xf32, #tpu.memory_space<hbm>>
    %dma_wait3A_2537 = arith.constant 0 : i32
    %dma_wait3A_2538 = arith.constant 0 : i32
    %dma_wait3A_2539 = tpu.memref_slice %arg6[%dma_wait3A_2525, %dma_wait3A_2537, %dma_wait3A_2538] : memref<5x16x1024xf32, #tpu.memory_space<vmem>> -> memref<1x16x1024xf32, #tpu.memory_space<vmem>>
    %dma_wait3A_2540 = tpu.memref_squeeze %dma_wait3A_2539 : memref<1x16x1024xf32, #tpu.memory_space<vmem>> -> memref<16x1024xf32, #tpu.memory_space<vmem>>
    tpu.wait_dma2 semaphore(%dma_wait3A_2534 : memref<!tpu.dma_semaphore, #tpu.memory_space<semaphore_mem>>) src(%dma_wait3A_2540 : memref<16x1024xf32, #tpu.memory_space<vmem>>) dst(%dma_wait3A_2536 : memref<16x1024xf32, #tpu.memory_space<hbm>>)
    %add3A_2541 = arith.constant 12288 : i32
    %add3A_2542 = arith.addi %add3A_2541, %mul3A_2 : i32
    %add3A_2543 = arith.constant 112 : i32
    %add3A_2544 = arith.addi %add3A_2542, %add3A_2543 : i32
    %dma_wait3A_2545 = arith.constant 1 : i32
    %dma_wait3A_2546 = arith.constant 1 : i32
    %dma_wait3A_2547 = arith.constant 0 : i32
    %dma_wait3A_2548 = arith.constant 0 : i32
    %dma_wait3A_2549 = tpu.memref_slice %arg6[%dma_wait3A_2545, %dma_wait3A_2547, %dma_wait3A_2548] : memref<5x16x1024xf32, #tpu.memory_space<vmem>> -> memref<1x16x1024xf32, #tpu.memory_space<vmem>>
    %dma_wait3A_2550 = tpu.memref_squeeze %dma_wait3A_2549 : memref<1x16x1024xf32, #tpu.memory_space<vmem>> -> memref<16x1024xf32, #tpu.memory_space<vmem>>
    %dma_wait3A_2551 = arith.constant 0 : i32
    %dma_wait3A_2552 = tpu.memref_slice %arg4[%add3A_2544, %dma_wait3A_2551] : memref<16384x1024xf32, #tpu.memory_space<hbm>> -> memref<16x1024xf32, #tpu.memory_space<hbm>>
    %dma_wait3A_2553 = tpu.memref_slice %arg9[%dma_wait3A_2546] : memref<5x!tpu.dma_semaphore, #tpu.memory_space<semaphore_mem>> -> memref<1x!tpu.dma_semaphore, #tpu.memory_space<semaphore_mem>>
    %dma_wait3A_2554 = tpu.memref_squeeze %dma_wait3A_2553 : memref<1x!tpu.dma_semaphore, #tpu.memory_space<semaphore_mem>> -> memref<!tpu.dma_semaphore, #tpu.memory_space<semaphore_mem>>
    %dma_wait3A_2555 = arith.constant 0 : i32
    %dma_wait3A_2556 = tpu.memref_slice %arg4[%add3A_2544, %dma_wait3A_2555] : memref<16384x1024xf32, #tpu.memory_space<hbm>> -> memref<16x1024xf32, #tpu.memory_space<hbm>>
    %dma_wait3A_2557 = arith.constant 0 : i32
    %dma_wait3A_2558 = arith.constant 0 : i32
    %dma_wait3A_2559 = tpu.memref_slice %arg6[%dma_wait3A_2545, %dma_wait3A_2557, %dma_wait3A_2558] : memref<5x16x1024xf32, #tpu.memory_space<vmem>> -> memref<1x16x1024xf32, #tpu.memory_space<vmem>>
    %dma_wait3A_2560 = tpu.memref_squeeze %dma_wait3A_2559 : memref<1x16x1024xf32, #tpu.memory_space<vmem>> -> memref<16x1024xf32, #tpu.memory_space<vmem>>
    tpu.wait_dma2 semaphore(%dma_wait3A_2554 : memref<!tpu.dma_semaphore, #tpu.memory_space<semaphore_mem>>) src(%dma_wait3A_2560 : memref<16x1024xf32, #tpu.memory_space<vmem>>) dst(%dma_wait3A_2556 : memref<16x1024xf32, #tpu.memory_space<hbm>>)
    return
  }
}

</mosaic_0001>

<sc_bundles>
// kernel: kernel.3.cloned.1.call-start
scs
__scs_entry_jumppad:
0x0: {  	(pc) =	sbr.rel $0x88, $3  }
0x1: {  	(tag) =	ssettag $0x0;
	lr =	simm.s32 $0x1  }
0x2: {  	[smem:$0x3F9F] =	sst lr;
	_ =	strace $0xD0000000  }
0x3: {  	_ = 	snop  }
0x4: {  	_ = 	snop  }
0x5: {  	_ = 	snop  }
0x6: {  	_ = 	snop  }
0x7: {  	_ = 	snop  }
__scs_overlays_trampoline_lowered:
0x8: {  	[smem:$0x3FAE] =	sst s0  }
0x9: {  	[smem:$0x3FAF] =	sst s1  }
0xa: {  	[smem:$0x3FB0] =	sst s2  }
0xb: {  	[smem:$0x3FB1] =	sst s3  }
0xc: {  	[smem:$0x3FB2] =	sst s4  }
0xd: {  	[smem:$0x3FB3] =	sst s5  }
0xe: {  	[smem:$0x3FB4] =	sst s6  }
0xf: {  	[smem:$0x3FB5] =	sst s7  }
0x10: {  	[smem:$0x3FB6] =	sst s8  }
0x11: {  	[smem:$0x3FB7] =	sst s9;
	s0 =	simm.s32 @!p0 $0x0  }
0x12: {  	s1 =	sld [smem:$0x3F9D];
	s0 =	simm.s32 @p0 $0x1  }
0x13: {  	[smem:$0x3FB8] =	sst s0;
	s0 =	simm.s32 @!p1 $0x0  }
0x14: {  	s2 =	sld [smem:$0x3F9C];
	s0 =	simm.s32 @p1 $0x1  }
0x15: {  	[smem:$0x3FB9] =	sst s0;
	s0 =	simm.s32 @!p2 $0x0  }
0x16: {  	s3 =	sld [smem:$0x3FDB];
	s0 =	simm.s32 @p2 $0x1  }
0x17: {  	s4 =	simm.s32 $0x1BF5;
	[smem:$0x3FBB] =	sst s0  }
0x18: {  	s0 =	sld [smem:$0x3F9E];
	_ =	swait.ge [sflag:s4], $0x0  }
0x19: {  	s7 =	sld [smem:$0x3F9F]  }
0x1a: {  	s8 =	sadd.s32 $0xFFFFE003, lr  }
0x1b: {  	s9 =	sadd.s32 $0xFFFFFEF7, lr;
	s5 =	simm.s32 $0xFFFFFFFF;
	p2 =	slt.u32 s8, $0xFFFFF086  }
0x1c: {  	p1 =	slt.u32 s9, $0xF7A;
	s5 =	simm.s32 @!p2 $0x0  }
0x1d: {  	s5 =	simm.s32 @p1 $0x1;
	p0 =	seq.s32 s7, s2  }
0x1e: {  	s7 =	smul.u32 @!p0 $0xF7A, s2;
	p2 =	seq.s32 @!p0 s5, $0x0  }
0x1f: {  	s9 =	smul.u32 $0xF7A, s1;
	s8 =	simm.s32 @!p0 $0x1BF5;
	p2 =	por !p2, p0  }
0x20: {  	[sflag:s8] =	ssyncset.s32 @!p0 $0xFFFFF086;
	s6 =	sadd.s32 @!p0 s3, s7;
	s7 =	simm.s32 @!p0 $0x108  }
0x21: {  	s3 =	sadd.s32 s3, s9;
	s6 =	sadd.s32 @!p0 $0x88, s6;
	s7 =	simm.s32 @p2 $0x1082  }
0x22: {  	[simem:s7], [sflag:s8] =	dma.local @!p0 [hbm:s6], $0xF7A  }
0x23: {  	s9 =	sor.u32 $0xD0000000, s2;
	s6 =	simm.s32 $0x108;
	_ =	swait.ge @!p0 [sflag:s8], $0x0  }
0x24: {  	s3 =	sadd.s32 $0x88, s3;
	s6 =	simm.s32 @!p1 $0x1082;
	[sflag:s4] =	ssyncset.s32 $0xFFFFF086  }
0x25: {  	[simem:s6], [sflag:s4] =	dma.local [hbm:s3], $0xF7A  }
0x26: {  	[smem:$0x3F9F] =	sst s1;
	(tag) =	ssettag s2;
	_ =	strace s9  }
0x27: {  	s1 =	sld [smem:$0x3FAF]  }
0x28: {  	s2 =	sld [smem:$0x3FB0]  }
0x29: {  	s4 =	sld [smem:$0x3FB2]  }
0x2a: {  	p0 =	seq.s32 s5, $0x0;
	s5 =	sld [smem:$0x3FB3]  }
0x2b: {  	s6 =	sld [smem:$0x3FB4]  }
0x2c: {  	s7 =	sld [smem:$0x3FB5]  }
0x2d: {  	s3 =	simm.s32 $0x108;
	s8 =	sld [smem:$0x3FB6]  }
0x2e: {  	s3 =	simm.s32 @!p0 $0x1082;
	s9 =	sld [smem:$0x3FB7]  }
0x2f: {  	lr =	sadd.s32 s0, s3;
	s0 =	sld [smem:$0x3FAE]  }
0x30: {  	s3 =	sld [smem:$0x3FB1]  }
0x31: {  	[smem:$0x3FBA] =	sst s10  }
0x32: {  	s10 =	sld [smem:$0x3FB8];
	_ =	sdelay $0x3  }
0x33: {  	p0 =	seq.s32 s10, $0x1;
	s10 =	sld [smem:$0x3FBA];
	_ =	sdelay $0x3  }
0x34: {  	[smem:$0x3FBA] =	sst s10  }
0x35: {  	s10 =	sld [smem:$0x3FB9];
	_ =	sdelay $0x3  }
0x36: {  	p1 =	seq.s32 s10, $0x1;
	s10 =	sld [smem:$0x3FBA];
	_ =	sdelay $0x3  }
0x37: {  	[smem:$0x3FBA] =	sst s10  }
0x38: {  	s10 =	sld [smem:$0x3FBB]  }
0x39: {  	_ = 	snop;
	(pc) =	sbr.ind lr, $3  }
0x3a: {  	_ = 	snop  }
0x3b: {  	_ = 	snop  }
0x3c: {  	p2 =	seq.s32 s10, $0x1;
	s10 =	sld [smem:$0x3FBA]  }
0x3d: {  	_ =	shalt  }
0x3e: {  	_ =	shalt  }
0x3f: {  	_ =	shalt  }
0x40: {  	_ =	shalt  }
0x41: {  	_ =	shalt  }
0x42: {  	_ =	shalt  }
0x43: {  	_ =	shalt  }
0x44: {  	_ =	shalt  }
0x45: {  	_ =	shalt  }
0x46: {  	_ =	shalt  }
0x47: {  	_ =	shalt  }
0x48: {  	_ =	shalt  }
0x49: {  	_ =	shalt  }
0x4a: {  	_ =	shalt  }
0x4b: {  	_ =	shalt  }
0x4c: {  	_ =	shalt  }
0x4d: {  	_ =	shalt  }
0x4e: {  	_ =	shalt  }
0x4f: {  	_ =	shalt  }
0x50: {  	_ =	shalt  }
0x51: {  	_ =	shalt  }
0x52: {  	_ =	shalt  }
0x53: {  	_ =	shalt  }
0x54: {  	_ =	shalt  }
0x55: {  	_ =	shalt  }
0x56: {  	_ =	shalt  }
0x57: {  	_ =	shalt  }
0x58: {  	_ =	shalt  }
0x59: {  	_ =	shalt  }
0x5a: {  	_ =	shalt  }
0x5b: {  	_ =	shalt  }
0x5c: {  	_ =	shalt  }
0x5d: {  	_ =	shalt  }
0x5e: {  	_ =	shalt  }
0x5f: {  	_ =	shalt  }
0x60: {  	_ =	shalt  }
0x61: {  	_ =	shalt  }
0x62: {  	_ =	shalt  }
0x63: {  	_ =	shalt  }
0x64: {  	_ =	shalt  }
0x65: {  	_ =	shalt  }
0x66: {  	_ =	shalt  }
0x67: {  	_ =	shalt  }
0x68: {  	_ =	shalt  }
0x69: {  	_ =	shalt  }
0x6a: {  	_ =	shalt  }
0x6b: {  	_ =	shalt  }
0x6c: {  	_ =	shalt  }
0x6d: {  	_ =	shalt  }
0x6e: {  	_ =	shalt  }
0x6f: {  	_ =	shalt  }
0x70: {  	_ =	shalt  }
0x71: {  	_ =	shalt  }
0x72: {  	_ =	shalt  }
0x73: {  	_ =	shalt  }
0x74: {  	_ =	shalt  }
0x75: {  	_ =	shalt  }
0x76: {  	_ =	shalt  }
0x77: {  	_ =	shalt  }
0x78: {  	_ =	shalt  }
0x79: {  	_ =	shalt  }
0x7a: {  	_ =	shalt  }
0x7b: {  	_ =	shalt  }
0x7c: {  	_ =	shalt  }
0x7d: {  	_ =	shalt  }
0x7e: {  	_ =	shalt  }
0x7f: {  	_ =	shalt  }
0x80: {  	_ =	shalt  }
0x81: {  	_ =	shalt  }
0x82: {  	_ =	shalt  }
0x83: {  	_ =	shalt  }
0x84: {  	_ =	shalt  }
0x85: {  	_ =	shalt  }
0x86: {  	_ =	shalt  }
0x87: {  	_ =	shalt  }
.Lfunc_end0:
.L_simem_size_0:
called_computation_lowered:
.L_overlay_start_0:
0x88: {  	s2 =	sld [smem:$0x3FD9]  }
0x89: {  	s3 =	sld [smem:$0x3FFE];
	_ =	sdelay $0x1  }
0x8a: {  	s1 =	srdreg.scid  }
0x8b: {  	s0 =	sand.u32 $0x1, s1  }
0x8c: {  	s18 =	sshll.u32 s0, $0xA;
	s2 =	sadd.s32 s3, s2  }
0x8d: {  	s2 =	sadd.s32 s2, s18  }
0x8e: {  	[smem:$0x3FC6] =	sst s2  }
0x8f: {  	_ = 	snop  }
0x90: {  	s2 =	sld [smem:$0x3FC9]  }
0x91: {  	s19 =	sld [smem:$0x3FD0];
	(tm) =	ssettm $0x1  }
0x92: {  	s4 =	sld [smem:$0x3FFB];
	_ =	sdelay $0x3  }
0x93: {  	_ =	strace s4  }
0x94: {  	s4 =	sld [smem:$0x3FFC];
	_ =	sdelay $0x3  }
0x95: {  	_ =	strace s4  }
0x96: {  	s4 =	sld [smem:$0x3FFD];
	_ =	sdelay $0x3  }
0x97: {  	_ =	strace s4  }
0x98: {  	_ =	strace $0x8FFFFFFF  }
0x99: {  	s20 =	sld [smem:$0x3FDB];
	_ =	sdelay $0x1  }
0x9a: {  	s5 =	simm.s32 $_scs_section_size  }
0x9b: {  	s6 =	simm.s32 $_size__tile_overlayer_lowered;
	s7 =	simm.s32 $_tile_overlayer_lowered  }
0x9c: {  	s23 =	simm.s32 $0x1BFF;
	s22 =	sshll.u32 s7, $0x1;
	s4 =	sadd.s32 s5, s20  }
0x9d: {  	s8 =	simm.s32 $0x0;
	s21 =	sshll.u32 s6, $0x1;
	s6 =	sadd.s32 s22, s4  }
0x9e: {  	[timem:s8], [sflag:s23] =	dma.local [hbm:s6], s21  }
0x9f: {  	_ =	swait.ge [sflag:s23], s21  }
0xa0: {  	s5 =	ssub.s32 $0x0, s21;
	[sflag:s23] =	ssyncset.done $0x0  }
0xa1: {  	[sflag:s23] =	ssyncadd.s32 s5;
	_ =	sdelay $0x1  }
0xa2: {  	s24 =	simm.s32 $0x1B8B  }
0xa3: {  	_ =	swait.ge [sflag:s24], $0x1  }
0xa4: {  	[sflag:s24] =	ssyncset.done $0x0  }
0xa5: {  	s25 =	simm.s32 $0x1B8E;
	[sflag:s24] =	ssyncadd.s32 $0xFFFFFFFF  }
0xa6: {  	s26 =	simm.s32 $execute0_lowered;
	[smem:$0x3FD2] =	sst s25  }
0xa7: {  	s5 =	sshll.u32 s26, $0x1;
	_ =	strace $0x80000046;
	[dreg:$0x1] =	wrdreg $0xFFFFFFFF  }
0xa8: {  	s28 =	simm.s32 $_size_execute0_lowered;
	s4 =	sadd.s32 s4, s5;
	[dreg:$0x0] =	wrdreg $0x0  }
0xa9: {  	s5 =	sshll.u32 s28, $0x1;
	[dreg:$0x2] =	wrdreg s4  }
0xaa: {  	[dreg:$0x3] =	wrdreg s5  }
0xab: {  	[dreg:$0x4] =	wrdreg $0xC0  }
0xac: {  	_ =	task [dreg:s8], $0x5FFFF  }
0xad: {  	[dreg:$0x1] =	wrdreg $0xFFFFFFFF  }
0xae: {  	[dreg:$0x0] =	wrdreg $0x60  }
0xaf: {  	[dreg:$0x2] =	wrdreg s2  }
0xb0: {  	[dreg:$0x3] =	wrdreg s19  }
0xb1: {  	[dreg:$0x4] =	wrdreg $0x9  }
0xb2: {  	_ =	task.clear_ibuf [dreg:s8], $0x5FFFF;
	_ =	strace $0x90000046  }
0xb3: {  	s29 =	simm.s32 $0x9;
	_ =	strace $0x80000048  }
0xb4: {  	_ =	swait.ge [sflag:s29], $0x1  }
0xb5: {  	[sflag:s29] =	ssyncadd.s32 $0xFFFFFFFF  }
0xb6: {  	_ =	strace $0x90000048  }
0xb7: {  	_ =	sfence  }
0xb8: {  	s30 =	sld [smem:$0x0];
	_ =	sdelay $0x2  }
0xb9: {  	s31 =	sshll.u32 s1, $0xD;
	s1 =	sshrl.u32 s1, $0x2  }
0xba: {  	s3 =	sand.u32 $0x4000, s31;
	s1 =	sadd.s32 s1, s30  }
0xbb: {  	s0 =	sor.u32 s3, s0;
	s1 =	sshll.u32 s1, $0x11  }
0xbc: {  	s0 =	sor.u32 s1, s0  }
0xbd: {  	s0 =	sadd.s32 $0x8F2B, s0  }
0xbe: {  	[sflag:s0] =	ssyncadd.remote.s32 $0x1  }
0xbf: {  	_ =	sfence.sel $0xFFFF  }
0xc0: {  	[dreg:$0x0] =	wrdreg $0xFFFFFFFF;
	(pc) =	sbr.abs _section_cstart, $3  }
0xc1: {  	[dreg:$0x1] =	wrdreg $0xFFFFFFFF  }
0xc2: {  	_ =	task.clear_ibuf [dreg:s8], $0x2FFFF;
	_ =	strace $0x9FFFFFFF  }
0xc3: {  	(tm) =	ssettm $0x7FFFFFFF  }
tec
execute0_lowered:
.L_overlay_start_1:
0x0: {  	(tag) =	ssettag $0x1  }
0x1: {  	s1 =	srdreg.scid  }
0x2: {  	s3 =	rddreg [dreg:$0x0];
	s4 =	stileid.u32;
	s5 =	sand.u32 $0x1, s1  }
0x3: {  	s2 =	simm.s32 $0x0;
	s22 =	sshll.u32 s4, $0xF;
	s23 =	sshll.u32 s5, $0xE  }
0x4: {  	[smem:$0x7FF] =	sst s2;
	s4 =	sor.u32 s23, s22  }
0x5: {  	s0 =	rddreg [dreg:$0x1];
	_ =	strace $0x80000047;
	s1 =	sadd.s32 s3, s4  }
0x6: {  	s6 =	sor.u32 $0x80000, s4;
	s11 =	sadd.s32 s0, s4;
	[dreg:$0x3] =	wrdreg s1  }
0x7: {  	s7 =	sor.u32 $0x100000, s4;
	s24 =	sadd.s32 s3, s6;
	[dreg:$0x8] =	wrdreg s11  }
0x8: {  	s8 =	sor.u32 $0x180000, s4;
	s25 =	sadd.s32 s3, s7;
	[dreg:$0x4] =	wrdreg s24  }
0x9: {  	s9 =	sor.u32 $0x800, s4;
	s26 =	sadd.s32 s3, s8;
	[dreg:$0x5] =	wrdreg s25  }
0xa: {  	s10 =	sadd.s32 s3, s9;
	[dreg:$0x6] =	wrdreg s26  }
0xb: {  	s14 =	sor.u32 $0x100800, s4;
	s13 =	sadd.s32 s0, s6;
	[dreg:$0x7] =	wrdreg s10  }
0xc: {  	s15 =	sadd.s32 s3, s14;
	[dreg:$0xa] =	wrdreg s13  }
0xd: {  	s17 =	sor.u32 $0x180800, s4;
	s16 =	sadd.s32 s0, s7;
	[dreg:$0xb] =	wrdreg s15  }
0xe: {  	s18 =	sadd.s32 s3, s17;
	[dreg:$0xc] =	wrdreg s16  }
0xf: {  	s20 =	sor.u32 $0x1000, s4;
	s19 =	sadd.s32 s0, s8;
	[dreg:$0xd] =	wrdreg s18  }
0x10: {  	s21 =	sadd.s32 s3, s20;
	[dreg:$0xe] =	wrdreg s19  }
0x11: {  	s22 =	sadd.s32 s0, s9;
	[dreg:$0xf] =	wrdreg s21  }
0x12: {  	s23 =	sor.u32 $0x81000, s4;
	[dreg:$0x10] =	wrdreg s22  }
0x13: {  	s24 =	sadd.s32 s3, s23;
	s1 =	rddreg [dreg:$0x3]  }
0x14: {  	s15 =	sadd.s32 s0, s17;
	[dreg:$0x11] =	wrdreg s24  }
0x15: {  	s18 =	sadd.s32 s0, s20;
	[dreg:$0x16] =	wrdreg s15  }
0x16: {  	s10 =	sor.u32 $0x80800, s4;
	s21 =	sadd.s32 s0, s23;
	[dreg:$0x18] =	wrdreg s18  }
0x17: {  	s12 =	sadd.s32 s3, s10;
	[dreg:$0x1a] =	wrdreg s21  }
0x18: {  	s26 =	sor.u32 $0x101000, s4;
	s25 =	sadd.s32 s0, s10;
	[dreg:$0x9] =	wrdreg s12  }
0x19: {  	s16 =	sor.u32 $0x1800, s4;
	s11 =	sadd.s32 s3, s26;
	[dreg:$0x12] =	wrdreg s25  }
0x1a: {  	s19 =	sor.u32 $0x81800, s4;
	s17 =	sadd.s32 s3, s16;
	[dreg:$0x13] =	wrdreg s11  }
0x1b: {  	s22 =	sor.u32 $0x101800, s4;
	s20 =	sadd.s32 s3, s19;
	[dreg:$0x17] =	wrdreg s17  }
0x1c: {  	s31 =	simm.s32 $0x3;
	s23 =	sadd.s32 s3, s22;
	[dreg:$0x19] =	wrdreg s20  }
0x1d: {  	p0 =	por $0x0, $0x0;
	s24 =	sadd.s32 s0, s26;
	[dreg:$0x1b] =	wrdreg s23  }
0x1e: {  	s13 =	sor.u32 $0x181000, s4;
	s12 =	sadd.s32 s0, s14;
	[dreg:$0x1c] =	wrdreg s24  }
0x1f: {  	s30 =	simm.s32 $0x4;
	s14 =	sadd.s32 s3, s13;
	[dreg:$0x14] =	wrdreg s12  }
0x20: {  	s28 =	simm.s32 $0x5;
	s11 =	sadd.s32 s0, s13;
	[dreg:$0x15] =	wrdreg s14  }
0x21: {  	s18 =	sor.u32 $0x102000, s4;
	s17 =	sadd.s32 s0, s19;
	[dreg:$0x1e] =	wrdreg s11  }
0x22: {  	s5 =	ssub.s32 $0x2, s5;
	s19 =	sadd.s32 s3, s18;
	[smem:$0x7EB] =	sst s17  }
0x23: {  	s21 =	sor.u32 $0x182000, s4;
	s20 =	sadd.s32 s0, s22;
	[smem:$0x7EC] =	sst s19  }
0x24: {  	s25 =	sor.u32 $0x181800, s4;
	s23 =	sadd.s32 s3, s21;
	[smem:$0x7ED] =	sst s20  }
0x25: {  	s8 =	simm.s32 $0x4000;
	s26 =	sadd.s32 s3, s25;
	[smem:$0x7EE] =	sst s23  }
0x26: {  	s15 =	sor.u32 $0x82000, s4;
	s14 =	sadd.s32 s0, s16;
	[dreg:$0x1d] =	wrdreg s26  }
0x27: {  	s12 =	sor.u32 $0x2000, s4;
	s16 =	sadd.s32 s3, s15;
	[smem:$0x7E9] =	sst s14  }
0x28: {  	s24 =	sadd.s32 s0, s25;
	s25 =	sor.u32 $0x2800, s4;
	[smem:$0x7EA] =	sst s16  }
0x29: {  	s11 =	sor.u32 $0x82800, s4;
	s23 =	sadd.s32 s0, s21;
	[smem:$0x7EF] =	sst s24  }
0x2a: {  	s17 =	sor.u32 $0x182800, s4;
	s13 =	sadd.s32 s3, s12;
	[smem:$0x7F7] =	sst s23  }
0x2b: {  	s26 =	sadd.s32 s3, s25;
	s6 =	sadd.s32 s0, s12;
	[dreg:$0x1f] =	wrdreg s13  }
0x2c: {  	s12 =	sadd.s32 s3, s11;
	s14 =	sor.u32 $0x102800, s4;
	[smem:$0x7F0] =	sst s26  }
0x2d: {  	s16 =	sadd.s32 s0, s18;
	s22 =	sadd.s32 s3, s17;
	[smem:$0x7F1] =	sst s6  }
0x2e: {  	s24 =	sor.u32 $0x3000, s4;
	s21 =	sadd.s32 s0, s25;
	[smem:$0x7F2] =	sst s12  }
0x2f: {  	s19 =	sadd.s32 s0, s11;
	s11 =	sshrl.u32 s5, $0x1;
	[smem:$0x7F5] =	sst s16  }
0x30: {  	s13 =	sadd.s32 s0, s15;
	s15 =	sadd.s32 s3, s14;
	[smem:$0x7F6] =	sst s22  }
0x31: {  	s20 =	sadd.s32 s3, s24;
	s22 =	sor.u32 $0x83000, s4;
	[smem:$0x7F9] =	sst s21  }
0x32: {  	[smem:$0x7FB] =	sst s19;
	s14 =	sadd.s32 s0, s14;
	s12 =	ssub.s32 s5, s11  }
0x33: {  	s26 =	sadd.s32 s0, s17;
	s16 =	sor.u32 $0x3800, s4;
	[smem:$0x7F3] =	sst s13  }
0x34: {  	s17 =	sor.u32 $0x83800, s4;
	s24 =	sadd.s32 s0, s24;
	[smem:$0x7F4] =	sst s15  }
0x35: {  	s19 =	sor.u32 $0x103800, s4;
	[smem:$0x7F8] =	sst s20;
	s18 =	sadd.s32 s3, s22  }
0x36: {  	s20 =	sor.u32 $0x103000, s4;
	s15 =	sor.u32 $0x183000, s4;
	[smem:$0x7FD] =	sst s14  }
0x37: {  	s25 =	sadd.s32 s3, s16;
	s23 =	sadd.s32 s3, s17;
	s22 =	sadd.s32 s0, s22  }
0x38: {  	s4 =	sor.u32 $0x183800, s4;
	s21 =	sadd.s32 s3, s19;
	s9 =	sadd.s32 s0, s16  }
0x39: {  	s5 =	sadd.s32 s0, s17;
	s6 =	sadd.s32 s0, s19;
	[smem:$0x7FA] =	sst s18  }
0x3a: {  	s13 =	sadd.s32 s3, s20;
	s18 =	sadd.s32 s0, s20;
	s20 =	smax.u32 s12, $0x1  }
0x3b: {  	s19 =	simm.s32 $0x8000;
	s16 =	simm.s32 $0xC000;
	p1 =	sne.s32 s20, $0x1  }
.Ltmp0:
0x3c: {  	s17 =	simm.s32 $0x9;
	s14 =	simm.s32 $0xA;
	(pc) =	sbr.rel @!p1 .LBB2_3-.Ltmp0, $4  }
0x3d: {  	s29 =	sadd.s32 s3, s15;
	s11 =	sadd.s32 s3, s4;
	s10 =	sadd.s32 s0, s15  }
0x3e: {  	s7 =	sadd.s32 s0, s4;
	s15 =	simm.s32 $0x1;
	s12 =	simm.s32 $0x2  }
0x3f: {  	s3 =	simm.s32 $0x6;
	s4 =	simm.s32 $0x7;
	[smem:$0x7FC] =	sst s13  }
0x40: {  	s13 =	simm.s32 $0x10000;
	s0 =	sadd.s32 $0xFFFFFFFF, s20;
	s20 =	simm.s32 $0x8  }
0x41: {  	[smem:$0x7E8] =	sst s0  }
0x42: {  	[tilespmem:s2], [sflag:$0x1] =	stream.linear.gather [hbm4b:s1+s2], $0x4000, $0x38;
	[tilespmem:$0x14000] =	vst v63  }
0x43: {  	s0 =	rddreg [dreg:$0x4]  }
0x44: {  	[tilespmem:s8], [sflag:$0x2] =	stream.linear.gather [hbm4b:s0+s2], $0x4000, $0x38;
	[tilespmem:$0x14000] =	vst v63  }
0x45: {  	s1 =	rddreg [dreg:$0x5]  }
0x46: {  	[tilespmem:s19], [sflag:$0x3] =	stream.linear.gather [hbm4b:s1+s2], $0x4000, $0x38;
	[tilespmem:$0x14000] =	vst v63  }
0x47: {  	_ =	swait.ge [sflag:s15], $0x4000  }
0x48: {  	[sflag:s15] =	ssyncset.done $0x0  }
0x49: {  	s1 =	rddreg [dreg:$0x6];
	[sflag:s15] =	ssyncadd.s32 $0xFFFFC000  }
0x4a: {  	[tilespmem:s16], [sflag:$0x4] =	stream.linear.gather [hbm4b:s1+s2], $0x4000, $0x38;
	[tilespmem:$0x14000] =	vst v63  }
0x4b: {  	_ =	swait.ge [sflag:s12], $0x4000  }
0x4c: {  	[sflag:s12] =	ssyncset.done $0x0  }
0x4d: {  	s1 =	rddreg [dreg:$0x7];
	[sflag:s12] =	ssyncadd.s32 $0xFFFFC000  }
0x4e: {  	[tilespmem:s13], [sflag:$0x5] =	stream.linear.gather [hbm4b:s1+s2], $0x4000, $0x38;
	[tilespmem:$0x14000] =	vst v63  }
0x4f: {  	_ =	swait.ge [sflag:s31], $0x4000  }
0x50: {  	[sflag:s31] =	ssyncset.done $0x0  }
0x51: {  	s1 =	rddreg [dreg:$0x8];
	[sflag:s31] =	ssyncadd.s32 $0xFFFFC000  }
0x52: {  	[hbm4b:s1+s2] =	stream.linear.scatter [tilespmem:s2], [sflag:$0x6], $0x4000, $0x38;
	[tilespmem:$0x14000] =	vst v63  }
0x53: {  	_ =	swait.ge [sflag:s3], $0x4000  }
0x54: {  	[sflag:s3] =	ssyncset.done $0x0  }
0x55: {  	s1 =	rddreg [dreg:$0x9];
	[sflag:s3] =	ssyncadd.s32 $0xFFFFC000  }
0x56: {  	[tilespmem:s2], [sflag:$0x1] =	stream.linear.gather [hbm4b:s1+s2], $0x4000, $0x38;
	[tilespmem:$0x14000] =	vst v63  }
0x57: {  	_ =	swait.ge [sflag:s30], $0x4000  }
0x58: {  	[sflag:s30] =	ssyncset.done $0x0  }
0x59: {  	s1 =	rddreg [dreg:$0xa];
	[sflag:s30] =	ssyncadd.s32 $0xFFFFC000  }
0x5a: {  	[hbm4b:s1+s2] =	stream.linear.scatter [tilespmem:s8], [sflag:$0x7], $0x4000, $0x38;
	[tilespmem:$0x14000] =	vst v63  }
0x5b: {  	_ =	swait.ge [sflag:s4], $0x4000  }
0x5c: {  	[sflag:s4] =	ssyncset.done $0x0  }
0x5d: {  	s1 =	rddreg [dreg:$0xb];
	[sflag:s4] =	ssyncadd.s32 $0xFFFFC000  }
0x5e: {  	[tilespmem:s8], [sflag:$0x2] =	stream.linear.gather [hbm4b:s1+s2], $0x4000, $0x38;
	[tilespmem:$0x14000] =	vst v63  }
0x5f: {  	_ =	swait.ge [sflag:s28], $0x4000  }
0x60: {  	[sflag:s28] =	ssyncset.done $0x0  }
0x61: {  	s1 =	rddreg [dreg:$0xc];
	[sflag:s28] =	ssyncadd.s32 $0xFFFFC000  }
0x62: {  	[hbm4b:s1+s2] =	stream.linear.scatter [tilespmem:s19], [sflag:$0x8], $0x4000, $0x38;
	[tilespmem:$0x14000] =	vst v63  }
0x63: {  	_ =	swait.ge [sflag:s20], $0x4000  }
0x64: {  	[sflag:s20] =	ssyncset.done $0x0  }
0x65: {  	s1 =	rddreg [dreg:$0xd];
	[sflag:s20] =	ssyncadd.s32 $0xFFFFC000  }
0x66: {  	[tilespmem:s19], [sflag:$0x3] =	stream.linear.gather [hbm4b:s1+s2], $0x4000, $0x38;
	[tilespmem:$0x14000] =	vst v63  }
0x67: {  	_ =	swait.ge [sflag:s15], $0x4000  }
0x68: {  	[sflag:s15] =	ssyncset.done $0x0  }
0x69: {  	s1 =	rddreg [dreg:$0xe];
	[sflag:s15] =	ssyncadd.s32 $0xFFFFC000  }
0x6a: {  	[hbm4b:s1+s2] =	stream.linear.scatter [tilespmem:s16], [sflag:$0x9], $0x4000, $0x38;
	[tilespmem:$0x14000] =	vst v63  }
0x6b: {  	_ =	swait.ge [sflag:s17], $0x4000  }
0x6c: {  	[sflag:s17] =	ssyncset.done $0x0  }
0x6d: {  	s1 =	rddreg [dreg:$0xf];
	[sflag:s17] =	ssyncadd.s32 $0xFFFFC000  }
0x6e: {  	[tilespmem:s16], [sflag:$0x4] =	stream.linear.gather [hbm4b:s1+s2], $0x4000, $0x38;
	[tilespmem:$0x14000] =	vst v63  }
0x6f: {  	_ =	swait.ge [sflag:s12], $0x4000  }
0x70: {  	[sflag:s12] =	ssyncset.done $0x0  }
0x71: {  	s1 =	rddreg [dreg:$0x10];
	[sflag:s12] =	ssyncadd.s32 $0xFFFFC000  }
0x72: {  	[hbm4b:s1+s2] =	stream.linear.scatter [tilespmem:s13], [sflag:$0xA], $0x4000, $0x38;
	[tilespmem:$0x14000] =	vst v63  }
0x73: {  	_ =	swait.ge [sflag:s14], $0x4000  }
0x74: {  	[sflag:s14] =	ssyncset.done $0x0  }
0x75: {  	s1 =	rddreg [dreg:$0x11];
	[sflag:s14] =	ssyncadd.s32 $0xFFFFC000  }
0x76: {  	[tilespmem:s13], [sflag:$0x5] =	stream.linear.gather [hbm4b:s1+s2], $0x4000, $0x38;
	[tilespmem:$0x14000] =	vst v63  }
0x77: {  	_ =	swait.ge [sflag:s31], $0x4000  }
0x78: {  	[sflag:s31] =	ssyncset.done $0x0  }
0x79: {  	s1 =	rddreg [dreg:$0x12];
	[sflag:s31] =	ssyncadd.s32 $0xFFFFC000  }
0x7a: {  	[hbm4b:s1+s2] =	stream.linear.scatter [tilespmem:s2], [sflag:$0x6], $0x4000, $0x38;
	[tilespmem:$0x14000] =	vst v63  }
0x7b: {  	_ =	swait.ge [sflag:s3], $0x4000  }
0x7c: {  	[sflag:s3] =	ssyncset.done $0x0  }
0x7d: {  	s1 =	rddreg [dreg:$0x13];
	[sflag:s3] =	ssyncadd.s32 $0xFFFFC000  }
0x7e: {  	[tilespmem:s2], [sflag:$0x1] =	stream.linear.gather [hbm4b:s1+s2], $0x4000, $0x38;
	[tilespmem:$0x14000] =	vst v63  }
0x7f: {  	_ =	swait.ge [sflag:s30], $0x4000  }
0x80: {  	[sflag:s30] =	ssyncset.done $0x0  }
0x81: {  	s1 =	rddreg [dreg:$0x14];
	[sflag:s30] =	ssyncadd.s32 $0xFFFFC000  }
0x82: {  	[hbm4b:s1+s2] =	stream.linear.scatter [tilespmem:s8], [sflag:$0x7], $0x4000, $0x38;
	[tilespmem:$0x14000] =	vst v63  }
0x83: {  	_ =	swait.ge [sflag:s4], $0x4000  }
0x84: {  	[sflag:s4] =	ssyncset.done $0x0  }
0x85: {  	s1 =	rddreg [dreg:$0x15];
	[sflag:s4] =	ssyncadd.s32 $0xFFFFC000  }
0x86: {  	[tilespmem:s8], [sflag:$0x2] =	stream.linear.gather [hbm4b:s1+s2], $0x4000, $0x38;
	[tilespmem:$0x14000] =	vst v63  }
0x87: {  	_ =	swait.ge [sflag:s28], $0x4000  }
0x88: {  	[sflag:s28] =	ssyncset.done $0x0  }
0x89: {  	s1 =	rddreg [dreg:$0x16];
	[sflag:s28] =	ssyncadd.s32 $0xFFFFC000  }
0x8a: {  	[hbm4b:s1+s2] =	stream.linear.scatter [tilespmem:s19], [sflag:$0x8], $0x4000, $0x38;
	[tilespmem:$0x14000] =	vst v63  }
0x8b: {  	_ =	swait.ge [sflag:s20], $0x4000  }
0x8c: {  	[sflag:s20] =	ssyncset.done $0x0  }
0x8d: {  	s1 =	rddreg [dreg:$0x17];
	[sflag:s20] =	ssyncadd.s32 $0xFFFFC000  }
0x8e: {  	[tilespmem:s19], [sflag:$0x3] =	stream.linear.gather [hbm4b:s1+s2], $0x4000, $0x38;
	[tilespmem:$0x14000] =	vst v63  }
0x8f: {  	_ =	swait.ge [sflag:s15], $0x4000  }
0x90: {  	[sflag:s15] =	ssyncset.done $0x0  }
0x91: {  	s1 =	rddreg [dreg:$0x18];
	[sflag:s15] =	ssyncadd.s32 $0xFFFFC000  }
0x92: {  	[hbm4b:s1+s2] =	stream.linear.scatter [tilespmem:s16], [sflag:$0x9], $0x4000, $0x38;
	[tilespmem:$0x14000] =	vst v63  }
0x93: {  	_ =	swait.ge [sflag:s17], $0x4000  }
0x94: {  	[sflag:s17] =	ssyncset.done $0x0  }
0x95: {  	s1 =	rddreg [dreg:$0x19];
	[sflag:s17] =	ssyncadd.s32 $0xFFFFC000  }
0x96: {  	[tilespmem:s16], [sflag:$0x4] =	stream.linear.gather [hbm4b:s1+s2], $0x4000, $0x38;
	[tilespmem:$0x14000] =	vst v63  }
0x97: {  	_ =	swait.ge [sflag:s12], $0x4000  }
0x98: {  	[sflag:s12] =	ssyncset.done $0x0  }
0x99: {  	s1 =	rddreg [dreg:$0x1a];
	[sflag:s12] =	ssyncadd.s32 $0xFFFFC000  }
0x9a: {  	[hbm4b:s1+s2] =	stream.linear.scatter [tilespmem:s13], [sflag:$0xA], $0x4000, $0x38;
	[tilespmem:$0x14000] =	vst v63  }
0x9b: {  	_ =	swait.ge [sflag:s14], $0x4000  }
0x9c: {  	[sflag:s14] =	ssyncset.done $0x0  }
0x9d: {  	s1 =	rddreg [dreg:$0x1b];
	[sflag:s14] =	ssyncadd.s32 $0xFFFFC000  }
0x9e: {  	[tilespmem:s13], [sflag:$0x5] =	stream.linear.gather [hbm4b:s1+s2], $0x4000, $0x38;
	[tilespmem:$0x14000] =	vst v63  }
0x9f: {  	_ =	swait.ge [sflag:s31], $0x4000  }
0xa0: {  	[sflag:s31] =	ssyncset.done $0x0  }
0xa1: {  	s1 =	rddreg [dreg:$0x1c];
	[sflag:s31] =	ssyncadd.s32 $0xFFFFC000  }
0xa2: {  	[hbm4b:s1+s2] =	stream.linear.scatter [tilespmem:s2], [sflag:$0x6], $0x4000, $0x38;
	[tilespmem:$0x14000] =	vst v63  }
0xa3: {  	_ =	swait.ge [sflag:s3], $0x4000  }
0xa4: {  	[sflag:s3] =	ssyncset.done $0x0  }
0xa5: {  	s1 =	rddreg [dreg:$0x1d];
	[sflag:s3] =	ssyncadd.s32 $0xFFFFC000  }
0xa6: {  	[tilespmem:s2], [sflag:$0x1] =	stream.linear.gather [hbm4b:s1+s2], $0x4000, $0x38;
	[tilespmem:$0x14000] =	vst v63  }
0xa7: {  	_ =	swait.ge [sflag:s30], $0x4000  }
0xa8: {  	[sflag:s30] =	ssyncset.done $0x0  }
0xa9: {  	s1 =	rddreg [dreg:$0x1e];
	[sflag:s30] =	ssyncadd.s32 $0xFFFFC000  }
0xaa: {  	[hbm4b:s1+s2] =	stream.linear.scatter [tilespmem:s8], [sflag:$0x7], $0x4000, $0x38;
	[tilespmem:$0x14000] =	vst v63  }
0xab: {  	_ =	swait.ge [sflag:s4], $0x4000  }
0xac: {  	[sflag:s4] =	ssyncset.done $0x0  }
0xad: {  	s1 =	rddreg [dreg:$0x1f];
	[sflag:s4] =	ssyncadd.s32 $0xFFFFC000  }
0xae: {  	[tilespmem:s8], [sflag:$0x2] =	stream.linear.gather [hbm4b:s1+s2], $0x4000, $0x38;
	[tilespmem:$0x14000] =	vst v63  }
0xaf: {  	_ =	swait.ge [sflag:s28], $0x4000  }
0xb0: {  	s1 =	sld [smem:$0x7E9]  }
0xb1: {  	[sflag:s28] =	ssyncset.done $0x0  }
0xb2: {  	[sflag:s28] =	ssyncadd.s32 $0xFFFFC000  }
0xb3: {  	[hbm4b:s1+s2] =	stream.linear.scatter [tilespmem:s19], [sflag:$0x8], $0x4000, $0x38;
	[tilespmem:$0x14000] =	vst v63  }
0xb4: {  	_ =	swait.ge [sflag:s20], $0x4000  }
0xb5: {  	s1 =	sld [smem:$0x7EA]  }
0xb6: {  	[sflag:s20] =	ssyncset.done $0x0  }
0xb7: {  	[sflag:s20] =	ssyncadd.s32 $0xFFFFC000  }
0xb8: {  	[tilespmem:s19], [sflag:$0x3] =	stream.linear.gather [hbm4b:s1+s2], $0x4000, $0x38;
	[tilespmem:$0x14000] =	vst v63  }
0xb9: {  	_ =	swait.ge [sflag:s15], $0x4000  }
0xba: {  	s1 =	sld [smem:$0x7EB]  }
0xbb: {  	[sflag:s15] =	ssyncset.done $0x0  }
0xbc: {  	[sflag:s15] =	ssyncadd.s32 $0xFFFFC000  }
0xbd: {  	[hbm4b:s1+s2] =	stream.linear.scatter [tilespmem:s16], [sflag:$0x9], $0x4000, $0x38;
	[tilespmem:$0x14000] =	vst v63  }
0xbe: {  	_ =	swait.ge [sflag:s17], $0x4000  }
0xbf: {  	s1 =	sld [smem:$0x7EC]  }
0xc0: {  	[sflag:s17] =	ssyncset.done $0x0  }
0xc1: {  	[sflag:s17] =	ssyncadd.s32 $0xFFFFC000  }
0xc2: {  	[tilespmem:s16], [sflag:$0x4] =	stream.linear.gather [hbm4b:s1+s2], $0x4000, $0x38;
	[tilespmem:$0x14000] =	vst v63  }
0xc3: {  	_ =	swait.ge [sflag:s12], $0x4000  }
0xc4: {  	s1 =	sld [smem:$0x7ED]  }
0xc5: {  	[sflag:s12] =	ssyncset.done $0x0  }
0xc6: {  	[sflag:s12] =	ssyncadd.s32 $0xFFFFC000  }
0xc7: {  	[hbm4b:s1+s2] =	stream.linear.scatter [tilespmem:s13], [sflag:$0xA], $0x4000, $0x38;
	[tilespmem:$0x14000] =	vst v63  }
0xc8: {  	_ =	swait.ge [sflag:s14], $0x4000  }
0xc9: {  	s1 =	sld [smem:$0x7EE]  }
0xca: {  	[sflag:s14] =	ssyncset.done $0x0  }
0xcb: {  	[sflag:s14] =	ssyncadd.s32 $0xFFFFC000  }
0xcc: {  	[tilespmem:s13], [sflag:$0x5] =	stream.linear.gather [hbm4b:s1+s2], $0x4000, $0x38;
	[tilespmem:$0x14000] =	vst v63  }
0xcd: {  	_ =	swait.ge [sflag:s31], $0x4000  }
0xce: {  	s1 =	sld [smem:$0x7EF]  }
0xcf: {  	[sflag:s31] =	ssyncset.done $0x0  }
0xd0: {  	[sflag:s31] =	ssyncadd.s32 $0xFFFFC000  }
0xd1: {  	[hbm4b:s1+s2] =	stream.linear.scatter [tilespmem:s2], [sflag:$0x6], $0x4000, $0x38;
	[tilespmem:$0x14000] =	vst v63  }
0xd2: {  	_ =	swait.ge [sflag:s3], $0x4000  }
0xd3: {  	s1 =	sld [smem:$0x7F0]  }
0xd4: {  	[sflag:s3] =	ssyncset.done $0x0  }
0xd5: {  	[sflag:s3] =	ssyncadd.s32 $0xFFFFC000  }
0xd6: {  	[tilespmem:s2], [sflag:$0x1] =	stream.linear.gather [hbm4b:s1+s2], $0x4000, $0x38;
	[tilespmem:$0x14000] =	vst v63  }
0xd7: {  	_ =	swait.ge [sflag:s30], $0x4000  }
0xd8: {  	s1 =	sld [smem:$0x7F1]  }
0xd9: {  	[sflag:s30] =	ssyncset.done $0x0  }
0xda: {  	[sflag:s30] =	ssyncadd.s32 $0xFFFFC000  }
0xdb: {  	[hbm4b:s1+s2] =	stream.linear.scatter [tilespmem:s8], [sflag:$0x7], $0x4000, $0x38;
	[tilespmem:$0x14000] =	vst v63  }
0xdc: {  	_ =	swait.ge [sflag:s4], $0x4000  }
0xdd: {  	s1 =	sld [smem:$0x7F2]  }
0xde: {  	[sflag:s4] =	ssyncset.done $0x0  }
0xdf: {  	[sflag:s4] =	ssyncadd.s32 $0xFFFFC000  }
0xe0: {  	[tilespmem:s8], [sflag:$0x2] =	stream.linear.gather [hbm4b:s1+s2], $0x4000, $0x38;
	[tilespmem:$0x14000] =	vst v63  }
0xe1: {  	_ =	swait.ge [sflag:s28], $0x4000  }
0xe2: {  	s1 =	sld [smem:$0x7F3]  }
0xe3: {  	[sflag:s28] =	ssyncset.done $0x0  }
0xe4: {  	[sflag:s28] =	ssyncadd.s32 $0xFFFFC000  }
0xe5: {  	[hbm4b:s1+s2] =	stream.linear.scatter [tilespmem:s19], [sflag:$0x8], $0x4000, $0x38;
	[tilespmem:$0x14000] =	vst v63  }
0xe6: {  	_ =	swait.ge [sflag:s20], $0x4000  }
0xe7: {  	s1 =	sld [smem:$0x7F4]  }
0xe8: {  	[sflag:s20] =	ssyncset.done $0x0  }
0xe9: {  	[sflag:s20] =	ssyncadd.s32 $0xFFFFC000  }
0xea: {  	[tilespmem:s19], [sflag:$0x3] =	stream.linear.gather [hbm4b:s1+s2], $0x4000, $0x38;
	[tilespmem:$0x14000] =	vst v63  }
0xeb: {  	_ =	swait.ge [sflag:s15], $0x4000  }
0xec: {  	s1 =	sld [smem:$0x7F5]  }
0xed: {  	[sflag:s15] =	ssyncset.done $0x0  }
0xee: {  	[sflag:s15] =	ssyncadd.s32 $0xFFFFC000  }
0xef: {  	[hbm4b:s1+s2] =	stream.linear.scatter [tilespmem:s16], [sflag:$0x9], $0x4000, $0x38;
	[tilespmem:$0x14000] =	vst v63  }
0xf0: {  	_ =	swait.ge [sflag:s17], $0x4000  }
0xf1: {  	s1 =	sld [smem:$0x7F6]  }
0xf2: {  	[sflag:s17] =	ssyncset.done $0x0  }
0xf3: {  	[sflag:s17] =	ssyncadd.s32 $0xFFFFC000  }
0xf4: {  	[tilespmem:s16], [sflag:$0x4] =	stream.linear.gather [hbm4b:s1+s2], $0x4000, $0x38;
	[tilespmem:$0x14000] =	vst v63  }
0xf5: {  	_ =	swait.ge [sflag:s12], $0x4000  }
0xf6: {  	s1 =	sld [smem:$0x7F7]  }
0xf7: {  	[sflag:s12] =	ssyncset.done $0x0  }
0xf8: {  	[sflag:s12] =	ssyncadd.s32 $0xFFFFC000  }
0xf9: {  	[hbm4b:s1+s2] =	stream.linear.scatter [tilespmem:s13], [sflag:$0xA], $0x4000, $0x38;
	[tilespmem:$0x14000] =	vst v63  }
0xfa: {  	_ =	swait.ge [sflag:s14], $0x4000  }
0xfb: {  	s1 =	sld [smem:$0x7F8]  }
0xfc: {  	[sflag:s14] =	ssyncset.done $0x0  }
0xfd: {  	[sflag:s14] =	ssyncadd.s32 $0xFFFFC000  }
0xfe: {  	[tilespmem:s13], [sflag:$0x5] =	stream.linear.gather [hbm4b:s1+s2], $0x4000, $0x38;
	[tilespmem:$0x14000] =	vst v63  }
0xff: {  	_ =	swait.ge [sflag:s31], $0x4000  }
0x100: {  	s1 =	sld [smem:$0x7F9]  }
0x101: {  	[sflag:s31] =	ssyncset.done $0x0  }
0x102: {  	[sflag:s31] =	ssyncadd.s32 $0xFFFFC000  }
0x103: {  	[hbm4b:s1+s2] =	stream.linear.scatter [tilespmem:s2], [sflag:$0x6], $0x4000, $0x38;
	[tilespmem:$0x14000] =	vst v63  }
0x104: {  	_ =	swait.ge [sflag:s3], $0x4000  }
0x105: {  	s1 =	sld [smem:$0x7FA]  }
0x106: {  	[sflag:s3] =	ssyncset.done $0x0  }
0x107: {  	[sflag:s3] =	ssyncadd.s32 $0xFFFFC000  }
0x108: {  	[tilespmem:s2], [sflag:$0x1] =	stream.linear.gather [hbm4b:s1+s2], $0x4000, $0x38;
	[tilespmem:$0x14000] =	vst v63  }
0x109: {  	_ =	swait.ge [sflag:s30], $0x4000  }
0x10a: {  	s1 =	sld [smem:$0x7FB]  }
0x10b: {  	[sflag:s30] =	ssyncset.done $0x0  }
0x10c: {  	[sflag:s30] =	ssyncadd.s32 $0xFFFFC000  }
0x10d: {  	[hbm4b:s1+s2] =	stream.linear.scatter [tilespmem:s8], [sflag:$0x7], $0x4000, $0x38;
	[tilespmem:$0x14000] =	vst v63  }
0x10e: {  	_ =	swait.ge [sflag:s4], $0x4000  }
0x10f: {  	s1 =	sld [smem:$0x7FC]  }
0x110: {  	[sflag:s4] =	ssyncset.done $0x0  }
0x111: {  	[sflag:s4] =	ssyncadd.s32 $0xFFFFC000  }
0x112: {  	[tilespmem:s8], [sflag:$0x2] =	stream.linear.gather [hbm4b:s1+s2], $0x4000, $0x38;
	[tilespmem:$0x14000] =	vst v63  }
0x113: {  	_ =	swait.ge [sflag:s28], $0x4000  }
0x114: {  	s1 =	sld [smem:$0x7FD]  }
0x115: {  	[sflag:s28] =	ssyncset.done $0x0  }
0x116: {  	[sflag:s28] =	ssyncadd.s32 $0xFFFFC000  }
0x117: {  	[hbm4b:s1+s2] =	stream.linear.scatter [tilespmem:s19], [sflag:$0x8], $0x4000, $0x38;
	[tilespmem:$0x14000] =	vst v63  }
0x118: {  	_ =	swait.ge [sflag:s20], $0x4000  }
0x119: {  	[sflag:s20] =	ssyncset.done $0x0  }
0x11a: {  	[sflag:s20] =	ssyncadd.s32 $0xFFFFC000  }
0x11b: {  	[tilespmem:s19], [sflag:$0x3] =	stream.linear.gather [hbm4b:s29+s2], $0x4000, $0x38;
	[tilespmem:$0x14000] =	vst v63  }
0x11c: {  	_ =	swait.ge [sflag:s15], $0x4000  }
0x11d: {  	[sflag:s15] =	ssyncset.done $0x0  }
0x11e: {  	[sflag:s15] =	ssyncadd.s32 $0xFFFFC000  }
0x11f: {  	[hbm4b:s26+s2] =	stream.linear.scatter [tilespmem:s16], [sflag:$0x9], $0x4000, $0x38;
	[tilespmem:$0x14000] =	vst v63  }
0x120: {  	_ =	swait.ge [sflag:s17], $0x4000  }
0x121: {  	[sflag:s17] =	ssyncset.done $0x0  }
0x122: {  	[sflag:s17] =	ssyncadd.s32 $0xFFFFC000  }
0x123: {  	[tilespmem:s16], [sflag:$0x4] =	stream.linear.gather [hbm4b:s25+s2], $0x4000, $0x38;
	[tilespmem:$0x14000] =	vst v63  }
0x124: {  	_ =	swait.ge [sflag:s12], $0x4000  }
0x125: {  	[sflag:s12] =	ssyncset.done $0x0  }
0x126: {  	[sflag:s12] =	ssyncadd.s32 $0xFFFFC000  }
0x127: {  	[hbm4b:s24+s2] =	stream.linear.scatter [tilespmem:s13], [sflag:$0xA], $0x4000, $0x38;
	[tilespmem:$0x14000] =	vst v63  }
0x128: {  	_ =	swait.ge [sflag:s14], $0x4000  }
0x129: {  	[sflag:s14] =	ssyncset.done $0x0  }
0x12a: {  	[sflag:s14] =	ssyncadd.s32 $0xFFFFC000  }
0x12b: {  	[tilespmem:s13], [sflag:$0x5] =	stream.linear.gather [hbm4b:s23+s2], $0x4000, $0x38;
	[tilespmem:$0x14000] =	vst v63  }
0x12c: {  	_ =	swait.ge [sflag:s31], $0x4000  }
0x12d: {  	[sflag:s31] =	ssyncset.done $0x0  }
0x12e: {  	[sflag:s31] =	ssyncadd.s32 $0xFFFFC000  }
0x12f: {  	[hbm4b:s22+s2] =	stream.linear.scatter [tilespmem:s2], [sflag:$0x6], $0x4000, $0x38;
	[tilespmem:$0x14000] =	vst v63  }
0x130: {  	_ =	swait.ge [sflag:s3], $0x4000  }
0x131: {  	[sflag:s3] =	ssyncset.done $0x0  }
0x132: {  	[sflag:s3] =	ssyncadd.s32 $0xFFFFC000  }
0x133: {  	[tilespmem:s2], [sflag:$0x1] =	stream.linear.gather [hbm4b:s21+s2], $0x4000, $0x38;
	[tilespmem:$0x14000] =	vst v63  }
0x134: {  	_ =	swait.ge [sflag:s30], $0x4000  }
0x135: {  	[sflag:s30] =	ssyncset.done $0x0  }
0x136: {  	[sflag:s30] =	ssyncadd.s32 $0xFFFFC000  }
0x137: {  	[hbm4b:s18+s2] =	stream.linear.scatter [tilespmem:s8], [sflag:$0x7], $0x4000, $0x38;
	[tilespmem:$0x14000] =	vst v63  }
0x138: {  	_ =	swait.ge [sflag:s4], $0x4000  }
0x139: {  	[sflag:s4] =	ssyncset.done $0x0  }
0x13a: {  	[sflag:s4] =	ssyncadd.s32 $0xFFFFC000  }
0x13b: {  	[tilespmem:s8], [sflag:$0x2] =	stream.linear.gather [hbm4b:s11+s2], $0x4000, $0x38;
	[tilespmem:$0x14000] =	vst v63  }
0x13c: {  	_ =	swait.ge [sflag:s28], $0x4000  }
0x13d: {  	[sflag:s28] =	ssyncset.done $0x0  }
0x13e: {  	[sflag:s28] =	ssyncadd.s32 $0xFFFFC000  }
0x13f: {  	[hbm4b:s10+s2] =	stream.linear.scatter [tilespmem:s19], [sflag:$0x8], $0x4000, $0x38;
	[tilespmem:$0x14000] =	vst v63  }
0x140: {  	_ =	swait.ge [sflag:s15], $0x4000  }
0x141: {  	[sflag:s15] =	ssyncset.done $0x0  }
0x142: {  	[sflag:s15] =	ssyncadd.s32 $0xFFFFC000  }
0x143: {  	[hbm4b:s9+s2] =	stream.linear.scatter [tilespmem:s16], [sflag:$0x9], $0x4000, $0x38;
	[tilespmem:$0x14000] =	vst v63  }
0x144: {  	_ =	swait.ge [sflag:s12], $0x4000  }
0x145: {  	[sflag:s12] =	ssyncset.done $0x0  }
0x146: {  	[sflag:s12] =	ssyncadd.s32 $0xFFFFC000  }
0x147: {  	[hbm4b:s5+s2] =	stream.linear.scatter [tilespmem:s13], [sflag:$0xA], $0x4000, $0x38;
	[tilespmem:$0x14000] =	vst v63  }
0x148: {  	_ = 	snop  }
0x149: {  	[hbm4b:s6+s2] =	stream.linear.scatter [tilespmem:s2], [sflag:$0x6], $0x4000, $0x38;
	[tilespmem:$0x14000] =	vst v63  }
0x14a: {  	_ = 	snop  }
0x14b: {  	[hbm4b:s7+s2] =	stream.linear.scatter [tilespmem:s8], [sflag:$0x7], $0x4000, $0x38;
	[tilespmem:$0x14000] =	vst v63  }
0x14c: {  	_ =	swait.ge [sflag:s20], $0x4000  }
0x14d: {  	[sflag:s20] =	ssyncset.done $0x0  }
0x14e: {  	[sflag:s20] =	ssyncadd.s32 $0xFFFFC000  }
0x14f: {  	_ =	swait.ge [sflag:s17], $0x4000  }
0x150: {  	[sflag:s17] =	ssyncset.done $0x0  }
0x151: {  	[sflag:s17] =	ssyncadd.s32 $0xFFFFC000  }
0x152: {  	_ =	swait.ge [sflag:s14], $0x4000  }
0x153: {  	[sflag:s14] =	ssyncset.done $0x0  }
0x154: {  	[sflag:s14] =	ssyncadd.s32 $0xFFFFC000  }
0x155: {  	_ =	swait.ge [sflag:s3], $0x4000  }
0x156: {  	s1 =	sld [smem:$0x7E8];
	_ =	sdelay $0x2  }
0x157: {  	p1 =	sne.s32 s1, $0x1  }
.Ltmp1:
0x158: {  	_ = 	snop;
	(pc) =	sbr.rel @!p1 .LBB2_3-.Ltmp1, $4  }
0x159: {  	[sflag:s3] =	ssyncset.done $0x0  }
0x15a: {  	[sflag:s3] =	ssyncadd.s32 $0xFFFFC000  }
0x15b: {  	p0 =	por $0x1, $0x1;
	_ =	swait.ge [sflag:s4], $0x4000  }
0x15c: {  	s0 =	sadd.s32 $0xFFFFFFFF, s1;
	s1 =	rddreg [dreg:$0x3];
	[sflag:s4] =	ssyncset.done $0x0  }
.LBB2_2:
0x15d: {  	[sflag:s4] =	ssyncadd.s32 $0xFFFFC000  }
0x15e: {  	s13 =	smov.u32 s29;
	s29 =	smov.u32 s26;
	s26 =	smov.u32 s25  }
0x15f: {  	s25 =	smov.u32 s24;
	s24 =	smov.u32 s23;
	s23 =	smov.u32 s22  }
0x160: {  	s22 =	smov.u32 s21;
	s21 =	smov.u32 s18;
	s18 =	smov.u32 s11  }
0x161: {  	s11 =	smov.u32 s10;
	s10 =	smov.u32 s9;
	s9 =	smov.u32 s7  }
0x162: {  	[tilespmem:s2], [sflag:$0x1] =	stream.linear.gather [hbm4b:s1+s2], $0x4000, $0x38;
	[tilespmem:$0x14000] =	vst v63  }
0x163: {  	s7 =	smov.u32 s6;
	s6 =	smov.u32 s5;
	s5 =	rddreg [dreg:$0x4]  }
0x164: {  	[tilespmem:s8], [sflag:$0x2] =	stream.linear.gather [hbm4b:s5+s2], $0x4000, $0x38;
	[tilespmem:$0x14000] =	vst v63  }
0x165: {  	s1 =	rddreg [dreg:$0x5];
	s5 =	smov.u32 s6;
	s6 =	smov.u32 s7  }
0x166: {  	s7 =	smov.u32 s9;
	s9 =	smov.u32 s10;
	s10 =	smov.u32 s11  }
0x167: {  	[tilespmem:s19], [sflag:$0x3] =	stream.linear.gather [hbm4b:s1+s2], $0x4000, $0x38;
	[tilespmem:$0x14000] =	vst v63  }
0x168: {  	s11 =	smov.u32 s18;
	s18 =	smov.u32 s21;
	_ =	swait.ge [sflag:s15], $0x4000  }
0x169: {  	s21 =	smov.u32 s22;
	s22 =	smov.u32 s23;
	[sflag:s15] =	ssyncset.done $0x0  }
0x16a: {  	s23 =	smov.u32 s24;
	s1 =	rddreg [dreg:$0x6];
	[sflag:s15] =	ssyncadd.s32 $0xFFFFC000  }
0x16b: {  	[tilespmem:s16], [sflag:$0x4] =	stream.linear.gather [hbm4b:s1+s2], $0x4000, $0x38;
	[tilespmem:$0x14000] =	vst v63  }
0x16c: {  	s24 =	smov.u32 s25;
	s25 =	smov.u32 s26;
	_ =	swait.ge [sflag:s12], $0x4000  }
0x16d: {  	s26 =	smov.u32 s29;
	s29 =	smov.u32 s13;
	[sflag:s12] =	ssyncset.done $0x0  }
0x16e: {  	s13 =	simm.s32 $0x10000;
	s1 =	rddreg [dreg:$0x7];
	[sflag:s12] =	ssyncadd.s32 $0xFFFFC000  }
0x16f: {  	[tilespmem:s13], [sflag:$0x5] =	stream.linear.gather [hbm4b:s1+s2], $0x4000, $0x38;
	[tilespmem:$0x14000] =	vst v63  }
0x170: {  	_ =	swait.ge [sflag:s31], $0x4000  }
0x171: {  	[sflag:s31] =	ssyncset.done $0x0  }
0x172: {  	s1 =	rddreg [dreg:$0x8];
	[sflag:s31] =	ssyncadd.s32 $0xFFFFC000  }
0x173: {  	[hbm4b:s1+s2] =	stream.linear.scatter [tilespmem:s2], [sflag:$0x6], $0x4000, $0x38;
	[tilespmem:$0x14000] =	vst v63  }
0x174: {  	_ =	swait.ge [sflag:s3], $0x4000  }
0x175: {  	[sflag:s3] =	ssyncset.done $0x0  }
0x176: {  	s1 =	rddreg [dreg:$0x9];
	[sflag:s3] =	ssyncadd.s32 $0xFFFFC000  }
0x177: {  	[tilespmem:s2], [sflag:$0x1] =	stream.linear.gather [hbm4b:s1+s2], $0x4000, $0x38;
	[tilespmem:$0x14000] =	vst v63  }
0x178: {  	_ =	swait.ge [sflag:s30], $0x4000  }
0x179: {  	[sflag:s30] =	ssyncset.done $0x0  }
0x17a: {  	s1 =	rddreg [dreg:$0xa];
	[sflag:s30] =	ssyncadd.s32 $0xFFFFC000  }
0x17b: {  	[hbm4b:s1+s2] =	stream.linear.scatter [tilespmem:s8], [sflag:$0x7], $0x4000, $0x38;
	[tilespmem:$0x14000] =	vst v63  }
0x17c: {  	_ =	swait.ge [sflag:s4], $0x4000  }
0x17d: {  	[sflag:s4] =	ssyncset.done $0x0  }
0x17e: {  	s1 =	rddreg [dreg:$0xb];
	[sflag:s4] =	ssyncadd.s32 $0xFFFFC000  }
0x17f: {  	[tilespmem:s8], [sflag:$0x2] =	stream.linear.gather [hbm4b:s1+s2], $0x4000, $0x38;
	[tilespmem:$0x14000] =	vst v63  }
0x180: {  	_ =	swait.ge [sflag:s28], $0x4000  }
0x181: {  	[sflag:s28] =	ssyncset.done $0x0  }
0x182: {  	s1 =	rddreg [dreg:$0xc];
	[sflag:s28] =	ssyncadd.s32 $0xFFFFC000  }
0x183: {  	[hbm4b:s1+s2] =	stream.linear.scatter [tilespmem:s19], [sflag:$0x8], $0x4000, $0x38;
	[tilespmem:$0x14000] =	vst v63  }
0x184: {  	_ =	swait.ge [sflag:s20], $0x4000  }
0x185: {  	[sflag:s20] =	ssyncset.done $0x0  }
0x186: {  	s1 =	rddreg [dreg:$0xd];
	[sflag:s20] =	ssyncadd.s32 $0xFFFFC000  }
0x187: {  	[tilespmem:s19], [sflag:$0x3] =	stream.linear.gather [hbm4b:s1+s2], $0x4000, $0x38;
	[tilespmem:$0x14000] =	vst v63  }
0x188: {  	_ =	swait.ge [sflag:s15], $0x4000  }
0x189: {  	[sflag:s15] =	ssyncset.done $0x0  }
0x18a: {  	s1 =	rddreg [dreg:$0xe];
	[sflag:s15] =	ssyncadd.s32 $0xFFFFC000  }
0x18b: {  	[hbm4b:s1+s2] =	stream.linear.scatter [tilespmem:s16], [sflag:$0x9], $0x4000, $0x38;
	[tilespmem:$0x14000] =	vst v63  }
0x18c: {  	_ =	swait.ge [sflag:s17], $0x4000  }
0x18d: {  	[sflag:s17] =	ssyncset.done $0x0  }
0x18e: {  	s1 =	rddreg [dreg:$0xf];
	[sflag:s17] =	ssyncadd.s32 $0xFFFFC000  }
0x18f: {  	[tilespmem:s16], [sflag:$0x4] =	stream.linear.gather [hbm4b:s1+s2], $0x4000, $0x38;
	[tilespmem:$0x14000] =	vst v63  }
0x190: {  	_ =	swait.ge [sflag:s12], $0x4000  }
0x191: {  	[sflag:s12] =	ssyncset.done $0x0  }
0x192: {  	s1 =	rddreg [dreg:$0x10];
	[sflag:s12] =	ssyncadd.s32 $0xFFFFC000  }
0x193: {  	[hbm4b:s1+s2] =	stream.linear.scatter [tilespmem:s13], [sflag:$0xA], $0x4000, $0x38;
	[tilespmem:$0x14000] =	vst v63  }
0x194: {  	_ =	swait.ge [sflag:s14], $0x4000  }
0x195: {  	[sflag:s14] =	ssyncset.done $0x0  }
0x196: {  	s1 =	rddreg [dreg:$0x11];
	[sflag:s14] =	ssyncadd.s32 $0xFFFFC000  }
0x197: {  	[tilespmem:s13], [sflag:$0x5] =	stream.linear.gather [hbm4b:s1+s2], $0x4000, $0x38;
	[tilespmem:$0x14000] =	vst v63  }
0x198: {  	_ =	swait.ge [sflag:s31], $0x4000  }
0x199: {  	[sflag:s31] =	ssyncset.done $0x0  }
0x19a: {  	s1 =	rddreg [dreg:$0x12];
	[sflag:s31] =	ssyncadd.s32 $0xFFFFC000  }
0x19b: {  	[hbm4b:s1+s2] =	stream.linear.scatter [tilespmem:s2], [sflag:$0x6], $0x4000, $0x38;
	[tilespmem:$0x14000] =	vst v63  }
0x19c: {  	_ =	swait.ge [sflag:s3], $0x4000  }
0x19d: {  	[sflag:s3] =	ssyncset.done $0x0  }
0x19e: {  	s1 =	rddreg [dreg:$0x13];
	[sflag:s3] =	ssyncadd.s32 $0xFFFFC000  }
0x19f: {  	[tilespmem:s2], [sflag:$0x1] =	stream.linear.gather [hbm4b:s1+s2], $0x4000, $0x38;
	[tilespmem:$0x14000] =	vst v63  }
0x1a0: {  	_ =	swait.ge [sflag:s30], $0x4000  }
0x1a1: {  	[sflag:s30] =	ssyncset.done $0x0  }
0x1a2: {  	s1 =	rddreg [dreg:$0x14];
	[sflag:s30] =	ssyncadd.s32 $0xFFFFC000  }
0x1a3: {  	[hbm4b:s1+s2] =	stream.linear.scatter [tilespmem:s8], [sflag:$0x7], $0x4000, $0x38;
	[tilespmem:$0x14000] =	vst v63  }
0x1a4: {  	_ =	swait.ge [sflag:s4], $0x4000  }
0x1a5: {  	[sflag:s4] =	ssyncset.done $0x0  }
0x1a6: {  	s1 =	rddreg [dreg:$0x15];
	[sflag:s4] =	ssyncadd.s32 $0xFFFFC000  }
0x1a7: {  	[tilespmem:s8], [sflag:$0x2] =	stream.linear.gather [hbm4b:s1+s2], $0x4000, $0x38;
	[tilespmem:$0x14000] =	vst v63  }
0x1a8: {  	_ =	swait.ge [sflag:s28], $0x4000  }
0x1a9: {  	[sflag:s28] =	ssyncset.done $0x0  }
0x1aa: {  	s1 =	rddreg [dreg:$0x16];
	[sflag:s28] =	ssyncadd.s32 $0xFFFFC000  }
0x1ab: {  	[hbm4b:s1+s2] =	stream.linear.scatter [tilespmem:s19], [sflag:$0x8], $0x4000, $0x38;
	[tilespmem:$0x14000] =	vst v63  }
0x1ac: {  	_ =	swait.ge [sflag:s20], $0x4000  }
0x1ad: {  	[sflag:s20] =	ssyncset.done $0x0  }
0x1ae: {  	s1 =	rddreg [dreg:$0x17];
	[sflag:s20] =	ssyncadd.s32 $0xFFFFC000  }
0x1af: {  	[tilespmem:s19], [sflag:$0x3] =	stream.linear.gather [hbm4b:s1+s2], $0x4000, $0x38;
	[tilespmem:$0x14000] =	vst v63  }
0x1b0: {  	_ =	swait.ge [sflag:s15], $0x4000  }
0x1b1: {  	[sflag:s15] =	ssyncset.done $0x0  }
0x1b2: {  	s1 =	rddreg [dreg:$0x18];
	[sflag:s15] =	ssyncadd.s32 $0xFFFFC000  }
0x1b3: {  	[hbm4b:s1+s2] =	stream.linear.scatter [tilespmem:s16], [sflag:$0x9], $0x4000, $0x38;
	[tilespmem:$0x14000] =	vst v63  }
0x1b4: {  	_ =	swait.ge [sflag:s17], $0x4000  }
0x1b5: {  	[sflag:s17] =	ssyncset.done $0x0  }
0x1b6: {  	s1 =	rddreg [dreg:$0x19];
	[sflag:s17] =	ssyncadd.s32 $0xFFFFC000  }
0x1b7: {  	[tilespmem:s16], [sflag:$0x4] =	stream.linear.gather [hbm4b:s1+s2], $0x4000, $0x38;
	[tilespmem:$0x14000] =	vst v63  }
0x1b8: {  	_ =	swait.ge [sflag:s12], $0x4000  }
0x1b9: {  	[sflag:s12] =	ssyncset.done $0x0  }
0x1ba: {  	s1 =	rddreg [dreg:$0x1a];
	[sflag:s12] =	ssyncadd.s32 $0xFFFFC000  }
0x1bb: {  	[hbm4b:s1+s2] =	stream.linear.scatter [tilespmem:s13], [sflag:$0xA], $0x4000, $0x38;
	[tilespmem:$0x14000] =	vst v63  }
0x1bc: {  	_ =	swait.ge [sflag:s14], $0x4000  }
0x1bd: {  	[sflag:s14] =	ssyncset.done $0x0  }
0x1be: {  	s1 =	rddreg [dreg:$0x1b];
	[sflag:s14] =	ssyncadd.s32 $0xFFFFC000  }
0x1bf: {  	[tilespmem:s13], [sflag:$0x5] =	stream.linear.gather [hbm4b:s1+s2], $0x4000, $0x38;
	[tilespmem:$0x14000] =	vst v63  }
0x1c0: {  	_ =	swait.ge [sflag:s31], $0x4000  }
0x1c1: {  	[sflag:s31] =	ssyncset.done $0x0  }
0x1c2: {  	s1 =	rddreg [dreg:$0x1c];
	[sflag:s31] =	ssyncadd.s32 $0xFFFFC000  }
0x1c3: {  	[hbm4b:s1+s2] =	stream.linear.scatter [tilespmem:s2], [sflag:$0x6], $0x4000, $0x38;
	[tilespmem:$0x14000] =	vst v63  }
0x1c4: {  	_ =	swait.ge [sflag:s3], $0x4000  }
0x1c5: {  	[sflag:s3] =	ssyncset.done $0x0  }
0x1c6: {  	s1 =	rddreg [dreg:$0x1d];
	[sflag:s3] =	ssyncadd.s32 $0xFFFFC000  }
0x1c7: {  	[tilespmem:s2], [sflag:$0x1] =	stream.linear.gather [hbm4b:s1+s2], $0x4000, $0x38;
	[tilespmem:$0x14000] =	vst v63  }
0x1c8: {  	_ =	swait.ge [sflag:s30], $0x4000  }
0x1c9: {  	[sflag:s30] =	ssyncset.done $0x0  }
0x1ca: {  	s1 =	rddreg [dreg:$0x1e];
	[sflag:s30] =	ssyncadd.s32 $0xFFFFC000  }
0x1cb: {  	[hbm4b:s1+s2] =	stream.linear.scatter [tilespmem:s8], [sflag:$0x7], $0x4000, $0x38;
	[tilespmem:$0x14000] =	vst v63  }
0x1cc: {  	_ =	swait.ge [sflag:s4], $0x4000  }
0x1cd: {  	[sflag:s4] =	ssyncset.done $0x0  }
0x1ce: {  	s1 =	rddreg [dreg:$0x1f];
	[sflag:s4] =	ssyncadd.s32 $0xFFFFC000  }
0x1cf: {  	[tilespmem:s8], [sflag:$0x2] =	stream.linear.gather [hbm4b:s1+s2], $0x4000, $0x38;
	[tilespmem:$0x14000] =	vst v63  }
0x1d0: {  	_ =	swait.ge [sflag:s28], $0x4000  }
0x1d1: {  	s1 =	sld [smem:$0x7E9]  }
0x1d2: {  	[sflag:s28] =	ssyncset.done $0x0  }
0x1d3: {  	[sflag:s28] =	ssyncadd.s32 $0xFFFFC000  }
0x1d4: {  	[hbm4b:s1+s2] =	stream.linear.scatter [tilespmem:s19], [sflag:$0x8], $0x4000, $0x38;
	[tilespmem:$0x14000] =	vst v63  }
0x1d5: {  	_ =	swait.ge [sflag:s20], $0x4000  }
0x1d6: {  	s1 =	sld [smem:$0x7EA]  }
0x1d7: {  	[sflag:s20] =	ssyncset.done $0x0  }
0x1d8: {  	[sflag:s20] =	ssyncadd.s32 $0xFFFFC000  }
0x1d9: {  	[tilespmem:s19], [sflag:$0x3] =	stream.linear.gather [hbm4b:s1+s2], $0x4000, $0x38;
	[tilespmem:$0x14000] =	vst v63  }
0x1da: {  	_ =	swait.ge [sflag:s15], $0x4000  }
0x1db: {  	s1 =	sld [smem:$0x7EB]  }
0x1dc: {  	[sflag:s15] =	ssyncset.done $0x0  }
0x1dd: {  	[sflag:s15] =	ssyncadd.s32 $0xFFFFC000  }
0x1de: {  	[hbm4b:s1+s2] =	stream.linear.scatter [tilespmem:s16], [sflag:$0x9], $0x4000, $0x38;
	[tilespmem:$0x14000] =	vst v63  }
0x1df: {  	_ =	swait.ge [sflag:s17], $0x4000  }
0x1e0: {  	s1 =	sld [smem:$0x7EC]  }
0x1e1: {  	[sflag:s17] =	ssyncset.done $0x0  }
0x1e2: {  	[sflag:s17] =	ssyncadd.s32 $0xFFFFC000  }
0x1e3: {  	[tilespmem:s16], [sflag:$0x4] =	stream.linear.gather [hbm4b:s1+s2], $0x4000, $0x38;
	[tilespmem:$0x14000] =	vst v63  }
0x1e4: {  	_ =	swait.ge [sflag:s12], $0x4000  }
0x1e5: {  	s1 =	sld [smem:$0x7ED]  }
0x1e6: {  	[sflag:s12] =	ssyncset.done $0x0  }
0x1e7: {  	[sflag:s12] =	ssyncadd.s32 $0xFFFFC000  }
0x1e8: {  	[hbm4b:s1+s2] =	stream.linear.scatter [tilespmem:s13], [sflag:$0xA], $0x4000, $0x38;
	[tilespmem:$0x14000] =	vst v63  }
0x1e9: {  	_ =	swait.ge [sflag:s14], $0x4000  }
0x1ea: {  	s1 =	sld [smem:$0x7EE]  }
0x1eb: {  	[sflag:s14] =	ssyncset.done $0x0  }
0x1ec: {  	[sflag:s14] =	ssyncadd.s32 $0xFFFFC000  }
0x1ed: {  	[tilespmem:s13], [sflag:$0x5] =	stream.linear.gather [hbm4b:s1+s2], $0x4000, $0x38;
	[tilespmem:$0x14000] =	vst v63  }
0x1ee: {  	_ =	swait.ge [sflag:s31], $0x4000  }
0x1ef: {  	s1 =	sld [smem:$0x7EF]  }
0x1f0: {  	[sflag:s31] =	ssyncset.done $0x0  }
0x1f1: {  	[sflag:s31] =	ssyncadd.s32 $0xFFFFC000  }
0x1f2: {  	[hbm4b:s1+s2] =	stream.linear.scatter [tilespmem:s2], [sflag:$0x6], $0x4000, $0x38;
	[tilespmem:$0x14000] =	vst v63  }
0x1f3: {  	_ =	swait.ge [sflag:s3], $0x4000  }
0x1f4: {  	s1 =	sld [smem:$0x7F0]  }
0x1f5: {  	[sflag:s3] =	ssyncset.done $0x0  }
0x1f6: {  	[sflag:s3] =	ssyncadd.s32 $0xFFFFC000  }
0x1f7: {  	[tilespmem:s2], [sflag:$0x1] =	stream.linear.gather [hbm4b:s1+s2], $0x4000, $0x38;
	[tilespmem:$0x14000] =	vst v63  }
0x1f8: {  	_ =	swait.ge [sflag:s30], $0x4000  }
0x1f9: {  	s1 =	sld [smem:$0x7F1]  }
0x1fa: {  	[sflag:s30] =	ssyncset.done $0x0  }
0x1fb: {  	[sflag:s30] =	ssyncadd.s32 $0xFFFFC000  }
0x1fc: {  	[hbm4b:s1+s2] =	stream.linear.scatter [tilespmem:s8], [sflag:$0x7], $0x4000, $0x38;
	[tilespmem:$0x14000] =	vst v63  }
0x1fd: {  	_ =	swait.ge [sflag:s4], $0x4000  }
0x1fe: {  	s1 =	sld [smem:$0x7F2]  }
0x1ff: {  	[sflag:s4] =	ssyncset.done $0x0  }
0x200: {  	[sflag:s4] =	ssyncadd.s32 $0xFFFFC000  }
0x201: {  	[tilespmem:s8], [sflag:$0x2] =	stream.linear.gather [hbm4b:s1+s2], $0x4000, $0x38;
	[tilespmem:$0x14000] =	vst v63  }
0x202: {  	_ =	swait.ge [sflag:s28], $0x4000  }
0x203: {  	s1 =	sld [smem:$0x7F3]  }
0x204: {  	[sflag:s28] =	ssyncset.done $0x0  }
0x205: {  	[sflag:s28] =	ssyncadd.s32 $0xFFFFC000  }
0x206: {  	[hbm4b:s1+s2] =	stream.linear.scatter [tilespmem:s19], [sflag:$0x8], $0x4000, $0x38;
	[tilespmem:$0x14000] =	vst v63  }
0x207: {  	_ =	swait.ge [sflag:s20], $0x4000  }
0x208: {  	s1 =	sld [smem:$0x7F4]  }
0x209: {  	[sflag:s20] =	ssyncset.done $0x0  }
0x20a: {  	[sflag:s20] =	ssyncadd.s32 $0xFFFFC000  }
0x20b: {  	[tilespmem:s19], [sflag:$0x3] =	stream.linear.gather [hbm4b:s1+s2], $0x4000, $0x38;
	[tilespmem:$0x14000] =	vst v63  }
0x20c: {  	_ =	swait.ge [sflag:s15], $0x4000  }
0x20d: {  	s1 =	sld [smem:$0x7F5]  }
0x20e: {  	[sflag:s15] =	ssyncset.done $0x0  }
0x20f: {  	[sflag:s15] =	ssyncadd.s32 $0xFFFFC000  }
0x210: {  	[hbm4b:s1+s2] =	stream.linear.scatter [tilespmem:s16], [sflag:$0x9], $0x4000, $0x38;
	[tilespmem:$0x14000] =	vst v63  }
0x211: {  	_ =	swait.ge [sflag:s17], $0x4000  }
0x212: {  	s1 =	sld [smem:$0x7F6]  }
0x213: {  	[sflag:s17] =	ssyncset.done $0x0  }
0x214: {  	[sflag:s17] =	ssyncadd.s32 $0xFFFFC000  }
0x215: {  	[tilespmem:s16], [sflag:$0x4] =	stream.linear.gather [hbm4b:s1+s2], $0x4000, $0x38;
	[tilespmem:$0x14000] =	vst v63  }
0x216: {  	_ =	swait.ge [sflag:s12], $0x4000  }
0x217: {  	s1 =	sld [smem:$0x7F7]  }
0x218: {  	[sflag:s12] =	ssyncset.done $0x0  }
0x219: {  	[sflag:s12] =	ssyncadd.s32 $0xFFFFC000  }
0x21a: {  	[hbm4b:s1+s2] =	stream.linear.scatter [tilespmem:s13], [sflag:$0xA], $0x4000, $0x38;
	[tilespmem:$0x14000] =	vst v63  }
0x21b: {  	_ =	swait.ge [sflag:s14], $0x4000  }
0x21c: {  	s1 =	sld [smem:$0x7F8]  }
0x21d: {  	[sflag:s14] =	ssyncset.done $0x0  }
0x21e: {  	[sflag:s14] =	ssyncadd.s32 $0xFFFFC000  }
0x21f: {  	[tilespmem:s13], [sflag:$0x5] =	stream.linear.gather [hbm4b:s1+s2], $0x4000, $0x38;
	[tilespmem:$0x14000] =	vst v63  }
0x220: {  	_ =	swait.ge [sflag:s31], $0x4000  }
0x221: {  	s1 =	sld [smem:$0x7F9]  }
0x222: {  	[sflag:s31] =	ssyncset.done $0x0  }
0x223: {  	[sflag:s31] =	ssyncadd.s32 $0xFFFFC000  }
0x224: {  	[hbm4b:s1+s2] =	stream.linear.scatter [tilespmem:s2], [sflag:$0x6], $0x4000, $0x38;
	[tilespmem:$0x14000] =	vst v63  }
0x225: {  	_ =	swait.ge [sflag:s3], $0x4000  }
0x226: {  	s1 =	sld [smem:$0x7FA]  }
0x227: {  	[sflag:s3] =	ssyncset.done $0x0  }
0x228: {  	[sflag:s3] =	ssyncadd.s32 $0xFFFFC000  }
0x229: {  	[tilespmem:s2], [sflag:$0x1] =	stream.linear.gather [hbm4b:s1+s2], $0x4000, $0x38;
	[tilespmem:$0x14000] =	vst v63  }
0x22a: {  	_ =	swait.ge [sflag:s30], $0x4000  }
0x22b: {  	s1 =	sld [smem:$0x7FB]  }
0x22c: {  	[sflag:s30] =	ssyncset.done $0x0  }
0x22d: {  	[sflag:s30] =	ssyncadd.s32 $0xFFFFC000  }
0x22e: {  	[hbm4b:s1+s2] =	stream.linear.scatter [tilespmem:s8], [sflag:$0x7], $0x4000, $0x38;
	[tilespmem:$0x14000] =	vst v63  }
0x22f: {  	_ =	swait.ge [sflag:s4], $0x4000  }
0x230: {  	s1 =	sld [smem:$0x7FC]  }
0x231: {  	[sflag:s4] =	ssyncset.done $0x0  }
0x232: {  	[sflag:s4] =	ssyncadd.s32 $0xFFFFC000  }
0x233: {  	[tilespmem:s8], [sflag:$0x2] =	stream.linear.gather [hbm4b:s1+s2], $0x4000, $0x38;
	[tilespmem:$0x14000] =	vst v63  }
0x234: {  	_ =	swait.ge [sflag:s28], $0x4000  }
0x235: {  	s1 =	sld [smem:$0x7FD]  }
0x236: {  	[sflag:s28] =	ssyncset.done $0x0  }
0x237: {  	[sflag:s28] =	ssyncadd.s32 $0xFFFFC000  }
0x238: {  	[hbm4b:s1+s2] =	stream.linear.scatter [tilespmem:s19], [sflag:$0x8], $0x4000, $0x38;
	[tilespmem:$0x14000] =	vst v63  }
0x239: {  	_ =	swait.ge [sflag:s20], $0x4000  }
0x23a: {  	[sflag:s20] =	ssyncset.done $0x0  }
0x23b: {  	[sflag:s20] =	ssyncadd.s32 $0xFFFFC000  }
0x23c: {  	[tilespmem:s19], [sflag:$0x3] =	stream.linear.gather [hbm4b:s29+s2], $0x4000, $0x38;
	[tilespmem:$0x14000] =	vst v63  }
0x23d: {  	_ =	swait.ge [sflag:s15], $0x4000  }
0x23e: {  	[sflag:s15] =	ssyncset.done $0x0  }
0x23f: {  	[sflag:s15] =	ssyncadd.s32 $0xFFFFC000  }
0x240: {  	[hbm4b:s26+s2] =	stream.linear.scatter [tilespmem:s16], [sflag:$0x9], $0x4000, $0x38;
	[tilespmem:$0x14000] =	vst v63  }
0x241: {  	_ =	swait.ge [sflag:s17], $0x4000  }
0x242: {  	[sflag:s17] =	ssyncset.done $0x0  }
0x243: {  	[sflag:s17] =	ssyncadd.s32 $0xFFFFC000  }
0x244: {  	[tilespmem:s16], [sflag:$0x4] =	stream.linear.gather [hbm4b:s25+s2], $0x4000, $0x38;
	[tilespmem:$0x14000] =	vst v63  }
0x245: {  	_ =	swait.ge [sflag:s12], $0x4000  }
0x246: {  	[sflag:s12] =	ssyncset.done $0x0  }
0x247: {  	[sflag:s12] =	ssyncadd.s32 $0xFFFFC000  }
0x248: {  	[hbm4b:s24+s2] =	stream.linear.scatter [tilespmem:s13], [sflag:$0xA], $0x4000, $0x38;
	[tilespmem:$0x14000] =	vst v63  }
0x249: {  	_ =	swait.ge [sflag:s14], $0x4000  }
0x24a: {  	[sflag:s14] =	ssyncset.done $0x0  }
0x24b: {  	[sflag:s14] =	ssyncadd.s32 $0xFFFFC000  }
0x24c: {  	[tilespmem:s13], [sflag:$0x5] =	stream.linear.gather [hbm4b:s23+s2], $0x4000, $0x38;
	[tilespmem:$0x14000] =	vst v63  }
0x24d: {  	_ =	swait.ge [sflag:s31], $0x4000  }
0x24e: {  	[sflag:s31] =	ssyncset.done $0x0  }
0x24f: {  	[sflag:s31] =	ssyncadd.s32 $0xFFFFC000  }
0x250: {  	[hbm4b:s22+s2] =	stream.linear.scatter [tilespmem:s2], [sflag:$0x6], $0x4000, $0x38;
	[tilespmem:$0x14000] =	vst v63  }
0x251: {  	_ =	swait.ge [sflag:s3], $0x4000  }
0x252: {  	[sflag:s3] =	ssyncset.done $0x0  }
0x253: {  	[sflag:s3] =	ssyncadd.s32 $0xFFFFC000  }
0x254: {  	[tilespmem:s2], [sflag:$0x1] =	stream.linear.gather [hbm4b:s21+s2], $0x4000, $0x38;
	[tilespmem:$0x14000] =	vst v63  }
0x255: {  	_ =	swait.ge [sflag:s30], $0x4000  }
0x256: {  	[sflag:s30] =	ssyncset.done $0x0  }
0x257: {  	[sflag:s30] =	ssyncadd.s32 $0xFFFFC000  }
0x258: {  	[hbm4b:s18+s2] =	stream.linear.scatter [tilespmem:s8], [sflag:$0x7], $0x4000, $0x38;
	[tilespmem:$0x14000] =	vst v63  }
0x259: {  	_ =	swait.ge [sflag:s4], $0x4000  }
0x25a: {  	[sflag:s4] =	ssyncset.done $0x0  }
0x25b: {  	[sflag:s4] =	ssyncadd.s32 $0xFFFFC000  }
0x25c: {  	[tilespmem:s8], [sflag:$0x2] =	stream.linear.gather [hbm4b:s11+s2], $0x4000, $0x38;
	[tilespmem:$0x14000] =	vst v63  }
0x25d: {  	_ =	swait.ge [sflag:s28], $0x4000  }
0x25e: {  	[sflag:s28] =	ssyncset.done $0x0  }
0x25f: {  	[sflag:s28] =	ssyncadd.s32 $0xFFFFC000  }
0x260: {  	[hbm4b:s10+s2] =	stream.linear.scatter [tilespmem:s19], [sflag:$0x8], $0x4000, $0x38;
	[tilespmem:$0x14000] =	vst v63  }
0x261: {  	_ =	swait.ge [sflag:s15], $0x4000  }
0x262: {  	[sflag:s15] =	ssyncset.done $0x0  }
0x263: {  	[sflag:s15] =	ssyncadd.s32 $0xFFFFC000  }
0x264: {  	[hbm4b:s9+s2] =	stream.linear.scatter [tilespmem:s16], [sflag:$0x9], $0x4000, $0x38;
	[tilespmem:$0x14000] =	vst v63  }
0x265: {  	_ =	swait.ge [sflag:s12], $0x4000  }
0x266: {  	[sflag:s12] =	ssyncset.done $0x0  }
0x267: {  	[sflag:s12] =	ssyncadd.s32 $0xFFFFC000  }
0x268: {  	[hbm4b:s5+s2] =	stream.linear.scatter [tilespmem:s13], [sflag:$0xA], $0x4000, $0x38;
	[tilespmem:$0x14000] =	vst v63  }
0x269: {  	_ = 	snop  }
0x26a: {  	[hbm4b:s6+s2] =	stream.linear.scatter [tilespmem:s2], [sflag:$0x6], $0x4000, $0x38;
	[tilespmem:$0x14000] =	vst v63  }
0x26b: {  	_ = 	snop  }
0x26c: {  	[hbm4b:s7+s2] =	stream.linear.scatter [tilespmem:s8], [sflag:$0x7], $0x4000, $0x38;
	[tilespmem:$0x14000] =	vst v63  }
0x26d: {  	_ =	swait.ge [sflag:s20], $0x4000  }
0x26e: {  	[sflag:s20] =	ssyncset.done $0x0  }
0x26f: {  	[sflag:s20] =	ssyncadd.s32 $0xFFFFC000  }
0x270: {  	_ =	swait.ge [sflag:s17], $0x4000  }
0x271: {  	[sflag:s17] =	ssyncset.done $0x0  }
0x272: {  	[sflag:s17] =	ssyncadd.s32 $0xFFFFC000  }
0x273: {  	_ =	swait.ge [sflag:s14], $0x4000  }
0x274: {  	[sflag:s14] =	ssyncset.done $0x0  }
0x275: {  	p1 =	sne.s32 s0, $0x1;
	[sflag:s14] =	ssyncadd.s32 $0xFFFFC000  }
.Ltmp2:
0x276: {  	_ =	swait.ge [sflag:s3], $0x4000;
	(pc) =	sbr.rel @p1 .LBB2_2-.Ltmp2, $4  }
0x277: {  	[sflag:s3] =	ssyncset.done $0x0  }
0x278: {  	[sflag:s3] =	ssyncadd.s32 $0xFFFFC000  }
0x279: {  	_ =	swait.ge [sflag:s4], $0x4000  }
0x27a: {  	s0 =	sadd.s32 $0xFFFFFFFF, s0;
	s1 =	rddreg [dreg:$0x3];
	[sflag:s4] =	ssyncset.done $0x0  }
.LBB2_3:
0x27b: {  	[sflag:s4] =	ssyncadd.s32 @p0 $0xFFFFC000  }
0x27c: {  	[tilespmem:s2], [sflag:$0x1] =	stream.linear.gather [hbm4b:s1+s2], $0x4000, $0x38;
	[tilespmem:$0x14000] =	vst v63  }
0x27d: {  	s0 =	rddreg [dreg:$0x4]  }
0x27e: {  	[tilespmem:s8], [sflag:$0x2] =	stream.linear.gather [hbm4b:s0+s2], $0x4000, $0x38;
	[tilespmem:$0x14000] =	vst v63  }
0x27f: {  	s1 =	rddreg [dreg:$0x5]  }
0x280: {  	[tilespmem:s19], [sflag:$0x3] =	stream.linear.gather [hbm4b:s1+s2], $0x4000, $0x38;
	[tilespmem:$0x14000] =	vst v63  }
0x281: {  	_ =	swait.ge [sflag:s15], $0x4000  }
0x282: {  	[sflag:s15] =	ssyncset.done $0x0  }
0x283: {  	s1 =	rddreg [dreg:$0x6];
	[sflag:s15] =	ssyncadd.s32 $0xFFFFC000  }
0x284: {  	[tilespmem:s16], [sflag:$0x4] =	stream.linear.gather [hbm4b:s1+s2], $0x4000, $0x38;
	[tilespmem:$0x14000] =	vst v63  }
0x285: {  	_ =	swait.ge [sflag:s12], $0x4000  }
0x286: {  	[sflag:s12] =	ssyncset.done $0x0  }
0x287: {  	s1 =	rddreg [dreg:$0x7];
	[sflag:s12] =	ssyncadd.s32 $0xFFFFC000  }
0x288: {  	[tilespmem:s13], [sflag:$0x5] =	stream.linear.gather [hbm4b:s1+s2], $0x4000, $0x38;
	[tilespmem:$0x14000] =	vst v63  }
0x289: {  	_ =	swait.ge [sflag:s31], $0x4000  }
0x28a: {  	[sflag:s31] =	ssyncset.done $0x0  }
0x28b: {  	s1 =	rddreg [dreg:$0x8];
	[sflag:s31] =	ssyncadd.s32 $0xFFFFC000  }
0x28c: {  	[hbm4b:s1+s2] =	stream.linear.scatter [tilespmem:s2], [sflag:$0x6], $0x4000, $0x38;
	[tilespmem:$0x14000] =	vst v63  }
0x28d: {  	_ =	swait.ge [sflag:s3], $0x4000  }
0x28e: {  	[sflag:s3] =	ssyncset.done $0x0  }
0x28f: {  	s1 =	rddreg [dreg:$0x9];
	[sflag:s3] =	ssyncadd.s32 $0xFFFFC000  }
0x290: {  	[tilespmem:s2], [sflag:$0x1] =	stream.linear.gather [hbm4b:s1+s2], $0x4000, $0x38;
	[tilespmem:$0x14000] =	vst v63  }
0x291: {  	_ =	swait.ge [sflag:s30], $0x4000  }
0x292: {  	[sflag:s30] =	ssyncset.done $0x0  }
0x293: {  	s1 =	rddreg [dreg:$0xa];
	[sflag:s30] =	ssyncadd.s32 $0xFFFFC000  }
0x294: {  	[hbm4b:s1+s2] =	stream.linear.scatter [tilespmem:s8], [sflag:$0x7], $0x4000, $0x38;
	[tilespmem:$0x14000] =	vst v63  }
0x295: {  	_ =	swait.ge [sflag:s4], $0x4000  }
0x296: {  	[sflag:s4] =	ssyncset.done $0x0  }
0x297: {  	s1 =	rddreg [dreg:$0xb];
	[sflag:s4] =	ssyncadd.s32 $0xFFFFC000  }
0x298: {  	[tilespmem:s8], [sflag:$0x2] =	stream.linear.gather [hbm4b:s1+s2], $0x4000, $0x38;
	[tilespmem:$0x14000] =	vst v63  }
0x299: {  	_ =	swait.ge [sflag:s28], $0x4000  }
0x29a: {  	[sflag:s28] =	ssyncset.done $0x0  }
0x29b: {  	s1 =	rddreg [dreg:$0xc];
	[sflag:s28] =	ssyncadd.s32 $0xFFFFC000  }
0x29c: {  	[hbm4b:s1+s2] =	stream.linear.scatter [tilespmem:s19], [sflag:$0x8], $0x4000, $0x38;
	[tilespmem:$0x14000] =	vst v63  }
0x29d: {  	_ =	swait.ge [sflag:s20], $0x4000  }
0x29e: {  	[sflag:s20] =	ssyncset.done $0x0  }
0x29f: {  	s1 =	rddreg [dreg:$0xd];
	[sflag:s20] =	ssyncadd.s32 $0xFFFFC000  }
0x2a0: {  	[tilespmem:s19], [sflag:$0x3] =	stream.linear.gather [hbm4b:s1+s2], $0x4000, $0x38;
	[tilespmem:$0x14000] =	vst v63  }
0x2a1: {  	_ =	swait.ge [sflag:s15], $0x4000  }
0x2a2: {  	[sflag:s15] =	ssyncset.done $0x0  }
0x2a3: {  	s1 =	rddreg [dreg:$0xe];
	[sflag:s15] =	ssyncadd.s32 $0xFFFFC000  }
0x2a4: {  	[hbm4b:s1+s2] =	stream.linear.scatter [tilespmem:s16], [sflag:$0x9], $0x4000, $0x38;
	[tilespmem:$0x14000] =	vst v63  }
0x2a5: {  	_ =	swait.ge [sflag:s17], $0x4000  }
0x2a6: {  	[sflag:s17] =	ssyncset.done $0x0  }
0x2a7: {  	s1 =	rddreg [dreg:$0xf];
	[sflag:s17] =	ssyncadd.s32 $0xFFFFC000  }
0x2a8: {  	[tilespmem:s16], [sflag:$0x4] =	stream.linear.gather [hbm4b:s1+s2], $0x4000, $0x38;
	[tilespmem:$0x14000] =	vst v63  }
0x2a9: {  	_ =	swait.ge [sflag:s12], $0x4000  }
0x2aa: {  	[sflag:s12] =	ssyncset.done $0x0  }
0x2ab: {  	s1 =	rddreg [dreg:$0x10];
	[sflag:s12] =	ssyncadd.s32 $0xFFFFC000  }
0x2ac: {  	[hbm4b:s1+s2] =	stream.linear.scatter [tilespmem:s13], [sflag:$0xA], $0x4000, $0x38;
	[tilespmem:$0x14000] =	vst v63  }
0x2ad: {  	_ =	swait.ge [sflag:s14], $0x4000  }
0x2ae: {  	[sflag:s14] =	ssyncset.done $0x0  }
0x2af: {  	s1 =	rddreg [dreg:$0x11];
	[sflag:s14] =	ssyncadd.s32 $0xFFFFC000  }
0x2b0: {  	[tilespmem:s13], [sflag:$0x5] =	stream.linear.gather [hbm4b:s1+s2], $0x4000, $0x38;
	[tilespmem:$0x14000] =	vst v63  }
0x2b1: {  	_ =	swait.ge [sflag:s31], $0x4000  }
0x2b2: {  	[sflag:s31] =	ssyncset.done $0x0  }
0x2b3: {  	s1 =	rddreg [dreg:$0x12];
	[sflag:s31] =	ssyncadd.s32 $0xFFFFC000  }
0x2b4: {  	[hbm4b:s1+s2] =	stream.linear.scatter [tilespmem:s2], [sflag:$0x6], $0x4000, $0x38;
	[tilespmem:$0x14000] =	vst v63  }
0x2b5: {  	_ =	swait.ge [sflag:s3], $0x4000  }
0x2b6: {  	[sflag:s3] =	ssyncset.done $0x0  }
0x2b7: {  	s1 =	rddreg [dreg:$0x13];
	[sflag:s3] =	ssyncadd.s32 $0xFFFFC000  }
0x2b8: {  	[tilespmem:s2], [sflag:$0x1] =	stream.linear.gather [hbm4b:s1+s2], $0x4000, $0x38;
	[tilespmem:$0x14000] =	vst v63  }
0x2b9: {  	_ =	swait.ge [sflag:s30], $0x4000  }
0x2ba: {  	[sflag:s30] =	ssyncset.done $0x0  }
0x2bb: {  	s1 =	rddreg [dreg:$0x14];
	[sflag:s30] =	ssyncadd.s32 $0xFFFFC000  }
0x2bc: {  	[hbm4b:s1+s2] =	stream.linear.scatter [tilespmem:s8], [sflag:$0x7], $0x4000, $0x38;
	[tilespmem:$0x14000] =	vst v63  }
0x2bd: {  	_ =	swait.ge [sflag:s4], $0x4000  }
0x2be: {  	[sflag:s4] =	ssyncset.done $0x0  }
0x2bf: {  	s1 =	rddreg [dreg:$0x15];
	[sflag:s4] =	ssyncadd.s32 $0xFFFFC000  }
0x2c0: {  	[tilespmem:s8], [sflag:$0x2] =	stream.linear.gather [hbm4b:s1+s2], $0x4000, $0x38;
	[tilespmem:$0x14000] =	vst v63  }
0x2c1: {  	_ =	swait.ge [sflag:s28], $0x4000  }
0x2c2: {  	[sflag:s28] =	ssyncset.done $0x0  }
0x2c3: {  	s1 =	rddreg [dreg:$0x16];
	[sflag:s28] =	ssyncadd.s32 $0xFFFFC000  }
0x2c4: {  	[hbm4b:s1+s2] =	stream.linear.scatter [tilespmem:s19], [sflag:$0x8], $0x4000, $0x38;
	[tilespmem:$0x14000] =	vst v63  }
0x2c5: {  	_ =	swait.ge [sflag:s20], $0x4000  }
0x2c6: {  	[sflag:s20] =	ssyncset.done $0x0  }
0x2c7: {  	s1 =	rddreg [dreg:$0x17];
	[sflag:s20] =	ssyncadd.s32 $0xFFFFC000  }
0x2c8: {  	[tilespmem:s19], [sflag:$0x3] =	stream.linear.gather [hbm4b:s1+s2], $0x4000, $0x38;
	[tilespmem:$0x14000] =	vst v63  }
0x2c9: {  	_ =	swait.ge [sflag:s15], $0x4000  }
0x2ca: {  	[sflag:s15] =	ssyncset.done $0x0  }
0x2cb: {  	s1 =	rddreg [dreg:$0x18];
	[sflag:s15] =	ssyncadd.s32 $0xFFFFC000  }
0x2cc: {  	[hbm4b:s1+s2] =	stream.linear.scatter [tilespmem:s16], [sflag:$0x9], $0x4000, $0x38;
	[tilespmem:$0x14000] =	vst v63  }
0x2cd: {  	_ =	swait.ge [sflag:s17], $0x4000  }
0x2ce: {  	[sflag:s17] =	ssyncset.done $0x0  }
0x2cf: {  	s1 =	rddreg [dreg:$0x19];
	[sflag:s17] =	ssyncadd.s32 $0xFFFFC000  }
0x2d0: {  	[tilespmem:s16], [sflag:$0x4] =	stream.linear.gather [hbm4b:s1+s2], $0x4000, $0x38;
	[tilespmem:$0x14000] =	vst v63  }
0x2d1: {  	_ =	swait.ge [sflag:s12], $0x4000  }
0x2d2: {  	[sflag:s12] =	ssyncset.done $0x0  }
0x2d3: {  	s1 =	rddreg [dreg:$0x1a];
	[sflag:s12] =	ssyncadd.s32 $0xFFFFC000  }
0x2d4: {  	[hbm4b:s1+s2] =	stream.linear.scatter [tilespmem:s13], [sflag:$0xA], $0x4000, $0x38;
	[tilespmem:$0x14000] =	vst v63  }
0x2d5: {  	_ =	swait.ge [sflag:s14], $0x4000  }
0x2d6: {  	[sflag:s14] =	ssyncset.done $0x0  }
0x2d7: {  	s1 =	rddreg [dreg:$0x1b];
	[sflag:s14] =	ssyncadd.s32 $0xFFFFC000  }
0x2d8: {  	[tilespmem:s13], [sflag:$0x5] =	stream.linear.gather [hbm4b:s1+s2], $0x4000, $0x38;
	[tilespmem:$0x14000] =	vst v63  }
0x2d9: {  	_ =	swait.ge [sflag:s31], $0x4000  }
0x2da: {  	[sflag:s31] =	ssyncset.done $0x0  }
0x2db: {  	s1 =	rddreg [dreg:$0x1c];
	[sflag:s31] =	ssyncadd.s32 $0xFFFFC000  }
0x2dc: {  	[hbm4b:s1+s2] =	stream.linear.scatter [tilespmem:s2], [sflag:$0x6], $0x4000, $0x38;
	[tilespmem:$0x14000] =	vst v63  }
0x2dd: {  	_ =	swait.ge [sflag:s3], $0x4000  }
0x2de: {  	[sflag:s3] =	ssyncset.done $0x0  }
0x2df: {  	s1 =	rddreg [dreg:$0x1d];
	[sflag:s3] =	ssyncadd.s32 $0xFFFFC000  }
0x2e0: {  	[tilespmem:s2], [sflag:$0x1] =	stream.linear.gather [hbm4b:s1+s2], $0x4000, $0x38;
	[tilespmem:$0x14000] =	vst v63  }
0x2e1: {  	_ =	swait.ge [sflag:s30], $0x4000  }
0x2e2: {  	[sflag:s30] =	ssyncset.done $0x0  }
0x2e3: {  	s1 =	rddreg [dreg:$0x1e];
	[sflag:s30] =	ssyncadd.s32 $0xFFFFC000  }
0x2e4: {  	[hbm4b:s1+s2] =	stream.linear.scatter [tilespmem:s8], [sflag:$0x7], $0x4000, $0x38;
	[tilespmem:$0x14000] =	vst v63  }
0x2e5: {  	_ =	swait.ge [sflag:s4], $0x4000  }
0x2e6: {  	[sflag:s4] =	ssyncset.done $0x0  }
0x2e7: {  	s1 =	rddreg [dreg:$0x1f];
	[sflag:s4] =	ssyncadd.s32 $0xFFFFC000  }
0x2e8: {  	[tilespmem:s8], [sflag:$0x2] =	stream.linear.gather [hbm4b:s1+s2], $0x4000, $0x38;
	[tilespmem:$0x14000] =	vst v63  }
0x2e9: {  	_ =	swait.ge [sflag:s28], $0x4000  }
0x2ea: {  	s1 =	sld [smem:$0x7E9]  }
0x2eb: {  	[sflag:s28] =	ssyncset.done $0x0  }
0x2ec: {  	[sflag:s28] =	ssyncadd.s32 $0xFFFFC000  }
0x2ed: {  	[hbm4b:s1+s2] =	stream.linear.scatter [tilespmem:s19], [sflag:$0x8], $0x4000, $0x38;
	[tilespmem:$0x14000] =	vst v63  }
0x2ee: {  	_ =	swait.ge [sflag:s20], $0x4000  }
0x2ef: {  	s1 =	sld [smem:$0x7EA]  }
0x2f0: {  	[sflag:s20] =	ssyncset.done $0x0  }
0x2f1: {  	[sflag:s20] =	ssyncadd.s32 $0xFFFFC000  }
0x2f2: {  	[tilespmem:s19], [sflag:$0x3] =	stream.linear.gather [hbm4b:s1+s2], $0x4000, $0x38;
	[tilespmem:$0x14000] =	vst v63  }
0x2f3: {  	_ =	swait.ge [sflag:s15], $0x4000  }
0x2f4: {  	s1 =	sld [smem:$0x7EB]  }
0x2f5: {  	[sflag:s15] =	ssyncset.done $0x0  }
0x2f6: {  	[sflag:s15] =	ssyncadd.s32 $0xFFFFC000  }
0x2f7: {  	[hbm4b:s1+s2] =	stream.linear.scatter [tilespmem:s16], [sflag:$0x9], $0x4000, $0x38;
	[tilespmem:$0x14000] =	vst v63  }
0x2f8: {  	_ =	swait.ge [sflag:s17], $0x4000  }
0x2f9: {  	s1 =	sld [smem:$0x7EC]  }
0x2fa: {  	[sflag:s17] =	ssyncset.done $0x0  }
0x2fb: {  	[sflag:s17] =	ssyncadd.s32 $0xFFFFC000  }
0x2fc: {  	[tilespmem:s16], [sflag:$0x4] =	stream.linear.gather [hbm4b:s1+s2], $0x4000, $0x38;
	[tilespmem:$0x14000] =	vst v63  }
0x2fd: {  	_ =	swait.ge [sflag:s12], $0x4000  }
0x2fe: {  	s1 =	sld [smem:$0x7ED]  }
0x2ff: {  	[sflag:s12] =	ssyncset.done $0x0  }
0x300: {  	[sflag:s12] =	ssyncadd.s32 $0xFFFFC000  }
0x301: {  	[hbm4b:s1+s2] =	stream.linear.scatter [tilespmem:s13], [sflag:$0xA], $0x4000, $0x38;
	[tilespmem:$0x14000] =	vst v63  }
0x302: {  	_ =	swait.ge [sflag:s14], $0x4000  }
0x303: {  	s1 =	sld [smem:$0x7EE]  }
0x304: {  	[sflag:s14] =	ssyncset.done $0x0  }
0x305: {  	[sflag:s14] =	ssyncadd.s32 $0xFFFFC000  }
0x306: {  	[tilespmem:s13], [sflag:$0x5] =	stream.linear.gather [hbm4b:s1+s2], $0x4000, $0x38;
	[tilespmem:$0x14000] =	vst v63  }
0x307: {  	_ =	swait.ge [sflag:s31], $0x4000  }
0x308: {  	s1 =	sld [smem:$0x7EF]  }
0x309: {  	[sflag:s31] =	ssyncset.done $0x0  }
0x30a: {  	[sflag:s31] =	ssyncadd.s32 $0xFFFFC000  }
0x30b: {  	[hbm4b:s1+s2] =	stream.linear.scatter [tilespmem:s2], [sflag:$0x6], $0x4000, $0x38;
	[tilespmem:$0x14000] =	vst v63  }
0x30c: {  	_ =	swait.ge [sflag:s3], $0x4000  }
0x30d: {  	s1 =	sld [smem:$0x7F0]  }
0x30e: {  	[sflag:s3] =	ssyncset.done $0x0  }
0x30f: {  	[sflag:s3] =	ssyncadd.s32 $0xFFFFC000  }
0x310: {  	[tilespmem:s2], [sflag:$0x1] =	stream.linear.gather [hbm4b:s1+s2], $0x4000, $0x38;
	[tilespmem:$0x14000] =	vst v63  }
0x311: {  	_ =	swait.ge [sflag:s30], $0x4000  }
0x312: {  	s1 =	sld [smem:$0x7F1]  }
0x313: {  	[sflag:s30] =	ssyncset.done $0x0  }
0x314: {  	[sflag:s30] =	ssyncadd.s32 $0xFFFFC000  }
0x315: {  	[hbm4b:s1+s2] =	stream.linear.scatter [tilespmem:s8], [sflag:$0x7], $0x4000, $0x38;
	[tilespmem:$0x14000] =	vst v63  }
0x316: {  	_ =	swait.ge [sflag:s4], $0x4000  }
0x317: {  	s1 =	sld [smem:$0x7F2]  }
0x318: {  	[sflag:s4] =	ssyncset.done $0x0  }
0x319: {  	[sflag:s4] =	ssyncadd.s32 $0xFFFFC000  }
0x31a: {  	[tilespmem:s8], [sflag:$0x2] =	stream.linear.gather [hbm4b:s1+s2], $0x4000, $0x38;
	[tilespmem:$0x14000] =	vst v63  }
0x31b: {  	_ =	swait.ge [sflag:s28], $0x4000  }
0x31c: {  	s1 =	sld [smem:$0x7F3]  }
0x31d: {  	[sflag:s28] =	ssyncset.done $0x0  }
0x31e: {  	[sflag:s28] =	ssyncadd.s32 $0xFFFFC000  }
0x31f: {  	[hbm4b:s1+s2] =	stream.linear.scatter [tilespmem:s19], [sflag:$0x8], $0x4000, $0x38;
	[tilespmem:$0x14000] =	vst v63  }
0x320: {  	_ =	swait.ge [sflag:s20], $0x4000  }
0x321: {  	s1 =	sld [smem:$0x7F4]  }
0x322: {  	[sflag:s20] =	ssyncset.done $0x0  }
0x323: {  	[sflag:s20] =	ssyncadd.s32 $0xFFFFC000  }
0x324: {  	[tilespmem:s19], [sflag:$0x3] =	stream.linear.gather [hbm4b:s1+s2], $0x4000, $0x38;
	[tilespmem:$0x14000] =	vst v63  }
0x325: {  	_ =	swait.ge [sflag:s15], $0x4000  }
0x326: {  	s1 =	sld [smem:$0x7F5]  }
0x327: {  	[sflag:s15] =	ssyncset.done $0x0  }
0x328: {  	[sflag:s15] =	ssyncadd.s32 $0xFFFFC000  }
0x329: {  	[hbm4b:s1+s2] =	stream.linear.scatter [tilespmem:s16], [sflag:$0x9], $0x4000, $0x38;
	[tilespmem:$0x14000] =	vst v63  }
0x32a: {  	_ =	swait.ge [sflag:s17], $0x4000  }
0x32b: {  	s1 =	sld [smem:$0x7F6]  }
0x32c: {  	[sflag:s17] =	ssyncset.done $0x0  }
0x32d: {  	[sflag:s17] =	ssyncadd.s32 $0xFFFFC000  }
0x32e: {  	[tilespmem:s16], [sflag:$0x4] =	stream.linear.gather [hbm4b:s1+s2], $0x4000, $0x38;
	[tilespmem:$0x14000] =	vst v63  }
0x32f: {  	_ =	swait.ge [sflag:s12], $0x4000  }
0x330: {  	s1 =	sld [smem:$0x7F7]  }
0x331: {  	[sflag:s12] =	ssyncset.done $0x0  }
0x332: {  	[sflag:s12] =	ssyncadd.s32 $0xFFFFC000  }
0x333: {  	[hbm4b:s1+s2] =	stream.linear.scatter [tilespmem:s13], [sflag:$0xA], $0x4000, $0x38;
	[tilespmem:$0x14000] =	vst v63  }
0x334: {  	_ =	swait.ge [sflag:s14], $0x4000  }
0x335: {  	s1 =	sld [smem:$0x7F8]  }
0x336: {  	[sflag:s14] =	ssyncset.done $0x0  }
0x337: {  	[sflag:s14] =	ssyncadd.s32 $0xFFFFC000  }
0x338: {  	[tilespmem:s13], [sflag:$0x5] =	stream.linear.gather [hbm4b:s1+s2], $0x4000, $0x38;
	[tilespmem:$0x14000] =	vst v63  }
0x339: {  	_ =	swait.ge [sflag:s31], $0x4000  }
0x33a: {  	s1 =	sld [smem:$0x7F9]  }
0x33b: {  	[sflag:s31] =	ssyncset.done $0x0  }
0x33c: {  	[sflag:s31] =	ssyncadd.s32 $0xFFFFC000  }
0x33d: {  	[hbm4b:s1+s2] =	stream.linear.scatter [tilespmem:s2], [sflag:$0x6], $0x4000, $0x38;
	[tilespmem:$0x14000] =	vst v63  }
0x33e: {  	_ =	swait.ge [sflag:s3], $0x4000  }
0x33f: {  	s1 =	sld [smem:$0x7FA]  }
0x340: {  	[sflag:s3] =	ssyncset.done $0x0  }
0x341: {  	[sflag:s3] =	ssyncadd.s32 $0xFFFFC000  }
0x342: {  	[tilespmem:s2], [sflag:$0x1] =	stream.linear.gather [hbm4b:s1+s2], $0x4000, $0x38;
	[tilespmem:$0x14000] =	vst v63  }
0x343: {  	_ =	swait.ge [sflag:s30], $0x4000  }
0x344: {  	s1 =	sld [smem:$0x7FB]  }
0x345: {  	[sflag:s30] =	ssyncset.done $0x0  }
0x346: {  	[sflag:s30] =	ssyncadd.s32 $0xFFFFC000  }
0x347: {  	[hbm4b:s1+s2] =	stream.linear.scatter [tilespmem:s8], [sflag:$0x7], $0x4000, $0x38;
	[tilespmem:$0x14000] =	vst v63  }
0x348: {  	_ =	swait.ge [sflag:s4], $0x4000  }
0x349: {  	s1 =	sld [smem:$0x7FC]  }
0x34a: {  	[sflag:s4] =	ssyncset.done $0x0  }
0x34b: {  	[sflag:s4] =	ssyncadd.s32 $0xFFFFC000  }
0x34c: {  	[tilespmem:s8], [sflag:$0x2] =	stream.linear.gather [hbm4b:s1+s2], $0x4000, $0x38;
	[tilespmem:$0x14000] =	vst v63  }
0x34d: {  	_ =	swait.ge [sflag:s28], $0x4000  }
0x34e: {  	s1 =	sld [smem:$0x7FD]  }
0x34f: {  	[sflag:s28] =	ssyncset.done $0x0  }
0x350: {  	[sflag:s28] =	ssyncadd.s32 $0xFFFFC000  }
0x351: {  	[hbm4b:s1+s2] =	stream.linear.scatter [tilespmem:s19], [sflag:$0x8], $0x4000, $0x38;
	[tilespmem:$0x14000] =	vst v63  }
0x352: {  	_ =	swait.ge [sflag:s20], $0x4000  }
0x353: {  	[sflag:s20] =	ssyncset.done $0x0  }
0x354: {  	[sflag:s20] =	ssyncadd.s32 $0xFFFFC000  }
0x355: {  	[tilespmem:s19], [sflag:$0x3] =	stream.linear.gather [hbm4b:s29+s2], $0x4000, $0x38;
	[tilespmem:$0x14000] =	vst v63  }
0x356: {  	_ =	swait.ge [sflag:s15], $0x4000  }
0x357: {  	[sflag:s15] =	ssyncset.done $0x0  }
0x358: {  	[sflag:s15] =	ssyncadd.s32 $0xFFFFC000  }
0x359: {  	[hbm4b:s26+s2] =	stream.linear.scatter [tilespmem:s16], [sflag:$0x9], $0x4000, $0x38;
	[tilespmem:$0x14000] =	vst v63  }
0x35a: {  	_ =	swait.ge [sflag:s17], $0x4000  }
0x35b: {  	[sflag:s17] =	ssyncset.done $0x0  }
0x35c: {  	[sflag:s17] =	ssyncadd.s32 $0xFFFFC000  }
0x35d: {  	[tilespmem:s16], [sflag:$0x4] =	stream.linear.gather [hbm4b:s25+s2], $0x4000, $0x38;
	[tilespmem:$0x14000] =	vst v63  }
0x35e: {  	_ =	swait.ge [sflag:s12], $0x4000  }
0x35f: {  	[sflag:s12] =	ssyncset.done $0x0  }
0x360: {  	[sflag:s12] =	ssyncadd.s32 $0xFFFFC000  }
0x361: {  	[hbm4b:s24+s2] =	stream.linear.scatter [tilespmem:s13], [sflag:$0xA], $0x4000, $0x38;
	[tilespmem:$0x14000] =	vst v63  }
0x362: {  	_ =	swait.ge [sflag:s14], $0x4000  }
0x363: {  	[sflag:s14] =	ssyncset.done $0x0  }
0x364: {  	[sflag:s14] =	ssyncadd.s32 $0xFFFFC000  }
0x365: {  	[tilespmem:s13], [sflag:$0x5] =	stream.linear.gather [hbm4b:s23+s2], $0x4000, $0x38;
	[tilespmem:$0x14000] =	vst v63  }
0x366: {  	_ =	swait.ge [sflag:s31], $0x4000  }
0x367: {  	[sflag:s31] =	ssyncset.done $0x0  }
0x368: {  	[sflag:s31] =	ssyncadd.s32 $0xFFFFC000  }
0x369: {  	[hbm4b:s22+s2] =	stream.linear.scatter [tilespmem:s2], [sflag:$0x6], $0x4000, $0x38;
	[tilespmem:$0x14000] =	vst v63  }
0x36a: {  	_ =	swait.ge [sflag:s3], $0x4000  }
0x36b: {  	[sflag:s3] =	ssyncset.done $0x0  }
0x36c: {  	[sflag:s3] =	ssyncadd.s32 $0xFFFFC000  }
0x36d: {  	[tilespmem:s2], [sflag:$0x1] =	stream.linear.gather [hbm4b:s21+s2], $0x4000, $0x38;
	[tilespmem:$0x14000] =	vst v63  }
0x36e: {  	_ =	swait.ge [sflag:s30], $0x4000  }
0x36f: {  	[sflag:s30] =	ssyncset.done $0x0  }
0x370: {  	[sflag:s30] =	ssyncadd.s32 $0xFFFFC000  }
0x371: {  	[hbm4b:s18+s2] =	stream.linear.scatter [tilespmem:s8], [sflag:$0x7], $0x4000, $0x38;
	[tilespmem:$0x14000] =	vst v63  }
0x372: {  	_ =	swait.ge [sflag:s4], $0x4000  }
0x373: {  	[sflag:s4] =	ssyncset.done $0x0  }
0x374: {  	[sflag:s4] =	ssyncadd.s32 $0xFFFFC000  }
0x375: {  	[tilespmem:s8], [sflag:$0x2] =	stream.linear.gather [hbm4b:s11+s2], $0x4000, $0x38;
	[tilespmem:$0x14000] =	vst v63  }
0x376: {  	_ =	swait.ge [sflag:s28], $0x4000  }
0x377: {  	[sflag:s28] =	ssyncset.done $0x0  }
0x378: {  	[sflag:s28] =	ssyncadd.s32 $0xFFFFC000  }
0x379: {  	[hbm4b:s10+s2] =	stream.linear.scatter [tilespmem:s19], [sflag:$0x8], $0x4000, $0x38;
	[tilespmem:$0x14000] =	vst v63  }
0x37a: {  	_ =	swait.ge [sflag:s15], $0x4000  }
0x37b: {  	[sflag:s15] =	ssyncset.done $0x0  }
0x37c: {  	[sflag:s15] =	ssyncadd.s32 $0xFFFFC000  }
0x37d: {  	[hbm4b:s9+s2] =	stream.linear.scatter [tilespmem:s16], [sflag:$0x9], $0x4000, $0x38;
	[tilespmem:$0x14000] =	vst v63  }
0x37e: {  	_ =	swait.ge [sflag:s12], $0x4000  }
0x37f: {  	[sflag:s12] =	ssyncset.done $0x0  }
0x380: {  	[sflag:s12] =	ssyncadd.s32 $0xFFFFC000  }
0x381: {  	[hbm4b:s5+s2] =	stream.linear.scatter [tilespmem:s13], [sflag:$0xA], $0x4000, $0x38;
	[tilespmem:$0x14000] =	vst v63  }
0x382: {  	_ = 	snop  }
0x383: {  	[hbm4b:s6+s2] =	stream.linear.scatter [tilespmem:s2], [sflag:$0x6], $0x4000, $0x38;
	[tilespmem:$0x14000] =	vst v63  }
0x384: {  	_ = 	snop  }
0x385: {  	[hbm4b:s7+s2] =	stream.linear.scatter [tilespmem:s8], [sflag:$0x7], $0x4000, $0x38;
	[tilespmem:$0x14000] =	vst v63  }
0x386: {  	_ =	swait.ge [sflag:s20], $0x4000  }
0x387: {  	[sflag:s20] =	ssyncset.done $0x0  }
0x388: {  	[sflag:s20] =	ssyncadd.s32 $0xFFFFC000  }
0x389: {  	_ =	swait.ge [sflag:s17], $0x4000  }
0x38a: {  	[sflag:s17] =	ssyncset.done $0x0  }
0x38b: {  	[sflag:s17] =	ssyncadd.s32 $0xFFFFC000  }
0x38c: {  	_ =	swait.ge [sflag:s14], $0x4000  }
0x38d: {  	[sflag:s14] =	ssyncset.done $0x0  }
0x38e: {  	[sflag:s14] =	ssyncadd.s32 $0xFFFFC000  }
0x38f: {  	_ =	swait.ge [sflag:s3], $0x4000  }
0x390: {  	[sflag:s3] =	ssyncset.done $0x0  }
0x391: {  	[sflag:s3] =	ssyncadd.s32 $0xFFFFC000  }
0x392: {  	_ =	swait.ge [sflag:s4], $0x4000  }
0x393: {  	[sflag:s4] =	ssyncset.done $0x0  }
0x394: {  	[sflag:s4] =	ssyncadd.s32 $0xFFFFC000  }
0x395: {  	_ =	sfence.sel $0x180000  }
0x396: {  	[bflag:$0x0] =	sbarrier.arrive $0xFFFF  }
0x397: {  	_ =	strace $0x90000047  }
0x398: {  	s31 =	stileid.u32;
	[bflag:$0x2] =	sbarrier.arrive $0xFFFF  }
0x399: {  	p0 =	sne.s32 s31, $0x0;
	s0 =	rddreg [dreg:$0x2]  }
0x39a: {  	s0 =	sadd.s32 @!p0 $0x100000, s0  }
0x39b: {  	[sflag:s0] =	ssyncadd.tile.s32 @!p0 $0x1;
	_ =	shalt  }
.Lfunc_end2:
_tile_overlayer_lowered:
.L_overlay_start_2:
0x39c: {  	(tag) =	ssettag $0x2  }
0x39d: {  	s0 =	rddreg [dreg:$0x0];
	s2 =	stileid.u32  }
0x39e: {  	s1 =	rddreg [dreg:$0x1];
	p0 =	sne.s32 s2, $0x0  }
0x39f: {  	s3 =	rddreg [dreg:$0x2];
	[bflag:$0x3] =	sbarrier.arrive $0xFFFF;
	s2 =	simm.s32 @!p0 $0x1C0B  }
0x3a0: {  	[timem:s3], [sflag:s2] =	dma.local @!p0 [hbm:s0], s1  }
0x3a1: {  	s0 =	simm.s32 @!p0 $0xB  }
0x3a2: {  	_ =	swait.ge @!p0 [sflag:s0], s1  }
0x3a3: {  	s1 =	ssub.s32 @!p0 $0x0, s1;
	[sflag:s0] =	ssyncset.done @!p0 $0x0  }
0x3a4: {  	[sflag:s0] =	ssyncadd.s32 @!p0 s1  }
0x3a5: {  	[bflag:$0x3] =	sbarrier.arrive $0xFFFF  }
0x3a6: {  	_ =	shalt  }

</sc_bundles>
